<compile_context>
chip_gen: v7x
topology: tpu7x:2x2x1
jax: 0.10.2.dev20260603
libtpu: 0.0.44.dev20260713+nightly
codegen_flags: <defaults>
</compile_context>

<pallas_src>
import functools

import jax
import jax.numpy as jnp
from jax import lax
from jax.experimental import pallas as pl
from jax.experimental.pallas import tpu as pltpu
from jax.experimental.pallas import tpu_sc as plsc

VOCAB = 5000
D = 128
H = 256
A = 8
B = 4096
L = 50

_info = plsc.get_sparse_core_info()
NC = _info.num_cores
NS = _info.num_subcores
NW = NC * NS
LANES = _info.num_lanes

B_PER_W = B // NW
IDX_PER_W = B_PER_W * L
NPAIR = B_PER_W // 4
CH_A = 104
CH_B = 96
DJ = D // LANES
NBUF = 4
STAGE_ROWS = 312
STAGE_LAST = VOCAB - 15 * STAGE_ROWS

_sc_mesh = plsc.VectorSubcoreMesh(core_axis_name="c", subcore_axis_name="s")


@functools.partial(
    pl.kernel,
    mesh=_sc_mesh,
    out_type=(
        jax.ShapeDtypeStruct((B, D), jnp.float32),
        jax.ShapeDtypeStruct((B, D), jnp.float32),
    ),
    scratch_types=[
        pltpu.VMEM_SHARED((VOCAB, D), jnp.float32),
        pltpu.VMEM((IDX_PER_W,), jnp.int32),
        pltpu.VMEM((NBUF, CH_A, D), jnp.float32),
        pltpu.VMEM((B_PER_W, D), jnp.float32),
        pltpu.SemaphoreType.DMA,
        pltpu.SemaphoreType.DMA,
        pltpu.SemaphoreType.DMA,
        pltpu.SemaphoreType.DMA,
    ],
)
def _pool(itok_hbm, stok_hbm, temb_hbm, semb_hbm, iout_hbm, sout_hbm,
          emb_sp, idx_ref, bufs, pooled, sem0, sem1, sem2, sem3):
    cid = lax.axis_index("c")
    sid = lax.axis_index("s")
    wid = sid * NC + cid
    base = wid * B_PER_W

    sems = (sem0, sem1, sem2, sem3)
    inv = jnp.float32(1.0 / L)

    for tok_hbm, emb_hbm, out_hbm in ((itok_hbm, temb_hbm, iout_hbm),
                                      (stok_hbm, semb_hbm, sout_hbm)):
        @pl.when(sid < NS - 1)
        def _stage_main():
            r0 = sid * STAGE_ROWS
            pltpu.sync_copy(emb_hbm.at[pl.ds(r0, STAGE_ROWS)],
                            emb_sp.at[pl.ds(r0, STAGE_ROWS)])

        @pl.when(sid == NS - 1)
        def _stage_last():
            r0 = (NS - 1) * STAGE_ROWS
            pltpu.sync_copy(emb_hbm.at[pl.ds(r0, STAGE_LAST)],
                            emb_sp.at[pl.ds(r0, STAGE_LAST)])

        pltpu.sync_copy(tok_hbm.at[pl.ds(wid * IDX_PER_W, IDX_PER_W)],
                        idx_ref)
        plsc.subcore_barrier()

        def fire_pair(m, sA, sB):
            offA = pl.multiple_of(m * 200, 8)
            offB = pl.multiple_of(m * 200 + CH_A, 8)
            pltpu.async_copy(
                emb_sp.at[idx_ref.at[pl.ds(offA, CH_A)]],
                bufs.at[sA], sems[sA])
            pltpu.async_copy(
                emb_sp.at[idx_ref.at[pl.ds(offB, CH_B)]],
                bufs.at[sB, pl.ds(0, CH_B)], sems[sB])

        def wait_pair(m, sA, sB):
            offA = pl.multiple_of(m * 200, 8)
            offB = pl.multiple_of(m * 200 + CH_A, 8)
            pltpu.make_async_copy(
                emb_sp.at[idx_ref.at[pl.ds(offA, CH_A)]],
                bufs.at[sA], sems[sA]).wait()
            pltpu.make_async_copy(
                emb_sp.at[idx_ref.at[pl.ds(offB, CH_B)]],
                bufs.at[sB, pl.ds(0, CH_B)], sems[sB]).wait()

        fire_pair(0, 0, 1)
        fire_pair(1, 2, 3)

        def sum_rows(segs):
            accs = tuple(jnp.zeros((LANES,), jnp.float32)
                         for _ in range(DJ))
            for bsel, start, count in segs:
                def red(l2, a, _s=start, _b=bsel):
                    out = a
                    for u in range(2):
                        row = _s + 2 * l2 + u
                        out = tuple(
                            out[j] + bufs[_b, row, pl.ds(j * LANES, LANES)]
                            for j in range(DJ))
                    return out
                accs = lax.fori_loop(0, count // 2, red, accs)
            return accs

        def outer(mm, carry):
            for mpar in range(2):
                m = mm * 2 + mpar
                sA, sB = 2 * mpar, 2 * mpar + 1
                wait_pair(m, sA, sB)

                row_segs = (
                    ((sA, 0, 50),),
                    ((sA, 50, 50),),
                    ((sA, 100, 4), (sB, 0, 46)),
                    ((sB, 46, 50),),
                )
                for r in range(4):
                    accs = sum_rows(row_segs[r])
                    out_row = m * 4 + r
                    for j in range(DJ):
                        pooled[out_row, pl.ds(j * LANES, LANES)] = \
                            accs[j] * inv

                @pl.when(m + 2 < NPAIR)
                def _next(_m=m, _sA=sA, _sB=sB):
                    fire_pair(_m + 2, _sA, _sB)
            return carry

        lax.fori_loop(0, NPAIR // 2, outer, jnp.int32(0))
        pltpu.sync_copy(pooled, out_hbm.at[pl.ds(base, B_PER_W)])
        plsc.subcore_barrier()


MLP_BLK = 2048


def _mlp_body(x1_ref, x2_ref, w1a_ref, w1b_ref, b1_ref, w2_ref, b2_ref,
              w3_ref, b3_ref, out_ref):
    dn = (((1,), (1,)), ((), ()))
    h = (lax.dot_general(x1_ref[...], w1a_ref[...], dn,
                         preferred_element_type=jnp.float32)
         + lax.dot_general(x2_ref[...], w1b_ref[...], dn,
                           preferred_element_type=jnp.float32)
         + b1_ref[...])
    h = jnp.maximum(h, 0.0)
    h2 = lax.dot_general(h, w2_ref[...], dn,
                         preferred_element_type=jnp.float32) + b2_ref[...]
    h2 = jnp.maximum(h2, 0.0)
    out_ref[...] = lax.dot_general(h2, w3_ref[...], dn,
                                   preferred_element_type=jnp.float32) + b3_ref[...]


def _mlp(x1, x2, W1, b1, W2, b2, W3, b3):
    W1a = W1[:, :D]
    W1b = W1[:, D:]
    return pl.pallas_call(
        _mlp_body,
        grid=(B // MLP_BLK,),
        in_specs=[
            pl.BlockSpec((MLP_BLK, D), lambda i: (i, 0)),
            pl.BlockSpec((MLP_BLK, D), lambda i: (i, 0)),
            pl.BlockSpec((H, D), lambda i: (0, 0)),
            pl.BlockSpec((H, D), lambda i: (0, 0)),
            pl.BlockSpec((1, H), lambda i: (0, 0)),
            pl.BlockSpec((H // 2, H), lambda i: (0, 0)),
            pl.BlockSpec((1, H // 2), lambda i: (0, 0)),
            pl.BlockSpec((A, H // 2), lambda i: (0, 0)),
            pl.BlockSpec((1, A), lambda i: (0, 0)),
        ],
        out_specs=pl.BlockSpec((MLP_BLK, A), lambda i: (i, 0)),
        out_shape=jax.ShapeDtypeStruct((B, A), jnp.float32),
    )(x1, x2, W1a, W1b, b1.reshape(1, H), W2, b2.reshape(1, H // 2),
      W3, b3.reshape(1, A))


def _pad_tokens(tok):
    return tok.astype(jnp.int32).reshape(-1)


def kernel(instruction_tokens, scene_tokens, token_emb, scene_emb,
           W1, b1, W2, b2, W3, b3):
    itok = _pad_tokens(instruction_tokens)
    stok = _pad_tokens(scene_tokens)
    i_emb, s_emb = _pool(itok, stok, token_emb, scene_emb)
    return _mlp(i_emb, s_emb, W1, b1, W2, b2, W3, b3)

# --- scband reference (transcript-rebuilt; emitter-appended) ---
"""Pipeline reference for scband-vlaembedding-26560077758982 (READ-ONLY COPY).

The authoritative reference and input builder live on the scoring server;
editing this copy changes nothing except your own understanding.
"""

import jax, jax.numpy as jnp
import numpy as np

VOCAB = 5000
D = 128
H = 256
A = 8
B = 4096
L = 50


def setup_inputs(seed: int = 0) -> dict:
    key = jax.random.key(seed)
    ks = jax.random.split(key, 12)
    instruction_tokens = jax.random.randint(ks[0], (B, L), 0, VOCAB)
    scene_tokens = jax.random.randint(ks[1], (B, L), 0, VOCAB)
    token_emb = 0.02 * jax.random.normal(ks[2], (VOCAB, D), dtype=jnp.float32)
    scene_emb = 0.02 * jax.random.normal(ks[3], (VOCAB, D), dtype=jnp.float32)
    def lin(kw, kb, out_f, in_f):
        bound = 1.0 / np.sqrt(in_f)
        W = jax.random.uniform(kw, (out_f, in_f), minval=-bound, maxval=bound, dtype=jnp.float32)
        b = jax.random.uniform(kb, (out_f,), minval=-bound, maxval=bound, dtype=jnp.float32)
        return W, b
    W1, b1 = lin(ks[4], ks[5], H, 2 * D)
    W2, b2 = lin(ks[6], ks[7], H // 2, H)
    W3, b3 = lin(ks[8], ks[9], A, H // 2)
    return {
        'instruction_tokens': instruction_tokens,
        'scene_tokens': scene_tokens,
        'token_emb': token_emb,
        'scene_emb': scene_emb,
        'W1': W1, 'b1': b1,
        'W2': W2, 'b2': b2,
        'W3': W3, 'b3': b3,
    }


def reference(instruction_tokens, scene_tokens, token_emb, scene_emb, W1, b1, W2, b2, W3, b3):
    # embedding lookups (gather) + mean pool over sequence
    i_emb = jnp.take(token_emb, instruction_tokens, axis=0).mean(axis=1)
    s_emb = jnp.take(scene_emb, scene_tokens, axis=0).mean(axis=1)
    fused = jnp.concatenate([i_emb, s_emb], axis=1)
    # fusion MLP (dropout is identity in eval mode)
    h = jax.nn.relu(fused @ W1.T + b1)
    h = jax.nn.relu(h @ W2.T + b2)
    logits = h @ W3.T + b3
    return logits

if __name__ == "__main__":
    import jax
    _d = setup_inputs()
    print(jax.jit(kernel)(*tuple(_d.values())))

</pallas_src>

<mosaic_0001>
#map = affine_map<(d0, d1) -> (0)>
#map1 = affine_map<(d0, d1) -> (0, 0)>
module attributes {stable_mosaic.version = 14 : i64} {
  func.func @_pool(%arg0: i32, %arg1: i32, %arg2: memref<204800xi32, #tpu.memory_space<hbm>>, %arg3: memref<204800xi32, #tpu.memory_space<hbm>>, %arg4: memref<5000x128xf32, #tpu.memory_space<hbm>>, %arg5: memref<5000x128xf32, #tpu.memory_space<hbm>>, %arg6: memref<4096x128xf32, #tpu.memory_space<hbm>>, %arg7: memref<4096x128xf32, #tpu.memory_space<hbm>>, %arg8: memref<5000x128xf32, #tpu.memory_space<vmem_shared>>, %arg9: memref<6400xi32, #tpu.memory_space<vmem>>, %arg10: memref<4x104x128xf32, #tpu.memory_space<vmem>>, %arg11: memref<128x128xf32, #tpu.memory_space<vmem>>, %arg12: memref<!tpu.dma_semaphore, #tpu.memory_space<semaphore_mem>>, %arg13: memref<!tpu.dma_semaphore, #tpu.memory_space<semaphore_mem>>, %arg14: memref<!tpu.dma_semaphore, #tpu.memory_space<semaphore_mem>>, %arg15: memref<!tpu.dma_semaphore, #tpu.memory_space<semaphore_mem>>) attributes {dimension_semantics = [#tpu.dimension_semantics<core_parallel>, #tpu.dimension_semantics<subcore_parallel>], iteration_bounds = array<i64: 2, 16>, scalar_prefetch = 0 : i64, scratch_operands = 8 : i64, tpu.core_type = #tpu.core_type<sc_vector_subcore>, window_params = [{transform_indices = #map}, {transform_indices = #map}, {transform_indices = #map1}, {transform_indices = #map1}, {transform_indices = #map1}, {transform_indices = #map1}]} {
    %mul3A = arith.constant 2 : i32
    %mul3A_0 = arith.muli %arg1, %mul3A : i32
    %add3A = arith.addi %mul3A_0, %arg0 : i32
    %mul3A_1 = arith.constant 128 : i32
    %mul3A_2 = arith.muli %add3A, %mul3A_1 : i32
    %lt3A = arith.constant 15 : i32
    %lt3A_3 = arith.cmpi slt, %arg1, %lt3A : i32
    %convert_element_type3A = arith.extui %lt3A_3 : i1 to i32
    %cond3A = arith.constant 0 : i32
    %cond3A_4 = arith.cmpi ne, %convert_element_type3A, %cond3A : i32
    scf.if %cond3A_4 {
      %mul3A_125 = arith.constant 312 : i32
      %mul3A_126 = arith.muli %arg1, %mul3A_125 : i32
      "tpu.region"() ({
        %run_scoped3A = tpu.sem_alloc : memref<!tpu.dma_semaphore, #tpu.memory_space<semaphore_mem>>
        %dma_start3A_127 = arith.constant 0 : i32
        %dma_start3A_128 = tpu.memref_slice %arg8[%mul3A_126, %dma_start3A_127] : memref<5000x128xf32, #tpu.memory_space<vmem_shared>> -> memref<312x128xf32, #tpu.memory_space<vmem_shared>>
        %dma_start3A_129 = arith.constant 0 : i32
        %dma_start3A_130 = tpu.memref_slice %arg4[%mul3A_126, %dma_start3A_129] : memref<5000x128xf32, #tpu.memory_space<hbm>> -> memref<312x128xf32, #tpu.memory_space<hbm>>
        tpu.enqueue_dma source(%dma_start3A_130 : memref<312x128xf32, #tpu.memory_space<hbm>>) target(%dma_start3A_128 : memref<312x128xf32, #tpu.memory_space<vmem_shared>>) target_semaphore(%run_scoped3A : memref<!tpu.dma_semaphore, #tpu.memory_space<semaphore_mem>>)
        %dma_wait3A = arith.constant 0 : i32
        %dma_wait3A_131 = tpu.memref_slice %arg8[%mul3A_126, %dma_wait3A] : memref<5000x128xf32, #tpu.memory_space<vmem_shared>> -> memref<312x128xf32, #tpu.memory_space<vmem_shared>>
        %dma_wait3A_132 = arith.constant 0 : i32
        %dma_wait3A_133 = tpu.memref_slice %arg4[%mul3A_126, %dma_wait3A_132] : memref<5000x128xf32, #tpu.memory_space<hbm>> -> memref<312x128xf32, #tpu.memory_space<hbm>>
        tpu.wait_dma2 semaphore(%run_scoped3A : memref<!tpu.dma_semaphore, #tpu.memory_space<semaphore_mem>>) src(%dma_wait3A_133 : memref<312x128xf32, #tpu.memory_space<hbm>>) dst(%dma_wait3A_131 : memref<312x128xf32, #tpu.memory_space<vmem_shared>>)
        tpu.yield
      }) : () -> ()
    } else {
    }
    %eq3A = arith.constant 15 : i32
    %eq3A_5 = arith.cmpi eq, %arg1, %eq3A : i32
    %convert_element_type3A_6 = arith.extui %eq3A_5 : i1 to i32
    %cond3A_7 = arith.constant 0 : i32
    %cond3A_8 = arith.cmpi ne, %convert_element_type3A_6, %cond3A_7 : i32
    scf.if %cond3A_8 {
      "tpu.region"() ({
        %run_scoped3A = tpu.sem_alloc : memref<!tpu.dma_semaphore, #tpu.memory_space<semaphore_mem>>
        %dma_start3A_125 = arith.constant 4680 : i32
        %dma_start3A_126 = arith.constant 0 : i32
        %dma_start3A_127 = tpu.memref_slice %arg8[%dma_start3A_125, %dma_start3A_126] : memref<5000x128xf32, #tpu.memory_space<vmem_shared>> -> memref<320x128xf32, #tpu.memory_space<vmem_shared>>
        %dma_start3A_128 = arith.constant 4680 : i32
        %dma_start3A_129 = arith.constant 0 : i32
        %dma_start3A_130 = tpu.memref_slice %arg4[%dma_start3A_128, %dma_start3A_129] : memref<5000x128xf32, #tpu.memory_space<hbm>> -> memref<320x128xf32, #tpu.memory_space<hbm>>
        tpu.enqueue_dma source(%dma_start3A_130 : memref<320x128xf32, #tpu.memory_space<hbm>>) target(%dma_start3A_127 : memref<320x128xf32, #tpu.memory_space<vmem_shared>>) target_semaphore(%run_scoped3A : memref<!tpu.dma_semaphore, #tpu.memory_space<semaphore_mem>>)
        %dma_wait3A = arith.constant 4680 : i32
        %dma_wait3A_131 = arith.constant 0 : i32
        %dma_wait3A_132 = tpu.memref_slice %arg8[%dma_wait3A, %dma_wait3A_131] : memref<5000x128xf32, #tpu.memory_space<vmem_shared>> -> memref<320x128xf32, #tpu.memory_space<vmem_shared>>
        %dma_wait3A_133 = arith.constant 4680 : i32
        %dma_wait3A_134 = arith.constant 0 : i32
        %dma_wait3A_135 = tpu.memref_slice %arg4[%dma_wait3A_133, %dma_wait3A_134] : memref<5000x128xf32, #tpu.memory_space<hbm>> -> memref<320x128xf32, #tpu.memory_space<hbm>>
        tpu.wait_dma2 semaphore(%run_scoped3A : memref<!tpu.dma_semaphore, #tpu.memory_space<semaphore_mem>>) src(%dma_wait3A_135 : memref<320x128xf32, #tpu.memory_space<hbm>>) dst(%dma_wait3A_132 : memref<320x128xf32, #tpu.memory_space<vmem_shared>>)
        tpu.yield
      }) : () -> ()
    } else {
    }
    %mul3A_9 = arith.constant 6400 : i32
    %mul3A_10 = arith.muli %add3A, %mul3A_9 : i32
    "tpu.region"() ({
      %run_scoped3A = tpu.sem_alloc : memref<!tpu.dma_semaphore, #tpu.memory_space<semaphore_mem>>
      %dma_start3A_125 = tpu.memref_slice %arg2[%mul3A_10] : memref<204800xi32, #tpu.memory_space<hbm>> -> memref<6400xi32, #tpu.memory_space<hbm>>
      %dma_start3A_126 = tpu.memref_slice %arg2[%mul3A_10] : memref<204800xi32, #tpu.memory_space<hbm>> -> memref<6400xi32, #tpu.memory_space<hbm>>
      tpu.enqueue_dma source(%dma_start3A_126 : memref<6400xi32, #tpu.memory_space<hbm>>) target(%arg9 : memref<6400xi32, #tpu.memory_space<vmem>>) target_semaphore(%run_scoped3A : memref<!tpu.dma_semaphore, #tpu.memory_space<semaphore_mem>>)
      %dma_wait3A = tpu.memref_slice %arg2[%mul3A_10] : memref<204800xi32, #tpu.memory_space<hbm>> -> memref<6400xi32, #tpu.memory_space<hbm>>
      %dma_wait3A_127 = tpu.memref_slice %arg2[%mul3A_10] : memref<204800xi32, #tpu.memory_space<hbm>> -> memref<6400xi32, #tpu.memory_space<hbm>>
      tpu.wait_dma2 semaphore(%run_scoped3A : memref<!tpu.dma_semaphore, #tpu.memory_space<semaphore_mem>>) src(%dma_wait3A_127 : memref<6400xi32, #tpu.memory_space<hbm>>) dst(%arg9 : memref<6400xi32, #tpu.memory_space<vmem>>)
      tpu.yield
    }) : () -> ()
    %barrier3A = arith.constant 0 : index
    tpu.barrier barrier_id(%barrier3A)
    %multiple_of3A = arith.constant 0 : i32
    %multiple_of3A_11 = tpu.assume_multiple %multiple_of3A, 8 : i32
    %multiple_of3A_12 = arith.constant 104 : i32
    %multiple_of3A_13 = tpu.assume_multiple %multiple_of3A_12, 8 : i32
    %dma_start3A = arith.constant 0 : i32
    %dma_start3A_14 = arith.constant 0 : i32
    %dma_start3A_15 = arith.constant 0 : i32
    %dma_start3A_16 = tpu.memref_slice %arg10[%dma_start3A, %dma_start3A_14, %dma_start3A_15] : memref<4x104x128xf32, #tpu.memory_space<vmem>> -> memref<1x104x128xf32, #tpu.memory_space<vmem>>
    %dma_start3A_17 = tpu.memref_squeeze %dma_start3A_16 : memref<1x104x128xf32, #tpu.memory_space<vmem>> -> memref<104x128xf32, #tpu.memory_space<vmem>>
    %dma_start3A_18 = tpu.memref_slice %arg9[%multiple_of3A_11] : memref<6400xi32, #tpu.memory_space<vmem>> -> memref<104xi32, #tpu.memory_space<vmem>>
    %dma_start3A_19 = arith.constant 0 : i32
    %dma_start3A_20 = arith.constant 0 : i32
    %dma_start3A_21 = tpu.memref_slice %arg8[%dma_start3A_19, %dma_start3A_20] : memref<5000x128xf32, #tpu.memory_space<vmem_shared>> -> memref<5000x128xf32, #tpu.memory_space<vmem_shared>>
    tpu.enqueue_indirect_dma source(%dma_start3A_21 : memref<5000x128xf32, #tpu.memory_space<vmem_shared>>) target(%dma_start3A_17 : memref<104x128xf32, #tpu.memory_space<vmem>>) offsets(%dma_start3A_18 : memref<104xi32, #tpu.memory_space<vmem>>) semaphore(%arg12 : memref<!tpu.dma_semaphore, #tpu.memory_space<semaphore_mem>>)
    %dma_start3A_22 = arith.constant 1 : i32
    %dma_start3A_23 = arith.constant 0 : i32
    %dma_start3A_24 = arith.constant 0 : i32
    %dma_start3A_25 = tpu.memref_slice %arg10[%dma_start3A_22, %dma_start3A_23, %dma_start3A_24] : memref<4x104x128xf32, #tpu.memory_space<vmem>> -> memref<1x96x128xf32, #tpu.memory_space<vmem>>
    %dma_start3A_26 = tpu.memref_squeeze %dma_start3A_25 : memref<1x96x128xf32, #tpu.memory_space<vmem>> -> memref<96x128xf32, #tpu.memory_space<vmem>>
    %dma_start3A_27 = tpu.memref_slice %arg9[%multiple_of3A_13] : memref<6400xi32, #tpu.memory_space<vmem>> -> memref<96xi32, #tpu.memory_space<vmem>>
    %dma_start3A_28 = arith.constant 0 : i32
    %dma_start3A_29 = arith.constant 0 : i32
    %dma_start3A_30 = tpu.memref_slice %arg8[%dma_start3A_28, %dma_start3A_29] : memref<5000x128xf32, #tpu.memory_space<vmem_shared>> -> memref<5000x128xf32, #tpu.memory_space<vmem_shared>>
    tpu.enqueue_indirect_dma source(%dma_start3A_30 : memref<5000x128xf32, #tpu.memory_space<vmem_shared>>) target(%dma_start3A_26 : memref<96x128xf32, #tpu.memory_space<vmem>>) offsets(%dma_start3A_27 : memref<96xi32, #tpu.memory_space<vmem>>) semaphore(%arg13 : memref<!tpu.dma_semaphore, #tpu.memory_space<semaphore_mem>>)
    %multiple_of3A_31 = arith.constant 200 : i32
    %multiple_of3A_32 = tpu.assume_multiple %multiple_of3A_31, 8 : i32
    %multiple_of3A_33 = arith.constant 304 : i32
    %multiple_of3A_34 = tpu.assume_multiple %multiple_of3A_33, 8 : i32
    %dma_start3A_35 = arith.constant 2 : i32
    %dma_start3A_36 = arith.constant 0 : i32
    %dma_start3A_37 = arith.constant 0 : i32
    %dma_start3A_38 = tpu.memref_slice %arg10[%dma_start3A_35, %dma_start3A_36, %dma_start3A_37] : memref<4x104x128xf32, #tpu.memory_space<vmem>> -> memref<1x104x128xf32, #tpu.memory_space<vmem>>
    %dma_start3A_39 = tpu.memref_squeeze %dma_start3A_38 : memref<1x104x128xf32, #tpu.memory_space<vmem>> -> memref<104x128xf32, #tpu.memory_space<vmem>>
    %dma_start3A_40 = tpu.memref_slice %arg9[%multiple_of3A_32] : memref<6400xi32, #tpu.memory_space<vmem>> -> memref<104xi32, #tpu.memory_space<vmem>>
    %dma_start3A_41 = arith.constant 0 : i32
    %dma_start3A_42 = arith.constant 0 : i32
    %dma_start3A_43 = tpu.memref_slice %arg8[%dma_start3A_41, %dma_start3A_42] : memref<5000x128xf32, #tpu.memory_space<vmem_shared>> -> memref<5000x128xf32, #tpu.memory_space<vmem_shared>>
    tpu.enqueue_indirect_dma source(%dma_start3A_43 : memref<5000x128xf32, #tpu.memory_space<vmem_shared>>) target(%dma_start3A_39 : memref<104x128xf32, #tpu.memory_space<vmem>>) offsets(%dma_start3A_40 : memref<104xi32, #tpu.memory_space<vmem>>) semaphore(%arg14 : memref<!tpu.dma_semaphore, #tpu.memory_space<semaphore_mem>>)
    %dma_start3A_44 = arith.constant 3 : i32
    %dma_start3A_45 = arith.constant 0 : i32
    %dma_start3A_46 = arith.constant 0 : i32
    %dma_start3A_47 = tpu.memref_slice %arg10[%dma_start3A_44, %dma_start3A_45, %dma_start3A_46] : memref<4x104x128xf32, #tpu.memory_space<vmem>> -> memref<1x96x128xf32, #tpu.memory_space<vmem>>
    %dma_start3A_48 = tpu.memref_squeeze %dma_start3A_47 : memref<1x96x128xf32, #tpu.memory_space<vmem>> -> memref<96x128xf32, #tpu.memory_space<vmem>>
    %dma_start3A_49 = tpu.memref_slice %arg9[%multiple_of3A_34] : memref<6400xi32, #tpu.memory_space<vmem>> -> memref<96xi32, #tpu.memory_space<vmem>>
    %dma_start3A_50 = arith.constant 0 : i32
    %dma_start3A_51 = arith.constant 0 : i32
    %dma_start3A_52 = tpu.memref_slice %arg8[%dma_start3A_50, %dma_start3A_51] : memref<5000x128xf32, #tpu.memory_space<vmem_shared>> -> memref<5000x128xf32, #tpu.memory_space<vmem_shared>>
    tpu.enqueue_indirect_dma source(%dma_start3A_52 : memref<5000x128xf32, #tpu.memory_space<vmem_shared>>) target(%dma_start3A_48 : memref<96x128xf32, #tpu.memory_space<vmem>>) offsets(%dma_start3A_49 : memref<96xi32, #tpu.memory_space<vmem>>) semaphore(%arg15 : memref<!tpu.dma_semaphore, #tpu.memory_space<semaphore_mem>>)
    %scan3A = arith.constant 0 : i32
    %scan3A_53 = arith.constant 2.000000e-02 : f32
    %scan3A_54 = arith.constant 0 : i32
    %scan3A_55 = arith.constant 16 : i32
    %scan3A_56 = arith.addi %scan3A_54, %scan3A_55 : i32
    %scan3A_57 = arith.constant 1 : i32
    scf.for %scan3A_125 = %scan3A_54 to %scan3A_56 step %scan3A_57  : i32 {
      %mul3A_126 = arith.constant 2 : i32
      %mul3A_127 = arith.muli %scan3A_125, %mul3A_126 : i32
      %add3A_128 = arith.constant 0 : i32
      %add3A_129 = arith.addi %mul3A_127, %add3A_128 : i32
      %mul3A_130 = arith.constant 200 : i32
      %mul3A_131 = arith.muli %add3A_129, %mul3A_130 : i32
      %multiple_of3A_132 = tpu.assume_multiple %mul3A_131, 8 : i32
      %mul3A_133 = arith.constant 200 : i32
      %mul3A_134 = arith.muli %add3A_129, %mul3A_133 : i32
      %add3A_135 = arith.constant 104 : i32
      %add3A_136 = arith.addi %mul3A_134, %add3A_135 : i32
      %multiple_of3A_137 = tpu.assume_multiple %add3A_136, 8 : i32
      %dma_wait3A = arith.constant 0 : i32
      %dma_wait3A_138 = arith.constant 0 : i32
      %dma_wait3A_139 = arith.constant 0 : i32
      %dma_wait3A_140 = tpu.memref_slice %arg10[%dma_wait3A, %dma_wait3A_138, %dma_wait3A_139] : memref<4x104x128xf32, #tpu.memory_space<vmem>> -> memref<1x104x128xf32, #tpu.memory_space<vmem>>
      %dma_wait3A_141 = tpu.memref_squeeze %dma_wait3A_140 : memref<1x104x128xf32, #tpu.memory_space<vmem>> -> memref<104x128xf32, #tpu.memory_space<vmem>>
      %dma_wait3A_142 = tpu.memref_slice %arg9[%multiple_of3A_132] : memref<6400xi32, #tpu.memory_space<vmem>> -> memref<104xi32, #tpu.memory_space<vmem>>
      %dma_wait3A_143 = arith.constant 0 : i32
      %dma_wait3A_144 = arith.constant 0 : i32
      %dma_wait3A_145 = tpu.memref_slice %arg8[%dma_wait3A_143, %dma_wait3A_144] : memref<5000x128xf32, #tpu.memory_space<vmem_shared>> -> memref<5000x128xf32, #tpu.memory_space<vmem_shared>>
      tpu.wait_indirect_dma semaphore(%arg12 : memref<!tpu.dma_semaphore, #tpu.memory_space<semaphore_mem>>) src(%dma_wait3A_145 : memref<5000x128xf32, #tpu.memory_space<vmem_shared>>) dst(%dma_wait3A_141 : memref<104x128xf32, #tpu.memory_space<vmem>>)
      %dma_wait3A_146 = arith.constant 1 : i32
      %dma_wait3A_147 = arith.constant 0 : i32
      %dma_wait3A_148 = arith.constant 0 : i32
      %dma_wait3A_149 = tpu.memref_slice %arg10[%dma_wait3A_146, %dma_wait3A_147, %dma_wait3A_148] : memref<4x104x128xf32, #tpu.memory_space<vmem>> -> memref<1x96x128xf32, #tpu.memory_space<vmem>>
      %dma_wait3A_150 = tpu.memref_squeeze %dma_wait3A_149 : memref<1x96x128xf32, #tpu.memory_space<vmem>> -> memref<96x128xf32, #tpu.memory_space<vmem>>
      %dma_wait3A_151 = tpu.memref_slice %arg9[%multiple_of3A_137] : memref<6400xi32, #tpu.memory_space<vmem>> -> memref<96xi32, #tpu.memory_space<vmem>>
      %dma_wait3A_152 = arith.constant 0 : i32
      %dma_wait3A_153 = arith.constant 0 : i32
      %dma_wait3A_154 = tpu.memref_slice %arg8[%dma_wait3A_152, %dma_wait3A_153] : memref<5000x128xf32, #tpu.memory_space<vmem_shared>> -> memref<5000x128xf32, #tpu.memory_space<vmem_shared>>
      tpu.wait_indirect_dma semaphore(%arg13 : memref<!tpu.dma_semaphore, #tpu.memory_space<semaphore_mem>>) src(%dma_wait3A_154 : memref<5000x128xf32, #tpu.memory_space<vmem_shared>>) dst(%dma_wait3A_150 : memref<96x128xf32, #tpu.memory_space<vmem>>)
      %broadcast_in_dim3A = arith.constant 0.000000e+00 : f32
      %broadcast_in_dim3A_155 = vector.broadcast %broadcast_in_dim3A : f32 to vector<16xf32>
      %broadcast_in_dim3A_156 = arith.constant 0.000000e+00 : f32
      %broadcast_in_dim3A_157 = vector.broadcast %broadcast_in_dim3A_156 : f32 to vector<16xf32>
      %broadcast_in_dim3A_158 = arith.constant 0.000000e+00 : f32
      %broadcast_in_dim3A_159 = vector.broadcast %broadcast_in_dim3A_158 : f32 to vector<16xf32>
      %broadcast_in_dim3A_160 = arith.constant 0.000000e+00 : f32
      %broadcast_in_dim3A_161 = vector.broadcast %broadcast_in_dim3A_160 : f32 to vector<16xf32>
      %broadcast_in_dim3A_162 = arith.constant 0.000000e+00 : f32
      %broadcast_in_dim3A_163 = vector.broadcast %broadcast_in_dim3A_162 : f32 to vector<16xf32>
      %broadcast_in_dim3A_164 = arith.constant 0.000000e+00 : f32
      %broadcast_in_dim3A_165 = vector.broadcast %broadcast_in_dim3A_164 : f32 to vector<16xf32>
      %broadcast_in_dim3A_166 = arith.constant 0.000000e+00 : f32
      %broadcast_in_dim3A_167 = vector.broadcast %broadcast_in_dim3A_166 : f32 to vector<16xf32>
      %broadcast_in_dim3A_168 = arith.constant 0.000000e+00 : f32
      %broadcast_in_dim3A_169 = vector.broadcast %broadcast_in_dim3A_168 : f32 to vector<16xf32>
      %scan3A_170 = arith.constant 0 : i32
      %scan3A_171 = arith.constant 25 : i32
      %scan3A_172 = arith.addi %scan3A_170, %scan3A_171 : i32
      %scan3A_173 = arith.constant 1 : i32
      %scan3A_174:8 = scf.for %scan3A_865 = %scan3A_170 to %scan3A_172 step %scan3A_173 iter_args(%scan3A_866 = %broadcast_in_dim3A_155, %scan3A_867 = %broadcast_in_dim3A_157, %scan3A_868 = %broadcast_in_dim3A_159, %scan3A_869 = %broadcast_in_dim3A_161, %scan3A_870 = %broadcast_in_dim3A_163, %scan3A_871 = %broadcast_in_dim3A_165, %scan3A_872 = %broadcast_in_dim3A_167, %scan3A_873 = %broadcast_in_dim3A_169) -> (vector<16xf32>, vector<16xf32>, vector<16xf32>, vector<16xf32>, vector<16xf32>, vector<16xf32>, vector<16xf32>, vector<16xf32>)  : i32 {
        %mul3A_874 = arith.constant 2 : i32
        %mul3A_875 = arith.muli %mul3A_874, %scan3A_865 : i32
        %add3A_876 = arith.constant 0 : i32
        %add3A_877 = arith.addi %add3A_876, %mul3A_875 : i32
        %add3A_878 = arith.constant 0 : i32
        %add3A_879 = arith.addi %add3A_877, %add3A_878 : i32
        %get3A = arith.constant 0 : i32
        %get3A_880 = arith.index_cast %get3A : i32 to index
        %get3A_881 = arith.index_cast %add3A_879 : i32 to index
        %get3A_882 = arith.constant 0 : index
        %get3A_883 = tpu.vector_load %arg10[%get3A_880, %get3A_881, %get3A_882] {strides = array<i32>} : memref<4x104x128xf32, #tpu.memory_space<vmem>>, vector<1x1x16xf32>,
        %get3A_884 = vector.shape_cast %get3A_883 : vector<1x1x16xf32> to vector<16xf32>
        %add3A_885 = arith.addf %scan3A_866, %get3A_884 : vector<16xf32>
        %get3A_886 = arith.constant 0 : i32
        %get3A_887 = arith.index_cast %get3A_886 : i32 to index
        %get3A_888 = arith.index_cast %add3A_879 : i32 to index
        %get3A_889 = arith.constant 16 : index
        %get3A_890 = tpu.vector_load %arg10[%get3A_887, %get3A_888, %get3A_889] {strides = array<i32>} : memref<4x104x128xf32, #tpu.memory_space<vmem>>, vector<1x1x16xf32>,
        %get3A_891 = vector.shape_cast %get3A_890 : vector<1x1x16xf32> to vector<16xf32>
        %add3A_892 = arith.addf %scan3A_867, %get3A_891 : vector<16xf32>
        %get3A_893 = arith.constant 0 : i32
        %get3A_894 = arith.index_cast %get3A_893 : i32 to index
        %get3A_895 = arith.index_cast %add3A_879 : i32 to index
        %get3A_896 = arith.constant 32 : index
        %get3A_897 = tpu.vector_load %arg10[%get3A_894, %get3A_895, %get3A_896] {strides = array<i32>} : memref<4x104x128xf32, #tpu.memory_space<vmem>>, vector<1x1x16xf32>,
        %get3A_898 = vector.shape_cast %get3A_897 : vector<1x1x16xf32> to vector<16xf32>
        %add3A_899 = arith.addf %scan3A_868, %get3A_898 : vector<16xf32>
        %get3A_900 = arith.constant 0 : i32
        %get3A_901 = arith.index_cast %get3A_900 : i32 to index
        %get3A_902 = arith.index_cast %add3A_879 : i32 to index
        %get3A_903 = arith.constant 48 : index
        %get3A_904 = tpu.vector_load %arg10[%get3A_901, %get3A_902, %get3A_903] {strides = array<i32>} : memref<4x104x128xf32, #tpu.memory_space<vmem>>, vector<1x1x16xf32>,
        %get3A_905 = vector.shape_cast %get3A_904 : vector<1x1x16xf32> to vector<16xf32>
        %add3A_906 = arith.addf %scan3A_869, %get3A_905 : vector<16xf32>
        %get3A_907 = arith.constant 0 : i32
        %get3A_908 = arith.index_cast %get3A_907 : i32 to index
        %get3A_909 = arith.index_cast %add3A_879 : i32 to index
        %get3A_910 = arith.constant 64 : index
        %get3A_911 = tpu.vector_load %arg10[%get3A_908, %get3A_909, %get3A_910] {strides = array<i32>} : memref<4x104x128xf32, #tpu.memory_space<vmem>>, vector<1x1x16xf32>,
        %get3A_912 = vector.shape_cast %get3A_911 : vector<1x1x16xf32> to vector<16xf32>
        %add3A_913 = arith.addf %scan3A_870, %get3A_912 : vector<16xf32>
        %get3A_914 = arith.constant 0 : i32
        %get3A_915 = arith.index_cast %get3A_914 : i32 to index
        %get3A_916 = arith.index_cast %add3A_879 : i32 to index
        %get3A_917 = arith.constant 80 : index
        %get3A_918 = tpu.vector_load %arg10[%get3A_915, %get3A_916, %get3A_917] {strides = array<i32>} : memref<4x104x128xf32, #tpu.memory_space<vmem>>, vector<1x1x16xf32>,
        %get3A_919 = vector.shape_cast %get3A_918 : vector<1x1x16xf32> to vector<16xf32>
        %add3A_920 = arith.addf %scan3A_871, %get3A_919 : vector<16xf32>
        %get3A_921 = arith.constant 0 : i32
        %get3A_922 = arith.index_cast %get3A_921 : i32 to index
        %get3A_923 = arith.index_cast %add3A_879 : i32 to index
        %get3A_924 = arith.constant 96 : index
        %get3A_925 = tpu.vector_load %arg10[%get3A_922, %get3A_923, %get3A_924] {strides = array<i32>} : memref<4x104x128xf32, #tpu.memory_space<vmem>>, vector<1x1x16xf32>,
        %get3A_926 = vector.shape_cast %get3A_925 : vector<1x1x16xf32> to vector<16xf32>
        %add3A_927 = arith.addf %scan3A_872, %get3A_926 : vector<16xf32>
        %get3A_928 = arith.constant 0 : i32
        %get3A_929 = arith.index_cast %get3A_928 : i32 to index
        %get3A_930 = arith.index_cast %add3A_879 : i32 to index
        %get3A_931 = arith.constant 112 : index
        %get3A_932 = tpu.vector_load %arg10[%get3A_929, %get3A_930, %get3A_931] {strides = array<i32>} : memref<4x104x128xf32, #tpu.memory_space<vmem>>, vector<1x1x16xf32>,
        %get3A_933 = vector.shape_cast %get3A_932 : vector<1x1x16xf32> to vector<16xf32>
        %add3A_934 = arith.addf %scan3A_873, %get3A_933 : vector<16xf32>
        %mul3A_935 = arith.constant 2 : i32
        %mul3A_936 = arith.muli %mul3A_935, %scan3A_865 : i32
        %add3A_937 = arith.constant 0 : i32
        %add3A_938 = arith.addi %add3A_937, %mul3A_936 : i32
        %add3A_939 = arith.constant 1 : i32
        %add3A_940 = arith.addi %add3A_938, %add3A_939 : i32
        %get3A_941 = arith.constant 0 : i32
        %get3A_942 = arith.index_cast %get3A_941 : i32 to index
        %get3A_943 = arith.index_cast %add3A_940 : i32 to index
        %get3A_944 = arith.constant 0 : index
        %get3A_945 = tpu.vector_load %arg10[%get3A_942, %get3A_943, %get3A_944] {strides = array<i32>} : memref<4x104x128xf32, #tpu.memory_space<vmem>>, vector<1x1x16xf32>,
        %get3A_946 = vector.shape_cast %get3A_945 : vector<1x1x16xf32> to vector<16xf32>
        %add3A_947 = arith.addf %add3A_885, %get3A_946 : vector<16xf32>
        %get3A_948 = arith.constant 0 : i32
        %get3A_949 = arith.index_cast %get3A_948 : i32 to index
        %get3A_950 = arith.index_cast %add3A_940 : i32 to index
        %get3A_951 = arith.constant 16 : index
        %get3A_952 = tpu.vector_load %arg10[%get3A_949, %get3A_950, %get3A_951] {strides = array<i32>} : memref<4x104x128xf32, #tpu.memory_space<vmem>>, vector<1x1x16xf32>,
        %get3A_953 = vector.shape_cast %get3A_952 : vector<1x1x16xf32> to vector<16xf32>
        %add3A_954 = arith.addf %add3A_892, %get3A_953 : vector<16xf32>
        %get3A_955 = arith.constant 0 : i32
        %get3A_956 = arith.index_cast %get3A_955 : i32 to index
        %get3A_957 = arith.index_cast %add3A_940 : i32 to index
        %get3A_958 = arith.constant 32 : index
        %get3A_959 = tpu.vector_load %arg10[%get3A_956, %get3A_957, %get3A_958] {strides = array<i32>} : memref<4x104x128xf32, #tpu.memory_space<vmem>>, vector<1x1x16xf32>,
        %get3A_960 = vector.shape_cast %get3A_959 : vector<1x1x16xf32> to vector<16xf32>
        %add3A_961 = arith.addf %add3A_899, %get3A_960 : vector<16xf32>
        %get3A_962 = arith.constant 0 : i32
        %get3A_963 = arith.index_cast %get3A_962 : i32 to index
        %get3A_964 = arith.index_cast %add3A_940 : i32 to index
        %get3A_965 = arith.constant 48 : index
        %get3A_966 = tpu.vector_load %arg10[%get3A_963, %get3A_964, %get3A_965] {strides = array<i32>} : memref<4x104x128xf32, #tpu.memory_space<vmem>>, vector<1x1x16xf32>,
        %get3A_967 = vector.shape_cast %get3A_966 : vector<1x1x16xf32> to vector<16xf32>
        %add3A_968 = arith.addf %add3A_906, %get3A_967 : vector<16xf32>
        %get3A_969 = arith.constant 0 : i32
        %get3A_970 = arith.index_cast %get3A_969 : i32 to index
        %get3A_971 = arith.index_cast %add3A_940 : i32 to index
        %get3A_972 = arith.constant 64 : index
        %get3A_973 = tpu.vector_load %arg10[%get3A_970, %get3A_971, %get3A_972] {strides = array<i32>} : memref<4x104x128xf32, #tpu.memory_space<vmem>>, vector<1x1x16xf32>,
        %get3A_974 = vector.shape_cast %get3A_973 : vector<1x1x16xf32> to vector<16xf32>
        %add3A_975 = arith.addf %add3A_913, %get3A_974 : vector<16xf32>
        %get3A_976 = arith.constant 0 : i32
        %get3A_977 = arith.index_cast %get3A_976 : i32 to index
        %get3A_978 = arith.index_cast %add3A_940 : i32 to index
        %get3A_979 = arith.constant 80 : index
        %get3A_980 = tpu.vector_load %arg10[%get3A_977, %get3A_978, %get3A_979] {strides = array<i32>} : memref<4x104x128xf32, #tpu.memory_space<vmem>>, vector<1x1x16xf32>,
        %get3A_981 = vector.shape_cast %get3A_980 : vector<1x1x16xf32> to vector<16xf32>
        %add3A_982 = arith.addf %add3A_920, %get3A_981 : vector<16xf32>
        %get3A_983 = arith.constant 0 : i32
        %get3A_984 = arith.index_cast %get3A_983 : i32 to index
        %get3A_985 = arith.index_cast %add3A_940 : i32 to index
        %get3A_986 = arith.constant 96 : index
        %get3A_987 = tpu.vector_load %arg10[%get3A_984, %get3A_985, %get3A_986] {strides = array<i32>} : memref<4x104x128xf32, #tpu.memory_space<vmem>>, vector<1x1x16xf32>,
        %get3A_988 = vector.shape_cast %get3A_987 : vector<1x1x16xf32> to vector<16xf32>
        %add3A_989 = arith.addf %add3A_927, %get3A_988 : vector<16xf32>
        %get3A_990 = arith.constant 0 : i32
        %get3A_991 = arith.index_cast %get3A_990 : i32 to index
        %get3A_992 = arith.index_cast %add3A_940 : i32 to index
        %get3A_993 = arith.constant 112 : index
        %get3A_994 = tpu.vector_load %arg10[%get3A_991, %get3A_992, %get3A_993] {strides = array<i32>} : memref<4x104x128xf32, #tpu.memory_space<vmem>>, vector<1x1x16xf32>,
        %get3A_995 = vector.shape_cast %get3A_994 : vector<1x1x16xf32> to vector<16xf32>
        %add3A_996 = arith.addf %add3A_934, %get3A_995 : vector<16xf32>
        scf.yield %add3A_947, %add3A_954, %add3A_961, %add3A_968, %add3A_975, %add3A_982, %add3A_989, %add3A_996 : vector<16xf32>, vector<16xf32>, vector<16xf32>, vector<16xf32>, vector<16xf32>, vector<16xf32>, vector<16xf32>, vector<16xf32>
      }
      %scan3A_175 = arith.constant 25 : i32
      %mul3A_176 = arith.constant 4 : i32
      %mul3A_177 = arith.muli %add3A_129, %mul3A_176 : i32
      %add3A_178 = arith.constant 0 : i32
      %add3A_179 = arith.addi %mul3A_177, %add3A_178 : i32
      %mul3A_180 = vector.broadcast %scan3A_53 : f32 to vector<16xf32>
      %mul3A_181 = arith.mulf %scan3A_174#0, %mul3A_180 : vector<16xf32>
      %swap3A = arith.index_cast %add3A_179 : i32 to index
      %swap3A_182 = arith.constant 0 : index
      %swap3A_183 = tpu.vector_load %arg11[%swap3A, %swap3A_182] {strides = array<i32>} : memref<128x128xf32, #tpu.memory_space<vmem>>, vector<1x16xf32>,
      %swap3A_184 = vector.shape_cast %swap3A_183 : vector<1x16xf32> to vector<16xf32>
      %swap3A_185 = vector.shape_cast %mul3A_181 : vector<16xf32> to vector<1x16xf32>
      tpu.vector_store %arg11[%swap3A, %swap3A_182], %swap3A_185 {strides = array<i32>} : memref<128x128xf32, #tpu.memory_space<vmem>>, vector<1x16xf32>,
      %mul3A_186 = vector.broadcast %scan3A_53 : f32 to vector<16xf32>
      %mul3A_187 = arith.mulf %scan3A_174#1, %mul3A_186 : vector<16xf32>
      %swap3A_188 = arith.index_cast %add3A_179 : i32 to index
      %swap3A_189 = arith.constant 16 : index
      %swap3A_190 = tpu.vector_load %arg11[%swap3A_188, %swap3A_189] {strides = array<i32>} : memref<128x128xf32, #tpu.memory_space<vmem>>, vector<1x16xf32>,
      %swap3A_191 = vector.shape_cast %swap3A_190 : vector<1x16xf32> to vector<16xf32>
      %swap3A_192 = vector.shape_cast %mul3A_187 : vector<16xf32> to vector<1x16xf32>
      tpu.vector_store %arg11[%swap3A_188, %swap3A_189], %swap3A_192 {strides = array<i32>} : memref<128x128xf32, #tpu.memory_space<vmem>>, vector<1x16xf32>,
      %mul3A_193 = vector.broadcast %scan3A_53 : f32 to vector<16xf32>
      %mul3A_194 = arith.mulf %scan3A_174#2, %mul3A_193 : vector<16xf32>
      %swap3A_195 = arith.index_cast %add3A_179 : i32 to index
      %swap3A_196 = arith.constant 32 : index
      %swap3A_197 = tpu.vector_load %arg11[%swap3A_195, %swap3A_196] {strides = array<i32>} : memref<128x128xf32, #tpu.memory_space<vmem>>, vector<1x16xf32>,
      %swap3A_198 = vector.shape_cast %swap3A_197 : vector<1x16xf32> to vector<16xf32>
      %swap3A_199 = vector.shape_cast %mul3A_194 : vector<16xf32> to vector<1x16xf32>
      tpu.vector_store %arg11[%swap3A_195, %swap3A_196], %swap3A_199 {strides = array<i32>} : memref<128x128xf32, #tpu.memory_space<vmem>>, vector<1x16xf32>,
      %mul3A_200 = vector.broadcast %scan3A_53 : f32 to vector<16xf32>
      %mul3A_201 = arith.mulf %scan3A_174#3, %mul3A_200 : vector<16xf32>
      %swap3A_202 = arith.index_cast %add3A_179 : i32 to index
      %swap3A_203 = arith.constant 48 : index
      %swap3A_204 = tpu.vector_load %arg11[%swap3A_202, %swap3A_203] {strides = array<i32>} : memref<128x128xf32, #tpu.memory_space<vmem>>, vector<1x16xf32>,
      %swap3A_205 = vector.shape_cast %swap3A_204 : vector<1x16xf32> to vector<16xf32>
      %swap3A_206 = vector.shape_cast %mul3A_201 : vector<16xf32> to vector<1x16xf32>
      tpu.vector_store %arg11[%swap3A_202, %swap3A_203], %swap3A_206 {strides = array<i32>} : memref<128x128xf32, #tpu.memory_space<vmem>>, vector<1x16xf32>,
      %mul3A_207 = vector.broadcast %scan3A_53 : f32 to vector<16xf32>
      %mul3A_208 = arith.mulf %scan3A_174#4, %mul3A_207 : vector<16xf32>
      %swap3A_209 = arith.index_cast %add3A_179 : i32 to index
      %swap3A_210 = arith.constant 64 : index
      %swap3A_211 = tpu.vector_load %arg11[%swap3A_209, %swap3A_210] {strides = array<i32>} : memref<128x128xf32, #tpu.memory_space<vmem>>, vector<1x16xf32>,
      %swap3A_212 = vector.shape_cast %swap3A_211 : vector<1x16xf32> to vector<16xf32>
      %swap3A_213 = vector.shape_cast %mul3A_208 : vector<16xf32> to vector<1x16xf32>
      tpu.vector_store %arg11[%swap3A_209, %swap3A_210], %swap3A_213 {strides = array<i32>} : memref<128x128xf32, #tpu.memory_space<vmem>>, vector<1x16xf32>,
      %mul3A_214 = vector.broadcast %scan3A_53 : f32 to vector<16xf32>
      %mul3A_215 = arith.mulf %scan3A_174#5, %mul3A_214 : vector<16xf32>
      %swap3A_216 = arith.index_cast %add3A_179 : i32 to index
      %swap3A_217 = arith.constant 80 : index
      %swap3A_218 = tpu.vector_load %arg11[%swap3A_216, %swap3A_217] {strides = array<i32>} : memref<128x128xf32, #tpu.memory_space<vmem>>, vector<1x16xf32>,
      %swap3A_219 = vector.shape_cast %swap3A_218 : vector<1x16xf32> to vector<16xf32>
      %swap3A_220 = vector.shape_cast %mul3A_215 : vector<16xf32> to vector<1x16xf32>
      tpu.vector_store %arg11[%swap3A_216, %swap3A_217], %swap3A_220 {strides = array<i32>} : memref<128x128xf32, #tpu.memory_space<vmem>>, vector<1x16xf32>,
      %mul3A_221 = vector.broadcast %scan3A_53 : f32 to vector<16xf32>
      %mul3A_222 = arith.mulf %scan3A_174#6, %mul3A_221 : vector<16xf32>
      %swap3A_223 = arith.index_cast %add3A_179 : i32 to index
      %swap3A_224 = arith.constant 96 : index
      %swap3A_225 = tpu.vector_load %arg11[%swap3A_223, %swap3A_224] {strides = array<i32>} : memref<128x128xf32, #tpu.memory_space<vmem>>, vector<1x16xf32>,
      %swap3A_226 = vector.shape_cast %swap3A_225 : vector<1x16xf32> to vector<16xf32>
      %swap3A_227 = vector.shape_cast %mul3A_222 : vector<16xf32> to vector<1x16xf32>
      tpu.vector_store %arg11[%swap3A_223, %swap3A_224], %swap3A_227 {strides = array<i32>} : memref<128x128xf32, #tpu.memory_space<vmem>>, vector<1x16xf32>,
      %mul3A_228 = vector.broadcast %scan3A_53 : f32 to vector<16xf32>
      %mul3A_229 = arith.mulf %scan3A_174#7, %mul3A_228 : vector<16xf32>
      %swap3A_230 = arith.index_cast %add3A_179 : i32 to index
      %swap3A_231 = arith.constant 112 : index
      %swap3A_232 = tpu.vector_load %arg11[%swap3A_230, %swap3A_231] {strides = array<i32>} : memref<128x128xf32, #tpu.memory_space<vmem>>, vector<1x16xf32>,
      %swap3A_233 = vector.shape_cast %swap3A_232 : vector<1x16xf32> to vector<16xf32>
      %swap3A_234 = vector.shape_cast %mul3A_229 : vector<16xf32> to vector<1x16xf32>
      tpu.vector_store %arg11[%swap3A_230, %swap3A_231], %swap3A_234 {strides = array<i32>} : memref<128x128xf32, #tpu.memory_space<vmem>>, vector<1x16xf32>,
      %broadcast_in_dim3A_235 = arith.constant 0.000000e+00 : f32
      %broadcast_in_dim3A_236 = vector.broadcast %broadcast_in_dim3A_235 : f32 to vector<16xf32>
      %broadcast_in_dim3A_237 = arith.constant 0.000000e+00 : f32
      %broadcast_in_dim3A_238 = vector.broadcast %broadcast_in_dim3A_237 : f32 to vector<16xf32>
      %broadcast_in_dim3A_239 = arith.constant 0.000000e+00 : f32
      %broadcast_in_dim3A_240 = vector.broadcast %broadcast_in_dim3A_239 : f32 to vector<16xf32>
      %broadcast_in_dim3A_241 = arith.constant 0.000000e+00 : f32
      %broadcast_in_dim3A_242 = vector.broadcast %broadcast_in_dim3A_241 : f32 to vector<16xf32>
      %broadcast_in_dim3A_243 = arith.constant 0.000000e+00 : f32
      %broadcast_in_dim3A_244 = vector.broadcast %broadcast_in_dim3A_243 : f32 to vector<16xf32>
      %broadcast_in_dim3A_245 = arith.constant 0.000000e+00 : f32
      %broadcast_in_dim3A_246 = vector.broadcast %broadcast_in_dim3A_245 : f32 to vector<16xf32>
      %broadcast_in_dim3A_247 = arith.constant 0.000000e+00 : f32
      %broadcast_in_dim3A_248 = vector.broadcast %broadcast_in_dim3A_247 : f32 to vector<16xf32>
      %broadcast_in_dim3A_249 = arith.constant 0.000000e+00 : f32
      %broadcast_in_dim3A_250 = vector.broadcast %broadcast_in_dim3A_249 : f32 to vector<16xf32>
      %scan3A_251 = arith.constant 0 : i32
      %scan3A_252 = arith.constant 25 : i32
      %scan3A_253 = arith.addi %scan3A_251, %scan3A_252 : i32
      %scan3A_254 = arith.constant 1 : i32
      %scan3A_255:8 = scf.for %scan3A_865 = %scan3A_251 to %scan3A_253 step %scan3A_254 iter_args(%scan3A_866 = %broadcast_in_dim3A_236, %scan3A_867 = %broadcast_in_dim3A_238, %scan3A_868 = %broadcast_in_dim3A_240, %scan3A_869 = %broadcast_in_dim3A_242, %scan3A_870 = %broadcast_in_dim3A_244, %scan3A_871 = %broadcast_in_dim3A_246, %scan3A_872 = %broadcast_in_dim3A_248, %scan3A_873 = %broadcast_in_dim3A_250) -> (vector<16xf32>, vector<16xf32>, vector<16xf32>, vector<16xf32>, vector<16xf32>, vector<16xf32>, vector<16xf32>, vector<16xf32>)  : i32 {
        %mul3A_874 = arith.constant 2 : i32
        %mul3A_875 = arith.muli %mul3A_874, %scan3A_865 : i32
        %add3A_876 = arith.constant 50 : i32
        %add3A_877 = arith.addi %add3A_876, %mul3A_875 : i32
        %add3A_878 = arith.constant 0 : i32
        %add3A_879 = arith.addi %add3A_877, %add3A_878 : i32
        %get3A = arith.constant 0 : i32
        %get3A_880 = arith.index_cast %get3A : i32 to index
        %get3A_881 = arith.index_cast %add3A_879 : i32 to index
        %get3A_882 = arith.constant 0 : index
        %get3A_883 = tpu.vector_load %arg10[%get3A_880, %get3A_881, %get3A_882] {strides = array<i32>} : memref<4x104x128xf32, #tpu.memory_space<vmem>>, vector<1x1x16xf32>,
        %get3A_884 = vector.shape_cast %get3A_883 : vector<1x1x16xf32> to vector<16xf32>
        %add3A_885 = arith.addf %scan3A_866, %get3A_884 : vector<16xf32>
        %get3A_886 = arith.constant 0 : i32
        %get3A_887 = arith.index_cast %get3A_886 : i32 to index
        %get3A_888 = arith.index_cast %add3A_879 : i32 to index
        %get3A_889 = arith.constant 16 : index
        %get3A_890 = tpu.vector_load %arg10[%get3A_887, %get3A_888, %get3A_889] {strides = array<i32>} : memref<4x104x128xf32, #tpu.memory_space<vmem>>, vector<1x1x16xf32>,
        %get3A_891 = vector.shape_cast %get3A_890 : vector<1x1x16xf32> to vector<16xf32>
        %add3A_892 = arith.addf %scan3A_867, %get3A_891 : vector<16xf32>
        %get3A_893 = arith.constant 0 : i32
        %get3A_894 = arith.index_cast %get3A_893 : i32 to index
        %get3A_895 = arith.index_cast %add3A_879 : i32 to index
        %get3A_896 = arith.constant 32 : index
        %get3A_897 = tpu.vector_load %arg10[%get3A_894, %get3A_895, %get3A_896] {strides = array<i32>} : memref<4x104x128xf32, #tpu.memory_space<vmem>>, vector<1x1x16xf32>,
        %get3A_898 = vector.shape_cast %get3A_897 : vector<1x1x16xf32> to vector<16xf32>
        %add3A_899 = arith.addf %scan3A_868, %get3A_898 : vector<16xf32>
        %get3A_900 = arith.constant 0 : i32
        %get3A_901 = arith.index_cast %get3A_900 : i32 to index
        %get3A_902 = arith.index_cast %add3A_879 : i32 to index
        %get3A_903 = arith.constant 48 : index
        %get3A_904 = tpu.vector_load %arg10[%get3A_901, %get3A_902, %get3A_903] {strides = array<i32>} : memref<4x104x128xf32, #tpu.memory_space<vmem>>, vector<1x1x16xf32>,
        %get3A_905 = vector.shape_cast %get3A_904 : vector<1x1x16xf32> to vector<16xf32>
        %add3A_906 = arith.addf %scan3A_869, %get3A_905 : vector<16xf32>
        %get3A_907 = arith.constant 0 : i32
        %get3A_908 = arith.index_cast %get3A_907 : i32 to index
        %get3A_909 = arith.index_cast %add3A_879 : i32 to index
        %get3A_910 = arith.constant 64 : index
        %get3A_911 = tpu.vector_load %arg10[%get3A_908, %get3A_909, %get3A_910] {strides = array<i32>} : memref<4x104x128xf32, #tpu.memory_space<vmem>>, vector<1x1x16xf32>,
        %get3A_912 = vector.shape_cast %get3A_911 : vector<1x1x16xf32> to vector<16xf32>
        %add3A_913 = arith.addf %scan3A_870, %get3A_912 : vector<16xf32>
        %get3A_914 = arith.constant 0 : i32
        %get3A_915 = arith.index_cast %get3A_914 : i32 to index
        %get3A_916 = arith.index_cast %add3A_879 : i32 to index
        %get3A_917 = arith.constant 80 : index
        %get3A_918 = tpu.vector_load %arg10[%get3A_915, %get3A_916, %get3A_917] {strides = array<i32>} : memref<4x104x128xf32, #tpu.memory_space<vmem>>, vector<1x1x16xf32>,
        %get3A_919 = vector.shape_cast %get3A_918 : vector<1x1x16xf32> to vector<16xf32>
        %add3A_920 = arith.addf %scan3A_871, %get3A_919 : vector<16xf32>
        %get3A_921 = arith.constant 0 : i32
        %get3A_922 = arith.index_cast %get3A_921 : i32 to index
        %get3A_923 = arith.index_cast %add3A_879 : i32 to index
        %get3A_924 = arith.constant 96 : index
        %get3A_925 = tpu.vector_load %arg10[%get3A_922, %get3A_923, %get3A_924] {strides = array<i32>} : memref<4x104x128xf32, #tpu.memory_space<vmem>>, vector<1x1x16xf32>,
        %get3A_926 = vector.shape_cast %get3A_925 : vector<1x1x16xf32> to vector<16xf32>
        %add3A_927 = arith.addf %scan3A_872, %get3A_926 : vector<16xf32>
        %get3A_928 = arith.constant 0 : i32
        %get3A_929 = arith.index_cast %get3A_928 : i32 to index
        %get3A_930 = arith.index_cast %add3A_879 : i32 to index
        %get3A_931 = arith.constant 112 : index
        %get3A_932 = tpu.vector_load %arg10[%get3A_929, %get3A_930, %get3A_931] {strides = array<i32>} : memref<4x104x128xf32, #tpu.memory_space<vmem>>, vector<1x1x16xf32>,
        %get3A_933 = vector.shape_cast %get3A_932 : vector<1x1x16xf32> to vector<16xf32>
        %add3A_934 = arith.addf %scan3A_873, %get3A_933 : vector<16xf32>
        %mul3A_935 = arith.constant 2 : i32
        %mul3A_936 = arith.muli %mul3A_935, %scan3A_865 : i32
        %add3A_937 = arith.constant 50 : i32
        %add3A_938 = arith.addi %add3A_937, %mul3A_936 : i32
        %add3A_939 = arith.constant 1 : i32
        %add3A_940 = arith.addi %add3A_938, %add3A_939 : i32
        %get3A_941 = arith.constant 0 : i32
        %get3A_942 = arith.index_cast %get3A_941 : i32 to index
        %get3A_943 = arith.index_cast %add3A_940 : i32 to index
        %get3A_944 = arith.constant 0 : index
        %get3A_945 = tpu.vector_load %arg10[%get3A_942, %get3A_943, %get3A_944] {strides = array<i32>} : memref<4x104x128xf32, #tpu.memory_space<vmem>>, vector<1x1x16xf32>,
        %get3A_946 = vector.shape_cast %get3A_945 : vector<1x1x16xf32> to vector<16xf32>
        %add3A_947 = arith.addf %add3A_885, %get3A_946 : vector<16xf32>
        %get3A_948 = arith.constant 0 : i32
        %get3A_949 = arith.index_cast %get3A_948 : i32 to index
        %get3A_950 = arith.index_cast %add3A_940 : i32 to index
        %get3A_951 = arith.constant 16 : index
        %get3A_952 = tpu.vector_load %arg10[%get3A_949, %get3A_950, %get3A_951] {strides = array<i32>} : memref<4x104x128xf32, #tpu.memory_space<vmem>>, vector<1x1x16xf32>,
        %get3A_953 = vector.shape_cast %get3A_952 : vector<1x1x16xf32> to vector<16xf32>
        %add3A_954 = arith.addf %add3A_892, %get3A_953 : vector<16xf32>
        %get3A_955 = arith.constant 0 : i32
        %get3A_956 = arith.index_cast %get3A_955 : i32 to index
        %get3A_957 = arith.index_cast %add3A_940 : i32 to index
        %get3A_958 = arith.constant 32 : index
        %get3A_959 = tpu.vector_load %arg10[%get3A_956, %get3A_957, %get3A_958] {strides = array<i32>} : memref<4x104x128xf32, #tpu.memory_space<vmem>>, vector<1x1x16xf32>,
        %get3A_960 = vector.shape_cast %get3A_959 : vector<1x1x16xf32> to vector<16xf32>
        %add3A_961 = arith.addf %add3A_899, %get3A_960 : vector<16xf32>
        %get3A_962 = arith.constant 0 : i32
        %get3A_963 = arith.index_cast %get3A_962 : i32 to index
        %get3A_964 = arith.index_cast %add3A_940 : i32 to index
        %get3A_965 = arith.constant 48 : index
        %get3A_966 = tpu.vector_load %arg10[%get3A_963, %get3A_964, %get3A_965] {strides = array<i32>} : memref<4x104x128xf32, #tpu.memory_space<vmem>>, vector<1x1x16xf32>,
        %get3A_967 = vector.shape_cast %get3A_966 : vector<1x1x16xf32> to vector<16xf32>
        %add3A_968 = arith.addf %add3A_906, %get3A_967 : vector<16xf32>
        %get3A_969 = arith.constant 0 : i32
        %get3A_970 = arith.index_cast %get3A_969 : i32 to index
        %get3A_971 = arith.index_cast %add3A_940 : i32 to index
        %get3A_972 = arith.constant 64 : index
        %get3A_973 = tpu.vector_load %arg10[%get3A_970, %get3A_971, %get3A_972] {strides = array<i32>} : memref<4x104x128xf32, #tpu.memory_space<vmem>>, vector<1x1x16xf32>,
        %get3A_974 = vector.shape_cast %get3A_973 : vector<1x1x16xf32> to vector<16xf32>
        %add3A_975 = arith.addf %add3A_913, %get3A_974 : vector<16xf32>
        %get3A_976 = arith.constant 0 : i32
        %get3A_977 = arith.index_cast %get3A_976 : i32 to index
        %get3A_978 = arith.index_cast %add3A_940 : i32 to index
        %get3A_979 = arith.constant 80 : index
        %get3A_980 = tpu.vector_load %arg10[%get3A_977, %get3A_978, %get3A_979] {strides = array<i32>} : memref<4x104x128xf32, #tpu.memory_space<vmem>>, vector<1x1x16xf32>,
        %get3A_981 = vector.shape_cast %get3A_980 : vector<1x1x16xf32> to vector<16xf32>
        %add3A_982 = arith.addf %add3A_920, %get3A_981 : vector<16xf32>
        %get3A_983 = arith.constant 0 : i32
        %get3A_984 = arith.index_cast %get3A_983 : i32 to index
        %get3A_985 = arith.index_cast %add3A_940 : i32 to index
        %get3A_986 = arith.constant 96 : index
        %get3A_987 = tpu.vector_load %arg10[%get3A_984, %get3A_985, %get3A_986] {strides = array<i32>} : memref<4x104x128xf32, #tpu.memory_space<vmem>>, vector<1x1x16xf32>,
        %get3A_988 = vector.shape_cast %get3A_987 : vector<1x1x16xf32> to vector<16xf32>
        %add3A_989 = arith.addf %add3A_927, %get3A_988 : vector<16xf32>
        %get3A_990 = arith.constant 0 : i32
        %get3A_991 = arith.index_cast %get3A_990 : i32 to index
        %get3A_992 = arith.index_cast %add3A_940 : i32 to index
        %get3A_993 = arith.constant 112 : index
        %get3A_994 = tpu.vector_load %arg10[%get3A_991, %get3A_992, %get3A_993] {strides = array<i32>} : memref<4x104x128xf32, #tpu.memory_space<vmem>>, vector<1x1x16xf32>,
        %get3A_995 = vector.shape_cast %get3A_994 : vector<1x1x16xf32> to vector<16xf32>
        %add3A_996 = arith.addf %add3A_934, %get3A_995 : vector<16xf32>
        scf.yield %add3A_947, %add3A_954, %add3A_961, %add3A_968, %add3A_975, %add3A_982, %add3A_989, %add3A_996 : vector<16xf32>, vector<16xf32>, vector<16xf32>, vector<16xf32>, vector<16xf32>, vector<16xf32>, vector<16xf32>, vector<16xf32>
      }
      %scan3A_256 = arith.constant 25 : i32
      %mul3A_257 = arith.constant 4 : i32
      %mul3A_258 = arith.muli %add3A_129, %mul3A_257 : i32
      %add3A_259 = arith.constant 1 : i32
      %add3A_260 = arith.addi %mul3A_258, %add3A_259 : i32
      %mul3A_261 = vector.broadcast %scan3A_53 : f32 to vector<16xf32>
      %mul3A_262 = arith.mulf %scan3A_255#0, %mul3A_261 : vector<16xf32>
      %swap3A_263 = arith.index_cast %add3A_260 : i32 to index
      %swap3A_264 = arith.constant 0 : index
      %swap3A_265 = tpu.vector_load %arg11[%swap3A_263, %swap3A_264] {strides = array<i32>} : memref<128x128xf32, #tpu.memory_space<vmem>>, vector<1x16xf32>,
      %swap3A_266 = vector.shape_cast %swap3A_265 : vector<1x16xf32> to vector<16xf32>
      %swap3A_267 = vector.shape_cast %mul3A_262 : vector<16xf32> to vector<1x16xf32>
      tpu.vector_store %arg11[%swap3A_263, %swap3A_264], %swap3A_267 {strides = array<i32>} : memref<128x128xf32, #tpu.memory_space<vmem>>, vector<1x16xf32>,
      %mul3A_268 = vector.broadcast %scan3A_53 : f32 to vector<16xf32>
      %mul3A_269 = arith.mulf %scan3A_255#1, %mul3A_268 : vector<16xf32>
      %swap3A_270 = arith.index_cast %add3A_260 : i32 to index
      %swap3A_271 = arith.constant 16 : index
      %swap3A_272 = tpu.vector_load %arg11[%swap3A_270, %swap3A_271] {strides = array<i32>} : memref<128x128xf32, #tpu.memory_space<vmem>>, vector<1x16xf32>,
      %swap3A_273 = vector.shape_cast %swap3A_272 : vector<1x16xf32> to vector<16xf32>
      %swap3A_274 = vector.shape_cast %mul3A_269 : vector<16xf32> to vector<1x16xf32>
      tpu.vector_store %arg11[%swap3A_270, %swap3A_271], %swap3A_274 {strides = array<i32>} : memref<128x128xf32, #tpu.memory_space<vmem>>, vector<1x16xf32>,
      %mul3A_275 = vector.broadcast %scan3A_53 : f32 to vector<16xf32>
      %mul3A_276 = arith.mulf %scan3A_255#2, %mul3A_275 : vector<16xf32>
      %swap3A_277 = arith.index_cast %add3A_260 : i32 to index
      %swap3A_278 = arith.constant 32 : index
      %swap3A_279 = tpu.vector_load %arg11[%swap3A_277, %swap3A_278] {strides = array<i32>} : memref<128x128xf32, #tpu.memory_space<vmem>>, vector<1x16xf32>,
      %swap3A_280 = vector.shape_cast %swap3A_279 : vector<1x16xf32> to vector<16xf32>
      %swap3A_281 = vector.shape_cast %mul3A_276 : vector<16xf32> to vector<1x16xf32>
      tpu.vector_store %arg11[%swap3A_277, %swap3A_278], %swap3A_281 {strides = array<i32>} : memref<128x128xf32, #tpu.memory_space<vmem>>, vector<1x16xf32>,
      %mul3A_282 = vector.broadcast %scan3A_53 : f32 to vector<16xf32>
      %mul3A_283 = arith.mulf %scan3A_255#3, %mul3A_282 : vector<16xf32>
      %swap3A_284 = arith.index_cast %add3A_260 : i32 to index
      %swap3A_285 = arith.constant 48 : index
      %swap3A_286 = tpu.vector_load %arg11[%swap3A_284, %swap3A_285] {strides = array<i32>} : memref<128x128xf32, #tpu.memory_space<vmem>>, vector<1x16xf32>,
      %swap3A_287 = vector.shape_cast %swap3A_286 : vector<1x16xf32> to vector<16xf32>
      %swap3A_288 = vector.shape_cast %mul3A_283 : vector<16xf32> to vector<1x16xf32>
      tpu.vector_store %arg11[%swap3A_284, %swap3A_285], %swap3A_288 {strides = array<i32>} : memref<128x128xf32, #tpu.memory_space<vmem>>, vector<1x16xf32>,
      %mul3A_289 = vector.broadcast %scan3A_53 : f32 to vector<16xf32>
      %mul3A_290 = arith.mulf %scan3A_255#4, %mul3A_289 : vector<16xf32>
      %swap3A_291 = arith.index_cast %add3A_260 : i32 to index
      %swap3A_292 = arith.constant 64 : index
      %swap3A_293 = tpu.vector_load %arg11[%swap3A_291, %swap3A_292] {strides = array<i32>} : memref<128x128xf32, #tpu.memory_space<vmem>>, vector<1x16xf32>,
      %swap3A_294 = vector.shape_cast %swap3A_293 : vector<1x16xf32> to vector<16xf32>
      %swap3A_295 = vector.shape_cast %mul3A_290 : vector<16xf32> to vector<1x16xf32>
      tpu.vector_store %arg11[%swap3A_291, %swap3A_292], %swap3A_295 {strides = array<i32>} : memref<128x128xf32, #tpu.memory_space<vmem>>, vector<1x16xf32>,
      %mul3A_296 = vector.broadcast %scan3A_53 : f32 to vector<16xf32>
      %mul3A_297 = arith.mulf %scan3A_255#5, %mul3A_296 : vector<16xf32>
      %swap3A_298 = arith.index_cast %add3A_260 : i32 to index
      %swap3A_299 = arith.constant 80 : index
      %swap3A_300 = tpu.vector_load %arg11[%swap3A_298, %swap3A_299] {strides = array<i32>} : memref<128x128xf32, #tpu.memory_space<vmem>>, vector<1x16xf32>,
      %swap3A_301 = vector.shape_cast %swap3A_300 : vector<1x16xf32> to vector<16xf32>
      %swap3A_302 = vector.shape_cast %mul3A_297 : vector<16xf32> to vector<1x16xf32>
      tpu.vector_store %arg11[%swap3A_298, %swap3A_299], %swap3A_302 {strides = array<i32>} : memref<128x128xf32, #tpu.memory_space<vmem>>, vector<1x16xf32>,
      %mul3A_303 = vector.broadcast %scan3A_53 : f32 to vector<16xf32>
      %mul3A_304 = arith.mulf %scan3A_255#6, %mul3A_303 : vector<16xf32>
      %swap3A_305 = arith.index_cast %add3A_260 : i32 to index
      %swap3A_306 = arith.constant 96 : index
      %swap3A_307 = tpu.vector_load %arg11[%swap3A_305, %swap3A_306] {strides = array<i32>} : memref<128x128xf32, #tpu.memory_space<vmem>>, vector<1x16xf32>,
      %swap3A_308 = vector.shape_cast %swap3A_307 : vector<1x16xf32> to vector<16xf32>
      %swap3A_309 = vector.shape_cast %mul3A_304 : vector<16xf32> to vector<1x16xf32>
      tpu.vector_store %arg11[%swap3A_305, %swap3A_306], %swap3A_309 {strides = array<i32>} : memref<128x128xf32, #tpu.memory_space<vmem>>, vector<1x16xf32>,
      %mul3A_310 = vector.broadcast %scan3A_53 : f32 to vector<16xf32>
      %mul3A_311 = arith.mulf %scan3A_255#7, %mul3A_310 : vector<16xf32>
      %swap3A_312 = arith.index_cast %add3A_260 : i32 to index
      %swap3A_313 = arith.constant 112 : index
      %swap3A_314 = tpu.vector_load %arg11[%swap3A_312, %swap3A_313] {strides = array<i32>} : memref<128x128xf32, #tpu.memory_space<vmem>>, vector<1x16xf32>,
      %swap3A_315 = vector.shape_cast %swap3A_314 : vector<1x16xf32> to vector<16xf32>
      %swap3A_316 = vector.shape_cast %mul3A_311 : vector<16xf32> to vector<1x16xf32>
      tpu.vector_store %arg11[%swap3A_312, %swap3A_313], %swap3A_316 {strides = array<i32>} : memref<128x128xf32, #tpu.memory_space<vmem>>, vector<1x16xf32>,
      %broadcast_in_dim3A_317 = arith.constant 0.000000e+00 : f32
      %broadcast_in_dim3A_318 = vector.broadcast %broadcast_in_dim3A_317 : f32 to vector<16xf32>
      %broadcast_in_dim3A_319 = arith.constant 0.000000e+00 : f32
      %broadcast_in_dim3A_320 = vector.broadcast %broadcast_in_dim3A_319 : f32 to vector<16xf32>
      %broadcast_in_dim3A_321 = arith.constant 0.000000e+00 : f32
      %broadcast_in_dim3A_322 = vector.broadcast %broadcast_in_dim3A_321 : f32 to vector<16xf32>
      %broadcast_in_dim3A_323 = arith.constant 0.000000e+00 : f32
      %broadcast_in_dim3A_324 = vector.broadcast %broadcast_in_dim3A_323 : f32 to vector<16xf32>
      %broadcast_in_dim3A_325 = arith.constant 0.000000e+00 : f32
      %broadcast_in_dim3A_326 = vector.broadcast %broadcast_in_dim3A_325 : f32 to vector<16xf32>
      %broadcast_in_dim3A_327 = arith.constant 0.000000e+00 : f32
      %broadcast_in_dim3A_328 = vector.broadcast %broadcast_in_dim3A_327 : f32 to vector<16xf32>
      %broadcast_in_dim3A_329 = arith.constant 0.000000e+00 : f32
      %broadcast_in_dim3A_330 = vector.broadcast %broadcast_in_dim3A_329 : f32 to vector<16xf32>
      %broadcast_in_dim3A_331 = arith.constant 0.000000e+00 : f32
      %broadcast_in_dim3A_332 = vector.broadcast %broadcast_in_dim3A_331 : f32 to vector<16xf32>
      %scan3A_333 = arith.constant 0 : i32
      %scan3A_334 = arith.constant 2 : i32
      %scan3A_335 = arith.addi %scan3A_333, %scan3A_334 : i32
      %scan3A_336 = arith.constant 1 : i32
      %scan3A_337:8 = scf.for %scan3A_865 = %scan3A_333 to %scan3A_335 step %scan3A_336 iter_args(%scan3A_866 = %broadcast_in_dim3A_318, %scan3A_867 = %broadcast_in_dim3A_320, %scan3A_868 = %broadcast_in_dim3A_322, %scan3A_869 = %broadcast_in_dim3A_324, %scan3A_870 = %broadcast_in_dim3A_326, %scan3A_871 = %broadcast_in_dim3A_328, %scan3A_872 = %broadcast_in_dim3A_330, %scan3A_873 = %broadcast_in_dim3A_332) -> (vector<16xf32>, vector<16xf32>, vector<16xf32>, vector<16xf32>, vector<16xf32>, vector<16xf32>, vector<16xf32>, vector<16xf32>)  : i32 {
        %mul3A_874 = arith.constant 2 : i32
        %mul3A_875 = arith.muli %mul3A_874, %scan3A_865 : i32
        %add3A_876 = arith.constant 100 : i32
        %add3A_877 = arith.addi %add3A_876, %mul3A_875 : i32
        %add3A_878 = arith.constant 0 : i32
        %add3A_879 = arith.addi %add3A_877, %add3A_878 : i32
        %get3A = arith.constant 0 : i32
        %get3A_880 = arith.index_cast %get3A : i32 to index
        %get3A_881 = arith.index_cast %add3A_879 : i32 to index
        %get3A_882 = arith.constant 0 : index
        %get3A_883 = tpu.vector_load %arg10[%get3A_880, %get3A_881, %get3A_882] {strides = array<i32>} : memref<4x104x128xf32, #tpu.memory_space<vmem>>, vector<1x1x16xf32>,
        %get3A_884 = vector.shape_cast %get3A_883 : vector<1x1x16xf32> to vector<16xf32>
        %add3A_885 = arith.addf %scan3A_866, %get3A_884 : vector<16xf32>
        %get3A_886 = arith.constant 0 : i32
        %get3A_887 = arith.index_cast %get3A_886 : i32 to index
        %get3A_888 = arith.index_cast %add3A_879 : i32 to index
        %get3A_889 = arith.constant 16 : index
        %get3A_890 = tpu.vector_load %arg10[%get3A_887, %get3A_888, %get3A_889] {strides = array<i32>} : memref<4x104x128xf32, #tpu.memory_space<vmem>>, vector<1x1x16xf32>,
        %get3A_891 = vector.shape_cast %get3A_890 : vector<1x1x16xf32> to vector<16xf32>
        %add3A_892 = arith.addf %scan3A_867, %get3A_891 : vector<16xf32>
        %get3A_893 = arith.constant 0 : i32
        %get3A_894 = arith.index_cast %get3A_893 : i32 to index
        %get3A_895 = arith.index_cast %add3A_879 : i32 to index
        %get3A_896 = arith.constant 32 : index
        %get3A_897 = tpu.vector_load %arg10[%get3A_894, %get3A_895, %get3A_896] {strides = array<i32>} : memref<4x104x128xf32, #tpu.memory_space<vmem>>, vector<1x1x16xf32>,
        %get3A_898 = vector.shape_cast %get3A_897 : vector<1x1x16xf32> to vector<16xf32>
        %add3A_899 = arith.addf %scan3A_868, %get3A_898 : vector<16xf32>
        %get3A_900 = arith.constant 0 : i32
        %get3A_901 = arith.index_cast %get3A_900 : i32 to index
        %get3A_902 = arith.index_cast %add3A_879 : i32 to index
        %get3A_903 = arith.constant 48 : index
        %get3A_904 = tpu.vector_load %arg10[%get3A_901, %get3A_902, %get3A_903] {strides = array<i32>} : memref<4x104x128xf32, #tpu.memory_space<vmem>>, vector<1x1x16xf32>,
        %get3A_905 = vector.shape_cast %get3A_904 : vector<1x1x16xf32> to vector<16xf32>
        %add3A_906 = arith.addf %scan3A_869, %get3A_905 : vector<16xf32>
        %get3A_907 = arith.constant 0 : i32
        %get3A_908 = arith.index_cast %get3A_907 : i32 to index
        %get3A_909 = arith.index_cast %add3A_879 : i32 to index
        %get3A_910 = arith.constant 64 : index
        %get3A_911 = tpu.vector_load %arg10[%get3A_908, %get3A_909, %get3A_910] {strides = array<i32>} : memref<4x104x128xf32, #tpu.memory_space<vmem>>, vector<1x1x16xf32>,
        %get3A_912 = vector.shape_cast %get3A_911 : vector<1x1x16xf32> to vector<16xf32>
        %add3A_913 = arith.addf %scan3A_870, %get3A_912 : vector<16xf32>
        %get3A_914 = arith.constant 0 : i32
        %get3A_915 = arith.index_cast %get3A_914 : i32 to index
        %get3A_916 = arith.index_cast %add3A_879 : i32 to index
        %get3A_917 = arith.constant 80 : index
        %get3A_918 = tpu.vector_load %arg10[%get3A_915, %get3A_916, %get3A_917] {strides = array<i32>} : memref<4x104x128xf32, #tpu.memory_space<vmem>>, vector<1x1x16xf32>,
        %get3A_919 = vector.shape_cast %get3A_918 : vector<1x1x16xf32> to vector<16xf32>
        %add3A_920 = arith.addf %scan3A_871, %get3A_919 : vector<16xf32>
        %get3A_921 = arith.constant 0 : i32
        %get3A_922 = arith.index_cast %get3A_921 : i32 to index
        %get3A_923 = arith.index_cast %add3A_879 : i32 to index
        %get3A_924 = arith.constant 96 : index
        %get3A_925 = tpu.vector_load %arg10[%get3A_922, %get3A_923, %get3A_924] {strides = array<i32>} : memref<4x104x128xf32, #tpu.memory_space<vmem>>, vector<1x1x16xf32>,
        %get3A_926 = vector.shape_cast %get3A_925 : vector<1x1x16xf32> to vector<16xf32>
        %add3A_927 = arith.addf %scan3A_872, %get3A_926 : vector<16xf32>
        %get3A_928 = arith.constant 0 : i32
        %get3A_929 = arith.index_cast %get3A_928 : i32 to index
        %get3A_930 = arith.index_cast %add3A_879 : i32 to index
        %get3A_931 = arith.constant 112 : index
        %get3A_932 = tpu.vector_load %arg10[%get3A_929, %get3A_930, %get3A_931] {strides = array<i32>} : memref<4x104x128xf32, #tpu.memory_space<vmem>>, vector<1x1x16xf32>,
        %get3A_933 = vector.shape_cast %get3A_932 : vector<1x1x16xf32> to vector<16xf32>
        %add3A_934 = arith.addf %scan3A_873, %get3A_933 : vector<16xf32>
        %mul3A_935 = arith.constant 2 : i32
        %mul3A_936 = arith.muli %mul3A_935, %scan3A_865 : i32
        %add3A_937 = arith.constant 100 : i32
        %add3A_938 = arith.addi %add3A_937, %mul3A_936 : i32
        %add3A_939 = arith.constant 1 : i32
        %add3A_940 = arith.addi %add3A_938, %add3A_939 : i32
        %get3A_941 = arith.constant 0 : i32
        %get3A_942 = arith.index_cast %get3A_941 : i32 to index
        %get3A_943 = arith.index_cast %add3A_940 : i32 to index
        %get3A_944 = arith.constant 0 : index
        %get3A_945 = tpu.vector_load %arg10[%get3A_942, %get3A_943, %get3A_944] {strides = array<i32>} : memref<4x104x128xf32, #tpu.memory_space<vmem>>, vector<1x1x16xf32>,
        %get3A_946 = vector.shape_cast %get3A_945 : vector<1x1x16xf32> to vector<16xf32>
        %add3A_947 = arith.addf %add3A_885, %get3A_946 : vector<16xf32>
        %get3A_948 = arith.constant 0 : i32
        %get3A_949 = arith.index_cast %get3A_948 : i32 to index
        %get3A_950 = arith.index_cast %add3A_940 : i32 to index
        %get3A_951 = arith.constant 16 : index
        %get3A_952 = tpu.vector_load %arg10[%get3A_949, %get3A_950, %get3A_951] {strides = array<i32>} : memref<4x104x128xf32, #tpu.memory_space<vmem>>, vector<1x1x16xf32>,
        %get3A_953 = vector.shape_cast %get3A_952 : vector<1x1x16xf32> to vector<16xf32>
        %add3A_954 = arith.addf %add3A_892, %get3A_953 : vector<16xf32>
        %get3A_955 = arith.constant 0 : i32
        %get3A_956 = arith.index_cast %get3A_955 : i32 to index
        %get3A_957 = arith.index_cast %add3A_940 : i32 to index
        %get3A_958 = arith.constant 32 : index
        %get3A_959 = tpu.vector_load %arg10[%get3A_956, %get3A_957, %get3A_958] {strides = array<i32>} : memref<4x104x128xf32, #tpu.memory_space<vmem>>, vector<1x1x16xf32>,
        %get3A_960 = vector.shape_cast %get3A_959 : vector<1x1x16xf32> to vector<16xf32>
        %add3A_961 = arith.addf %add3A_899, %get3A_960 : vector<16xf32>
        %get3A_962 = arith.constant 0 : i32
        %get3A_963 = arith.index_cast %get3A_962 : i32 to index
        %get3A_964 = arith.index_cast %add3A_940 : i32 to index
        %get3A_965 = arith.constant 48 : index
        %get3A_966 = tpu.vector_load %arg10[%get3A_963, %get3A_964, %get3A_965] {strides = array<i32>} : memref<4x104x128xf32, #tpu.memory_space<vmem>>, vector<1x1x16xf32>,
        %get3A_967 = vector.shape_cast %get3A_966 : vector<1x1x16xf32> to vector<16xf32>
        %add3A_968 = arith.addf %add3A_906, %get3A_967 : vector<16xf32>
        %get3A_969 = arith.constant 0 : i32
        %get3A_970 = arith.index_cast %get3A_969 : i32 to index
        %get3A_971 = arith.index_cast %add3A_940 : i32 to index
        %get3A_972 = arith.constant 64 : index
        %get3A_973 = tpu.vector_load %arg10[%get3A_970, %get3A_971, %get3A_972] {strides = array<i32>} : memref<4x104x128xf32, #tpu.memory_space<vmem>>, vector<1x1x16xf32>,
        %get3A_974 = vector.shape_cast %get3A_973 : vector<1x1x16xf32> to vector<16xf32>
        %add3A_975 = arith.addf %add3A_913, %get3A_974 : vector<16xf32>
        %get3A_976 = arith.constant 0 : i32
        %get3A_977 = arith.index_cast %get3A_976 : i32 to index
        %get3A_978 = arith.index_cast %add3A_940 : i32 to index
        %get3A_979 = arith.constant 80 : index
        %get3A_980 = tpu.vector_load %arg10[%get3A_977, %get3A_978, %get3A_979] {strides = array<i32>} : memref<4x104x128xf32, #tpu.memory_space<vmem>>, vector<1x1x16xf32>,
        %get3A_981 = vector.shape_cast %get3A_980 : vector<1x1x16xf32> to vector<16xf32>
        %add3A_982 = arith.addf %add3A_920, %get3A_981 : vector<16xf32>
        %get3A_983 = arith.constant 0 : i32
        %get3A_984 = arith.index_cast %get3A_983 : i32 to index
        %get3A_985 = arith.index_cast %add3A_940 : i32 to index
        %get3A_986 = arith.constant 96 : index
        %get3A_987 = tpu.vector_load %arg10[%get3A_984, %get3A_985, %get3A_986] {strides = array<i32>} : memref<4x104x128xf32, #tpu.memory_space<vmem>>, vector<1x1x16xf32>,
        %get3A_988 = vector.shape_cast %get3A_987 : vector<1x1x16xf32> to vector<16xf32>
        %add3A_989 = arith.addf %add3A_927, %get3A_988 : vector<16xf32>
        %get3A_990 = arith.constant 0 : i32
        %get3A_991 = arith.index_cast %get3A_990 : i32 to index
        %get3A_992 = arith.index_cast %add3A_940 : i32 to index
        %get3A_993 = arith.constant 112 : index
        %get3A_994 = tpu.vector_load %arg10[%get3A_991, %get3A_992, %get3A_993] {strides = array<i32>} : memref<4x104x128xf32, #tpu.memory_space<vmem>>, vector<1x1x16xf32>,
        %get3A_995 = vector.shape_cast %get3A_994 : vector<1x1x16xf32> to vector<16xf32>
        %add3A_996 = arith.addf %add3A_934, %get3A_995 : vector<16xf32>
        scf.yield %add3A_947, %add3A_954, %add3A_961, %add3A_968, %add3A_975, %add3A_982, %add3A_989, %add3A_996 : vector<16xf32>, vector<16xf32>, vector<16xf32>, vector<16xf32>, vector<16xf32>, vector<16xf32>, vector<16xf32>, vector<16xf32>
      }
      %scan3A_338 = arith.constant 2 : i32
      %scan3A_339 = arith.constant 0 : i32
      %scan3A_340 = arith.constant 23 : i32
      %scan3A_341 = arith.addi %scan3A_339, %scan3A_340 : i32
      %scan3A_342 = arith.constant 1 : i32
      %scan3A_343:8 = scf.for %scan3A_865 = %scan3A_339 to %scan3A_341 step %scan3A_342 iter_args(%scan3A_866 = %scan3A_337#0, %scan3A_867 = %scan3A_337#1, %scan3A_868 = %scan3A_337#2, %scan3A_869 = %scan3A_337#3, %scan3A_870 = %scan3A_337#4, %scan3A_871 = %scan3A_337#5, %scan3A_872 = %scan3A_337#6, %scan3A_873 = %scan3A_337#7) -> (vector<16xf32>, vector<16xf32>, vector<16xf32>, vector<16xf32>, vector<16xf32>, vector<16xf32>, vector<16xf32>, vector<16xf32>)  : i32 {
        %mul3A_874 = arith.constant 2 : i32
        %mul3A_875 = arith.muli %mul3A_874, %scan3A_865 : i32
        %add3A_876 = arith.constant 0 : i32
        %add3A_877 = arith.addi %add3A_876, %mul3A_875 : i32
        %add3A_878 = arith.constant 0 : i32
        %add3A_879 = arith.addi %add3A_877, %add3A_878 : i32
        %get3A = arith.constant 1 : i32
        %get3A_880 = arith.index_cast %get3A : i32 to index
        %get3A_881 = arith.index_cast %add3A_879 : i32 to index
        %get3A_882 = arith.constant 0 : index
        %get3A_883 = tpu.vector_load %arg10[%get3A_880, %get3A_881, %get3A_882] {strides = array<i32>} : memref<4x104x128xf32, #tpu.memory_space<vmem>>, vector<1x1x16xf32>,
        %get3A_884 = vector.shape_cast %get3A_883 : vector<1x1x16xf32> to vector<16xf32>
        %add3A_885 = arith.addf %scan3A_866, %get3A_884 : vector<16xf32>
        %get3A_886 = arith.constant 1 : i32
        %get3A_887 = arith.index_cast %get3A_886 : i32 to index
        %get3A_888 = arith.index_cast %add3A_879 : i32 to index
        %get3A_889 = arith.constant 16 : index
        %get3A_890 = tpu.vector_load %arg10[%get3A_887, %get3A_888, %get3A_889] {strides = array<i32>} : memref<4x104x128xf32, #tpu.memory_space<vmem>>, vector<1x1x16xf32>,
        %get3A_891 = vector.shape_cast %get3A_890 : vector<1x1x16xf32> to vector<16xf32>
        %add3A_892 = arith.addf %scan3A_867, %get3A_891 : vector<16xf32>
        %get3A_893 = arith.constant 1 : i32
        %get3A_894 = arith.index_cast %get3A_893 : i32 to index
        %get3A_895 = arith.index_cast %add3A_879 : i32 to index
        %get3A_896 = arith.constant 32 : index
        %get3A_897 = tpu.vector_load %arg10[%get3A_894, %get3A_895, %get3A_896] {strides = array<i32>} : memref<4x104x128xf32, #tpu.memory_space<vmem>>, vector<1x1x16xf32>,
        %get3A_898 = vector.shape_cast %get3A_897 : vector<1x1x16xf32> to vector<16xf32>
        %add3A_899 = arith.addf %scan3A_868, %get3A_898 : vector<16xf32>
        %get3A_900 = arith.constant 1 : i32
        %get3A_901 = arith.index_cast %get3A_900 : i32 to index
        %get3A_902 = arith.index_cast %add3A_879 : i32 to index
        %get3A_903 = arith.constant 48 : index
        %get3A_904 = tpu.vector_load %arg10[%get3A_901, %get3A_902, %get3A_903] {strides = array<i32>} : memref<4x104x128xf32, #tpu.memory_space<vmem>>, vector<1x1x16xf32>,
        %get3A_905 = vector.shape_cast %get3A_904 : vector<1x1x16xf32> to vector<16xf32>
        %add3A_906 = arith.addf %scan3A_869, %get3A_905 : vector<16xf32>
        %get3A_907 = arith.constant 1 : i32
        %get3A_908 = arith.index_cast %get3A_907 : i32 to index
        %get3A_909 = arith.index_cast %add3A_879 : i32 to index
        %get3A_910 = arith.constant 64 : index
        %get3A_911 = tpu.vector_load %arg10[%get3A_908, %get3A_909, %get3A_910] {strides = array<i32>} : memref<4x104x128xf32, #tpu.memory_space<vmem>>, vector<1x1x16xf32>,
        %get3A_912 = vector.shape_cast %get3A_911 : vector<1x1x16xf32> to vector<16xf32>
        %add3A_913 = arith.addf %scan3A_870, %get3A_912 : vector<16xf32>
        %get3A_914 = arith.constant 1 : i32
        %get3A_915 = arith.index_cast %get3A_914 : i32 to index
        %get3A_916 = arith.index_cast %add3A_879 : i32 to index
        %get3A_917 = arith.constant 80 : index
        %get3A_918 = tpu.vector_load %arg10[%get3A_915, %get3A_916, %get3A_917] {strides = array<i32>} : memref<4x104x128xf32, #tpu.memory_space<vmem>>, vector<1x1x16xf32>,
        %get3A_919 = vector.shape_cast %get3A_918 : vector<1x1x16xf32> to vector<16xf32>
        %add3A_920 = arith.addf %scan3A_871, %get3A_919 : vector<16xf32>
        %get3A_921 = arith.constant 1 : i32
        %get3A_922 = arith.index_cast %get3A_921 : i32 to index
        %get3A_923 = arith.index_cast %add3A_879 : i32 to index
        %get3A_924 = arith.constant 96 : index
        %get3A_925 = tpu.vector_load %arg10[%get3A_922, %get3A_923, %get3A_924] {strides = array<i32>} : memref<4x104x128xf32, #tpu.memory_space<vmem>>, vector<1x1x16xf32>,
        %get3A_926 = vector.shape_cast %get3A_925 : vector<1x1x16xf32> to vector<16xf32>
        %add3A_927 = arith.addf %scan3A_872, %get3A_926 : vector<16xf32>
        %get3A_928 = arith.constant 1 : i32
        %get3A_929 = arith.index_cast %get3A_928 : i32 to index
        %get3A_930 = arith.index_cast %add3A_879 : i32 to index
        %get3A_931 = arith.constant 112 : index
        %get3A_932 = tpu.vector_load %arg10[%get3A_929, %get3A_930, %get3A_931] {strides = array<i32>} : memref<4x104x128xf32, #tpu.memory_space<vmem>>, vector<1x1x16xf32>,
        %get3A_933 = vector.shape_cast %get3A_932 : vector<1x1x16xf32> to vector<16xf32>
        %add3A_934 = arith.addf %scan3A_873, %get3A_933 : vector<16xf32>
        %mul3A_935 = arith.constant 2 : i32
        %mul3A_936 = arith.muli %mul3A_935, %scan3A_865 : i32
        %add3A_937 = arith.constant 0 : i32
        %add3A_938 = arith.addi %add3A_937, %mul3A_936 : i32
        %add3A_939 = arith.constant 1 : i32
        %add3A_940 = arith.addi %add3A_938, %add3A_939 : i32
        %get3A_941 = arith.constant 1 : i32
        %get3A_942 = arith.index_cast %get3A_941 : i32 to index
        %get3A_943 = arith.index_cast %add3A_940 : i32 to index
        %get3A_944 = arith.constant 0 : index
        %get3A_945 = tpu.vector_load %arg10[%get3A_942, %get3A_943, %get3A_944] {strides = array<i32>} : memref<4x104x128xf32, #tpu.memory_space<vmem>>, vector<1x1x16xf32>,
        %get3A_946 = vector.shape_cast %get3A_945 : vector<1x1x16xf32> to vector<16xf32>
        %add3A_947 = arith.addf %add3A_885, %get3A_946 : vector<16xf32>
        %get3A_948 = arith.constant 1 : i32
        %get3A_949 = arith.index_cast %get3A_948 : i32 to index
        %get3A_950 = arith.index_cast %add3A_940 : i32 to index
        %get3A_951 = arith.constant 16 : index
        %get3A_952 = tpu.vector_load %arg10[%get3A_949, %get3A_950, %get3A_951] {strides = array<i32>} : memref<4x104x128xf32, #tpu.memory_space<vmem>>, vector<1x1x16xf32>,
        %get3A_953 = vector.shape_cast %get3A_952 : vector<1x1x16xf32> to vector<16xf32>
        %add3A_954 = arith.addf %add3A_892, %get3A_953 : vector<16xf32>
        %get3A_955 = arith.constant 1 : i32
        %get3A_956 = arith.index_cast %get3A_955 : i32 to index
        %get3A_957 = arith.index_cast %add3A_940 : i32 to index
        %get3A_958 = arith.constant 32 : index
        %get3A_959 = tpu.vector_load %arg10[%get3A_956, %get3A_957, %get3A_958] {strides = array<i32>} : memref<4x104x128xf32, #tpu.memory_space<vmem>>, vector<1x1x16xf32>,
        %get3A_960 = vector.shape_cast %get3A_959 : vector<1x1x16xf32> to vector<16xf32>
        %add3A_961 = arith.addf %add3A_899, %get3A_960 : vector<16xf32>
        %get3A_962 = arith.constant 1 : i32
        %get3A_963 = arith.index_cast %get3A_962 : i32 to index
        %get3A_964 = arith.index_cast %add3A_940 : i32 to index
        %get3A_965 = arith.constant 48 : index
        %get3A_966 = tpu.vector_load %arg10[%get3A_963, %get3A_964, %get3A_965] {strides = array<i32>} : memref<4x104x128xf32, #tpu.memory_space<vmem>>, vector<1x1x16xf32>,
        %get3A_967 = vector.shape_cast %get3A_966 : vector<1x1x16xf32> to vector<16xf32>
        %add3A_968 = arith.addf %add3A_906, %get3A_967 : vector<16xf32>
        %get3A_969 = arith.constant 1 : i32
        %get3A_970 = arith.index_cast %get3A_969 : i32 to index
        %get3A_971 = arith.index_cast %add3A_940 : i32 to index
        %get3A_972 = arith.constant 64 : index
        %get3A_973 = tpu.vector_load %arg10[%get3A_970, %get3A_971, %get3A_972] {strides = array<i32>} : memref<4x104x128xf32, #tpu.memory_space<vmem>>, vector<1x1x16xf32>,
        %get3A_974 = vector.shape_cast %get3A_973 : vector<1x1x16xf32> to vector<16xf32>
        %add3A_975 = arith.addf %add3A_913, %get3A_974 : vector<16xf32>
        %get3A_976 = arith.constant 1 : i32
        %get3A_977 = arith.index_cast %get3A_976 : i32 to index
        %get3A_978 = arith.index_cast %add3A_940 : i32 to index
        %get3A_979 = arith.constant 80 : index
        %get3A_980 = tpu.vector_load %arg10[%get3A_977, %get3A_978, %get3A_979] {strides = array<i32>} : memref<4x104x128xf32, #tpu.memory_space<vmem>>, vector<1x1x16xf32>,
        %get3A_981 = vector.shape_cast %get3A_980 : vector<1x1x16xf32> to vector<16xf32>
        %add3A_982 = arith.addf %add3A_920, %get3A_981 : vector<16xf32>
        %get3A_983 = arith.constant 1 : i32
        %get3A_984 = arith.index_cast %get3A_983 : i32 to index
        %get3A_985 = arith.index_cast %add3A_940 : i32 to index
        %get3A_986 = arith.constant 96 : index
        %get3A_987 = tpu.vector_load %arg10[%get3A_984, %get3A_985, %get3A_986] {strides = array<i32>} : memref<4x104x128xf32, #tpu.memory_space<vmem>>, vector<1x1x16xf32>,
        %get3A_988 = vector.shape_cast %get3A_987 : vector<1x1x16xf32> to vector<16xf32>
        %add3A_989 = arith.addf %add3A_927, %get3A_988 : vector<16xf32>
        %get3A_990 = arith.constant 1 : i32
        %get3A_991 = arith.index_cast %get3A_990 : i32 to index
        %get3A_992 = arith.index_cast %add3A_940 : i32 to index
        %get3A_993 = arith.constant 112 : index
        %get3A_994 = tpu.vector_load %arg10[%get3A_991, %get3A_992, %get3A_993] {strides = array<i32>} : memref<4x104x128xf32, #tpu.memory_space<vmem>>, vector<1x1x16xf32>,
        %get3A_995 = vector.shape_cast %get3A_994 : vector<1x1x16xf32> to vector<16xf32>
        %add3A_996 = arith.addf %add3A_934, %get3A_995 : vector<16xf32>
        scf.yield %add3A_947, %add3A_954, %add3A_961, %add3A_968, %add3A_975, %add3A_982, %add3A_989, %add3A_996 : vector<16xf32>, vector<16xf32>, vector<16xf32>, vector<16xf32>, vector<16xf32>, vector<16xf32>, vector<16xf32>, vector<16xf32>
      }
      %scan3A_344 = arith.constant 23 : i32
      %mul3A_345 = arith.constant 4 : i32
      %mul3A_346 = arith.muli %add3A_129, %mul3A_345 : i32
      %add3A_347 = arith.constant 2 : i32
      %add3A_348 = arith.addi %mul3A_346, %add3A_347 : i32
      %mul3A_349 = vector.broadcast %scan3A_53 : f32 to vector<16xf32>
      %mul3A_350 = arith.mulf %scan3A_343#0, %mul3A_349 : vector<16xf32>
      %swap3A_351 = arith.index_cast %add3A_348 : i32 to index
      %swap3A_352 = arith.constant 0 : index
      %swap3A_353 = tpu.vector_load %arg11[%swap3A_351, %swap3A_352] {strides = array<i32>} : memref<128x128xf32, #tpu.memory_space<vmem>>, vector<1x16xf32>,
      %swap3A_354 = vector.shape_cast %swap3A_353 : vector<1x16xf32> to vector<16xf32>
      %swap3A_355 = vector.shape_cast %mul3A_350 : vector<16xf32> to vector<1x16xf32>
      tpu.vector_store %arg11[%swap3A_351, %swap3A_352], %swap3A_355 {strides = array<i32>} : memref<128x128xf32, #tpu.memory_space<vmem>>, vector<1x16xf32>,
      %mul3A_356 = vector.broadcast %scan3A_53 : f32 to vector<16xf32>
      %mul3A_357 = arith.mulf %scan3A_343#1, %mul3A_356 : vector<16xf32>
      %swap3A_358 = arith.index_cast %add3A_348 : i32 to index
      %swap3A_359 = arith.constant 16 : index
      %swap3A_360 = tpu.vector_load %arg11[%swap3A_358, %swap3A_359] {strides = array<i32>} : memref<128x128xf32, #tpu.memory_space<vmem>>, vector<1x16xf32>,
      %swap3A_361 = vector.shape_cast %swap3A_360 : vector<1x16xf32> to vector<16xf32>
      %swap3A_362 = vector.shape_cast %mul3A_357 : vector<16xf32> to vector<1x16xf32>
      tpu.vector_store %arg11[%swap3A_358, %swap3A_359], %swap3A_362 {strides = array<i32>} : memref<128x128xf32, #tpu.memory_space<vmem>>, vector<1x16xf32>,
      %mul3A_363 = vector.broadcast %scan3A_53 : f32 to vector<16xf32>
      %mul3A_364 = arith.mulf %scan3A_343#2, %mul3A_363 : vector<16xf32>
      %swap3A_365 = arith.index_cast %add3A_348 : i32 to index
      %swap3A_366 = arith.constant 32 : index
      %swap3A_367 = tpu.vector_load %arg11[%swap3A_365, %swap3A_366] {strides = array<i32>} : memref<128x128xf32, #tpu.memory_space<vmem>>, vector<1x16xf32>,
      %swap3A_368 = vector.shape_cast %swap3A_367 : vector<1x16xf32> to vector<16xf32>
      %swap3A_369 = vector.shape_cast %mul3A_364 : vector<16xf32> to vector<1x16xf32>
      tpu.vector_store %arg11[%swap3A_365, %swap3A_366], %swap3A_369 {strides = array<i32>} : memref<128x128xf32, #tpu.memory_space<vmem>>, vector<1x16xf32>,
      %mul3A_370 = vector.broadcast %scan3A_53 : f32 to vector<16xf32>
      %mul3A_371 = arith.mulf %scan3A_343#3, %mul3A_370 : vector<16xf32>
      %swap3A_372 = arith.index_cast %add3A_348 : i32 to index
      %swap3A_373 = arith.constant 48 : index
      %swap3A_374 = tpu.vector_load %arg11[%swap3A_372, %swap3A_373] {strides = array<i32>} : memref<128x128xf32, #tpu.memory_space<vmem>>, vector<1x16xf32>,
      %swap3A_375 = vector.shape_cast %swap3A_374 : vector<1x16xf32> to vector<16xf32>
      %swap3A_376 = vector.shape_cast %mul3A_371 : vector<16xf32> to vector<1x16xf32>
      tpu.vector_store %arg11[%swap3A_372, %swap3A_373], %swap3A_376 {strides = array<i32>} : memref<128x128xf32, #tpu.memory_space<vmem>>, vector<1x16xf32>,
      %mul3A_377 = vector.broadcast %scan3A_53 : f32 to vector<16xf32>
      %mul3A_378 = arith.mulf %scan3A_343#4, %mul3A_377 : vector<16xf32>
      %swap3A_379 = arith.index_cast %add3A_348 : i32 to index
      %swap3A_380 = arith.constant 64 : index
      %swap3A_381 = tpu.vector_load %arg11[%swap3A_379, %swap3A_380] {strides = array<i32>} : memref<128x128xf32, #tpu.memory_space<vmem>>, vector<1x16xf32>,
      %swap3A_382 = vector.shape_cast %swap3A_381 : vector<1x16xf32> to vector<16xf32>
      %swap3A_383 = vector.shape_cast %mul3A_378 : vector<16xf32> to vector<1x16xf32>
      tpu.vector_store %arg11[%swap3A_379, %swap3A_380], %swap3A_383 {strides = array<i32>} : memref<128x128xf32, #tpu.memory_space<vmem>>, vector<1x16xf32>,
      %mul3A_384 = vector.broadcast %scan3A_53 : f32 to vector<16xf32>
      %mul3A_385 = arith.mulf %scan3A_343#5, %mul3A_384 : vector<16xf32>
      %swap3A_386 = arith.index_cast %add3A_348 : i32 to index
      %swap3A_387 = arith.constant 80 : index
      %swap3A_388 = tpu.vector_load %arg11[%swap3A_386, %swap3A_387] {strides = array<i32>} : memref<128x128xf32, #tpu.memory_space<vmem>>, vector<1x16xf32>,
      %swap3A_389 = vector.shape_cast %swap3A_388 : vector<1x16xf32> to vector<16xf32>
      %swap3A_390 = vector.shape_cast %mul3A_385 : vector<16xf32> to vector<1x16xf32>
      tpu.vector_store %arg11[%swap3A_386, %swap3A_387], %swap3A_390 {strides = array<i32>} : memref<128x128xf32, #tpu.memory_space<vmem>>, vector<1x16xf32>,
      %mul3A_391 = vector.broadcast %scan3A_53 : f32 to vector<16xf32>
      %mul3A_392 = arith.mulf %scan3A_343#6, %mul3A_391 : vector<16xf32>
      %swap3A_393 = arith.index_cast %add3A_348 : i32 to index
      %swap3A_394 = arith.constant 96 : index
      %swap3A_395 = tpu.vector_load %arg11[%swap3A_393, %swap3A_394] {strides = array<i32>} : memref<128x128xf32, #tpu.memory_space<vmem>>, vector<1x16xf32>,
      %swap3A_396 = vector.shape_cast %swap3A_395 : vector<1x16xf32> to vector<16xf32>
      %swap3A_397 = vector.shape_cast %mul3A_392 : vector<16xf32> to vector<1x16xf32>
      tpu.vector_store %arg11[%swap3A_393, %swap3A_394], %swap3A_397 {strides = array<i32>} : memref<128x128xf32, #tpu.memory_space<vmem>>, vector<1x16xf32>,
      %mul3A_398 = vector.broadcast %scan3A_53 : f32 to vector<16xf32>
      %mul3A_399 = arith.mulf %scan3A_343#7, %mul3A_398 : vector<16xf32>
      %swap3A_400 = arith.index_cast %add3A_348 : i32 to index
      %swap3A_401 = arith.constant 112 : index
      %swap3A_402 = tpu.vector_load %arg11[%swap3A_400, %swap3A_401] {strides = array<i32>} : memref<128x128xf32, #tpu.memory_space<vmem>>, vector<1x16xf32>,
      %swap3A_403 = vector.shape_cast %swap3A_402 : vector<1x16xf32> to vector<16xf32>
      %swap3A_404 = vector.shape_cast %mul3A_399 : vector<16xf32> to vector<1x16xf32>
      tpu.vector_store %arg11[%swap3A_400, %swap3A_401], %swap3A_404 {strides = array<i32>} : memref<128x128xf32, #tpu.memory_space<vmem>>, vector<1x16xf32>,
      %broadcast_in_dim3A_405 = arith.constant 0.000000e+00 : f32
      %broadcast_in_dim3A_406 = vector.broadcast %broadcast_in_dim3A_405 : f32 to vector<16xf32>
      %broadcast_in_dim3A_407 = arith.constant 0.000000e+00 : f32
      %broadcast_in_dim3A_408 = vector.broadcast %broadcast_in_dim3A_407 : f32 to vector<16xf32>
      %broadcast_in_dim3A_409 = arith.constant 0.000000e+00 : f32
      %broadcast_in_dim3A_410 = vector.broadcast %broadcast_in_dim3A_409 : f32 to vector<16xf32>
      %broadcast_in_dim3A_411 = arith.constant 0.000000e+00 : f32
      %broadcast_in_dim3A_412 = vector.broadcast %broadcast_in_dim3A_411 : f32 to vector<16xf32>
      %broadcast_in_dim3A_413 = arith.constant 0.000000e+00 : f32
      %broadcast_in_dim3A_414 = vector.broadcast %broadcast_in_dim3A_413 : f32 to vector<16xf32>
      %broadcast_in_dim3A_415 = arith.constant 0.000000e+00 : f32
      %broadcast_in_dim3A_416 = vector.broadcast %broadcast_in_dim3A_415 : f32 to vector<16xf32>
      %broadcast_in_dim3A_417 = arith.constant 0.000000e+00 : f32
      %broadcast_in_dim3A_418 = vector.broadcast %broadcast_in_dim3A_417 : f32 to vector<16xf32>
      %broadcast_in_dim3A_419 = arith.constant 0.000000e+00 : f32
      %broadcast_in_dim3A_420 = vector.broadcast %broadcast_in_dim3A_419 : f32 to vector<16xf32>
      %scan3A_421 = arith.constant 0 : i32
      %scan3A_422 = arith.constant 25 : i32
      %scan3A_423 = arith.addi %scan3A_421, %scan3A_422 : i32
      %scan3A_424 = arith.constant 1 : i32
      %scan3A_425:8 = scf.for %scan3A_865 = %scan3A_421 to %scan3A_423 step %scan3A_424 iter_args(%scan3A_866 = %broadcast_in_dim3A_406, %scan3A_867 = %broadcast_in_dim3A_408, %scan3A_868 = %broadcast_in_dim3A_410, %scan3A_869 = %broadcast_in_dim3A_412, %scan3A_870 = %broadcast_in_dim3A_414, %scan3A_871 = %broadcast_in_dim3A_416, %scan3A_872 = %broadcast_in_dim3A_418, %scan3A_873 = %broadcast_in_dim3A_420) -> (vector<16xf32>, vector<16xf32>, vector<16xf32>, vector<16xf32>, vector<16xf32>, vector<16xf32>, vector<16xf32>, vector<16xf32>)  : i32 {
        %mul3A_874 = arith.constant 2 : i32
        %mul3A_875 = arith.muli %mul3A_874, %scan3A_865 : i32
        %add3A_876 = arith.constant 46 : i32
        %add3A_877 = arith.addi %add3A_876, %mul3A_875 : i32
        %add3A_878 = arith.constant 0 : i32
        %add3A_879 = arith.addi %add3A_877, %add3A_878 : i32
        %get3A = arith.constant 1 : i32
        %get3A_880 = arith.index_cast %get3A : i32 to index
        %get3A_881 = arith.index_cast %add3A_879 : i32 to index
        %get3A_882 = arith.constant 0 : index
        %get3A_883 = tpu.vector_load %arg10[%get3A_880, %get3A_881, %get3A_882] {strides = array<i32>} : memref<4x104x128xf32, #tpu.memory_space<vmem>>, vector<1x1x16xf32>,
        %get3A_884 = vector.shape_cast %get3A_883 : vector<1x1x16xf32> to vector<16xf32>
        %add3A_885 = arith.addf %scan3A_866, %get3A_884 : vector<16xf32>
        %get3A_886 = arith.constant 1 : i32
        %get3A_887 = arith.index_cast %get3A_886 : i32 to index
        %get3A_888 = arith.index_cast %add3A_879 : i32 to index
        %get3A_889 = arith.constant 16 : index
        %get3A_890 = tpu.vector_load %arg10[%get3A_887, %get3A_888, %get3A_889] {strides = array<i32>} : memref<4x104x128xf32, #tpu.memory_space<vmem>>, vector<1x1x16xf32>,
        %get3A_891 = vector.shape_cast %get3A_890 : vector<1x1x16xf32> to vector<16xf32>
        %add3A_892 = arith.addf %scan3A_867, %get3A_891 : vector<16xf32>
        %get3A_893 = arith.constant 1 : i32
        %get3A_894 = arith.index_cast %get3A_893 : i32 to index
        %get3A_895 = arith.index_cast %add3A_879 : i32 to index
        %get3A_896 = arith.constant 32 : index
        %get3A_897 = tpu.vector_load %arg10[%get3A_894, %get3A_895, %get3A_896] {strides = array<i32>} : memref<4x104x128xf32, #tpu.memory_space<vmem>>, vector<1x1x16xf32>,
        %get3A_898 = vector.shape_cast %get3A_897 : vector<1x1x16xf32> to vector<16xf32>
        %add3A_899 = arith.addf %scan3A_868, %get3A_898 : vector<16xf32>
        %get3A_900 = arith.constant 1 : i32
        %get3A_901 = arith.index_cast %get3A_900 : i32 to index
        %get3A_902 = arith.index_cast %add3A_879 : i32 to index
        %get3A_903 = arith.constant 48 : index
        %get3A_904 = tpu.vector_load %arg10[%get3A_901, %get3A_902, %get3A_903] {strides = array<i32>} : memref<4x104x128xf32, #tpu.memory_space<vmem>>, vector<1x1x16xf32>,
        %get3A_905 = vector.shape_cast %get3A_904 : vector<1x1x16xf32> to vector<16xf32>
        %add3A_906 = arith.addf %scan3A_869, %get3A_905 : vector<16xf32>
        %get3A_907 = arith.constant 1 : i32
        %get3A_908 = arith.index_cast %get3A_907 : i32 to index
        %get3A_909 = arith.index_cast %add3A_879 : i32 to index
        %get3A_910 = arith.constant 64 : index
        %get3A_911 = tpu.vector_load %arg10[%get3A_908, %get3A_909, %get3A_910] {strides = array<i32>} : memref<4x104x128xf32, #tpu.memory_space<vmem>>, vector<1x1x16xf32>,
        %get3A_912 = vector.shape_cast %get3A_911 : vector<1x1x16xf32> to vector<16xf32>
        %add3A_913 = arith.addf %scan3A_870, %get3A_912 : vector<16xf32>
        %get3A_914 = arith.constant 1 : i32
        %get3A_915 = arith.index_cast %get3A_914 : i32 to index
        %get3A_916 = arith.index_cast %add3A_879 : i32 to index
        %get3A_917 = arith.constant 80 : index
        %get3A_918 = tpu.vector_load %arg10[%get3A_915, %get3A_916, %get3A_917] {strides = array<i32>} : memref<4x104x128xf32, #tpu.memory_space<vmem>>, vector<1x1x16xf32>,
        %get3A_919 = vector.shape_cast %get3A_918 : vector<1x1x16xf32> to vector<16xf32>
        %add3A_920 = arith.addf %scan3A_871, %get3A_919 : vector<16xf32>
        %get3A_921 = arith.constant 1 : i32
        %get3A_922 = arith.index_cast %get3A_921 : i32 to index
        %get3A_923 = arith.index_cast %add3A_879 : i32 to index
        %get3A_924 = arith.constant 96 : index
        %get3A_925 = tpu.vector_load %arg10[%get3A_922, %get3A_923, %get3A_924] {strides = array<i32>} : memref<4x104x128xf32, #tpu.memory_space<vmem>>, vector<1x1x16xf32>,
        %get3A_926 = vector.shape_cast %get3A_925 : vector<1x1x16xf32> to vector<16xf32>
        %add3A_927 = arith.addf %scan3A_872, %get3A_926 : vector<16xf32>
        %get3A_928 = arith.constant 1 : i32
        %get3A_929 = arith.index_cast %get3A_928 : i32 to index
        %get3A_930 = arith.index_cast %add3A_879 : i32 to index
        %get3A_931 = arith.constant 112 : index
        %get3A_932 = tpu.vector_load %arg10[%get3A_929, %get3A_930, %get3A_931] {strides = array<i32>} : memref<4x104x128xf32, #tpu.memory_space<vmem>>, vector<1x1x16xf32>,
        %get3A_933 = vector.shape_cast %get3A_932 : vector<1x1x16xf32> to vector<16xf32>
        %add3A_934 = arith.addf %scan3A_873, %get3A_933 : vector<16xf32>
        %mul3A_935 = arith.constant 2 : i32
        %mul3A_936 = arith.muli %mul3A_935, %scan3A_865 : i32
        %add3A_937 = arith.constant 46 : i32
        %add3A_938 = arith.addi %add3A_937, %mul3A_936 : i32
        %add3A_939 = arith.constant 1 : i32
        %add3A_940 = arith.addi %add3A_938, %add3A_939 : i32
        %get3A_941 = arith.constant 1 : i32
        %get3A_942 = arith.index_cast %get3A_941 : i32 to index
        %get3A_943 = arith.index_cast %add3A_940 : i32 to index
        %get3A_944 = arith.constant 0 : index
        %get3A_945 = tpu.vector_load %arg10[%get3A_942, %get3A_943, %get3A_944] {strides = array<i32>} : memref<4x104x128xf32, #tpu.memory_space<vmem>>, vector<1x1x16xf32>,
        %get3A_946 = vector.shape_cast %get3A_945 : vector<1x1x16xf32> to vector<16xf32>
        %add3A_947 = arith.addf %add3A_885, %get3A_946 : vector<16xf32>
        %get3A_948 = arith.constant 1 : i32
        %get3A_949 = arith.index_cast %get3A_948 : i32 to index
        %get3A_950 = arith.index_cast %add3A_940 : i32 to index
        %get3A_951 = arith.constant 16 : index
        %get3A_952 = tpu.vector_load %arg10[%get3A_949, %get3A_950, %get3A_951] {strides = array<i32>} : memref<4x104x128xf32, #tpu.memory_space<vmem>>, vector<1x1x16xf32>,
        %get3A_953 = vector.shape_cast %get3A_952 : vector<1x1x16xf32> to vector<16xf32>
        %add3A_954 = arith.addf %add3A_892, %get3A_953 : vector<16xf32>
        %get3A_955 = arith.constant 1 : i32
        %get3A_956 = arith.index_cast %get3A_955 : i32 to index
        %get3A_957 = arith.index_cast %add3A_940 : i32 to index
        %get3A_958 = arith.constant 32 : index
        %get3A_959 = tpu.vector_load %arg10[%get3A_956, %get3A_957, %get3A_958] {strides = array<i32>} : memref<4x104x128xf32, #tpu.memory_space<vmem>>, vector<1x1x16xf32>,
        %get3A_960 = vector.shape_cast %get3A_959 : vector<1x1x16xf32> to vector<16xf32>
        %add3A_961 = arith.addf %add3A_899, %get3A_960 : vector<16xf32>
        %get3A_962 = arith.constant 1 : i32
        %get3A_963 = arith.index_cast %get3A_962 : i32 to index
        %get3A_964 = arith.index_cast %add3A_940 : i32 to index
        %get3A_965 = arith.constant 48 : index
        %get3A_966 = tpu.vector_load %arg10[%get3A_963, %get3A_964, %get3A_965] {strides = array<i32>} : memref<4x104x128xf32, #tpu.memory_space<vmem>>, vector<1x1x16xf32>,
        %get3A_967 = vector.shape_cast %get3A_966 : vector<1x1x16xf32> to vector<16xf32>
        %add3A_968 = arith.addf %add3A_906, %get3A_967 : vector<16xf32>
        %get3A_969 = arith.constant 1 : i32
        %get3A_970 = arith.index_cast %get3A_969 : i32 to index
        %get3A_971 = arith.index_cast %add3A_940 : i32 to index
        %get3A_972 = arith.constant 64 : index
        %get3A_973 = tpu.vector_load %arg10[%get3A_970, %get3A_971, %get3A_972] {strides = array<i32>} : memref<4x104x128xf32, #tpu.memory_space<vmem>>, vector<1x1x16xf32>,
        %get3A_974 = vector.shape_cast %get3A_973 : vector<1x1x16xf32> to vector<16xf32>
        %add3A_975 = arith.addf %add3A_913, %get3A_974 : vector<16xf32>
        %get3A_976 = arith.constant 1 : i32
        %get3A_977 = arith.index_cast %get3A_976 : i32 to index
        %get3A_978 = arith.index_cast %add3A_940 : i32 to index
        %get3A_979 = arith.constant 80 : index
        %get3A_980 = tpu.vector_load %arg10[%get3A_977, %get3A_978, %get3A_979] {strides = array<i32>} : memref<4x104x128xf32, #tpu.memory_space<vmem>>, vector<1x1x16xf32>,
        %get3A_981 = vector.shape_cast %get3A_980 : vector<1x1x16xf32> to vector<16xf32>
        %add3A_982 = arith.addf %add3A_920, %get3A_981 : vector<16xf32>
        %get3A_983 = arith.constant 1 : i32
        %get3A_984 = arith.index_cast %get3A_983 : i32 to index
        %get3A_985 = arith.index_cast %add3A_940 : i32 to index
        %get3A_986 = arith.constant 96 : index
        %get3A_987 = tpu.vector_load %arg10[%get3A_984, %get3A_985, %get3A_986] {strides = array<i32>} : memref<4x104x128xf32, #tpu.memory_space<vmem>>, vector<1x1x16xf32>,
        %get3A_988 = vector.shape_cast %get3A_987 : vector<1x1x16xf32> to vector<16xf32>
        %add3A_989 = arith.addf %add3A_927, %get3A_988 : vector<16xf32>
        %get3A_990 = arith.constant 1 : i32
        %get3A_991 = arith.index_cast %get3A_990 : i32 to index
        %get3A_992 = arith.index_cast %add3A_940 : i32 to index
        %get3A_993 = arith.constant 112 : index
        %get3A_994 = tpu.vector_load %arg10[%get3A_991, %get3A_992, %get3A_993] {strides = array<i32>} : memref<4x104x128xf32, #tpu.memory_space<vmem>>, vector<1x1x16xf32>,
        %get3A_995 = vector.shape_cast %get3A_994 : vector<1x1x16xf32> to vector<16xf32>
        %add3A_996 = arith.addf %add3A_934, %get3A_995 : vector<16xf32>
        scf.yield %add3A_947, %add3A_954, %add3A_961, %add3A_968, %add3A_975, %add3A_982, %add3A_989, %add3A_996 : vector<16xf32>, vector<16xf32>, vector<16xf32>, vector<16xf32>, vector<16xf32>, vector<16xf32>, vector<16xf32>, vector<16xf32>
      }
      %scan3A_426 = arith.constant 25 : i32
      %mul3A_427 = arith.constant 4 : i32
      %mul3A_428 = arith.muli %add3A_129, %mul3A_427 : i32
      %add3A_429 = arith.constant 3 : i32
      %add3A_430 = arith.addi %mul3A_428, %add3A_429 : i32
      %mul3A_431 = vector.broadcast %scan3A_53 : f32 to vector<16xf32>
      %mul3A_432 = arith.mulf %scan3A_425#0, %mul3A_431 : vector<16xf32>
      %swap3A_433 = arith.index_cast %add3A_430 : i32 to index
      %swap3A_434 = arith.constant 0 : index
      %swap3A_435 = tpu.vector_load %arg11[%swap3A_433, %swap3A_434] {strides = array<i32>} : memref<128x128xf32, #tpu.memory_space<vmem>>, vector<1x16xf32>,
      %swap3A_436 = vector.shape_cast %swap3A_435 : vector<1x16xf32> to vector<16xf32>
      %swap3A_437 = vector.shape_cast %mul3A_432 : vector<16xf32> to vector<1x16xf32>
      tpu.vector_store %arg11[%swap3A_433, %swap3A_434], %swap3A_437 {strides = array<i32>} : memref<128x128xf32, #tpu.memory_space<vmem>>, vector<1x16xf32>,
      %mul3A_438 = vector.broadcast %scan3A_53 : f32 to vector<16xf32>
      %mul3A_439 = arith.mulf %scan3A_425#1, %mul3A_438 : vector<16xf32>
      %swap3A_440 = arith.index_cast %add3A_430 : i32 to index
      %swap3A_441 = arith.constant 16 : index
      %swap3A_442 = tpu.vector_load %arg11[%swap3A_440, %swap3A_441] {strides = array<i32>} : memref<128x128xf32, #tpu.memory_space<vmem>>, vector<1x16xf32>,
      %swap3A_443 = vector.shape_cast %swap3A_442 : vector<1x16xf32> to vector<16xf32>
      %swap3A_444 = vector.shape_cast %mul3A_439 : vector<16xf32> to vector<1x16xf32>
      tpu.vector_store %arg11[%swap3A_440, %swap3A_441], %swap3A_444 {strides = array<i32>} : memref<128x128xf32, #tpu.memory_space<vmem>>, vector<1x16xf32>,
      %mul3A_445 = vector.broadcast %scan3A_53 : f32 to vector<16xf32>
      %mul3A_446 = arith.mulf %scan3A_425#2, %mul3A_445 : vector<16xf32>
      %swap3A_447 = arith.index_cast %add3A_430 : i32 to index
      %swap3A_448 = arith.constant 32 : index
      %swap3A_449 = tpu.vector_load %arg11[%swap3A_447, %swap3A_448] {strides = array<i32>} : memref<128x128xf32, #tpu.memory_space<vmem>>, vector<1x16xf32>,
      %swap3A_450 = vector.shape_cast %swap3A_449 : vector<1x16xf32> to vector<16xf32>
      %swap3A_451 = vector.shape_cast %mul3A_446 : vector<16xf32> to vector<1x16xf32>
      tpu.vector_store %arg11[%swap3A_447, %swap3A_448], %swap3A_451 {strides = array<i32>} : memref<128x128xf32, #tpu.memory_space<vmem>>, vector<1x16xf32>,
      %mul3A_452 = vector.broadcast %scan3A_53 : f32 to vector<16xf32>
      %mul3A_453 = arith.mulf %scan3A_425#3, %mul3A_452 : vector<16xf32>
      %swap3A_454 = arith.index_cast %add3A_430 : i32 to index
      %swap3A_455 = arith.constant 48 : index
      %swap3A_456 = tpu.vector_load %arg11[%swap3A_454, %swap3A_455] {strides = array<i32>} : memref<128x128xf32, #tpu.memory_space<vmem>>, vector<1x16xf32>,
      %swap3A_457 = vector.shape_cast %swap3A_456 : vector<1x16xf32> to vector<16xf32>
      %swap3A_458 = vector.shape_cast %mul3A_453 : vector<16xf32> to vector<1x16xf32>
      tpu.vector_store %arg11[%swap3A_454, %swap3A_455], %swap3A_458 {strides = array<i32>} : memref<128x128xf32, #tpu.memory_space<vmem>>, vector<1x16xf32>,
      %mul3A_459 = vector.broadcast %scan3A_53 : f32 to vector<16xf32>
      %mul3A_460 = arith.mulf %scan3A_425#4, %mul3A_459 : vector<16xf32>
      %swap3A_461 = arith.index_cast %add3A_430 : i32 to index
      %swap3A_462 = arith.constant 64 : index
      %swap3A_463 = tpu.vector_load %arg11[%swap3A_461, %swap3A_462] {strides = array<i32>} : memref<128x128xf32, #tpu.memory_space<vmem>>, vector<1x16xf32>,
      %swap3A_464 = vector.shape_cast %swap3A_463 : vector<1x16xf32> to vector<16xf32>
      %swap3A_465 = vector.shape_cast %mul3A_460 : vector<16xf32> to vector<1x16xf32>
      tpu.vector_store %arg11[%swap3A_461, %swap3A_462], %swap3A_465 {strides = array<i32>} : memref<128x128xf32, #tpu.memory_space<vmem>>, vector<1x16xf32>,
      %mul3A_466 = vector.broadcast %scan3A_53 : f32 to vector<16xf32>
      %mul3A_467 = arith.mulf %scan3A_425#5, %mul3A_466 : vector<16xf32>
      %swap3A_468 = arith.index_cast %add3A_430 : i32 to index
      %swap3A_469 = arith.constant 80 : index
      %swap3A_470 = tpu.vector_load %arg11[%swap3A_468, %swap3A_469] {strides = array<i32>} : memref<128x128xf32, #tpu.memory_space<vmem>>, vector<1x16xf32>,
      %swap3A_471 = vector.shape_cast %swap3A_470 : vector<1x16xf32> to vector<16xf32>
      %swap3A_472 = vector.shape_cast %mul3A_467 : vector<16xf32> to vector<1x16xf32>
      tpu.vector_store %arg11[%swap3A_468, %swap3A_469], %swap3A_472 {strides = array<i32>} : memref<128x128xf32, #tpu.memory_space<vmem>>, vector<1x16xf32>,
      %mul3A_473 = vector.broadcast %scan3A_53 : f32 to vector<16xf32>
      %mul3A_474 = arith.mulf %scan3A_425#6, %mul3A_473 : vector<16xf32>
      %swap3A_475 = arith.index_cast %add3A_430 : i32 to index
      %swap3A_476 = arith.constant 96 : index
      %swap3A_477 = tpu.vector_load %arg11[%swap3A_475, %swap3A_476] {strides = array<i32>} : memref<128x128xf32, #tpu.memory_space<vmem>>, vector<1x16xf32>,
      %swap3A_478 = vector.shape_cast %swap3A_477 : vector<1x16xf32> to vector<16xf32>
      %swap3A_479 = vector.shape_cast %mul3A_474 : vector<16xf32> to vector<1x16xf32>
      tpu.vector_store %arg11[%swap3A_475, %swap3A_476], %swap3A_479 {strides = array<i32>} : memref<128x128xf32, #tpu.memory_space<vmem>>, vector<1x16xf32>,
      %mul3A_480 = vector.broadcast %scan3A_53 : f32 to vector<16xf32>
      %mul3A_481 = arith.mulf %scan3A_425#7, %mul3A_480 : vector<16xf32>
      %swap3A_482 = arith.index_cast %add3A_430 : i32 to index
      %swap3A_483 = arith.constant 112 : index
      %swap3A_484 = tpu.vector_load %arg11[%swap3A_482, %swap3A_483] {strides = array<i32>} : memref<128x128xf32, #tpu.memory_space<vmem>>, vector<1x16xf32>,
      %swap3A_485 = vector.shape_cast %swap3A_484 : vector<1x16xf32> to vector<16xf32>
      %swap3A_486 = vector.shape_cast %mul3A_481 : vector<16xf32> to vector<1x16xf32>
      tpu.vector_store %arg11[%swap3A_482, %swap3A_483], %swap3A_486 {strides = array<i32>} : memref<128x128xf32, #tpu.memory_space<vmem>>, vector<1x16xf32>,
      %add3A_487 = arith.constant 2 : i32
      %add3A_488 = arith.addi %add3A_129, %add3A_487 : i32
      %lt3A_489 = arith.constant 32 : i32
      %lt3A_490 = arith.cmpi slt, %add3A_488, %lt3A_489 : i32
      %convert_element_type3A_491 = arith.extui %lt3A_490 : i1 to i32
      %cond3A_492 = arith.constant 0 : i32
      %cond3A_493 = arith.cmpi ne, %convert_element_type3A_491, %cond3A_492 : i32
      scf.if %cond3A_493 {
        %add3A_865 = arith.constant 2 : i32
        %add3A_866 = arith.addi %add3A_129, %add3A_865 : i32
        %mul3A_867 = arith.constant 200 : i32
        %mul3A_868 = arith.muli %add3A_866, %mul3A_867 : i32
        %multiple_of3A_869 = tpu.assume_multiple %mul3A_868, 8 : i32
        %mul3A_870 = arith.constant 200 : i32
        %mul3A_871 = arith.muli %add3A_866, %mul3A_870 : i32
        %add3A_872 = arith.constant 104 : i32
        %add3A_873 = arith.addi %mul3A_871, %add3A_872 : i32
        %multiple_of3A_874 = tpu.assume_multiple %add3A_873, 8 : i32
        %dma_start3A_875 = arith.constant 0 : i32
        %dma_start3A_876 = arith.constant 0 : i32
        %dma_start3A_877 = arith.constant 0 : i32
        %dma_start3A_878 = tpu.memref_slice %arg10[%dma_start3A_875, %dma_start3A_876, %dma_start3A_877] : memref<4x104x128xf32, #tpu.memory_space<vmem>> -> memref<1x104x128xf32, #tpu.memory_space<vmem>>
        %dma_start3A_879 = tpu.memref_squeeze %dma_start3A_878 : memref<1x104x128xf32, #tpu.memory_space<vmem>> -> memref<104x128xf32, #tpu.memory_space<vmem>>
        %dma_start3A_880 = tpu.memref_slice %arg9[%multiple_of3A_869] : memref<6400xi32, #tpu.memory_space<vmem>> -> memref<104xi32, #tpu.memory_space<vmem>>
        %dma_start3A_881 = arith.constant 0 : i32
        %dma_start3A_882 = arith.constant 0 : i32
        %dma_start3A_883 = tpu.memref_slice %arg8[%dma_start3A_881, %dma_start3A_882] : memref<5000x128xf32, #tpu.memory_space<vmem_shared>> -> memref<5000x128xf32, #tpu.memory_space<vmem_shared>>
        tpu.enqueue_indirect_dma source(%dma_start3A_883 : memref<5000x128xf32, #tpu.memory_space<vmem_shared>>) target(%dma_start3A_879 : memref<104x128xf32, #tpu.memory_space<vmem>>) offsets(%dma_start3A_880 : memref<104xi32, #tpu.memory_space<vmem>>) semaphore(%arg12 : memref<!tpu.dma_semaphore, #tpu.memory_space<semaphore_mem>>)
        %dma_start3A_884 = arith.constant 1 : i32
        %dma_start3A_885 = arith.constant 0 : i32
        %dma_start3A_886 = arith.constant 0 : i32
        %dma_start3A_887 = tpu.memref_slice %arg10[%dma_start3A_884, %dma_start3A_885, %dma_start3A_886] : memref<4x104x128xf32, #tpu.memory_space<vmem>> -> memref<1x96x128xf32, #tpu.memory_space<vmem>>
        %dma_start3A_888 = tpu.memref_squeeze %dma_start3A_887 : memref<1x96x128xf32, #tpu.memory_space<vmem>> -> memref<96x128xf32, #tpu.memory_space<vmem>>
        %dma_start3A_889 = tpu.memref_slice %arg9[%multiple_of3A_874] : memref<6400xi32, #tpu.memory_space<vmem>> -> memref<96xi32, #tpu.memory_space<vmem>>
        %dma_start3A_890 = arith.constant 0 : i32
        %dma_start3A_891 = arith.constant 0 : i32
        %dma_start3A_892 = tpu.memref_slice %arg8[%dma_start3A_890, %dma_start3A_891] : memref<5000x128xf32, #tpu.memory_space<vmem_shared>> -> memref<5000x128xf32, #tpu.memory_space<vmem_shared>>
        tpu.enqueue_indirect_dma source(%dma_start3A_892 : memref<5000x128xf32, #tpu.memory_space<vmem_shared>>) target(%dma_start3A_888 : memref<96x128xf32, #tpu.memory_space<vmem>>) offsets(%dma_start3A_889 : memref<96xi32, #tpu.memory_space<vmem>>) semaphore(%arg13 : memref<!tpu.dma_semaphore, #tpu.memory_space<semaphore_mem>>)
      } else {
      }
      %mul3A_494 = arith.constant 2 : i32
      %mul3A_495 = arith.muli %scan3A_125, %mul3A_494 : i32
      %add3A_496 = arith.constant 1 : i32
      %add3A_497 = arith.addi %mul3A_495, %add3A_496 : i32
      %mul3A_498 = arith.constant 200 : i32
      %mul3A_499 = arith.muli %add3A_497, %mul3A_498 : i32
      %multiple_of3A_500 = tpu.assume_multiple %mul3A_499, 8 : i32
      %mul3A_501 = arith.constant 200 : i32
      %mul3A_502 = arith.muli %add3A_497, %mul3A_501 : i32
      %add3A_503 = arith.constant 104 : i32
      %add3A_504 = arith.addi %mul3A_502, %add3A_503 : i32
      %multiple_of3A_505 = tpu.assume_multiple %add3A_504, 8 : i32
      %dma_wait3A_506 = arith.constant 2 : i32
      %dma_wait3A_507 = arith.constant 0 : i32
      %dma_wait3A_508 = arith.constant 0 : i32
      %dma_wait3A_509 = tpu.memref_slice %arg10[%dma_wait3A_506, %dma_wait3A_507, %dma_wait3A_508] : memref<4x104x128xf32, #tpu.memory_space<vmem>> -> memref<1x104x128xf32, #tpu.memory_space<vmem>>
      %dma_wait3A_510 = tpu.memref_squeeze %dma_wait3A_509 : memref<1x104x128xf32, #tpu.memory_space<vmem>> -> memref<104x128xf32, #tpu.memory_space<vmem>>
      %dma_wait3A_511 = tpu.memref_slice %arg9[%multiple_of3A_500] : memref<6400xi32, #tpu.memory_space<vmem>> -> memref<104xi32, #tpu.memory_space<vmem>>
      %dma_wait3A_512 = arith.constant 0 : i32
      %dma_wait3A_513 = arith.constant 0 : i32
      %dma_wait3A_514 = tpu.memref_slice %arg8[%dma_wait3A_512, %dma_wait3A_513] : memref<5000x128xf32, #tpu.memory_space<vmem_shared>> -> memref<5000x128xf32, #tpu.memory_space<vmem_shared>>
      tpu.wait_indirect_dma semaphore(%arg14 : memref<!tpu.dma_semaphore, #tpu.memory_space<semaphore_mem>>) src(%dma_wait3A_514 : memref<5000x128xf32, #tpu.memory_space<vmem_shared>>) dst(%dma_wait3A_510 : memref<104x128xf32, #tpu.memory_space<vmem>>)
      %dma_wait3A_515 = arith.constant 3 : i32
      %dma_wait3A_516 = arith.constant 0 : i32
      %dma_wait3A_517 = arith.constant 0 : i32
      %dma_wait3A_518 = tpu.memref_slice %arg10[%dma_wait3A_515, %dma_wait3A_516, %dma_wait3A_517] : memref<4x104x128xf32, #tpu.memory_space<vmem>> -> memref<1x96x128xf32, #tpu.memory_space<vmem>>
      %dma_wait3A_519 = tpu.memref_squeeze %dma_wait3A_518 : memref<1x96x128xf32, #tpu.memory_space<vmem>> -> memref<96x128xf32, #tpu.memory_space<vmem>>
      %dma_wait3A_520 = tpu.memref_slice %arg9[%multiple_of3A_505] : memref<6400xi32, #tpu.memory_space<vmem>> -> memref<96xi32, #tpu.memory_space<vmem>>
      %dma_wait3A_521 = arith.constant 0 : i32
      %dma_wait3A_522 = arith.constant 0 : i32
      %dma_wait3A_523 = tpu.memref_slice %arg8[%dma_wait3A_521, %dma_wait3A_522] : memref<5000x128xf32, #tpu.memory_space<vmem_shared>> -> memref<5000x128xf32, #tpu.memory_space<vmem_shared>>
      tpu.wait_indirect_dma semaphore(%arg15 : memref<!tpu.dma_semaphore, #tpu.memory_space<semaphore_mem>>) src(%dma_wait3A_523 : memref<5000x128xf32, #tpu.memory_space<vmem_shared>>) dst(%dma_wait3A_519 : memref<96x128xf32, #tpu.memory_space<vmem>>)
      %broadcast_in_dim3A_524 = arith.constant 0.000000e+00 : f32
      %broadcast_in_dim3A_525 = vector.broadcast %broadcast_in_dim3A_524 : f32 to vector<16xf32>
      %broadcast_in_dim3A_526 = arith.constant 0.000000e+00 : f32
      %broadcast_in_dim3A_527 = vector.broadcast %broadcast_in_dim3A_526 : f32 to vector<16xf32>
      %broadcast_in_dim3A_528 = arith.constant 0.000000e+00 : f32
      %broadcast_in_dim3A_529 = vector.broadcast %broadcast_in_dim3A_528 : f32 to vector<16xf32>
      %broadcast_in_dim3A_530 = arith.constant 0.000000e+00 : f32
      %broadcast_in_dim3A_531 = vector.broadcast %broadcast_in_dim3A_530 : f32 to vector<16xf32>
      %broadcast_in_dim3A_532 = arith.constant 0.000000e+00 : f32
      %broadcast_in_dim3A_533 = vector.broadcast %broadcast_in_dim3A_532 : f32 to vector<16xf32>
      %broadcast_in_dim3A_534 = arith.constant 0.000000e+00 : f32
      %broadcast_in_dim3A_535 = vector.broadcast %broadcast_in_dim3A_534 : f32 to vector<16xf32>
      %broadcast_in_dim3A_536 = arith.constant 0.000000e+00 : f32
      %broadcast_in_dim3A_537 = vector.broadcast %broadcast_in_dim3A_536 : f32 to vector<16xf32>
      %broadcast_in_dim3A_538 = arith.constant 0.000000e+00 : f32
      %broadcast_in_dim3A_539 = vector.broadcast %broadcast_in_dim3A_538 : f32 to vector<16xf32>
      %scan3A_540 = arith.constant 0 : i32
      %scan3A_541 = arith.constant 25 : i32
      %scan3A_542 = arith.addi %scan3A_540, %scan3A_541 : i32
      %scan3A_543 = arith.constant 1 : i32
      %scan3A_544:8 = scf.for %scan3A_865 = %scan3A_540 to %scan3A_542 step %scan3A_543 iter_args(%scan3A_866 = %broadcast_in_dim3A_525, %scan3A_867 = %broadcast_in_dim3A_527, %scan3A_868 = %broadcast_in_dim3A_529, %scan3A_869 = %broadcast_in_dim3A_531, %scan3A_870 = %broadcast_in_dim3A_533, %scan3A_871 = %broadcast_in_dim3A_535, %scan3A_872 = %broadcast_in_dim3A_537, %scan3A_873 = %broadcast_in_dim3A_539) -> (vector<16xf32>, vector<16xf32>, vector<16xf32>, vector<16xf32>, vector<16xf32>, vector<16xf32>, vector<16xf32>, vector<16xf32>)  : i32 {
        %mul3A_874 = arith.constant 2 : i32
        %mul3A_875 = arith.muli %mul3A_874, %scan3A_865 : i32
        %add3A_876 = arith.constant 0 : i32
        %add3A_877 = arith.addi %add3A_876, %mul3A_875 : i32
        %add3A_878 = arith.constant 0 : i32
        %add3A_879 = arith.addi %add3A_877, %add3A_878 : i32
        %get3A = arith.constant 2 : i32
        %get3A_880 = arith.index_cast %get3A : i32 to index
        %get3A_881 = arith.index_cast %add3A_879 : i32 to index
        %get3A_882 = arith.constant 0 : index
        %get3A_883 = tpu.vector_load %arg10[%get3A_880, %get3A_881, %get3A_882] {strides = array<i32>} : memref<4x104x128xf32, #tpu.memory_space<vmem>>, vector<1x1x16xf32>,
        %get3A_884 = vector.shape_cast %get3A_883 : vector<1x1x16xf32> to vector<16xf32>
        %add3A_885 = arith.addf %scan3A_866, %get3A_884 : vector<16xf32>
        %get3A_886 = arith.constant 2 : i32
        %get3A_887 = arith.index_cast %get3A_886 : i32 to index
        %get3A_888 = arith.index_cast %add3A_879 : i32 to index
        %get3A_889 = arith.constant 16 : index
        %get3A_890 = tpu.vector_load %arg10[%get3A_887, %get3A_888, %get3A_889] {strides = array<i32>} : memref<4x104x128xf32, #tpu.memory_space<vmem>>, vector<1x1x16xf32>,
        %get3A_891 = vector.shape_cast %get3A_890 : vector<1x1x16xf32> to vector<16xf32>
        %add3A_892 = arith.addf %scan3A_867, %get3A_891 : vector<16xf32>
        %get3A_893 = arith.constant 2 : i32
        %get3A_894 = arith.index_cast %get3A_893 : i32 to index
        %get3A_895 = arith.index_cast %add3A_879 : i32 to index
        %get3A_896 = arith.constant 32 : index
        %get3A_897 = tpu.vector_load %arg10[%get3A_894, %get3A_895, %get3A_896] {strides = array<i32>} : memref<4x104x128xf32, #tpu.memory_space<vmem>>, vector<1x1x16xf32>,
        %get3A_898 = vector.shape_cast %get3A_897 : vector<1x1x16xf32> to vector<16xf32>
        %add3A_899 = arith.addf %scan3A_868, %get3A_898 : vector<16xf32>
        %get3A_900 = arith.constant 2 : i32
        %get3A_901 = arith.index_cast %get3A_900 : i32 to index
        %get3A_902 = arith.index_cast %add3A_879 : i32 to index
        %get3A_903 = arith.constant 48 : index
        %get3A_904 = tpu.vector_load %arg10[%get3A_901, %get3A_902, %get3A_903] {strides = array<i32>} : memref<4x104x128xf32, #tpu.memory_space<vmem>>, vector<1x1x16xf32>,
        %get3A_905 = vector.shape_cast %get3A_904 : vector<1x1x16xf32> to vector<16xf32>
        %add3A_906 = arith.addf %scan3A_869, %get3A_905 : vector<16xf32>
        %get3A_907 = arith.constant 2 : i32
        %get3A_908 = arith.index_cast %get3A_907 : i32 to index
        %get3A_909 = arith.index_cast %add3A_879 : i32 to index
        %get3A_910 = arith.constant 64 : index
        %get3A_911 = tpu.vector_load %arg10[%get3A_908, %get3A_909, %get3A_910] {strides = array<i32>} : memref<4x104x128xf32, #tpu.memory_space<vmem>>, vector<1x1x16xf32>,
        %get3A_912 = vector.shape_cast %get3A_911 : vector<1x1x16xf32> to vector<16xf32>
        %add3A_913 = arith.addf %scan3A_870, %get3A_912 : vector<16xf32>
        %get3A_914 = arith.constant 2 : i32
        %get3A_915 = arith.index_cast %get3A_914 : i32 to index
        %get3A_916 = arith.index_cast %add3A_879 : i32 to index
        %get3A_917 = arith.constant 80 : index
        %get3A_918 = tpu.vector_load %arg10[%get3A_915, %get3A_916, %get3A_917] {strides = array<i32>} : memref<4x104x128xf32, #tpu.memory_space<vmem>>, vector<1x1x16xf32>,
        %get3A_919 = vector.shape_cast %get3A_918 : vector<1x1x16xf32> to vector<16xf32>
        %add3A_920 = arith.addf %scan3A_871, %get3A_919 : vector<16xf32>
        %get3A_921 = arith.constant 2 : i32
        %get3A_922 = arith.index_cast %get3A_921 : i32 to index
        %get3A_923 = arith.index_cast %add3A_879 : i32 to index
        %get3A_924 = arith.constant 96 : index
        %get3A_925 = tpu.vector_load %arg10[%get3A_922, %get3A_923, %get3A_924] {strides = array<i32>} : memref<4x104x128xf32, #tpu.memory_space<vmem>>, vector<1x1x16xf32>,
        %get3A_926 = vector.shape_cast %get3A_925 : vector<1x1x16xf32> to vector<16xf32>
        %add3A_927 = arith.addf %scan3A_872, %get3A_926 : vector<16xf32>
        %get3A_928 = arith.constant 2 : i32
        %get3A_929 = arith.index_cast %get3A_928 : i32 to index
        %get3A_930 = arith.index_cast %add3A_879 : i32 to index
        %get3A_931 = arith.constant 112 : index
        %get3A_932 = tpu.vector_load %arg10[%get3A_929, %get3A_930, %get3A_931] {strides = array<i32>} : memref<4x104x128xf32, #tpu.memory_space<vmem>>, vector<1x1x16xf32>,
        %get3A_933 = vector.shape_cast %get3A_932 : vector<1x1x16xf32> to vector<16xf32>
        %add3A_934 = arith.addf %scan3A_873, %get3A_933 : vector<16xf32>
        %mul3A_935 = arith.constant 2 : i32
        %mul3A_936 = arith.muli %mul3A_935, %scan3A_865 : i32
        %add3A_937 = arith.constant 0 : i32
        %add3A_938 = arith.addi %add3A_937, %mul3A_936 : i32
        %add3A_939 = arith.constant 1 : i32
        %add3A_940 = arith.addi %add3A_938, %add3A_939 : i32
        %get3A_941 = arith.constant 2 : i32
        %get3A_942 = arith.index_cast %get3A_941 : i32 to index
        %get3A_943 = arith.index_cast %add3A_940 : i32 to index
        %get3A_944 = arith.constant 0 : index
        %get3A_945 = tpu.vector_load %arg10[%get3A_942, %get3A_943, %get3A_944] {strides = array<i32>} : memref<4x104x128xf32, #tpu.memory_space<vmem>>, vector<1x1x16xf32>,
        %get3A_946 = vector.shape_cast %get3A_945 : vector<1x1x16xf32> to vector<16xf32>
        %add3A_947 = arith.addf %add3A_885, %get3A_946 : vector<16xf32>
        %get3A_948 = arith.constant 2 : i32
        %get3A_949 = arith.index_cast %get3A_948 : i32 to index
        %get3A_950 = arith.index_cast %add3A_940 : i32 to index
        %get3A_951 = arith.constant 16 : index
        %get3A_952 = tpu.vector_load %arg10[%get3A_949, %get3A_950, %get3A_951] {strides = array<i32>} : memref<4x104x128xf32, #tpu.memory_space<vmem>>, vector<1x1x16xf32>,
        %get3A_953 = vector.shape_cast %get3A_952 : vector<1x1x16xf32> to vector<16xf32>
        %add3A_954 = arith.addf %add3A_892, %get3A_953 : vector<16xf32>
        %get3A_955 = arith.constant 2 : i32
        %get3A_956 = arith.index_cast %get3A_955 : i32 to index
        %get3A_957 = arith.index_cast %add3A_940 : i32 to index
        %get3A_958 = arith.constant 32 : index
        %get3A_959 = tpu.vector_load %arg10[%get3A_956, %get3A_957, %get3A_958] {strides = array<i32>} : memref<4x104x128xf32, #tpu.memory_space<vmem>>, vector<1x1x16xf32>,
        %get3A_960 = vector.shape_cast %get3A_959 : vector<1x1x16xf32> to vector<16xf32>
        %add3A_961 = arith.addf %add3A_899, %get3A_960 : vector<16xf32>
        %get3A_962 = arith.constant 2 : i32
        %get3A_963 = arith.index_cast %get3A_962 : i32 to index
        %get3A_964 = arith.index_cast %add3A_940 : i32 to index
        %get3A_965 = arith.constant 48 : index
        %get3A_966 = tpu.vector_load %arg10[%get3A_963, %get3A_964, %get3A_965] {strides = array<i32>} : memref<4x104x128xf32, #tpu.memory_space<vmem>>, vector<1x1x16xf32>,
        %get3A_967 = vector.shape_cast %get3A_966 : vector<1x1x16xf32> to vector<16xf32>
        %add3A_968 = arith.addf %add3A_906, %get3A_967 : vector<16xf32>
        %get3A_969 = arith.constant 2 : i32
        %get3A_970 = arith.index_cast %get3A_969 : i32 to index
        %get3A_971 = arith.index_cast %add3A_940 : i32 to index
        %get3A_972 = arith.constant 64 : index
        %get3A_973 = tpu.vector_load %arg10[%get3A_970, %get3A_971, %get3A_972] {strides = array<i32>} : memref<4x104x128xf32, #tpu.memory_space<vmem>>, vector<1x1x16xf32>,
        %get3A_974 = vector.shape_cast %get3A_973 : vector<1x1x16xf32> to vector<16xf32>
        %add3A_975 = arith.addf %add3A_913, %get3A_974 : vector<16xf32>
        %get3A_976 = arith.constant 2 : i32
        %get3A_977 = arith.index_cast %get3A_976 : i32 to index
        %get3A_978 = arith.index_cast %add3A_940 : i32 to index
        %get3A_979 = arith.constant 80 : index
        %get3A_980 = tpu.vector_load %arg10[%get3A_977, %get3A_978, %get3A_979] {strides = array<i32>} : memref<4x104x128xf32, #tpu.memory_space<vmem>>, vector<1x1x16xf32>,
        %get3A_981 = vector.shape_cast %get3A_980 : vector<1x1x16xf32> to vector<16xf32>
        %add3A_982 = arith.addf %add3A_920, %get3A_981 : vector<16xf32>
        %get3A_983 = arith.constant 2 : i32
        %get3A_984 = arith.index_cast %get3A_983 : i32 to index
        %get3A_985 = arith.index_cast %add3A_940 : i32 to index
        %get3A_986 = arith.constant 96 : index
        %get3A_987 = tpu.vector_load %arg10[%get3A_984, %get3A_985, %get3A_986] {strides = array<i32>} : memref<4x104x128xf32, #tpu.memory_space<vmem>>, vector<1x1x16xf32>,
        %get3A_988 = vector.shape_cast %get3A_987 : vector<1x1x16xf32> to vector<16xf32>
        %add3A_989 = arith.addf %add3A_927, %get3A_988 : vector<16xf32>
        %get3A_990 = arith.constant 2 : i32
        %get3A_991 = arith.index_cast %get3A_990 : i32 to index
        %get3A_992 = arith.index_cast %add3A_940 : i32 to index
        %get3A_993 = arith.constant 112 : index
        %get3A_994 = tpu.vector_load %arg10[%get3A_991, %get3A_992, %get3A_993] {strides = array<i32>} : memref<4x104x128xf32, #tpu.memory_space<vmem>>, vector<1x1x16xf32>,
        %get3A_995 = vector.shape_cast %get3A_994 : vector<1x1x16xf32> to vector<16xf32>
        %add3A_996 = arith.addf %add3A_934, %get3A_995 : vector<16xf32>
        scf.yield %add3A_947, %add3A_954, %add3A_961, %add3A_968, %add3A_975, %add3A_982, %add3A_989, %add3A_996 : vector<16xf32>, vector<16xf32>, vector<16xf32>, vector<16xf32>, vector<16xf32>, vector<16xf32>, vector<16xf32>, vector<16xf32>
      }
      %scan3A_545 = arith.constant 25 : i32
      %mul3A_546 = arith.constant 4 : i32
      %mul3A_547 = arith.muli %add3A_497, %mul3A_546 : i32
      %add3A_548 = arith.constant 0 : i32
      %add3A_549 = arith.addi %mul3A_547, %add3A_548 : i32
      %mul3A_550 = vector.broadcast %scan3A_53 : f32 to vector<16xf32>
      %mul3A_551 = arith.mulf %scan3A_544#0, %mul3A_550 : vector<16xf32>
      %swap3A_552 = arith.index_cast %add3A_549 : i32 to index
      %swap3A_553 = arith.constant 0 : index
      %swap3A_554 = tpu.vector_load %arg11[%swap3A_552, %swap3A_553] {strides = array<i32>} : memref<128x128xf32, #tpu.memory_space<vmem>>, vector<1x16xf32>,
      %swap3A_555 = vector.shape_cast %swap3A_554 : vector<1x16xf32> to vector<16xf32>
      %swap3A_556 = vector.shape_cast %mul3A_551 : vector<16xf32> to vector<1x16xf32>
      tpu.vector_store %arg11[%swap3A_552, %swap3A_553], %swap3A_556 {strides = array<i32>} : memref<128x128xf32, #tpu.memory_space<vmem>>, vector<1x16xf32>,
      %mul3A_557 = vector.broadcast %scan3A_53 : f32 to vector<16xf32>
      %mul3A_558 = arith.mulf %scan3A_544#1, %mul3A_557 : vector<16xf32>
      %swap3A_559 = arith.index_cast %add3A_549 : i32 to index
      %swap3A_560 = arith.constant 16 : index
      %swap3A_561 = tpu.vector_load %arg11[%swap3A_559, %swap3A_560] {strides = array<i32>} : memref<128x128xf32, #tpu.memory_space<vmem>>, vector<1x16xf32>,
      %swap3A_562 = vector.shape_cast %swap3A_561 : vector<1x16xf32> to vector<16xf32>
      %swap3A_563 = vector.shape_cast %mul3A_558 : vector<16xf32> to vector<1x16xf32>
      tpu.vector_store %arg11[%swap3A_559, %swap3A_560], %swap3A_563 {strides = array<i32>} : memref<128x128xf32, #tpu.memory_space<vmem>>, vector<1x16xf32>,
      %mul3A_564 = vector.broadcast %scan3A_53 : f32 to vector<16xf32>
      %mul3A_565 = arith.mulf %scan3A_544#2, %mul3A_564 : vector<16xf32>
      %swap3A_566 = arith.index_cast %add3A_549 : i32 to index
      %swap3A_567 = arith.constant 32 : index
      %swap3A_568 = tpu.vector_load %arg11[%swap3A_566, %swap3A_567] {strides = array<i32>} : memref<128x128xf32, #tpu.memory_space<vmem>>, vector<1x16xf32>,
      %swap3A_569 = vector.shape_cast %swap3A_568 : vector<1x16xf32> to vector<16xf32>
      %swap3A_570 = vector.shape_cast %mul3A_565 : vector<16xf32> to vector<1x16xf32>
      tpu.vector_store %arg11[%swap3A_566, %swap3A_567], %swap3A_570 {strides = array<i32>} : memref<128x128xf32, #tpu.memory_space<vmem>>, vector<1x16xf32>,
      %mul3A_571 = vector.broadcast %scan3A_53 : f32 to vector<16xf32>
      %mul3A_572 = arith.mulf %scan3A_544#3, %mul3A_571 : vector<16xf32>
      %swap3A_573 = arith.index_cast %add3A_549 : i32 to index
      %swap3A_574 = arith.constant 48 : index
      %swap3A_575 = tpu.vector_load %arg11[%swap3A_573, %swap3A_574] {strides = array<i32>} : memref<128x128xf32, #tpu.memory_space<vmem>>, vector<1x16xf32>,
      %swap3A_576 = vector.shape_cast %swap3A_575 : vector<1x16xf32> to vector<16xf32>
      %swap3A_577 = vector.shape_cast %mul3A_572 : vector<16xf32> to vector<1x16xf32>
      tpu.vector_store %arg11[%swap3A_573, %swap3A_574], %swap3A_577 {strides = array<i32>} : memref<128x128xf32, #tpu.memory_space<vmem>>, vector<1x16xf32>,
      %mul3A_578 = vector.broadcast %scan3A_53 : f32 to vector<16xf32>
      %mul3A_579 = arith.mulf %scan3A_544#4, %mul3A_578 : vector<16xf32>
      %swap3A_580 = arith.index_cast %add3A_549 : i32 to index
      %swap3A_581 = arith.constant 64 : index
      %swap3A_582 = tpu.vector_load %arg11[%swap3A_580, %swap3A_581] {strides = array<i32>} : memref<128x128xf32, #tpu.memory_space<vmem>>, vector<1x16xf32>,
      %swap3A_583 = vector.shape_cast %swap3A_582 : vector<1x16xf32> to vector<16xf32>
      %swap3A_584 = vector.shape_cast %mul3A_579 : vector<16xf32> to vector<1x16xf32>
      tpu.vector_store %arg11[%swap3A_580, %swap3A_581], %swap3A_584 {strides = array<i32>} : memref<128x128xf32, #tpu.memory_space<vmem>>, vector<1x16xf32>,
      %mul3A_585 = vector.broadcast %scan3A_53 : f32 to vector<16xf32>
      %mul3A_586 = arith.mulf %scan3A_544#5, %mul3A_585 : vector<16xf32>
      %swap3A_587 = arith.index_cast %add3A_549 : i32 to index
      %swap3A_588 = arith.constant 80 : index
      %swap3A_589 = tpu.vector_load %arg11[%swap3A_587, %swap3A_588] {strides = array<i32>} : memref<128x128xf32, #tpu.memory_space<vmem>>, vector<1x16xf32>,
      %swap3A_590 = vector.shape_cast %swap3A_589 : vector<1x16xf32> to vector<16xf32>
      %swap3A_591 = vector.shape_cast %mul3A_586 : vector<16xf32> to vector<1x16xf32>
      tpu.vector_store %arg11[%swap3A_587, %swap3A_588], %swap3A_591 {strides = array<i32>} : memref<128x128xf32, #tpu.memory_space<vmem>>, vector<1x16xf32>,
      %mul3A_592 = vector.broadcast %scan3A_53 : f32 to vector<16xf32>
      %mul3A_593 = arith.mulf %scan3A_544#6, %mul3A_592 : vector<16xf32>
      %swap3A_594 = arith.index_cast %add3A_549 : i32 to index
      %swap3A_595 = arith.constant 96 : index
      %swap3A_596 = tpu.vector_load %arg11[%swap3A_594, %swap3A_595] {strides = array<i32>} : memref<128x128xf32, #tpu.memory_space<vmem>>, vector<1x16xf32>,
      %swap3A_597 = vector.shape_cast %swap3A_596 : vector<1x16xf32> to vector<16xf32>
      %swap3A_598 = vector.shape_cast %mul3A_593 : vector<16xf32> to vector<1x16xf32>
      tpu.vector_store %arg11[%swap3A_594, %swap3A_595], %swap3A_598 {strides = array<i32>} : memref<128x128xf32, #tpu.memory_space<vmem>>, vector<1x16xf32>,
      %mul3A_599 = vector.broadcast %scan3A_53 : f32 to vector<16xf32>
      %mul3A_600 = arith.mulf %scan3A_544#7, %mul3A_599 : vector<16xf32>
      %swap3A_601 = arith.index_cast %add3A_549 : i32 to index
      %swap3A_602 = arith.constant 112 : index
      %swap3A_603 = tpu.vector_load %arg11[%swap3A_601, %swap3A_602] {strides = array<i32>} : memref<128x128xf32, #tpu.memory_space<vmem>>, vector<1x16xf32>,
      %swap3A_604 = vector.shape_cast %swap3A_603 : vector<1x16xf32> to vector<16xf32>
      %swap3A_605 = vector.shape_cast %mul3A_600 : vector<16xf32> to vector<1x16xf32>
      tpu.vector_store %arg11[%swap3A_601, %swap3A_602], %swap3A_605 {strides = array<i32>} : memref<128x128xf32, #tpu.memory_space<vmem>>, vector<1x16xf32>,
      %broadcast_in_dim3A_606 = arith.constant 0.000000e+00 : f32
      %broadcast_in_dim3A_607 = vector.broadcast %broadcast_in_dim3A_606 : f32 to vector<16xf32>
      %broadcast_in_dim3A_608 = arith.constant 0.000000e+00 : f32
      %broadcast_in_dim3A_609 = vector.broadcast %broadcast_in_dim3A_608 : f32 to vector<16xf32>
      %broadcast_in_dim3A_610 = arith.constant 0.000000e+00 : f32
      %broadcast_in_dim3A_611 = vector.broadcast %broadcast_in_dim3A_610 : f32 to vector<16xf32>
      %broadcast_in_dim3A_612 = arith.constant 0.000000e+00 : f32
      %broadcast_in_dim3A_613 = vector.broadcast %broadcast_in_dim3A_612 : f32 to vector<16xf32>
      %broadcast_in_dim3A_614 = arith.constant 0.000000e+00 : f32
      %broadcast_in_dim3A_615 = vector.broadcast %broadcast_in_dim3A_614 : f32 to vector<16xf32>
      %broadcast_in_dim3A_616 = arith.constant 0.000000e+00 : f32
      %broadcast_in_dim3A_617 = vector.broadcast %broadcast_in_dim3A_616 : f32 to vector<16xf32>
      %broadcast_in_dim3A_618 = arith.constant 0.000000e+00 : f32
      %broadcast_in_dim3A_619 = vector.broadcast %broadcast_in_dim3A_618 : f32 to vector<16xf32>
      %broadcast_in_dim3A_620 = arith.constant 0.000000e+00 : f32
      %broadcast_in_dim3A_621 = vector.broadcast %broadcast_in_dim3A_620 : f32 to vector<16xf32>
      %scan3A_622 = arith.constant 0 : i32
      %scan3A_623 = arith.constant 25 : i32
      %scan3A_624 = arith.addi %scan3A_622, %scan3A_623 : i32
      %scan3A_625 = arith.constant 1 : i32
      %scan3A_626:8 = scf.for %scan3A_865 = %scan3A_622 to %scan3A_624 step %scan3A_625 iter_args(%scan3A_866 = %broadcast_in_dim3A_607, %scan3A_867 = %broadcast_in_dim3A_609, %scan3A_868 = %broadcast_in_dim3A_611, %scan3A_869 = %broadcast_in_dim3A_613, %scan3A_870 = %broadcast_in_dim3A_615, %scan3A_871 = %broadcast_in_dim3A_617, %scan3A_872 = %broadcast_in_dim3A_619, %scan3A_873 = %broadcast_in_dim3A_621) -> (vector<16xf32>, vector<16xf32>, vector<16xf32>, vector<16xf32>, vector<16xf32>, vector<16xf32>, vector<16xf32>, vector<16xf32>)  : i32 {
        %mul3A_874 = arith.constant 2 : i32
        %mul3A_875 = arith.muli %mul3A_874, %scan3A_865 : i32
        %add3A_876 = arith.constant 50 : i32
        %add3A_877 = arith.addi %add3A_876, %mul3A_875 : i32
        %add3A_878 = arith.constant 0 : i32
        %add3A_879 = arith.addi %add3A_877, %add3A_878 : i32
        %get3A = arith.constant 2 : i32
        %get3A_880 = arith.index_cast %get3A : i32 to index
        %get3A_881 = arith.index_cast %add3A_879 : i32 to index
        %get3A_882 = arith.constant 0 : index
        %get3A_883 = tpu.vector_load %arg10[%get3A_880, %get3A_881, %get3A_882] {strides = array<i32>} : memref<4x104x128xf32, #tpu.memory_space<vmem>>, vector<1x1x16xf32>,
        %get3A_884 = vector.shape_cast %get3A_883 : vector<1x1x16xf32> to vector<16xf32>
        %add3A_885 = arith.addf %scan3A_866, %get3A_884 : vector<16xf32>
        %get3A_886 = arith.constant 2 : i32
        %get3A_887 = arith.index_cast %get3A_886 : i32 to index
        %get3A_888 = arith.index_cast %add3A_879 : i32 to index
        %get3A_889 = arith.constant 16 : index
        %get3A_890 = tpu.vector_load %arg10[%get3A_887, %get3A_888, %get3A_889] {strides = array<i32>} : memref<4x104x128xf32, #tpu.memory_space<vmem>>, vector<1x1x16xf32>,
        %get3A_891 = vector.shape_cast %get3A_890 : vector<1x1x16xf32> to vector<16xf32>
        %add3A_892 = arith.addf %scan3A_867, %get3A_891 : vector<16xf32>
        %get3A_893 = arith.constant 2 : i32
        %get3A_894 = arith.index_cast %get3A_893 : i32 to index
        %get3A_895 = arith.index_cast %add3A_879 : i32 to index
        %get3A_896 = arith.constant 32 : index
        %get3A_897 = tpu.vector_load %arg10[%get3A_894, %get3A_895, %get3A_896] {strides = array<i32>} : memref<4x104x128xf32, #tpu.memory_space<vmem>>, vector<1x1x16xf32>,
        %get3A_898 = vector.shape_cast %get3A_897 : vector<1x1x16xf32> to vector<16xf32>
        %add3A_899 = arith.addf %scan3A_868, %get3A_898 : vector<16xf32>
        %get3A_900 = arith.constant 2 : i32
        %get3A_901 = arith.index_cast %get3A_900 : i32 to index
        %get3A_902 = arith.index_cast %add3A_879 : i32 to index
        %get3A_903 = arith.constant 48 : index
        %get3A_904 = tpu.vector_load %arg10[%get3A_901, %get3A_902, %get3A_903] {strides = array<i32>} : memref<4x104x128xf32, #tpu.memory_space<vmem>>, vector<1x1x16xf32>,
        %get3A_905 = vector.shape_cast %get3A_904 : vector<1x1x16xf32> to vector<16xf32>
        %add3A_906 = arith.addf %scan3A_869, %get3A_905 : vector<16xf32>
        %get3A_907 = arith.constant 2 : i32
        %get3A_908 = arith.index_cast %get3A_907 : i32 to index
        %get3A_909 = arith.index_cast %add3A_879 : i32 to index
        %get3A_910 = arith.constant 64 : index
        %get3A_911 = tpu.vector_load %arg10[%get3A_908, %get3A_909, %get3A_910] {strides = array<i32>} : memref<4x104x128xf32, #tpu.memory_space<vmem>>, vector<1x1x16xf32>,
        %get3A_912 = vector.shape_cast %get3A_911 : vector<1x1x16xf32> to vector<16xf32>
        %add3A_913 = arith.addf %scan3A_870, %get3A_912 : vector<16xf32>
        %get3A_914 = arith.constant 2 : i32
        %get3A_915 = arith.index_cast %get3A_914 : i32 to index
        %get3A_916 = arith.index_cast %add3A_879 : i32 to index
        %get3A_917 = arith.constant 80 : index
        %get3A_918 = tpu.vector_load %arg10[%get3A_915, %get3A_916, %get3A_917] {strides = array<i32>} : memref<4x104x128xf32, #tpu.memory_space<vmem>>, vector<1x1x16xf32>,
        %get3A_919 = vector.shape_cast %get3A_918 : vector<1x1x16xf32> to vector<16xf32>
        %add3A_920 = arith.addf %scan3A_871, %get3A_919 : vector<16xf32>
        %get3A_921 = arith.constant 2 : i32
        %get3A_922 = arith.index_cast %get3A_921 : i32 to index
        %get3A_923 = arith.index_cast %add3A_879 : i32 to index
        %get3A_924 = arith.constant 96 : index
        %get3A_925 = tpu.vector_load %arg10[%get3A_922, %get3A_923, %get3A_924] {strides = array<i32>} : memref<4x104x128xf32, #tpu.memory_space<vmem>>, vector<1x1x16xf32>,
        %get3A_926 = vector.shape_cast %get3A_925 : vector<1x1x16xf32> to vector<16xf32>
        %add3A_927 = arith.addf %scan3A_872, %get3A_926 : vector<16xf32>
        %get3A_928 = arith.constant 2 : i32
        %get3A_929 = arith.index_cast %get3A_928 : i32 to index
        %get3A_930 = arith.index_cast %add3A_879 : i32 to index
        %get3A_931 = arith.constant 112 : index
        %get3A_932 = tpu.vector_load %arg10[%get3A_929, %get3A_930, %get3A_931] {strides = array<i32>} : memref<4x104x128xf32, #tpu.memory_space<vmem>>, vector<1x1x16xf32>,
        %get3A_933 = vector.shape_cast %get3A_932 : vector<1x1x16xf32> to vector<16xf32>
        %add3A_934 = arith.addf %scan3A_873, %get3A_933 : vector<16xf32>
        %mul3A_935 = arith.constant 2 : i32
        %mul3A_936 = arith.muli %mul3A_935, %scan3A_865 : i32
        %add3A_937 = arith.constant 50 : i32
        %add3A_938 = arith.addi %add3A_937, %mul3A_936 : i32
        %add3A_939 = arith.constant 1 : i32
        %add3A_940 = arith.addi %add3A_938, %add3A_939 : i32
        %get3A_941 = arith.constant 2 : i32
        %get3A_942 = arith.index_cast %get3A_941 : i32 to index
        %get3A_943 = arith.index_cast %add3A_940 : i32 to index
        %get3A_944 = arith.constant 0 : index
        %get3A_945 = tpu.vector_load %arg10[%get3A_942, %get3A_943, %get3A_944] {strides = array<i32>} : memref<4x104x128xf32, #tpu.memory_space<vmem>>, vector<1x1x16xf32>,
        %get3A_946 = vector.shape_cast %get3A_945 : vector<1x1x16xf32> to vector<16xf32>
        %add3A_947 = arith.addf %add3A_885, %get3A_946 : vector<16xf32>
        %get3A_948 = arith.constant 2 : i32
        %get3A_949 = arith.index_cast %get3A_948 : i32 to index
        %get3A_950 = arith.index_cast %add3A_940 : i32 to index
        %get3A_951 = arith.constant 16 : index
        %get3A_952 = tpu.vector_load %arg10[%get3A_949, %get3A_950, %get3A_951] {strides = array<i32>} : memref<4x104x128xf32, #tpu.memory_space<vmem>>, vector<1x1x16xf32>,
        %get3A_953 = vector.shape_cast %get3A_952 : vector<1x1x16xf32> to vector<16xf32>
        %add3A_954 = arith.addf %add3A_892, %get3A_953 : vector<16xf32>
        %get3A_955 = arith.constant 2 : i32
        %get3A_956 = arith.index_cast %get3A_955 : i32 to index
        %get3A_957 = arith.index_cast %add3A_940 : i32 to index
        %get3A_958 = arith.constant 32 : index
        %get3A_959 = tpu.vector_load %arg10[%get3A_956, %get3A_957, %get3A_958] {strides = array<i32>} : memref<4x104x128xf32, #tpu.memory_space<vmem>>, vector<1x1x16xf32>,
        %get3A_960 = vector.shape_cast %get3A_959 : vector<1x1x16xf32> to vector<16xf32>
        %add3A_961 = arith.addf %add3A_899, %get3A_960 : vector<16xf32>
        %get3A_962 = arith.constant 2 : i32
        %get3A_963 = arith.index_cast %get3A_962 : i32 to index
        %get3A_964 = arith.index_cast %add3A_940 : i32 to index
        %get3A_965 = arith.constant 48 : index
        %get3A_966 = tpu.vector_load %arg10[%get3A_963, %get3A_964, %get3A_965] {strides = array<i32>} : memref<4x104x128xf32, #tpu.memory_space<vmem>>, vector<1x1x16xf32>,
        %get3A_967 = vector.shape_cast %get3A_966 : vector<1x1x16xf32> to vector<16xf32>
        %add3A_968 = arith.addf %add3A_906, %get3A_967 : vector<16xf32>
        %get3A_969 = arith.constant 2 : i32
        %get3A_970 = arith.index_cast %get3A_969 : i32 to index
        %get3A_971 = arith.index_cast %add3A_940 : i32 to index
        %get3A_972 = arith.constant 64 : index
        %get3A_973 = tpu.vector_load %arg10[%get3A_970, %get3A_971, %get3A_972] {strides = array<i32>} : memref<4x104x128xf32, #tpu.memory_space<vmem>>, vector<1x1x16xf32>,
        %get3A_974 = vector.shape_cast %get3A_973 : vector<1x1x16xf32> to vector<16xf32>
        %add3A_975 = arith.addf %add3A_913, %get3A_974 : vector<16xf32>
        %get3A_976 = arith.constant 2 : i32
        %get3A_977 = arith.index_cast %get3A_976 : i32 to index
        %get3A_978 = arith.index_cast %add3A_940 : i32 to index
        %get3A_979 = arith.constant 80 : index
        %get3A_980 = tpu.vector_load %arg10[%get3A_977, %get3A_978, %get3A_979] {strides = array<i32>} : memref<4x104x128xf32, #tpu.memory_space<vmem>>, vector<1x1x16xf32>,
        %get3A_981 = vector.shape_cast %get3A_980 : vector<1x1x16xf32> to vector<16xf32>
        %add3A_982 = arith.addf %add3A_920, %get3A_981 : vector<16xf32>
        %get3A_983 = arith.constant 2 : i32
        %get3A_984 = arith.index_cast %get3A_983 : i32 to index
        %get3A_985 = arith.index_cast %add3A_940 : i32 to index
        %get3A_986 = arith.constant 96 : index
        %get3A_987 = tpu.vector_load %arg10[%get3A_984, %get3A_985, %get3A_986] {strides = array<i32>} : memref<4x104x128xf32, #tpu.memory_space<vmem>>, vector<1x1x16xf32>,
        %get3A_988 = vector.shape_cast %get3A_987 : vector<1x1x16xf32> to vector<16xf32>
        %add3A_989 = arith.addf %add3A_927, %get3A_988 : vector<16xf32>
        %get3A_990 = arith.constant 2 : i32
        %get3A_991 = arith.index_cast %get3A_990 : i32 to index
        %get3A_992 = arith.index_cast %add3A_940 : i32 to index
        %get3A_993 = arith.constant 112 : index
        %get3A_994 = tpu.vector_load %arg10[%get3A_991, %get3A_992, %get3A_993] {strides = array<i32>} : memref<4x104x128xf32, #tpu.memory_space<vmem>>, vector<1x1x16xf32>,
        %get3A_995 = vector.shape_cast %get3A_994 : vector<1x1x16xf32> to vector<16xf32>
        %add3A_996 = arith.addf %add3A_934, %get3A_995 : vector<16xf32>
        scf.yield %add3A_947, %add3A_954, %add3A_961, %add3A_968, %add3A_975, %add3A_982, %add3A_989, %add3A_996 : vector<16xf32>, vector<16xf32>, vector<16xf32>, vector<16xf32>, vector<16xf32>, vector<16xf32>, vector<16xf32>, vector<16xf32>
      }
      %scan3A_627 = arith.constant 25 : i32
      %mul3A_628 = arith.constant 4 : i32
      %mul3A_629 = arith.muli %add3A_497, %mul3A_628 : i32
      %add3A_630 = arith.constant 1 : i32
      %add3A_631 = arith.addi %mul3A_629, %add3A_630 : i32
      %mul3A_632 = vector.broadcast %scan3A_53 : f32 to vector<16xf32>
      %mul3A_633 = arith.mulf %scan3A_626#0, %mul3A_632 : vector<16xf32>
      %swap3A_634 = arith.index_cast %add3A_631 : i32 to index
      %swap3A_635 = arith.constant 0 : index
      %swap3A_636 = tpu.vector_load %arg11[%swap3A_634, %swap3A_635] {strides = array<i32>} : memref<128x128xf32, #tpu.memory_space<vmem>>, vector<1x16xf32>,
      %swap3A_637 = vector.shape_cast %swap3A_636 : vector<1x16xf32> to vector<16xf32>
      %swap3A_638 = vector.shape_cast %mul3A_633 : vector<16xf32> to vector<1x16xf32>
      tpu.vector_store %arg11[%swap3A_634, %swap3A_635], %swap3A_638 {strides = array<i32>} : memref<128x128xf32, #tpu.memory_space<vmem>>, vector<1x16xf32>,
      %mul3A_639 = vector.broadcast %scan3A_53 : f32 to vector<16xf32>
      %mul3A_640 = arith.mulf %scan3A_626#1, %mul3A_639 : vector<16xf32>
      %swap3A_641 = arith.index_cast %add3A_631 : i32 to index
      %swap3A_642 = arith.constant 16 : index
      %swap3A_643 = tpu.vector_load %arg11[%swap3A_641, %swap3A_642] {strides = array<i32>} : memref<128x128xf32, #tpu.memory_space<vmem>>, vector<1x16xf32>,
      %swap3A_644 = vector.shape_cast %swap3A_643 : vector<1x16xf32> to vector<16xf32>
      %swap3A_645 = vector.shape_cast %mul3A_640 : vector<16xf32> to vector<1x16xf32>
      tpu.vector_store %arg11[%swap3A_641, %swap3A_642], %swap3A_645 {strides = array<i32>} : memref<128x128xf32, #tpu.memory_space<vmem>>, vector<1x16xf32>,
      %mul3A_646 = vector.broadcast %scan3A_53 : f32 to vector<16xf32>
      %mul3A_647 = arith.mulf %scan3A_626#2, %mul3A_646 : vector<16xf32>
      %swap3A_648 = arith.index_cast %add3A_631 : i32 to index
      %swap3A_649 = arith.constant 32 : index
      %swap3A_650 = tpu.vector_load %arg11[%swap3A_648, %swap3A_649] {strides = array<i32>} : memref<128x128xf32, #tpu.memory_space<vmem>>, vector<1x16xf32>,
      %swap3A_651 = vector.shape_cast %swap3A_650 : vector<1x16xf32> to vector<16xf32>
      %swap3A_652 = vector.shape_cast %mul3A_647 : vector<16xf32> to vector<1x16xf32>
      tpu.vector_store %arg11[%swap3A_648, %swap3A_649], %swap3A_652 {strides = array<i32>} : memref<128x128xf32, #tpu.memory_space<vmem>>, vector<1x16xf32>,
      %mul3A_653 = vector.broadcast %scan3A_53 : f32 to vector<16xf32>
      %mul3A_654 = arith.mulf %scan3A_626#3, %mul3A_653 : vector<16xf32>
      %swap3A_655 = arith.index_cast %add3A_631 : i32 to index
      %swap3A_656 = arith.constant 48 : index
      %swap3A_657 = tpu.vector_load %arg11[%swap3A_655, %swap3A_656] {strides = array<i32>} : memref<128x128xf32, #tpu.memory_space<vmem>>, vector<1x16xf32>,
      %swap3A_658 = vector.shape_cast %swap3A_657 : vector<1x16xf32> to vector<16xf32>
      %swap3A_659 = vector.shape_cast %mul3A_654 : vector<16xf32> to vector<1x16xf32>
      tpu.vector_store %arg11[%swap3A_655, %swap3A_656], %swap3A_659 {strides = array<i32>} : memref<128x128xf32, #tpu.memory_space<vmem>>, vector<1x16xf32>,
      %mul3A_660 = vector.broadcast %scan3A_53 : f32 to vector<16xf32>
      %mul3A_661 = arith.mulf %scan3A_626#4, %mul3A_660 : vector<16xf32>
      %swap3A_662 = arith.index_cast %add3A_631 : i32 to index
      %swap3A_663 = arith.constant 64 : index
      %swap3A_664 = tpu.vector_load %arg11[%swap3A_662, %swap3A_663] {strides = array<i32>} : memref<128x128xf32, #tpu.memory_space<vmem>>, vector<1x16xf32>,
      %swap3A_665 = vector.shape_cast %swap3A_664 : vector<1x16xf32> to vector<16xf32>
      %swap3A_666 = vector.shape_cast %mul3A_661 : vector<16xf32> to vector<1x16xf32>
      tpu.vector_store %arg11[%swap3A_662, %swap3A_663], %swap3A_666 {strides = array<i32>} : memref<128x128xf32, #tpu.memory_space<vmem>>, vector<1x16xf32>,
      %mul3A_667 = vector.broadcast %scan3A_53 : f32 to vector<16xf32>
      %mul3A_668 = arith.mulf %scan3A_626#5, %mul3A_667 : vector<16xf32>
      %swap3A_669 = arith.index_cast %add3A_631 : i32 to index
      %swap3A_670 = arith.constant 80 : index
      %swap3A_671 = tpu.vector_load %arg11[%swap3A_669, %swap3A_670] {strides = array<i32>} : memref<128x128xf32, #tpu.memory_space<vmem>>, vector<1x16xf32>,
      %swap3A_672 = vector.shape_cast %swap3A_671 : vector<1x16xf32> to vector<16xf32>
      %swap3A_673 = vector.shape_cast %mul3A_668 : vector<16xf32> to vector<1x16xf32>
      tpu.vector_store %arg11[%swap3A_669, %swap3A_670], %swap3A_673 {strides = array<i32>} : memref<128x128xf32, #tpu.memory_space<vmem>>, vector<1x16xf32>,
      %mul3A_674 = vector.broadcast %scan3A_53 : f32 to vector<16xf32>
      %mul3A_675 = arith.mulf %scan3A_626#6, %mul3A_674 : vector<16xf32>
      %swap3A_676 = arith.index_cast %add3A_631 : i32 to index
      %swap3A_677 = arith.constant 96 : index
      %swap3A_678 = tpu.vector_load %arg11[%swap3A_676, %swap3A_677] {strides = array<i32>} : memref<128x128xf32, #tpu.memory_space<vmem>>, vector<1x16xf32>,
      %swap3A_679 = vector.shape_cast %swap3A_678 : vector<1x16xf32> to vector<16xf32>
      %swap3A_680 = vector.shape_cast %mul3A_675 : vector<16xf32> to vector<1x16xf32>
      tpu.vector_store %arg11[%swap3A_676, %swap3A_677], %swap3A_680 {strides = array<i32>} : memref<128x128xf32, #tpu.memory_space<vmem>>, vector<1x16xf32>,
      %mul3A_681 = vector.broadcast %scan3A_53 : f32 to vector<16xf32>
      %mul3A_682 = arith.mulf %scan3A_626#7, %mul3A_681 : vector<16xf32>
      %swap3A_683 = arith.index_cast %add3A_631 : i32 to index
      %swap3A_684 = arith.constant 112 : index
      %swap3A_685 = tpu.vector_load %arg11[%swap3A_683, %swap3A_684] {strides = array<i32>} : memref<128x128xf32, #tpu.memory_space<vmem>>, vector<1x16xf32>,
      %swap3A_686 = vector.shape_cast %swap3A_685 : vector<1x16xf32> to vector<16xf32>
      %swap3A_687 = vector.shape_cast %mul3A_682 : vector<16xf32> to vector<1x16xf32>
      tpu.vector_store %arg11[%swap3A_683, %swap3A_684], %swap3A_687 {strides = array<i32>} : memref<128x128xf32, #tpu.memory_space<vmem>>, vector<1x16xf32>,
      %broadcast_in_dim3A_688 = arith.constant 0.000000e+00 : f32
      %broadcast_in_dim3A_689 = vector.broadcast %broadcast_in_dim3A_688 : f32 to vector<16xf32>
      %broadcast_in_dim3A_690 = arith.constant 0.000000e+00 : f32
      %broadcast_in_dim3A_691 = vector.broadcast %broadcast_in_dim3A_690 : f32 to vector<16xf32>
      %broadcast_in_dim3A_692 = arith.constant 0.000000e+00 : f32
      %broadcast_in_dim3A_693 = vector.broadcast %broadcast_in_dim3A_692 : f32 to vector<16xf32>
      %broadcast_in_dim3A_694 = arith.constant 0.000000e+00 : f32
      %broadcast_in_dim3A_695 = vector.broadcast %broadcast_in_dim3A_694 : f32 to vector<16xf32>
      %broadcast_in_dim3A_696 = arith.constant 0.000000e+00 : f32
      %broadcast_in_dim3A_697 = vector.broadcast %broadcast_in_dim3A_696 : f32 to vector<16xf32>
      %broadcast_in_dim3A_698 = arith.constant 0.000000e+00 : f32
      %broadcast_in_dim3A_699 = vector.broadcast %broadcast_in_dim3A_698 : f32 to vector<16xf32>
      %broadcast_in_dim3A_700 = arith.constant 0.000000e+00 : f32
      %broadcast_in_dim3A_701 = vector.broadcast %broadcast_in_dim3A_700 : f32 to vector<16xf32>
      %broadcast_in_dim3A_702 = arith.constant 0.000000e+00 : f32
      %broadcast_in_dim3A_703 = vector.broadcast %broadcast_in_dim3A_702 : f32 to vector<16xf32>
      %scan3A_704 = arith.constant 0 : i32
      %scan3A_705 = arith.constant 2 : i32
      %scan3A_706 = arith.addi %scan3A_704, %scan3A_705 : i32
      %scan3A_707 = arith.constant 1 : i32
      %scan3A_708:8 = scf.for %scan3A_865 = %scan3A_704 to %scan3A_706 step %scan3A_707 iter_args(%scan3A_866 = %broadcast_in_dim3A_689, %scan3A_867 = %broadcast_in_dim3A_691, %scan3A_868 = %broadcast_in_dim3A_693, %scan3A_869 = %broadcast_in_dim3A_695, %scan3A_870 = %broadcast_in_dim3A_697, %scan3A_871 = %broadcast_in_dim3A_699, %scan3A_872 = %broadcast_in_dim3A_701, %scan3A_873 = %broadcast_in_dim3A_703) -> (vector<16xf32>, vector<16xf32>, vector<16xf32>, vector<16xf32>, vector<16xf32>, vector<16xf32>, vector<16xf32>, vector<16xf32>)  : i32 {
        %mul3A_874 = arith.constant 2 : i32
        %mul3A_875 = arith.muli %mul3A_874, %scan3A_865 : i32
        %add3A_876 = arith.constant 100 : i32
        %add3A_877 = arith.addi %add3A_876, %mul3A_875 : i32
        %add3A_878 = arith.constant 0 : i32
        %add3A_879 = arith.addi %add3A_877, %add3A_878 : i32
        %get3A = arith.constant 2 : i32
        %get3A_880 = arith.index_cast %get3A : i32 to index
        %get3A_881 = arith.index_cast %add3A_879 : i32 to index
        %get3A_882 = arith.constant 0 : index
        %get3A_883 = tpu.vector_load %arg10[%get3A_880, %get3A_881, %get3A_882] {strides = array<i32>} : memref<4x104x128xf32, #tpu.memory_space<vmem>>, vector<1x1x16xf32>,
        %get3A_884 = vector.shape_cast %get3A_883 : vector<1x1x16xf32> to vector<16xf32>
        %add3A_885 = arith.addf %scan3A_866, %get3A_884 : vector<16xf32>
        %get3A_886 = arith.constant 2 : i32
        %get3A_887 = arith.index_cast %get3A_886 : i32 to index
        %get3A_888 = arith.index_cast %add3A_879 : i32 to index
        %get3A_889 = arith.constant 16 : index
        %get3A_890 = tpu.vector_load %arg10[%get3A_887, %get3A_888, %get3A_889] {strides = array<i32>} : memref<4x104x128xf32, #tpu.memory_space<vmem>>, vector<1x1x16xf32>,
        %get3A_891 = vector.shape_cast %get3A_890 : vector<1x1x16xf32> to vector<16xf32>
        %add3A_892 = arith.addf %scan3A_867, %get3A_891 : vector<16xf32>
        %get3A_893 = arith.constant 2 : i32
        %get3A_894 = arith.index_cast %get3A_893 : i32 to index
        %get3A_895 = arith.index_cast %add3A_879 : i32 to index
        %get3A_896 = arith.constant 32 : index
        %get3A_897 = tpu.vector_load %arg10[%get3A_894, %get3A_895, %get3A_896] {strides = array<i32>} : memref<4x104x128xf32, #tpu.memory_space<vmem>>, vector<1x1x16xf32>,
        %get3A_898 = vector.shape_cast %get3A_897 : vector<1x1x16xf32> to vector<16xf32>
        %add3A_899 = arith.addf %scan3A_868, %get3A_898 : vector<16xf32>
        %get3A_900 = arith.constant 2 : i32
        %get3A_901 = arith.index_cast %get3A_900 : i32 to index
        %get3A_902 = arith.index_cast %add3A_879 : i32 to index
        %get3A_903 = arith.constant 48 : index
        %get3A_904 = tpu.vector_load %arg10[%get3A_901, %get3A_902, %get3A_903] {strides = array<i32>} : memref<4x104x128xf32, #tpu.memory_space<vmem>>, vector<1x1x16xf32>,
        %get3A_905 = vector.shape_cast %get3A_904 : vector<1x1x16xf32> to vector<16xf32>
        %add3A_906 = arith.addf %scan3A_869, %get3A_905 : vector<16xf32>
        %get3A_907 = arith.constant 2 : i32
        %get3A_908 = arith.index_cast %get3A_907 : i32 to index
        %get3A_909 = arith.index_cast %add3A_879 : i32 to index
        %get3A_910 = arith.constant 64 : index
        %get3A_911 = tpu.vector_load %arg10[%get3A_908, %get3A_909, %get3A_910] {strides = array<i32>} : memref<4x104x128xf32, #tpu.memory_space<vmem>>, vector<1x1x16xf32>,
        %get3A_912 = vector.shape_cast %get3A_911 : vector<1x1x16xf32> to vector<16xf32>
        %add3A_913 = arith.addf %scan3A_870, %get3A_912 : vector<16xf32>
        %get3A_914 = arith.constant 2 : i32
        %get3A_915 = arith.index_cast %get3A_914 : i32 to index
        %get3A_916 = arith.index_cast %add3A_879 : i32 to index
        %get3A_917 = arith.constant 80 : index
        %get3A_918 = tpu.vector_load %arg10[%get3A_915, %get3A_916, %get3A_917] {strides = array<i32>} : memref<4x104x128xf32, #tpu.memory_space<vmem>>, vector<1x1x16xf32>,
        %get3A_919 = vector.shape_cast %get3A_918 : vector<1x1x16xf32> to vector<16xf32>
        %add3A_920 = arith.addf %scan3A_871, %get3A_919 : vector<16xf32>
        %get3A_921 = arith.constant 2 : i32
        %get3A_922 = arith.index_cast %get3A_921 : i32 to index
        %get3A_923 = arith.index_cast %add3A_879 : i32 to index
        %get3A_924 = arith.constant 96 : index
        %get3A_925 = tpu.vector_load %arg10[%get3A_922, %get3A_923, %get3A_924] {strides = array<i32>} : memref<4x104x128xf32, #tpu.memory_space<vmem>>, vector<1x1x16xf32>,
        %get3A_926 = vector.shape_cast %get3A_925 : vector<1x1x16xf32> to vector<16xf32>
        %add3A_927 = arith.addf %scan3A_872, %get3A_926 : vector<16xf32>
        %get3A_928 = arith.constant 2 : i32
        %get3A_929 = arith.index_cast %get3A_928 : i32 to index
        %get3A_930 = arith.index_cast %add3A_879 : i32 to index
        %get3A_931 = arith.constant 112 : index
        %get3A_932 = tpu.vector_load %arg10[%get3A_929, %get3A_930, %get3A_931] {strides = array<i32>} : memref<4x104x128xf32, #tpu.memory_space<vmem>>, vector<1x1x16xf32>,
        %get3A_933 = vector.shape_cast %get3A_932 : vector<1x1x16xf32> to vector<16xf32>
        %add3A_934 = arith.addf %scan3A_873, %get3A_933 : vector<16xf32>
        %mul3A_935 = arith.constant 2 : i32
        %mul3A_936 = arith.muli %mul3A_935, %scan3A_865 : i32
        %add3A_937 = arith.constant 100 : i32
        %add3A_938 = arith.addi %add3A_937, %mul3A_936 : i32
        %add3A_939 = arith.constant 1 : i32
        %add3A_940 = arith.addi %add3A_938, %add3A_939 : i32
        %get3A_941 = arith.constant 2 : i32
        %get3A_942 = arith.index_cast %get3A_941 : i32 to index
        %get3A_943 = arith.index_cast %add3A_940 : i32 to index
        %get3A_944 = arith.constant 0 : index
        %get3A_945 = tpu.vector_load %arg10[%get3A_942, %get3A_943, %get3A_944] {strides = array<i32>} : memref<4x104x128xf32, #tpu.memory_space<vmem>>, vector<1x1x16xf32>,
        %get3A_946 = vector.shape_cast %get3A_945 : vector<1x1x16xf32> to vector<16xf32>
        %add3A_947 = arith.addf %add3A_885, %get3A_946 : vector<16xf32>
        %get3A_948 = arith.constant 2 : i32
        %get3A_949 = arith.index_cast %get3A_948 : i32 to index
        %get3A_950 = arith.index_cast %add3A_940 : i32 to index
        %get3A_951 = arith.constant 16 : index
        %get3A_952 = tpu.vector_load %arg10[%get3A_949, %get3A_950, %get3A_951] {strides = array<i32>} : memref<4x104x128xf32, #tpu.memory_space<vmem>>, vector<1x1x16xf32>,
        %get3A_953 = vector.shape_cast %get3A_952 : vector<1x1x16xf32> to vector<16xf32>
        %add3A_954 = arith.addf %add3A_892, %get3A_953 : vector<16xf32>
        %get3A_955 = arith.constant 2 : i32
        %get3A_956 = arith.index_cast %get3A_955 : i32 to index
        %get3A_957 = arith.index_cast %add3A_940 : i32 to index
        %get3A_958 = arith.constant 32 : index
        %get3A_959 = tpu.vector_load %arg10[%get3A_956, %get3A_957, %get3A_958] {strides = array<i32>} : memref<4x104x128xf32, #tpu.memory_space<vmem>>, vector<1x1x16xf32>,
        %get3A_960 = vector.shape_cast %get3A_959 : vector<1x1x16xf32> to vector<16xf32>
        %add3A_961 = arith.addf %add3A_899, %get3A_960 : vector<16xf32>
        %get3A_962 = arith.constant 2 : i32
        %get3A_963 = arith.index_cast %get3A_962 : i32 to index
        %get3A_964 = arith.index_cast %add3A_940 : i32 to index
        %get3A_965 = arith.constant 48 : index
        %get3A_966 = tpu.vector_load %arg10[%get3A_963, %get3A_964, %get3A_965] {strides = array<i32>} : memref<4x104x128xf32, #tpu.memory_space<vmem>>, vector<1x1x16xf32>,
        %get3A_967 = vector.shape_cast %get3A_966 : vector<1x1x16xf32> to vector<16xf32>
        %add3A_968 = arith.addf %add3A_906, %get3A_967 : vector<16xf32>
        %get3A_969 = arith.constant 2 : i32
        %get3A_970 = arith.index_cast %get3A_969 : i32 to index
        %get3A_971 = arith.index_cast %add3A_940 : i32 to index
        %get3A_972 = arith.constant 64 : index
        %get3A_973 = tpu.vector_load %arg10[%get3A_970, %get3A_971, %get3A_972] {strides = array<i32>} : memref<4x104x128xf32, #tpu.memory_space<vmem>>, vector<1x1x16xf32>,
        %get3A_974 = vector.shape_cast %get3A_973 : vector<1x1x16xf32> to vector<16xf32>
        %add3A_975 = arith.addf %add3A_913, %get3A_974 : vector<16xf32>
        %get3A_976 = arith.constant 2 : i32
        %get3A_977 = arith.index_cast %get3A_976 : i32 to index
        %get3A_978 = arith.index_cast %add3A_940 : i32 to index
        %get3A_979 = arith.constant 80 : index
        %get3A_980 = tpu.vector_load %arg10[%get3A_977, %get3A_978, %get3A_979] {strides = array<i32>} : memref<4x104x128xf32, #tpu.memory_space<vmem>>, vector<1x1x16xf32>,
        %get3A_981 = vector.shape_cast %get3A_980 : vector<1x1x16xf32> to vector<16xf32>
        %add3A_982 = arith.addf %add3A_920, %get3A_981 : vector<16xf32>
        %get3A_983 = arith.constant 2 : i32
        %get3A_984 = arith.index_cast %get3A_983 : i32 to index
        %get3A_985 = arith.index_cast %add3A_940 : i32 to index
        %get3A_986 = arith.constant 96 : index
        %get3A_987 = tpu.vector_load %arg10[%get3A_984, %get3A_985, %get3A_986] {strides = array<i32>} : memref<4x104x128xf32, #tpu.memory_space<vmem>>, vector<1x1x16xf32>,
        %get3A_988 = vector.shape_cast %get3A_987 : vector<1x1x16xf32> to vector<16xf32>
        %add3A_989 = arith.addf %add3A_927, %get3A_988 : vector<16xf32>
        %get3A_990 = arith.constant 2 : i32
        %get3A_991 = arith.index_cast %get3A_990 : i32 to index
        %get3A_992 = arith.index_cast %add3A_940 : i32 to index
        %get3A_993 = arith.constant 112 : index
        %get3A_994 = tpu.vector_load %arg10[%get3A_991, %get3A_992, %get3A_993] {strides = array<i32>} : memref<4x104x128xf32, #tpu.memory_space<vmem>>, vector<1x1x16xf32>,
        %get3A_995 = vector.shape_cast %get3A_994 : vector<1x1x16xf32> to vector<16xf32>
        %add3A_996 = arith.addf %add3A_934, %get3A_995 : vector<16xf32>
        scf.yield %add3A_947, %add3A_954, %add3A_961, %add3A_968, %add3A_975, %add3A_982, %add3A_989, %add3A_996 : vector<16xf32>, vector<16xf32>, vector<16xf32>, vector<16xf32>, vector<16xf32>, vector<16xf32>, vector<16xf32>, vector<16xf32>
      }
      %scan3A_709 = arith.constant 2 : i32
      %scan3A_710 = arith.constant 0 : i32
      %scan3A_711 = arith.constant 23 : i32
      %scan3A_712 = arith.addi %scan3A_710, %scan3A_711 : i32
      %scan3A_713 = arith.constant 1 : i32
      %scan3A_714:8 = scf.for %scan3A_865 = %scan3A_710 to %scan3A_712 step %scan3A_713 iter_args(%scan3A_866 = %scan3A_708#0, %scan3A_867 = %scan3A_708#1, %scan3A_868 = %scan3A_708#2, %scan3A_869 = %scan3A_708#3, %scan3A_870 = %scan3A_708#4, %scan3A_871 = %scan3A_708#5, %scan3A_872 = %scan3A_708#6, %scan3A_873 = %scan3A_708#7) -> (vector<16xf32>, vector<16xf32>, vector<16xf32>, vector<16xf32>, vector<16xf32>, vector<16xf32>, vector<16xf32>, vector<16xf32>)  : i32 {
        %mul3A_874 = arith.constant 2 : i32
        %mul3A_875 = arith.muli %mul3A_874, %scan3A_865 : i32
        %add3A_876 = arith.constant 0 : i32
        %add3A_877 = arith.addi %add3A_876, %mul3A_875 : i32
        %add3A_878 = arith.constant 0 : i32
        %add3A_879 = arith.addi %add3A_877, %add3A_878 : i32
        %get3A = arith.constant 3 : i32
        %get3A_880 = arith.index_cast %get3A : i32 to index
        %get3A_881 = arith.index_cast %add3A_879 : i32 to index
        %get3A_882 = arith.constant 0 : index
        %get3A_883 = tpu.vector_load %arg10[%get3A_880, %get3A_881, %get3A_882] {strides = array<i32>} : memref<4x104x128xf32, #tpu.memory_space<vmem>>, vector<1x1x16xf32>,
        %get3A_884 = vector.shape_cast %get3A_883 : vector<1x1x16xf32> to vector<16xf32>
        %add3A_885 = arith.addf %scan3A_866, %get3A_884 : vector<16xf32>
        %get3A_886 = arith.constant 3 : i32
        %get3A_887 = arith.index_cast %get3A_886 : i32 to index
        %get3A_888 = arith.index_cast %add3A_879 : i32 to index
        %get3A_889 = arith.constant 16 : index
        %get3A_890 = tpu.vector_load %arg10[%get3A_887, %get3A_888, %get3A_889] {strides = array<i32>} : memref<4x104x128xf32, #tpu.memory_space<vmem>>, vector<1x1x16xf32>,
        %get3A_891 = vector.shape_cast %get3A_890 : vector<1x1x16xf32> to vector<16xf32>
        %add3A_892 = arith.addf %scan3A_867, %get3A_891 : vector<16xf32>
        %get3A_893 = arith.constant 3 : i32
        %get3A_894 = arith.index_cast %get3A_893 : i32 to index
        %get3A_895 = arith.index_cast %add3A_879 : i32 to index
        %get3A_896 = arith.constant 32 : index
        %get3A_897 = tpu.vector_load %arg10[%get3A_894, %get3A_895, %get3A_896] {strides = array<i32>} : memref<4x104x128xf32, #tpu.memory_space<vmem>>, vector<1x1x16xf32>,
        %get3A_898 = vector.shape_cast %get3A_897 : vector<1x1x16xf32> to vector<16xf32>
        %add3A_899 = arith.addf %scan3A_868, %get3A_898 : vector<16xf32>
        %get3A_900 = arith.constant 3 : i32
        %get3A_901 = arith.index_cast %get3A_900 : i32 to index
        %get3A_902 = arith.index_cast %add3A_879 : i32 to index
        %get3A_903 = arith.constant 48 : index
        %get3A_904 = tpu.vector_load %arg10[%get3A_901, %get3A_902, %get3A_903] {strides = array<i32>} : memref<4x104x128xf32, #tpu.memory_space<vmem>>, vector<1x1x16xf32>,
        %get3A_905 = vector.shape_cast %get3A_904 : vector<1x1x16xf32> to vector<16xf32>
        %add3A_906 = arith.addf %scan3A_869, %get3A_905 : vector<16xf32>
        %get3A_907 = arith.constant 3 : i32
        %get3A_908 = arith.index_cast %get3A_907 : i32 to index
        %get3A_909 = arith.index_cast %add3A_879 : i32 to index
        %get3A_910 = arith.constant 64 : index
        %get3A_911 = tpu.vector_load %arg10[%get3A_908, %get3A_909, %get3A_910] {strides = array<i32>} : memref<4x104x128xf32, #tpu.memory_space<vmem>>, vector<1x1x16xf32>,
        %get3A_912 = vector.shape_cast %get3A_911 : vector<1x1x16xf32> to vector<16xf32>
        %add3A_913 = arith.addf %scan3A_870, %get3A_912 : vector<16xf32>
        %get3A_914 = arith.constant 3 : i32
        %get3A_915 = arith.index_cast %get3A_914 : i32 to index
        %get3A_916 = arith.index_cast %add3A_879 : i32 to index
        %get3A_917 = arith.constant 80 : index
        %get3A_918 = tpu.vector_load %arg10[%get3A_915, %get3A_916, %get3A_917] {strides = array<i32>} : memref<4x104x128xf32, #tpu.memory_space<vmem>>, vector<1x1x16xf32>,
        %get3A_919 = vector.shape_cast %get3A_918 : vector<1x1x16xf32> to vector<16xf32>
        %add3A_920 = arith.addf %scan3A_871, %get3A_919 : vector<16xf32>
        %get3A_921 = arith.constant 3 : i32
        %get3A_922 = arith.index_cast %get3A_921 : i32 to index
        %get3A_923 = arith.index_cast %add3A_879 : i32 to index
        %get3A_924 = arith.constant 96 : index
        %get3A_925 = tpu.vector_load %arg10[%get3A_922, %get3A_923, %get3A_924] {strides = array<i32>} : memref<4x104x128xf32, #tpu.memory_space<vmem>>, vector<1x1x16xf32>,
        %get3A_926 = vector.shape_cast %get3A_925 : vector<1x1x16xf32> to vector<16xf32>
        %add3A_927 = arith.addf %scan3A_872, %get3A_926 : vector<16xf32>
        %get3A_928 = arith.constant 3 : i32
        %get3A_929 = arith.index_cast %get3A_928 : i32 to index
        %get3A_930 = arith.index_cast %add3A_879 : i32 to index
        %get3A_931 = arith.constant 112 : index
        %get3A_932 = tpu.vector_load %arg10[%get3A_929, %get3A_930, %get3A_931] {strides = array<i32>} : memref<4x104x128xf32, #tpu.memory_space<vmem>>, vector<1x1x16xf32>,
        %get3A_933 = vector.shape_cast %get3A_932 : vector<1x1x16xf32> to vector<16xf32>
        %add3A_934 = arith.addf %scan3A_873, %get3A_933 : vector<16xf32>
        %mul3A_935 = arith.constant 2 : i32
        %mul3A_936 = arith.muli %mul3A_935, %scan3A_865 : i32
        %add3A_937 = arith.constant 0 : i32
        %add3A_938 = arith.addi %add3A_937, %mul3A_936 : i32
        %add3A_939 = arith.constant 1 : i32
        %add3A_940 = arith.addi %add3A_938, %add3A_939 : i32
        %get3A_941 = arith.constant 3 : i32
        %get3A_942 = arith.index_cast %get3A_941 : i32 to index
        %get3A_943 = arith.index_cast %add3A_940 : i32 to index
        %get3A_944 = arith.constant 0 : index
        %get3A_945 = tpu.vector_load %arg10[%get3A_942, %get3A_943, %get3A_944] {strides = array<i32>} : memref<4x104x128xf32, #tpu.memory_space<vmem>>, vector<1x1x16xf32>,
        %get3A_946 = vector.shape_cast %get3A_945 : vector<1x1x16xf32> to vector<16xf32>
        %add3A_947 = arith.addf %add3A_885, %get3A_946 : vector<16xf32>
        %get3A_948 = arith.constant 3 : i32
        %get3A_949 = arith.index_cast %get3A_948 : i32 to index
        %get3A_950 = arith.index_cast %add3A_940 : i32 to index
        %get3A_951 = arith.constant 16 : index
        %get3A_952 = tpu.vector_load %arg10[%get3A_949, %get3A_950, %get3A_951] {strides = array<i32>} : memref<4x104x128xf32, #tpu.memory_space<vmem>>, vector<1x1x16xf32>,
        %get3A_953 = vector.shape_cast %get3A_952 : vector<1x1x16xf32> to vector<16xf32>
        %add3A_954 = arith.addf %add3A_892, %get3A_953 : vector<16xf32>
        %get3A_955 = arith.constant 3 : i32
        %get3A_956 = arith.index_cast %get3A_955 : i32 to index
        %get3A_957 = arith.index_cast %add3A_940 : i32 to index
        %get3A_958 = arith.constant 32 : index
        %get3A_959 = tpu.vector_load %arg10[%get3A_956, %get3A_957, %get3A_958] {strides = array<i32>} : memref<4x104x128xf32, #tpu.memory_space<vmem>>, vector<1x1x16xf32>,
        %get3A_960 = vector.shape_cast %get3A_959 : vector<1x1x16xf32> to vector<16xf32>
        %add3A_961 = arith.addf %add3A_899, %get3A_960 : vector<16xf32>
        %get3A_962 = arith.constant 3 : i32
        %get3A_963 = arith.index_cast %get3A_962 : i32 to index
        %get3A_964 = arith.index_cast %add3A_940 : i32 to index
        %get3A_965 = arith.constant 48 : index
        %get3A_966 = tpu.vector_load %arg10[%get3A_963, %get3A_964, %get3A_965] {strides = array<i32>} : memref<4x104x128xf32, #tpu.memory_space<vmem>>, vector<1x1x16xf32>,
        %get3A_967 = vector.shape_cast %get3A_966 : vector<1x1x16xf32> to vector<16xf32>
        %add3A_968 = arith.addf %add3A_906, %get3A_967 : vector<16xf32>
        %get3A_969 = arith.constant 3 : i32
        %get3A_970 = arith.index_cast %get3A_969 : i32 to index
        %get3A_971 = arith.index_cast %add3A_940 : i32 to index
        %get3A_972 = arith.constant 64 : index
        %get3A_973 = tpu.vector_load %arg10[%get3A_970, %get3A_971, %get3A_972] {strides = array<i32>} : memref<4x104x128xf32, #tpu.memory_space<vmem>>, vector<1x1x16xf32>,
        %get3A_974 = vector.shape_cast %get3A_973 : vector<1x1x16xf32> to vector<16xf32>
        %add3A_975 = arith.addf %add3A_913, %get3A_974 : vector<16xf32>
        %get3A_976 = arith.constant 3 : i32
        %get3A_977 = arith.index_cast %get3A_976 : i32 to index
        %get3A_978 = arith.index_cast %add3A_940 : i32 to index
        %get3A_979 = arith.constant 80 : index
        %get3A_980 = tpu.vector_load %arg10[%get3A_977, %get3A_978, %get3A_979] {strides = array<i32>} : memref<4x104x128xf32, #tpu.memory_space<vmem>>, vector<1x1x16xf32>,
        %get3A_981 = vector.shape_cast %get3A_980 : vector<1x1x16xf32> to vector<16xf32>
        %add3A_982 = arith.addf %add3A_920, %get3A_981 : vector<16xf32>
        %get3A_983 = arith.constant 3 : i32
        %get3A_984 = arith.index_cast %get3A_983 : i32 to index
        %get3A_985 = arith.index_cast %add3A_940 : i32 to index
        %get3A_986 = arith.constant 96 : index
        %get3A_987 = tpu.vector_load %arg10[%get3A_984, %get3A_985, %get3A_986] {strides = array<i32>} : memref<4x104x128xf32, #tpu.memory_space<vmem>>, vector<1x1x16xf32>,
        %get3A_988 = vector.shape_cast %get3A_987 : vector<1x1x16xf32> to vector<16xf32>
        %add3A_989 = arith.addf %add3A_927, %get3A_988 : vector<16xf32>
        %get3A_990 = arith.constant 3 : i32
        %get3A_991 = arith.index_cast %get3A_990 : i32 to index
        %get3A_992 = arith.index_cast %add3A_940 : i32 to index
        %get3A_993 = arith.constant 112 : index
        %get3A_994 = tpu.vector_load %arg10[%get3A_991, %get3A_992, %get3A_993] {strides = array<i32>} : memref<4x104x128xf32, #tpu.memory_space<vmem>>, vector<1x1x16xf32>,
        %get3A_995 = vector.shape_cast %get3A_994 : vector<1x1x16xf32> to vector<16xf32>
        %add3A_996 = arith.addf %add3A_934, %get3A_995 : vector<16xf32>
        scf.yield %add3A_947, %add3A_954, %add3A_961, %add3A_968, %add3A_975, %add3A_982, %add3A_989, %add3A_996 : vector<16xf32>, vector<16xf32>, vector<16xf32>, vector<16xf32>, vector<16xf32>, vector<16xf32>, vector<16xf32>, vector<16xf32>
      }
      %scan3A_715 = arith.constant 23 : i32
      %mul3A_716 = arith.constant 4 : i32
      %mul3A_717 = arith.muli %add3A_497, %mul3A_716 : i32
      %add3A_718 = arith.constant 2 : i32
      %add3A_719 = arith.addi %mul3A_717, %add3A_718 : i32
      %mul3A_720 = vector.broadcast %scan3A_53 : f32 to vector<16xf32>
      %mul3A_721 = arith.mulf %scan3A_714#0, %mul3A_720 : vector<16xf32>
      %swap3A_722 = arith.index_cast %add3A_719 : i32 to index
      %swap3A_723 = arith.constant 0 : index
      %swap3A_724 = tpu.vector_load %arg11[%swap3A_722, %swap3A_723] {strides = array<i32>} : memref<128x128xf32, #tpu.memory_space<vmem>>, vector<1x16xf32>,
      %swap3A_725 = vector.shape_cast %swap3A_724 : vector<1x16xf32> to vector<16xf32>
      %swap3A_726 = vector.shape_cast %mul3A_721 : vector<16xf32> to vector<1x16xf32>
      tpu.vector_store %arg11[%swap3A_722, %swap3A_723], %swap3A_726 {strides = array<i32>} : memref<128x128xf32, #tpu.memory_space<vmem>>, vector<1x16xf32>,
      %mul3A_727 = vector.broadcast %scan3A_53 : f32 to vector<16xf32>
      %mul3A_728 = arith.mulf %scan3A_714#1, %mul3A_727 : vector<16xf32>
      %swap3A_729 = arith.index_cast %add3A_719 : i32 to index
      %swap3A_730 = arith.constant 16 : index
      %swap3A_731 = tpu.vector_load %arg11[%swap3A_729, %swap3A_730] {strides = array<i32>} : memref<128x128xf32, #tpu.memory_space<vmem>>, vector<1x16xf32>,
      %swap3A_732 = vector.shape_cast %swap3A_731 : vector<1x16xf32> to vector<16xf32>
      %swap3A_733 = vector.shape_cast %mul3A_728 : vector<16xf32> to vector<1x16xf32>
      tpu.vector_store %arg11[%swap3A_729, %swap3A_730], %swap3A_733 {strides = array<i32>} : memref<128x128xf32, #tpu.memory_space<vmem>>, vector<1x16xf32>,
      %mul3A_734 = vector.broadcast %scan3A_53 : f32 to vector<16xf32>
      %mul3A_735 = arith.mulf %scan3A_714#2, %mul3A_734 : vector<16xf32>
      %swap3A_736 = arith.index_cast %add3A_719 : i32 to index
      %swap3A_737 = arith.constant 32 : index
      %swap3A_738 = tpu.vector_load %arg11[%swap3A_736, %swap3A_737] {strides = array<i32>} : memref<128x128xf32, #tpu.memory_space<vmem>>, vector<1x16xf32>,
      %swap3A_739 = vector.shape_cast %swap3A_738 : vector<1x16xf32> to vector<16xf32>
      %swap3A_740 = vector.shape_cast %mul3A_735 : vector<16xf32> to vector<1x16xf32>
      tpu.vector_store %arg11[%swap3A_736, %swap3A_737], %swap3A_740 {strides = array<i32>} : memref<128x128xf32, #tpu.memory_space<vmem>>, vector<1x16xf32>,
      %mul3A_741 = vector.broadcast %scan3A_53 : f32 to vector<16xf32>
      %mul3A_742 = arith.mulf %scan3A_714#3, %mul3A_741 : vector<16xf32>
      %swap3A_743 = arith.index_cast %add3A_719 : i32 to index
      %swap3A_744 = arith.constant 48 : index
      %swap3A_745 = tpu.vector_load %arg11[%swap3A_743, %swap3A_744] {strides = array<i32>} : memref<128x128xf32, #tpu.memory_space<vmem>>, vector<1x16xf32>,
      %swap3A_746 = vector.shape_cast %swap3A_745 : vector<1x16xf32> to vector<16xf32>
      %swap3A_747 = vector.shape_cast %mul3A_742 : vector<16xf32> to vector<1x16xf32>
      tpu.vector_store %arg11[%swap3A_743, %swap3A_744], %swap3A_747 {strides = array<i32>} : memref<128x128xf32, #tpu.memory_space<vmem>>, vector<1x16xf32>,
      %mul3A_748 = vector.broadcast %scan3A_53 : f32 to vector<16xf32>
      %mul3A_749 = arith.mulf %scan3A_714#4, %mul3A_748 : vector<16xf32>
      %swap3A_750 = arith.index_cast %add3A_719 : i32 to index
      %swap3A_751 = arith.constant 64 : index
      %swap3A_752 = tpu.vector_load %arg11[%swap3A_750, %swap3A_751] {strides = array<i32>} : memref<128x128xf32, #tpu.memory_space<vmem>>, vector<1x16xf32>,
      %swap3A_753 = vector.shape_cast %swap3A_752 : vector<1x16xf32> to vector<16xf32>
      %swap3A_754 = vector.shape_cast %mul3A_749 : vector<16xf32> to vector<1x16xf32>
      tpu.vector_store %arg11[%swap3A_750, %swap3A_751], %swap3A_754 {strides = array<i32>} : memref<128x128xf32, #tpu.memory_space<vmem>>, vector<1x16xf32>,
      %mul3A_755 = vector.broadcast %scan3A_53 : f32 to vector<16xf32>
      %mul3A_756 = arith.mulf %scan3A_714#5, %mul3A_755 : vector<16xf32>
      %swap3A_757 = arith.index_cast %add3A_719 : i32 to index
      %swap3A_758 = arith.constant 80 : index
      %swap3A_759 = tpu.vector_load %arg11[%swap3A_757, %swap3A_758] {strides = array<i32>} : memref<128x128xf32, #tpu.memory_space<vmem>>, vector<1x16xf32>,
      %swap3A_760 = vector.shape_cast %swap3A_759 : vector<1x16xf32> to vector<16xf32>
      %swap3A_761 = vector.shape_cast %mul3A_756 : vector<16xf32> to vector<1x16xf32>
      tpu.vector_store %arg11[%swap3A_757, %swap3A_758], %swap3A_761 {strides = array<i32>} : memref<128x128xf32, #tpu.memory_space<vmem>>, vector<1x16xf32>,
      %mul3A_762 = vector.broadcast %scan3A_53 : f32 to vector<16xf32>
      %mul3A_763 = arith.mulf %scan3A_714#6, %mul3A_762 : vector<16xf32>
      %swap3A_764 = arith.index_cast %add3A_719 : i32 to index
      %swap3A_765 = arith.constant 96 : index
      %swap3A_766 = tpu.vector_load %arg11[%swap3A_764, %swap3A_765] {strides = array<i32>} : memref<128x128xf32, #tpu.memory_space<vmem>>, vector<1x16xf32>,
      %swap3A_767 = vector.shape_cast %swap3A_766 : vector<1x16xf32> to vector<16xf32>
      %swap3A_768 = vector.shape_cast %mul3A_763 : vector<16xf32> to vector<1x16xf32>
      tpu.vector_store %arg11[%swap3A_764, %swap3A_765], %swap3A_768 {strides = array<i32>} : memref<128x128xf32, #tpu.memory_space<vmem>>, vector<1x16xf32>,
      %mul3A_769 = vector.broadcast %scan3A_53 : f32 to vector<16xf32>
      %mul3A_770 = arith.mulf %scan3A_714#7, %mul3A_769 : vector<16xf32>
      %swap3A_771 = arith.index_cast %add3A_719 : i32 to index
      %swap3A_772 = arith.constant 112 : index
      %swap3A_773 = tpu.vector_load %arg11[%swap3A_771, %swap3A_772] {strides = array<i32>} : memref<128x128xf32, #tpu.memory_space<vmem>>, vector<1x16xf32>,
      %swap3A_774 = vector.shape_cast %swap3A_773 : vector<1x16xf32> to vector<16xf32>
      %swap3A_775 = vector.shape_cast %mul3A_770 : vector<16xf32> to vector<1x16xf32>
      tpu.vector_store %arg11[%swap3A_771, %swap3A_772], %swap3A_775 {strides = array<i32>} : memref<128x128xf32, #tpu.memory_space<vmem>>, vector<1x16xf32>,
      %broadcast_in_dim3A_776 = arith.constant 0.000000e+00 : f32
      %broadcast_in_dim3A_777 = vector.broadcast %broadcast_in_dim3A_776 : f32 to vector<16xf32>
      %broadcast_in_dim3A_778 = arith.constant 0.000000e+00 : f32
      %broadcast_in_dim3A_779 = vector.broadcast %broadcast_in_dim3A_778 : f32 to vector<16xf32>
      %broadcast_in_dim3A_780 = arith.constant 0.000000e+00 : f32
      %broadcast_in_dim3A_781 = vector.broadcast %broadcast_in_dim3A_780 : f32 to vector<16xf32>
      %broadcast_in_dim3A_782 = arith.constant 0.000000e+00 : f32
      %broadcast_in_dim3A_783 = vector.broadcast %broadcast_in_dim3A_782 : f32 to vector<16xf32>
      %broadcast_in_dim3A_784 = arith.constant 0.000000e+00 : f32
      %broadcast_in_dim3A_785 = vector.broadcast %broadcast_in_dim3A_784 : f32 to vector<16xf32>
      %broadcast_in_dim3A_786 = arith.constant 0.000000e+00 : f32
      %broadcast_in_dim3A_787 = vector.broadcast %broadcast_in_dim3A_786 : f32 to vector<16xf32>
      %broadcast_in_dim3A_788 = arith.constant 0.000000e+00 : f32
      %broadcast_in_dim3A_789 = vector.broadcast %broadcast_in_dim3A_788 : f32 to vector<16xf32>
      %broadcast_in_dim3A_790 = arith.constant 0.000000e+00 : f32
      %broadcast_in_dim3A_791 = vector.broadcast %broadcast_in_dim3A_790 : f32 to vector<16xf32>
      %scan3A_792 = arith.constant 0 : i32
      %scan3A_793 = arith.constant 25 : i32
      %scan3A_794 = arith.addi %scan3A_792, %scan3A_793 : i32
      %scan3A_795 = arith.constant 1 : i32
      %scan3A_796:8 = scf.for %scan3A_865 = %scan3A_792 to %scan3A_794 step %scan3A_795 iter_args(%scan3A_866 = %broadcast_in_dim3A_777, %scan3A_867 = %broadcast_in_dim3A_779, %scan3A_868 = %broadcast_in_dim3A_781, %scan3A_869 = %broadcast_in_dim3A_783, %scan3A_870 = %broadcast_in_dim3A_785, %scan3A_871 = %broadcast_in_dim3A_787, %scan3A_872 = %broadcast_in_dim3A_789, %scan3A_873 = %broadcast_in_dim3A_791) -> (vector<16xf32>, vector<16xf32>, vector<16xf32>, vector<16xf32>, vector<16xf32>, vector<16xf32>, vector<16xf32>, vector<16xf32>)  : i32 {
        %mul3A_874 = arith.constant 2 : i32
        %mul3A_875 = arith.muli %mul3A_874, %scan3A_865 : i32
        %add3A_876 = arith.constant 46 : i32
        %add3A_877 = arith.addi %add3A_876, %mul3A_875 : i32
        %add3A_878 = arith.constant 0 : i32
        %add3A_879 = arith.addi %add3A_877, %add3A_878 : i32
        %get3A = arith.constant 3 : i32
        %get3A_880 = arith.index_cast %get3A : i32 to index
        %get3A_881 = arith.index_cast %add3A_879 : i32 to index
        %get3A_882 = arith.constant 0 : index
        %get3A_883 = tpu.vector_load %arg10[%get3A_880, %get3A_881, %get3A_882] {strides = array<i32>} : memref<4x104x128xf32, #tpu.memory_space<vmem>>, vector<1x1x16xf32>,
        %get3A_884 = vector.shape_cast %get3A_883 : vector<1x1x16xf32> to vector<16xf32>
        %add3A_885 = arith.addf %scan3A_866, %get3A_884 : vector<16xf32>
        %get3A_886 = arith.constant 3 : i32
        %get3A_887 = arith.index_cast %get3A_886 : i32 to index
        %get3A_888 = arith.index_cast %add3A_879 : i32 to index
        %get3A_889 = arith.constant 16 : index
        %get3A_890 = tpu.vector_load %arg10[%get3A_887, %get3A_888, %get3A_889] {strides = array<i32>} : memref<4x104x128xf32, #tpu.memory_space<vmem>>, vector<1x1x16xf32>,
        %get3A_891 = vector.shape_cast %get3A_890 : vector<1x1x16xf32> to vector<16xf32>
        %add3A_892 = arith.addf %scan3A_867, %get3A_891 : vector<16xf32>
        %get3A_893 = arith.constant 3 : i32
        %get3A_894 = arith.index_cast %get3A_893 : i32 to index
        %get3A_895 = arith.index_cast %add3A_879 : i32 to index
        %get3A_896 = arith.constant 32 : index
        %get3A_897 = tpu.vector_load %arg10[%get3A_894, %get3A_895, %get3A_896] {strides = array<i32>} : memref<4x104x128xf32, #tpu.memory_space<vmem>>, vector<1x1x16xf32>,
        %get3A_898 = vector.shape_cast %get3A_897 : vector<1x1x16xf32> to vector<16xf32>
        %add3A_899 = arith.addf %scan3A_868, %get3A_898 : vector<16xf32>
        %get3A_900 = arith.constant 3 : i32
        %get3A_901 = arith.index_cast %get3A_900 : i32 to index
        %get3A_902 = arith.index_cast %add3A_879 : i32 to index
        %get3A_903 = arith.constant 48 : index
        %get3A_904 = tpu.vector_load %arg10[%get3A_901, %get3A_902, %get3A_903] {strides = array<i32>} : memref<4x104x128xf32, #tpu.memory_space<vmem>>, vector<1x1x16xf32>,
        %get3A_905 = vector.shape_cast %get3A_904 : vector<1x1x16xf32> to vector<16xf32>
        %add3A_906 = arith.addf %scan3A_869, %get3A_905 : vector<16xf32>
        %get3A_907 = arith.constant 3 : i32
        %get3A_908 = arith.index_cast %get3A_907 : i32 to index
        %get3A_909 = arith.index_cast %add3A_879 : i32 to index
        %get3A_910 = arith.constant 64 : index
        %get3A_911 = tpu.vector_load %arg10[%get3A_908, %get3A_909, %get3A_910] {strides = array<i32>} : memref<4x104x128xf32, #tpu.memory_space<vmem>>, vector<1x1x16xf32>,
        %get3A_912 = vector.shape_cast %get3A_911 : vector<1x1x16xf32> to vector<16xf32>
        %add3A_913 = arith.addf %scan3A_870, %get3A_912 : vector<16xf32>
        %get3A_914 = arith.constant 3 : i32
        %get3A_915 = arith.index_cast %get3A_914 : i32 to index
        %get3A_916 = arith.index_cast %add3A_879 : i32 to index
        %get3A_917 = arith.constant 80 : index
        %get3A_918 = tpu.vector_load %arg10[%get3A_915, %get3A_916, %get3A_917] {strides = array<i32>} : memref<4x104x128xf32, #tpu.memory_space<vmem>>, vector<1x1x16xf32>,
        %get3A_919 = vector.shape_cast %get3A_918 : vector<1x1x16xf32> to vector<16xf32>
        %add3A_920 = arith.addf %scan3A_871, %get3A_919 : vector<16xf32>
        %get3A_921 = arith.constant 3 : i32
        %get3A_922 = arith.index_cast %get3A_921 : i32 to index
        %get3A_923 = arith.index_cast %add3A_879 : i32 to index
        %get3A_924 = arith.constant 96 : index
        %get3A_925 = tpu.vector_load %arg10[%get3A_922, %get3A_923, %get3A_924] {strides = array<i32>} : memref<4x104x128xf32, #tpu.memory_space<vmem>>, vector<1x1x16xf32>,
        %get3A_926 = vector.shape_cast %get3A_925 : vector<1x1x16xf32> to vector<16xf32>
        %add3A_927 = arith.addf %scan3A_872, %get3A_926 : vector<16xf32>
        %get3A_928 = arith.constant 3 : i32
        %get3A_929 = arith.index_cast %get3A_928 : i32 to index
        %get3A_930 = arith.index_cast %add3A_879 : i32 to index
        %get3A_931 = arith.constant 112 : index
        %get3A_932 = tpu.vector_load %arg10[%get3A_929, %get3A_930, %get3A_931] {strides = array<i32>} : memref<4x104x128xf32, #tpu.memory_space<vmem>>, vector<1x1x16xf32>,
        %get3A_933 = vector.shape_cast %get3A_932 : vector<1x1x16xf32> to vector<16xf32>
        %add3A_934 = arith.addf %scan3A_873, %get3A_933 : vector<16xf32>
        %mul3A_935 = arith.constant 2 : i32
        %mul3A_936 = arith.muli %mul3A_935, %scan3A_865 : i32
        %add3A_937 = arith.constant 46 : i32
        %add3A_938 = arith.addi %add3A_937, %mul3A_936 : i32
        %add3A_939 = arith.constant 1 : i32
        %add3A_940 = arith.addi %add3A_938, %add3A_939 : i32
        %get3A_941 = arith.constant 3 : i32
        %get3A_942 = arith.index_cast %get3A_941 : i32 to index
        %get3A_943 = arith.index_cast %add3A_940 : i32 to index
        %get3A_944 = arith.constant 0 : index
        %get3A_945 = tpu.vector_load %arg10[%get3A_942, %get3A_943, %get3A_944] {strides = array<i32>} : memref<4x104x128xf32, #tpu.memory_space<vmem>>, vector<1x1x16xf32>,
        %get3A_946 = vector.shape_cast %get3A_945 : vector<1x1x16xf32> to vector<16xf32>
        %add3A_947 = arith.addf %add3A_885, %get3A_946 : vector<16xf32>
        %get3A_948 = arith.constant 3 : i32
        %get3A_949 = arith.index_cast %get3A_948 : i32 to index
        %get3A_950 = arith.index_cast %add3A_940 : i32 to index
        %get3A_951 = arith.constant 16 : index
        %get3A_952 = tpu.vector_load %arg10[%get3A_949, %get3A_950, %get3A_951] {strides = array<i32>} : memref<4x104x128xf32, #tpu.memory_space<vmem>>, vector<1x1x16xf32>,
        %get3A_953 = vector.shape_cast %get3A_952 : vector<1x1x16xf32> to vector<16xf32>
        %add3A_954 = arith.addf %add3A_892, %get3A_953 : vector<16xf32>
        %get3A_955 = arith.constant 3 : i32
        %get3A_956 = arith.index_cast %get3A_955 : i32 to index
        %get3A_957 = arith.index_cast %add3A_940 : i32 to index
        %get3A_958 = arith.constant 32 : index
        %get3A_959 = tpu.vector_load %arg10[%get3A_956, %get3A_957, %get3A_958] {strides = array<i32>} : memref<4x104x128xf32, #tpu.memory_space<vmem>>, vector<1x1x16xf32>,
        %get3A_960 = vector.shape_cast %get3A_959 : vector<1x1x16xf32> to vector<16xf32>
        %add3A_961 = arith.addf %add3A_899, %get3A_960 : vector<16xf32>
        %get3A_962 = arith.constant 3 : i32
        %get3A_963 = arith.index_cast %get3A_962 : i32 to index
        %get3A_964 = arith.index_cast %add3A_940 : i32 to index
        %get3A_965 = arith.constant 48 : index
        %get3A_966 = tpu.vector_load %arg10[%get3A_963, %get3A_964, %get3A_965] {strides = array<i32>} : memref<4x104x128xf32, #tpu.memory_space<vmem>>, vector<1x1x16xf32>,
        %get3A_967 = vector.shape_cast %get3A_966 : vector<1x1x16xf32> to vector<16xf32>
        %add3A_968 = arith.addf %add3A_906, %get3A_967 : vector<16xf32>
        %get3A_969 = arith.constant 3 : i32
        %get3A_970 = arith.index_cast %get3A_969 : i32 to index
        %get3A_971 = arith.index_cast %add3A_940 : i32 to index
        %get3A_972 = arith.constant 64 : index
        %get3A_973 = tpu.vector_load %arg10[%get3A_970, %get3A_971, %get3A_972] {strides = array<i32>} : memref<4x104x128xf32, #tpu.memory_space<vmem>>, vector<1x1x16xf32>,
        %get3A_974 = vector.shape_cast %get3A_973 : vector<1x1x16xf32> to vector<16xf32>
        %add3A_975 = arith.addf %add3A_913, %get3A_974 : vector<16xf32>
        %get3A_976 = arith.constant 3 : i32
        %get3A_977 = arith.index_cast %get3A_976 : i32 to index
        %get3A_978 = arith.index_cast %add3A_940 : i32 to index
        %get3A_979 = arith.constant 80 : index
        %get3A_980 = tpu.vector_load %arg10[%get3A_977, %get3A_978, %get3A_979] {strides = array<i32>} : memref<4x104x128xf32, #tpu.memory_space<vmem>>, vector<1x1x16xf32>,
        %get3A_981 = vector.shape_cast %get3A_980 : vector<1x1x16xf32> to vector<16xf32>
        %add3A_982 = arith.addf %add3A_920, %get3A_981 : vector<16xf32>
        %get3A_983 = arith.constant 3 : i32
        %get3A_984 = arith.index_cast %get3A_983 : i32 to index
        %get3A_985 = arith.index_cast %add3A_940 : i32 to index
        %get3A_986 = arith.constant 96 : index
        %get3A_987 = tpu.vector_load %arg10[%get3A_984, %get3A_985, %get3A_986] {strides = array<i32>} : memref<4x104x128xf32, #tpu.memory_space<vmem>>, vector<1x1x16xf32>,
        %get3A_988 = vector.shape_cast %get3A_987 : vector<1x1x16xf32> to vector<16xf32>
        %add3A_989 = arith.addf %add3A_927, %get3A_988 : vector<16xf32>
        %get3A_990 = arith.constant 3 : i32
        %get3A_991 = arith.index_cast %get3A_990 : i32 to index
        %get3A_992 = arith.index_cast %add3A_940 : i32 to index
        %get3A_993 = arith.constant 112 : index
        %get3A_994 = tpu.vector_load %arg10[%get3A_991, %get3A_992, %get3A_993] {strides = array<i32>} : memref<4x104x128xf32, #tpu.memory_space<vmem>>, vector<1x1x16xf32>,
        %get3A_995 = vector.shape_cast %get3A_994 : vector<1x1x16xf32> to vector<16xf32>
        %add3A_996 = arith.addf %add3A_934, %get3A_995 : vector<16xf32>
        scf.yield %add3A_947, %add3A_954, %add3A_961, %add3A_968, %add3A_975, %add3A_982, %add3A_989, %add3A_996 : vector<16xf32>, vector<16xf32>, vector<16xf32>, vector<16xf32>, vector<16xf32>, vector<16xf32>, vector<16xf32>, vector<16xf32>
      }
      %scan3A_797 = arith.constant 25 : i32
      %mul3A_798 = arith.constant 4 : i32
      %mul3A_799 = arith.muli %add3A_497, %mul3A_798 : i32
      %add3A_800 = arith.constant 3 : i32
      %add3A_801 = arith.addi %mul3A_799, %add3A_800 : i32
      %mul3A_802 = vector.broadcast %scan3A_53 : f32 to vector<16xf32>
      %mul3A_803 = arith.mulf %scan3A_796#0, %mul3A_802 : vector<16xf32>
      %swap3A_804 = arith.index_cast %add3A_801 : i32 to index
      %swap3A_805 = arith.constant 0 : index
      %swap3A_806 = tpu.vector_load %arg11[%swap3A_804, %swap3A_805] {strides = array<i32>} : memref<128x128xf32, #tpu.memory_space<vmem>>, vector<1x16xf32>,
      %swap3A_807 = vector.shape_cast %swap3A_806 : vector<1x16xf32> to vector<16xf32>
      %swap3A_808 = vector.shape_cast %mul3A_803 : vector<16xf32> to vector<1x16xf32>
      tpu.vector_store %arg11[%swap3A_804, %swap3A_805], %swap3A_808 {strides = array<i32>} : memref<128x128xf32, #tpu.memory_space<vmem>>, vector<1x16xf32>,
      %mul3A_809 = vector.broadcast %scan3A_53 : f32 to vector<16xf32>
      %mul3A_810 = arith.mulf %scan3A_796#1, %mul3A_809 : vector<16xf32>
      %swap3A_811 = arith.index_cast %add3A_801 : i32 to index
      %swap3A_812 = arith.constant 16 : index
      %swap3A_813 = tpu.vector_load %arg11[%swap3A_811, %swap3A_812] {strides = array<i32>} : memref<128x128xf32, #tpu.memory_space<vmem>>, vector<1x16xf32>,
      %swap3A_814 = vector.shape_cast %swap3A_813 : vector<1x16xf32> to vector<16xf32>
      %swap3A_815 = vector.shape_cast %mul3A_810 : vector<16xf32> to vector<1x16xf32>
      tpu.vector_store %arg11[%swap3A_811, %swap3A_812], %swap3A_815 {strides = array<i32>} : memref<128x128xf32, #tpu.memory_space<vmem>>, vector<1x16xf32>,
      %mul3A_816 = vector.broadcast %scan3A_53 : f32 to vector<16xf32>
      %mul3A_817 = arith.mulf %scan3A_796#2, %mul3A_816 : vector<16xf32>
      %swap3A_818 = arith.index_cast %add3A_801 : i32 to index
      %swap3A_819 = arith.constant 32 : index
      %swap3A_820 = tpu.vector_load %arg11[%swap3A_818, %swap3A_819] {strides = array<i32>} : memref<128x128xf32, #tpu.memory_space<vmem>>, vector<1x16xf32>,
      %swap3A_821 = vector.shape_cast %swap3A_820 : vector<1x16xf32> to vector<16xf32>
      %swap3A_822 = vector.shape_cast %mul3A_817 : vector<16xf32> to vector<1x16xf32>
      tpu.vector_store %arg11[%swap3A_818, %swap3A_819], %swap3A_822 {strides = array<i32>} : memref<128x128xf32, #tpu.memory_space<vmem>>, vector<1x16xf32>,
      %mul3A_823 = vector.broadcast %scan3A_53 : f32 to vector<16xf32>
      %mul3A_824 = arith.mulf %scan3A_796#3, %mul3A_823 : vector<16xf32>
      %swap3A_825 = arith.index_cast %add3A_801 : i32 to index
      %swap3A_826 = arith.constant 48 : index
      %swap3A_827 = tpu.vector_load %arg11[%swap3A_825, %swap3A_826] {strides = array<i32>} : memref<128x128xf32, #tpu.memory_space<vmem>>, vector<1x16xf32>,
      %swap3A_828 = vector.shape_cast %swap3A_827 : vector<1x16xf32> to vector<16xf32>
      %swap3A_829 = vector.shape_cast %mul3A_824 : vector<16xf32> to vector<1x16xf32>
      tpu.vector_store %arg11[%swap3A_825, %swap3A_826], %swap3A_829 {strides = array<i32>} : memref<128x128xf32, #tpu.memory_space<vmem>>, vector<1x16xf32>,
      %mul3A_830 = vector.broadcast %scan3A_53 : f32 to vector<16xf32>
      %mul3A_831 = arith.mulf %scan3A_796#4, %mul3A_830 : vector<16xf32>
      %swap3A_832 = arith.index_cast %add3A_801 : i32 to index
      %swap3A_833 = arith.constant 64 : index
      %swap3A_834 = tpu.vector_load %arg11[%swap3A_832, %swap3A_833] {strides = array<i32>} : memref<128x128xf32, #tpu.memory_space<vmem>>, vector<1x16xf32>,
      %swap3A_835 = vector.shape_cast %swap3A_834 : vector<1x16xf32> to vector<16xf32>
      %swap3A_836 = vector.shape_cast %mul3A_831 : vector<16xf32> to vector<1x16xf32>
      tpu.vector_store %arg11[%swap3A_832, %swap3A_833], %swap3A_836 {strides = array<i32>} : memref<128x128xf32, #tpu.memory_space<vmem>>, vector<1x16xf32>,
      %mul3A_837 = vector.broadcast %scan3A_53 : f32 to vector<16xf32>
      %mul3A_838 = arith.mulf %scan3A_796#5, %mul3A_837 : vector<16xf32>
      %swap3A_839 = arith.index_cast %add3A_801 : i32 to index
      %swap3A_840 = arith.constant 80 : index
      %swap3A_841 = tpu.vector_load %arg11[%swap3A_839, %swap3A_840] {strides = array<i32>} : memref<128x128xf32, #tpu.memory_space<vmem>>, vector<1x16xf32>,
      %swap3A_842 = vector.shape_cast %swap3A_841 : vector<1x16xf32> to vector<16xf32>
      %swap3A_843 = vector.shape_cast %mul3A_838 : vector<16xf32> to vector<1x16xf32>
      tpu.vector_store %arg11[%swap3A_839, %swap3A_840], %swap3A_843 {strides = array<i32>} : memref<128x128xf32, #tpu.memory_space<vmem>>, vector<1x16xf32>,
      %mul3A_844 = vector.broadcast %scan3A_53 : f32 to vector<16xf32>
      %mul3A_845 = arith.mulf %scan3A_796#6, %mul3A_844 : vector<16xf32>
      %swap3A_846 = arith.index_cast %add3A_801 : i32 to index
      %swap3A_847 = arith.constant 96 : index
      %swap3A_848 = tpu.vector_load %arg11[%swap3A_846, %swap3A_847] {strides = array<i32>} : memref<128x128xf32, #tpu.memory_space<vmem>>, vector<1x16xf32>,
      %swap3A_849 = vector.shape_cast %swap3A_848 : vector<1x16xf32> to vector<16xf32>
      %swap3A_850 = vector.shape_cast %mul3A_845 : vector<16xf32> to vector<1x16xf32>
      tpu.vector_store %arg11[%swap3A_846, %swap3A_847], %swap3A_850 {strides = array<i32>} : memref<128x128xf32, #tpu.memory_space<vmem>>, vector<1x16xf32>,
      %mul3A_851 = vector.broadcast %scan3A_53 : f32 to vector<16xf32>
      %mul3A_852 = arith.mulf %scan3A_796#7, %mul3A_851 : vector<16xf32>
      %swap3A_853 = arith.index_cast %add3A_801 : i32 to index
      %swap3A_854 = arith.constant 112 : index
      %swap3A_855 = tpu.vector_load %arg11[%swap3A_853, %swap3A_854] {strides = array<i32>} : memref<128x128xf32, #tpu.memory_space<vmem>>, vector<1x16xf32>,
      %swap3A_856 = vector.shape_cast %swap3A_855 : vector<1x16xf32> to vector<16xf32>
      %swap3A_857 = vector.shape_cast %mul3A_852 : vector<16xf32> to vector<1x16xf32>
      tpu.vector_store %arg11[%swap3A_853, %swap3A_854], %swap3A_857 {strides = array<i32>} : memref<128x128xf32, #tpu.memory_space<vmem>>, vector<1x16xf32>,
      %add3A_858 = arith.constant 2 : i32
      %add3A_859 = arith.addi %add3A_497, %add3A_858 : i32
      %lt3A_860 = arith.constant 32 : i32
      %lt3A_861 = arith.cmpi slt, %add3A_859, %lt3A_860 : i32
      %convert_element_type3A_862 = arith.extui %lt3A_861 : i1 to i32
      %cond3A_863 = arith.constant 0 : i32
      %cond3A_864 = arith.cmpi ne, %convert_element_type3A_862, %cond3A_863 : i32
      scf.if %cond3A_864 {
        %add3A_865 = arith.constant 2 : i32
        %add3A_866 = arith.addi %add3A_497, %add3A_865 : i32
        %mul3A_867 = arith.constant 200 : i32
        %mul3A_868 = arith.muli %add3A_866, %mul3A_867 : i32
        %multiple_of3A_869 = tpu.assume_multiple %mul3A_868, 8 : i32
        %mul3A_870 = arith.constant 200 : i32
        %mul3A_871 = arith.muli %add3A_866, %mul3A_870 : i32
        %add3A_872 = arith.constant 104 : i32
        %add3A_873 = arith.addi %mul3A_871, %add3A_872 : i32
        %multiple_of3A_874 = tpu.assume_multiple %add3A_873, 8 : i32
        %dma_start3A_875 = arith.constant 2 : i32
        %dma_start3A_876 = arith.constant 0 : i32
        %dma_start3A_877 = arith.constant 0 : i32
        %dma_start3A_878 = tpu.memref_slice %arg10[%dma_start3A_875, %dma_start3A_876, %dma_start3A_877] : memref<4x104x128xf32, #tpu.memory_space<vmem>> -> memref<1x104x128xf32, #tpu.memory_space<vmem>>
        %dma_start3A_879 = tpu.memref_squeeze %dma_start3A_878 : memref<1x104x128xf32, #tpu.memory_space<vmem>> -> memref<104x128xf32, #tpu.memory_space<vmem>>
        %dma_start3A_880 = tpu.memref_slice %arg9[%multiple_of3A_869] : memref<6400xi32, #tpu.memory_space<vmem>> -> memref<104xi32, #tpu.memory_space<vmem>>
        %dma_start3A_881 = arith.constant 0 : i32
        %dma_start3A_882 = arith.constant 0 : i32
        %dma_start3A_883 = tpu.memref_slice %arg8[%dma_start3A_881, %dma_start3A_882] : memref<5000x128xf32, #tpu.memory_space<vmem_shared>> -> memref<5000x128xf32, #tpu.memory_space<vmem_shared>>
        tpu.enqueue_indirect_dma source(%dma_start3A_883 : memref<5000x128xf32, #tpu.memory_space<vmem_shared>>) target(%dma_start3A_879 : memref<104x128xf32, #tpu.memory_space<vmem>>) offsets(%dma_start3A_880 : memref<104xi32, #tpu.memory_space<vmem>>) semaphore(%arg14 : memref<!tpu.dma_semaphore, #tpu.memory_space<semaphore_mem>>)
        %dma_start3A_884 = arith.constant 3 : i32
        %dma_start3A_885 = arith.constant 0 : i32
        %dma_start3A_886 = arith.constant 0 : i32
        %dma_start3A_887 = tpu.memref_slice %arg10[%dma_start3A_884, %dma_start3A_885, %dma_start3A_886] : memref<4x104x128xf32, #tpu.memory_space<vmem>> -> memref<1x96x128xf32, #tpu.memory_space<vmem>>
        %dma_start3A_888 = tpu.memref_squeeze %dma_start3A_887 : memref<1x96x128xf32, #tpu.memory_space<vmem>> -> memref<96x128xf32, #tpu.memory_space<vmem>>
        %dma_start3A_889 = tpu.memref_slice %arg9[%multiple_of3A_874] : memref<6400xi32, #tpu.memory_space<vmem>> -> memref<96xi32, #tpu.memory_space<vmem>>
        %dma_start3A_890 = arith.constant 0 : i32
        %dma_start3A_891 = arith.constant 0 : i32
        %dma_start3A_892 = tpu.memref_slice %arg8[%dma_start3A_890, %dma_start3A_891] : memref<5000x128xf32, #tpu.memory_space<vmem_shared>> -> memref<5000x128xf32, #tpu.memory_space<vmem_shared>>
        tpu.enqueue_indirect_dma source(%dma_start3A_892 : memref<5000x128xf32, #tpu.memory_space<vmem_shared>>) target(%dma_start3A_888 : memref<96x128xf32, #tpu.memory_space<vmem>>) offsets(%dma_start3A_889 : memref<96xi32, #tpu.memory_space<vmem>>) semaphore(%arg15 : memref<!tpu.dma_semaphore, #tpu.memory_space<semaphore_mem>>)
      } else {
      }
    }
    %scan3A_58 = arith.constant 16 : i32
    "tpu.region"() ({
      %run_scoped3A = tpu.sem_alloc : memref<!tpu.dma_semaphore, #tpu.memory_space<semaphore_mem>>
      %dma_start3A_125 = arith.constant 0 : i32
      %dma_start3A_126 = tpu.memref_slice %arg6[%mul3A_2, %dma_start3A_125] : memref<4096x128xf32, #tpu.memory_space<hbm>> -> memref<128x128xf32, #tpu.memory_space<hbm>>
      %dma_start3A_127 = arith.constant 0 : i32
      %dma_start3A_128 = tpu.memref_slice %arg6[%mul3A_2, %dma_start3A_127] : memref<4096x128xf32, #tpu.memory_space<hbm>> -> memref<128x128xf32, #tpu.memory_space<hbm>>
      tpu.enqueue_dma source(%arg11 : memref<128x128xf32, #tpu.memory_space<vmem>>) target(%dma_start3A_128 : memref<128x128xf32, #tpu.memory_space<hbm>>) target_semaphore(%run_scoped3A : memref<!tpu.dma_semaphore, #tpu.memory_space<semaphore_mem>>)
      %dma_wait3A = arith.constant 0 : i32
      %dma_wait3A_129 = tpu.memref_slice %arg6[%mul3A_2, %dma_wait3A] : memref<4096x128xf32, #tpu.memory_space<hbm>> -> memref<128x128xf32, #tpu.memory_space<hbm>>
      %dma_wait3A_130 = arith.constant 0 : i32
      %dma_wait3A_131 = tpu.memref_slice %arg6[%mul3A_2, %dma_wait3A_130] : memref<4096x128xf32, #tpu.memory_space<hbm>> -> memref<128x128xf32, #tpu.memory_space<hbm>>
      tpu.wait_dma2 semaphore(%run_scoped3A : memref<!tpu.dma_semaphore, #tpu.memory_space<semaphore_mem>>) src(%arg11 : memref<128x128xf32, #tpu.memory_space<vmem>>) dst(%dma_wait3A_131 : memref<128x128xf32, #tpu.memory_space<hbm>>)
      tpu.yield
    }) : () -> ()
    %barrier3A_59 = arith.constant 0 : index
    tpu.barrier barrier_id(%barrier3A_59)
    %lt3A_60 = arith.constant 15 : i32
    %lt3A_61 = arith.cmpi slt, %arg1, %lt3A_60 : i32
    %convert_element_type3A_62 = arith.extui %lt3A_61 : i1 to i32
    %cond3A_63 = arith.constant 0 : i32
    %cond3A_64 = arith.cmpi ne, %convert_element_type3A_62, %cond3A_63 : i32
    scf.if %cond3A_64 {
      %mul3A_125 = arith.constant 312 : i32
      %mul3A_126 = arith.muli %arg1, %mul3A_125 : i32
      "tpu.region"() ({
        %run_scoped3A = tpu.sem_alloc : memref<!tpu.dma_semaphore, #tpu.memory_space<semaphore_mem>>
        %dma_start3A_127 = arith.constant 0 : i32
        %dma_start3A_128 = tpu.memref_slice %arg8[%mul3A_126, %dma_start3A_127] : memref<5000x128xf32, #tpu.memory_space<vmem_shared>> -> memref<312x128xf32, #tpu.memory_space<vmem_shared>>
        %dma_start3A_129 = arith.constant 0 : i32
        %dma_start3A_130 = tpu.memref_slice %arg5[%mul3A_126, %dma_start3A_129] : memref<5000x128xf32, #tpu.memory_space<hbm>> -> memref<312x128xf32, #tpu.memory_space<hbm>>
        tpu.enqueue_dma source(%dma_start3A_130 : memref<312x128xf32, #tpu.memory_space<hbm>>) target(%dma_start3A_128 : memref<312x128xf32, #tpu.memory_space<vmem_shared>>) target_semaphore(%run_scoped3A : memref<!tpu.dma_semaphore, #tpu.memory_space<semaphore_mem>>)
        %dma_wait3A = arith.constant 0 : i32
        %dma_wait3A_131 = tpu.memref_slice %arg8[%mul3A_126, %dma_wait3A] : memref<5000x128xf32, #tpu.memory_space<vmem_shared>> -> memref<312x128xf32, #tpu.memory_space<vmem_shared>>
        %dma_wait3A_132 = arith.constant 0 : i32
        %dma_wait3A_133 = tpu.memref_slice %arg5[%mul3A_126, %dma_wait3A_132] : memref<5000x128xf32, #tpu.memory_space<hbm>> -> memref<312x128xf32, #tpu.memory_space<hbm>>
        tpu.wait_dma2 semaphore(%run_scoped3A : memref<!tpu.dma_semaphore, #tpu.memory_space<semaphore_mem>>) src(%dma_wait3A_133 : memref<312x128xf32, #tpu.memory_space<hbm>>) dst(%dma_wait3A_131 : memref<312x128xf32, #tpu.memory_space<vmem_shared>>)
        tpu.yield
      }) : () -> ()
    } else {
    }
    %eq3A_65 = arith.constant 15 : i32
    %eq3A_66 = arith.cmpi eq, %arg1, %eq3A_65 : i32
    %convert_element_type3A_67 = arith.extui %eq3A_66 : i1 to i32
    %cond3A_68 = arith.constant 0 : i32
    %cond3A_69 = arith.cmpi ne, %convert_element_type3A_67, %cond3A_68 : i32
    scf.if %cond3A_69 {
      "tpu.region"() ({
        %run_scoped3A = tpu.sem_alloc : memref<!tpu.dma_semaphore, #tpu.memory_space<semaphore_mem>>
        %dma_start3A_125 = arith.constant 4680 : i32
        %dma_start3A_126 = arith.constant 0 : i32
        %dma_start3A_127 = tpu.memref_slice %arg8[%dma_start3A_125, %dma_start3A_126] : memref<5000x128xf32, #tpu.memory_space<vmem_shared>> -> memref<320x128xf32, #tpu.memory_space<vmem_shared>>
        %dma_start3A_128 = arith.constant 4680 : i32
        %dma_start3A_129 = arith.constant 0 : i32
        %dma_start3A_130 = tpu.memref_slice %arg5[%dma_start3A_128, %dma_start3A_129] : memref<5000x128xf32, #tpu.memory_space<hbm>> -> memref<320x128xf32, #tpu.memory_space<hbm>>
        tpu.enqueue_dma source(%dma_start3A_130 : memref<320x128xf32, #tpu.memory_space<hbm>>) target(%dma_start3A_127 : memref<320x128xf32, #tpu.memory_space<vmem_shared>>) target_semaphore(%run_scoped3A : memref<!tpu.dma_semaphore, #tpu.memory_space<semaphore_mem>>)
        %dma_wait3A = arith.constant 4680 : i32
        %dma_wait3A_131 = arith.constant 0 : i32
        %dma_wait3A_132 = tpu.memref_slice %arg8[%dma_wait3A, %dma_wait3A_131] : memref<5000x128xf32, #tpu.memory_space<vmem_shared>> -> memref<320x128xf32, #tpu.memory_space<vmem_shared>>
        %dma_wait3A_133 = arith.constant 4680 : i32
        %dma_wait3A_134 = arith.constant 0 : i32
        %dma_wait3A_135 = tpu.memref_slice %arg5[%dma_wait3A_133, %dma_wait3A_134] : memref<5000x128xf32, #tpu.memory_space<hbm>> -> memref<320x128xf32, #tpu.memory_space<hbm>>
        tpu.wait_dma2 semaphore(%run_scoped3A : memref<!tpu.dma_semaphore, #tpu.memory_space<semaphore_mem>>) src(%dma_wait3A_135 : memref<320x128xf32, #tpu.memory_space<hbm>>) dst(%dma_wait3A_132 : memref<320x128xf32, #tpu.memory_space<vmem_shared>>)
        tpu.yield
      }) : () -> ()
    } else {
    }
    %mul3A_70 = arith.constant 6400 : i32
    %mul3A_71 = arith.muli %add3A, %mul3A_70 : i32
    "tpu.region"() ({
      %run_scoped3A = tpu.sem_alloc : memref<!tpu.dma_semaphore, #tpu.memory_space<semaphore_mem>>
      %dma_start3A_125 = tpu.memref_slice %arg3[%mul3A_71] : memref<204800xi32, #tpu.memory_space<hbm>> -> memref<6400xi32, #tpu.memory_space<hbm>>
      %dma_start3A_126 = tpu.memref_slice %arg3[%mul3A_71] : memref<204800xi32, #tpu.memory_space<hbm>> -> memref<6400xi32, #tpu.memory_space<hbm>>
      tpu.enqueue_dma source(%dma_start3A_126 : memref<6400xi32, #tpu.memory_space<hbm>>) target(%arg9 : memref<6400xi32, #tpu.memory_space<vmem>>) target_semaphore(%run_scoped3A : memref<!tpu.dma_semaphore, #tpu.memory_space<semaphore_mem>>)
      %dma_wait3A = tpu.memref_slice %arg3[%mul3A_71] : memref<204800xi32, #tpu.memory_space<hbm>> -> memref<6400xi32, #tpu.memory_space<hbm>>
      %dma_wait3A_127 = tpu.memref_slice %arg3[%mul3A_71] : memref<204800xi32, #tpu.memory_space<hbm>> -> memref<6400xi32, #tpu.memory_space<hbm>>
      tpu.wait_dma2 semaphore(%run_scoped3A : memref<!tpu.dma_semaphore, #tpu.memory_space<semaphore_mem>>) src(%dma_wait3A_127 : memref<6400xi32, #tpu.memory_space<hbm>>) dst(%arg9 : memref<6400xi32, #tpu.memory_space<vmem>>)
      tpu.yield
    }) : () -> ()
    %barrier3A_72 = arith.constant 0 : index
    tpu.barrier barrier_id(%barrier3A_72)
    %multiple_of3A_73 = arith.constant 0 : i32
    %multiple_of3A_74 = tpu.assume_multiple %multiple_of3A_73, 8 : i32
    %multiple_of3A_75 = arith.constant 104 : i32
    %multiple_of3A_76 = tpu.assume_multiple %multiple_of3A_75, 8 : i32
    %dma_start3A_77 = arith.constant 0 : i32
    %dma_start3A_78 = arith.constant 0 : i32
    %dma_start3A_79 = arith.constant 0 : i32
    %dma_start3A_80 = tpu.memref_slice %arg10[%dma_start3A_77, %dma_start3A_78, %dma_start3A_79] : memref<4x104x128xf32, #tpu.memory_space<vmem>> -> memref<1x104x128xf32, #tpu.memory_space<vmem>>
    %dma_start3A_81 = tpu.memref_squeeze %dma_start3A_80 : memref<1x104x128xf32, #tpu.memory_space<vmem>> -> memref<104x128xf32, #tpu.memory_space<vmem>>
    %dma_start3A_82 = tpu.memref_slice %arg9[%multiple_of3A_74] : memref<6400xi32, #tpu.memory_space<vmem>> -> memref<104xi32, #tpu.memory_space<vmem>>
    %dma_start3A_83 = arith.constant 0 : i32
    %dma_start3A_84 = arith.constant 0 : i32
    %dma_start3A_85 = tpu.memref_slice %arg8[%dma_start3A_83, %dma_start3A_84] : memref<5000x128xf32, #tpu.memory_space<vmem_shared>> -> memref<5000x128xf32, #tpu.memory_space<vmem_shared>>
    tpu.enqueue_indirect_dma source(%dma_start3A_85 : memref<5000x128xf32, #tpu.memory_space<vmem_shared>>) target(%dma_start3A_81 : memref<104x128xf32, #tpu.memory_space<vmem>>) offsets(%dma_start3A_82 : memref<104xi32, #tpu.memory_space<vmem>>) semaphore(%arg12 : memref<!tpu.dma_semaphore, #tpu.memory_space<semaphore_mem>>)
    %dma_start3A_86 = arith.constant 1 : i32
    %dma_start3A_87 = arith.constant 0 : i32
    %dma_start3A_88 = arith.constant 0 : i32
    %dma_start3A_89 = tpu.memref_slice %arg10[%dma_start3A_86, %dma_start3A_87, %dma_start3A_88] : memref<4x104x128xf32, #tpu.memory_space<vmem>> -> memref<1x96x128xf32, #tpu.memory_space<vmem>>
    %dma_start3A_90 = tpu.memref_squeeze %dma_start3A_89 : memref<1x96x128xf32, #tpu.memory_space<vmem>> -> memref<96x128xf32, #tpu.memory_space<vmem>>
    %dma_start3A_91 = tpu.memref_slice %arg9[%multiple_of3A_76] : memref<6400xi32, #tpu.memory_space<vmem>> -> memref<96xi32, #tpu.memory_space<vmem>>
    %dma_start3A_92 = arith.constant 0 : i32
    %dma_start3A_93 = arith.constant 0 : i32
    %dma_start3A_94 = tpu.memref_slice %arg8[%dma_start3A_92, %dma_start3A_93] : memref<5000x128xf32, #tpu.memory_space<vmem_shared>> -> memref<5000x128xf32, #tpu.memory_space<vmem_shared>>
    tpu.enqueue_indirect_dma source(%dma_start3A_94 : memref<5000x128xf32, #tpu.memory_space<vmem_shared>>) target(%dma_start3A_90 : memref<96x128xf32, #tpu.memory_space<vmem>>) offsets(%dma_start3A_91 : memref<96xi32, #tpu.memory_space<vmem>>) semaphore(%arg13 : memref<!tpu.dma_semaphore, #tpu.memory_space<semaphore_mem>>)
    %multiple_of3A_95 = arith.constant 200 : i32
    %multiple_of3A_96 = tpu.assume_multiple %multiple_of3A_95, 8 : i32
    %multiple_of3A_97 = arith.constant 304 : i32
    %multiple_of3A_98 = tpu.assume_multiple %multiple_of3A_97, 8 : i32
    %dma_start3A_99 = arith.constant 2 : i32
    %dma_start3A_100 = arith.constant 0 : i32
    %dma_start3A_101 = arith.constant 0 : i32
    %dma_start3A_102 = tpu.memref_slice %arg10[%dma_start3A_99, %dma_start3A_100, %dma_start3A_101] : memref<4x104x128xf32, #tpu.memory_space<vmem>> -> memref<1x104x128xf32, #tpu.memory_space<vmem>>
    %dma_start3A_103 = tpu.memref_squeeze %dma_start3A_102 : memref<1x104x128xf32, #tpu.memory_space<vmem>> -> memref<104x128xf32, #tpu.memory_space<vmem>>
    %dma_start3A_104 = tpu.memref_slice %arg9[%multiple_of3A_96] : memref<6400xi32, #tpu.memory_space<vmem>> -> memref<104xi32, #tpu.memory_space<vmem>>
    %dma_start3A_105 = arith.constant 0 : i32
    %dma_start3A_106 = arith.constant 0 : i32
    %dma_start3A_107 = tpu.memref_slice %arg8[%dma_start3A_105, %dma_start3A_106] : memref<5000x128xf32, #tpu.memory_space<vmem_shared>> -> memref<5000x128xf32, #tpu.memory_space<vmem_shared>>
    tpu.enqueue_indirect_dma source(%dma_start3A_107 : memref<5000x128xf32, #tpu.memory_space<vmem_shared>>) target(%dma_start3A_103 : memref<104x128xf32, #tpu.memory_space<vmem>>) offsets(%dma_start3A_104 : memref<104xi32, #tpu.memory_space<vmem>>) semaphore(%arg14 : memref<!tpu.dma_semaphore, #tpu.memory_space<semaphore_mem>>)
    %dma_start3A_108 = arith.constant 3 : i32
    %dma_start3A_109 = arith.constant 0 : i32
    %dma_start3A_110 = arith.constant 0 : i32
    %dma_start3A_111 = tpu.memref_slice %arg10[%dma_start3A_108, %dma_start3A_109, %dma_start3A_110] : memref<4x104x128xf32, #tpu.memory_space<vmem>> -> memref<1x96x128xf32, #tpu.memory_space<vmem>>
    %dma_start3A_112 = tpu.memref_squeeze %dma_start3A_111 : memref<1x96x128xf32, #tpu.memory_space<vmem>> -> memref<96x128xf32, #tpu.memory_space<vmem>>
    %dma_start3A_113 = tpu.memref_slice %arg9[%multiple_of3A_98] : memref<6400xi32, #tpu.memory_space<vmem>> -> memref<96xi32, #tpu.memory_space<vmem>>
    %dma_start3A_114 = arith.constant 0 : i32
    %dma_start3A_115 = arith.constant 0 : i32
    %dma_start3A_116 = tpu.memref_slice %arg8[%dma_start3A_114, %dma_start3A_115] : memref<5000x128xf32, #tpu.memory_space<vmem_shared>> -> memref<5000x128xf32, #tpu.memory_space<vmem_shared>>
    tpu.enqueue_indirect_dma source(%dma_start3A_116 : memref<5000x128xf32, #tpu.memory_space<vmem_shared>>) target(%dma_start3A_112 : memref<96x128xf32, #tpu.memory_space<vmem>>) offsets(%dma_start3A_113 : memref<96xi32, #tpu.memory_space<vmem>>) semaphore(%arg15 : memref<!tpu.dma_semaphore, #tpu.memory_space<semaphore_mem>>)
    %scan3A_117 = arith.constant 0 : i32
    %scan3A_118 = arith.constant 2.000000e-02 : f32
    %scan3A_119 = arith.constant 0 : i32
    %scan3A_120 = arith.constant 16 : i32
    %scan3A_121 = arith.addi %scan3A_119, %scan3A_120 : i32
    %scan3A_122 = arith.constant 1 : i32
    scf.for %scan3A_125 = %scan3A_119 to %scan3A_121 step %scan3A_122  : i32 {
      %mul3A_126 = arith.constant 2 : i32
      %mul3A_127 = arith.muli %scan3A_125, %mul3A_126 : i32
      %add3A_128 = arith.constant 0 : i32
      %add3A_129 = arith.addi %mul3A_127, %add3A_128 : i32
      %mul3A_130 = arith.constant 200 : i32
      %mul3A_131 = arith.muli %add3A_129, %mul3A_130 : i32
      %multiple_of3A_132 = tpu.assume_multiple %mul3A_131, 8 : i32
      %mul3A_133 = arith.constant 200 : i32
      %mul3A_134 = arith.muli %add3A_129, %mul3A_133 : i32
      %add3A_135 = arith.constant 104 : i32
      %add3A_136 = arith.addi %mul3A_134, %add3A_135 : i32
      %multiple_of3A_137 = tpu.assume_multiple %add3A_136, 8 : i32
      %dma_wait3A = arith.constant 0 : i32
      %dma_wait3A_138 = arith.constant 0 : i32
      %dma_wait3A_139 = arith.constant 0 : i32
      %dma_wait3A_140 = tpu.memref_slice %arg10[%dma_wait3A, %dma_wait3A_138, %dma_wait3A_139] : memref<4x104x128xf32, #tpu.memory_space<vmem>> -> memref<1x104x128xf32, #tpu.memory_space<vmem>>
      %dma_wait3A_141 = tpu.memref_squeeze %dma_wait3A_140 : memref<1x104x128xf32, #tpu.memory_space<vmem>> -> memref<104x128xf32, #tpu.memory_space<vmem>>
      %dma_wait3A_142 = tpu.memref_slice %arg9[%multiple_of3A_132] : memref<6400xi32, #tpu.memory_space<vmem>> -> memref<104xi32, #tpu.memory_space<vmem>>
      %dma_wait3A_143 = arith.constant 0 : i32
      %dma_wait3A_144 = arith.constant 0 : i32
      %dma_wait3A_145 = tpu.memref_slice %arg8[%dma_wait3A_143, %dma_wait3A_144] : memref<5000x128xf32, #tpu.memory_space<vmem_shared>> -> memref<5000x128xf32, #tpu.memory_space<vmem_shared>>
      tpu.wait_indirect_dma semaphore(%arg12 : memref<!tpu.dma_semaphore, #tpu.memory_space<semaphore_mem>>) src(%dma_wait3A_145 : memref<5000x128xf32, #tpu.memory_space<vmem_shared>>) dst(%dma_wait3A_141 : memref<104x128xf32, #tpu.memory_space<vmem>>)
      %dma_wait3A_146 = arith.constant 1 : i32
      %dma_wait3A_147 = arith.constant 0 : i32
      %dma_wait3A_148 = arith.constant 0 : i32
      %dma_wait3A_149 = tpu.memref_slice %arg10[%dma_wait3A_146, %dma_wait3A_147, %dma_wait3A_148] : memref<4x104x128xf32, #tpu.memory_space<vmem>> -> memref<1x96x128xf32, #tpu.memory_space<vmem>>
      %dma_wait3A_150 = tpu.memref_squeeze %dma_wait3A_149 : memref<1x96x128xf32, #tpu.memory_space<vmem>> -> memref<96x128xf32, #tpu.memory_space<vmem>>
      %dma_wait3A_151 = tpu.memref_slice %arg9[%multiple_of3A_137] : memref<6400xi32, #tpu.memory_space<vmem>> -> memref<96xi32, #tpu.memory_space<vmem>>
      %dma_wait3A_152 = arith.constant 0 : i32
      %dma_wait3A_153 = arith.constant 0 : i32
      %dma_wait3A_154 = tpu.memref_slice %arg8[%dma_wait3A_152, %dma_wait3A_153] : memref<5000x128xf32, #tpu.memory_space<vmem_shared>> -> memref<5000x128xf32, #tpu.memory_space<vmem_shared>>
      tpu.wait_indirect_dma semaphore(%arg13 : memref<!tpu.dma_semaphore, #tpu.memory_space<semaphore_mem>>) src(%dma_wait3A_154 : memref<5000x128xf32, #tpu.memory_space<vmem_shared>>) dst(%dma_wait3A_150 : memref<96x128xf32, #tpu.memory_space<vmem>>)
      %broadcast_in_dim3A = arith.constant 0.000000e+00 : f32
      %broadcast_in_dim3A_155 = vector.broadcast %broadcast_in_dim3A : f32 to vector<16xf32>
      %broadcast_in_dim3A_156 = arith.constant 0.000000e+00 : f32
      %broadcast_in_dim3A_157 = vector.broadcast %broadcast_in_dim3A_156 : f32 to vector<16xf32>
      %broadcast_in_dim3A_158 = arith.constant 0.000000e+00 : f32
      %broadcast_in_dim3A_159 = vector.broadcast %broadcast_in_dim3A_158 : f32 to vector<16xf32>
      %broadcast_in_dim3A_160 = arith.constant 0.000000e+00 : f32
      %broadcast_in_dim3A_161 = vector.broadcast %broadcast_in_dim3A_160 : f32 to vector<16xf32>
      %broadcast_in_dim3A_162 = arith.constant 0.000000e+00 : f32
      %broadcast_in_dim3A_163 = vector.broadcast %broadcast_in_dim3A_162 : f32 to vector<16xf32>
      %broadcast_in_dim3A_164 = arith.constant 0.000000e+00 : f32
      %broadcast_in_dim3A_165 = vector.broadcast %broadcast_in_dim3A_164 : f32 to vector<16xf32>
      %broadcast_in_dim3A_166 = arith.constant 0.000000e+00 : f32
      %broadcast_in_dim3A_167 = vector.broadcast %broadcast_in_dim3A_166 : f32 to vector<16xf32>
      %broadcast_in_dim3A_168 = arith.constant 0.000000e+00 : f32
      %broadcast_in_dim3A_169 = vector.broadcast %broadcast_in_dim3A_168 : f32 to vector<16xf32>
      %scan3A_170 = arith.constant 0 : i32
      %scan3A_171 = arith.constant 25 : i32
      %scan3A_172 = arith.addi %scan3A_170, %scan3A_171 : i32
      %scan3A_173 = arith.constant 1 : i32
      %scan3A_174:8 = scf.for %scan3A_865 = %scan3A_170 to %scan3A_172 step %scan3A_173 iter_args(%scan3A_866 = %broadcast_in_dim3A_155, %scan3A_867 = %broadcast_in_dim3A_157, %scan3A_868 = %broadcast_in_dim3A_159, %scan3A_869 = %broadcast_in_dim3A_161, %scan3A_870 = %broadcast_in_dim3A_163, %scan3A_871 = %broadcast_in_dim3A_165, %scan3A_872 = %broadcast_in_dim3A_167, %scan3A_873 = %broadcast_in_dim3A_169) -> (vector<16xf32>, vector<16xf32>, vector<16xf32>, vector<16xf32>, vector<16xf32>, vector<16xf32>, vector<16xf32>, vector<16xf32>)  : i32 {
        %mul3A_874 = arith.constant 2 : i32
        %mul3A_875 = arith.muli %mul3A_874, %scan3A_865 : i32
        %add3A_876 = arith.constant 0 : i32
        %add3A_877 = arith.addi %add3A_876, %mul3A_875 : i32
        %add3A_878 = arith.constant 0 : i32
        %add3A_879 = arith.addi %add3A_877, %add3A_878 : i32
        %get3A = arith.constant 0 : i32
        %get3A_880 = arith.index_cast %get3A : i32 to index
        %get3A_881 = arith.index_cast %add3A_879 : i32 to index
        %get3A_882 = arith.constant 0 : index
        %get3A_883 = tpu.vector_load %arg10[%get3A_880, %get3A_881, %get3A_882] {strides = array<i32>} : memref<4x104x128xf32, #tpu.memory_space<vmem>>, vector<1x1x16xf32>,
        %get3A_884 = vector.shape_cast %get3A_883 : vector<1x1x16xf32> to vector<16xf32>
        %add3A_885 = arith.addf %scan3A_866, %get3A_884 : vector<16xf32>
        %get3A_886 = arith.constant 0 : i32
        %get3A_887 = arith.index_cast %get3A_886 : i32 to index
        %get3A_888 = arith.index_cast %add3A_879 : i32 to index
        %get3A_889 = arith.constant 16 : index
        %get3A_890 = tpu.vector_load %arg10[%get3A_887, %get3A_888, %get3A_889] {strides = array<i32>} : memref<4x104x128xf32, #tpu.memory_space<vmem>>, vector<1x1x16xf32>,
        %get3A_891 = vector.shape_cast %get3A_890 : vector<1x1x16xf32> to vector<16xf32>
        %add3A_892 = arith.addf %scan3A_867, %get3A_891 : vector<16xf32>
        %get3A_893 = arith.constant 0 : i32
        %get3A_894 = arith.index_cast %get3A_893 : i32 to index
        %get3A_895 = arith.index_cast %add3A_879 : i32 to index
        %get3A_896 = arith.constant 32 : index
        %get3A_897 = tpu.vector_load %arg10[%get3A_894, %get3A_895, %get3A_896] {strides = array<i32>} : memref<4x104x128xf32, #tpu.memory_space<vmem>>, vector<1x1x16xf32>,
        %get3A_898 = vector.shape_cast %get3A_897 : vector<1x1x16xf32> to vector<16xf32>
        %add3A_899 = arith.addf %scan3A_868, %get3A_898 : vector<16xf32>
        %get3A_900 = arith.constant 0 : i32
        %get3A_901 = arith.index_cast %get3A_900 : i32 to index
        %get3A_902 = arith.index_cast %add3A_879 : i32 to index
        %get3A_903 = arith.constant 48 : index
        %get3A_904 = tpu.vector_load %arg10[%get3A_901, %get3A_902, %get3A_903] {strides = array<i32>} : memref<4x104x128xf32, #tpu.memory_space<vmem>>, vector<1x1x16xf32>,
        %get3A_905 = vector.shape_cast %get3A_904 : vector<1x1x16xf32> to vector<16xf32>
        %add3A_906 = arith.addf %scan3A_869, %get3A_905 : vector<16xf32>
        %get3A_907 = arith.constant 0 : i32
        %get3A_908 = arith.index_cast %get3A_907 : i32 to index
        %get3A_909 = arith.index_cast %add3A_879 : i32 to index
        %get3A_910 = arith.constant 64 : index
        %get3A_911 = tpu.vector_load %arg10[%get3A_908, %get3A_909, %get3A_910] {strides = array<i32>} : memref<4x104x128xf32, #tpu.memory_space<vmem>>, vector<1x1x16xf32>,
        %get3A_912 = vector.shape_cast %get3A_911 : vector<1x1x16xf32> to vector<16xf32>
        %add3A_913 = arith.addf %scan3A_870, %get3A_912 : vector<16xf32>
        %get3A_914 = arith.constant 0 : i32
        %get3A_915 = arith.index_cast %get3A_914 : i32 to index
        %get3A_916 = arith.index_cast %add3A_879 : i32 to index
        %get3A_917 = arith.constant 80 : index
        %get3A_918 = tpu.vector_load %arg10[%get3A_915, %get3A_916, %get3A_917] {strides = array<i32>} : memref<4x104x128xf32, #tpu.memory_space<vmem>>, vector<1x1x16xf32>,
        %get3A_919 = vector.shape_cast %get3A_918 : vector<1x1x16xf32> to vector<16xf32>
        %add3A_920 = arith.addf %scan3A_871, %get3A_919 : vector<16xf32>
        %get3A_921 = arith.constant 0 : i32
        %get3A_922 = arith.index_cast %get3A_921 : i32 to index
        %get3A_923 = arith.index_cast %add3A_879 : i32 to index
        %get3A_924 = arith.constant 96 : index
        %get3A_925 = tpu.vector_load %arg10[%get3A_922, %get3A_923, %get3A_924] {strides = array<i32>} : memref<4x104x128xf32, #tpu.memory_space<vmem>>, vector<1x1x16xf32>,
        %get3A_926 = vector.shape_cast %get3A_925 : vector<1x1x16xf32> to vector<16xf32>
        %add3A_927 = arith.addf %scan3A_872, %get3A_926 : vector<16xf32>
        %get3A_928 = arith.constant 0 : i32
        %get3A_929 = arith.index_cast %get3A_928 : i32 to index
        %get3A_930 = arith.index_cast %add3A_879 : i32 to index
        %get3A_931 = arith.constant 112 : index
        %get3A_932 = tpu.vector_load %arg10[%get3A_929, %get3A_930, %get3A_931] {strides = array<i32>} : memref<4x104x128xf32, #tpu.memory_space<vmem>>, vector<1x1x16xf32>,
        %get3A_933 = vector.shape_cast %get3A_932 : vector<1x1x16xf32> to vector<16xf32>
        %add3A_934 = arith.addf %scan3A_873, %get3A_933 : vector<16xf32>
        %mul3A_935 = arith.constant 2 : i32
        %mul3A_936 = arith.muli %mul3A_935, %scan3A_865 : i32
        %add3A_937 = arith.constant 0 : i32
        %add3A_938 = arith.addi %add3A_937, %mul3A_936 : i32
        %add3A_939 = arith.constant 1 : i32
        %add3A_940 = arith.addi %add3A_938, %add3A_939 : i32
        %get3A_941 = arith.constant 0 : i32
        %get3A_942 = arith.index_cast %get3A_941 : i32 to index
        %get3A_943 = arith.index_cast %add3A_940 : i32 to index
        %get3A_944 = arith.constant 0 : index
        %get3A_945 = tpu.vector_load %arg10[%get3A_942, %get3A_943, %get3A_944] {strides = array<i32>} : memref<4x104x128xf32, #tpu.memory_space<vmem>>, vector<1x1x16xf32>,
        %get3A_946 = vector.shape_cast %get3A_945 : vector<1x1x16xf32> to vector<16xf32>
        %add3A_947 = arith.addf %add3A_885, %get3A_946 : vector<16xf32>
        %get3A_948 = arith.constant 0 : i32
        %get3A_949 = arith.index_cast %get3A_948 : i32 to index
        %get3A_950 = arith.index_cast %add3A_940 : i32 to index
        %get3A_951 = arith.constant 16 : index
        %get3A_952 = tpu.vector_load %arg10[%get3A_949, %get3A_950, %get3A_951] {strides = array<i32>} : memref<4x104x128xf32, #tpu.memory_space<vmem>>, vector<1x1x16xf32>,
        %get3A_953 = vector.shape_cast %get3A_952 : vector<1x1x16xf32> to vector<16xf32>
        %add3A_954 = arith.addf %add3A_892, %get3A_953 : vector<16xf32>
        %get3A_955 = arith.constant 0 : i32
        %get3A_956 = arith.index_cast %get3A_955 : i32 to index
        %get3A_957 = arith.index_cast %add3A_940 : i32 to index
        %get3A_958 = arith.constant 32 : index
        %get3A_959 = tpu.vector_load %arg10[%get3A_956, %get3A_957, %get3A_958] {strides = array<i32>} : memref<4x104x128xf32, #tpu.memory_space<vmem>>, vector<1x1x16xf32>,
        %get3A_960 = vector.shape_cast %get3A_959 : vector<1x1x16xf32> to vector<16xf32>
        %add3A_961 = arith.addf %add3A_899, %get3A_960 : vector<16xf32>
        %get3A_962 = arith.constant 0 : i32
        %get3A_963 = arith.index_cast %get3A_962 : i32 to index
        %get3A_964 = arith.index_cast %add3A_940 : i32 to index
        %get3A_965 = arith.constant 48 : index
        %get3A_966 = tpu.vector_load %arg10[%get3A_963, %get3A_964, %get3A_965] {strides = array<i32>} : memref<4x104x128xf32, #tpu.memory_space<vmem>>, vector<1x1x16xf32>,
        %get3A_967 = vector.shape_cast %get3A_966 : vector<1x1x16xf32> to vector<16xf32>
        %add3A_968 = arith.addf %add3A_906, %get3A_967 : vector<16xf32>
        %get3A_969 = arith.constant 0 : i32
        %get3A_970 = arith.index_cast %get3A_969 : i32 to index
        %get3A_971 = arith.index_cast %add3A_940 : i32 to index
        %get3A_972 = arith.constant 64 : index
        %get3A_973 = tpu.vector_load %arg10[%get3A_970, %get3A_971, %get3A_972] {strides = array<i32>} : memref<4x104x128xf32, #tpu.memory_space<vmem>>, vector<1x1x16xf32>,
        %get3A_974 = vector.shape_cast %get3A_973 : vector<1x1x16xf32> to vector<16xf32>
        %add3A_975 = arith.addf %add3A_913, %get3A_974 : vector<16xf32>
        %get3A_976 = arith.constant 0 : i32
        %get3A_977 = arith.index_cast %get3A_976 : i32 to index
        %get3A_978 = arith.index_cast %add3A_940 : i32 to index
        %get3A_979 = arith.constant 80 : index
        %get3A_980 = tpu.vector_load %arg10[%get3A_977, %get3A_978, %get3A_979] {strides = array<i32>} : memref<4x104x128xf32, #tpu.memory_space<vmem>>, vector<1x1x16xf32>,
        %get3A_981 = vector.shape_cast %get3A_980 : vector<1x1x16xf32> to vector<16xf32>
        %add3A_982 = arith.addf %add3A_920, %get3A_981 : vector<16xf32>
        %get3A_983 = arith.constant 0 : i32
        %get3A_984 = arith.index_cast %get3A_983 : i32 to index
        %get3A_985 = arith.index_cast %add3A_940 : i32 to index
        %get3A_986 = arith.constant 96 : index
        %get3A_987 = tpu.vector_load %arg10[%get3A_984, %get3A_985, %get3A_986] {strides = array<i32>} : memref<4x104x128xf32, #tpu.memory_space<vmem>>, vector<1x1x16xf32>,
        %get3A_988 = vector.shape_cast %get3A_987 : vector<1x1x16xf32> to vector<16xf32>
        %add3A_989 = arith.addf %add3A_927, %get3A_988 : vector<16xf32>
        %get3A_990 = arith.constant 0 : i32
        %get3A_991 = arith.index_cast %get3A_990 : i32 to index
        %get3A_992 = arith.index_cast %add3A_940 : i32 to index
        %get3A_993 = arith.constant 112 : index
        %get3A_994 = tpu.vector_load %arg10[%get3A_991, %get3A_992, %get3A_993] {strides = array<i32>} : memref<4x104x128xf32, #tpu.memory_space<vmem>>, vector<1x1x16xf32>,
        %get3A_995 = vector.shape_cast %get3A_994 : vector<1x1x16xf32> to vector<16xf32>
        %add3A_996 = arith.addf %add3A_934, %get3A_995 : vector<16xf32>
        scf.yield %add3A_947, %add3A_954, %add3A_961, %add3A_968, %add3A_975, %add3A_982, %add3A_989, %add3A_996 : vector<16xf32>, vector<16xf32>, vector<16xf32>, vector<16xf32>, vector<16xf32>, vector<16xf32>, vector<16xf32>, vector<16xf32>
      }
      %scan3A_175 = arith.constant 25 : i32
      %mul3A_176 = arith.constant 4 : i32
      %mul3A_177 = arith.muli %add3A_129, %mul3A_176 : i32
      %add3A_178 = arith.constant 0 : i32
      %add3A_179 = arith.addi %mul3A_177, %add3A_178 : i32
      %mul3A_180 = vector.broadcast %scan3A_118 : f32 to vector<16xf32>
      %mul3A_181 = arith.mulf %scan3A_174#0, %mul3A_180 : vector<16xf32>
      %swap3A = arith.index_cast %add3A_179 : i32 to index
      %swap3A_182 = arith.constant 0 : index
      %swap3A_183 = tpu.vector_load %arg11[%swap3A, %swap3A_182] {strides = array<i32>} : memref<128x128xf32, #tpu.memory_space<vmem>>, vector<1x16xf32>,
      %swap3A_184 = vector.shape_cast %swap3A_183 : vector<1x16xf32> to vector<16xf32>
      %swap3A_185 = vector.shape_cast %mul3A_181 : vector<16xf32> to vector<1x16xf32>
      tpu.vector_store %arg11[%swap3A, %swap3A_182], %swap3A_185 {strides = array<i32>} : memref<128x128xf32, #tpu.memory_space<vmem>>, vector<1x16xf32>,
      %mul3A_186 = vector.broadcast %scan3A_118 : f32 to vector<16xf32>
      %mul3A_187 = arith.mulf %scan3A_174#1, %mul3A_186 : vector<16xf32>
      %swap3A_188 = arith.index_cast %add3A_179 : i32 to index
      %swap3A_189 = arith.constant 16 : index
      %swap3A_190 = tpu.vector_load %arg11[%swap3A_188, %swap3A_189] {strides = array<i32>} : memref<128x128xf32, #tpu.memory_space<vmem>>, vector<1x16xf32>,
      %swap3A_191 = vector.shape_cast %swap3A_190 : vector<1x16xf32> to vector<16xf32>
      %swap3A_192 = vector.shape_cast %mul3A_187 : vector<16xf32> to vector<1x16xf32>
      tpu.vector_store %arg11[%swap3A_188, %swap3A_189], %swap3A_192 {strides = array<i32>} : memref<128x128xf32, #tpu.memory_space<vmem>>, vector<1x16xf32>,
      %mul3A_193 = vector.broadcast %scan3A_118 : f32 to vector<16xf32>
      %mul3A_194 = arith.mulf %scan3A_174#2, %mul3A_193 : vector<16xf32>
      %swap3A_195 = arith.index_cast %add3A_179 : i32 to index
      %swap3A_196 = arith.constant 32 : index
      %swap3A_197 = tpu.vector_load %arg11[%swap3A_195, %swap3A_196] {strides = array<i32>} : memref<128x128xf32, #tpu.memory_space<vmem>>, vector<1x16xf32>,
      %swap3A_198 = vector.shape_cast %swap3A_197 : vector<1x16xf32> to vector<16xf32>
      %swap3A_199 = vector.shape_cast %mul3A_194 : vector<16xf32> to vector<1x16xf32>
      tpu.vector_store %arg11[%swap3A_195, %swap3A_196], %swap3A_199 {strides = array<i32>} : memref<128x128xf32, #tpu.memory_space<vmem>>, vector<1x16xf32>,
      %mul3A_200 = vector.broadcast %scan3A_118 : f32 to vector<16xf32>
      %mul3A_201 = arith.mulf %scan3A_174#3, %mul3A_200 : vector<16xf32>
      %swap3A_202 = arith.index_cast %add3A_179 : i32 to index
      %swap3A_203 = arith.constant 48 : index
      %swap3A_204 = tpu.vector_load %arg11[%swap3A_202, %swap3A_203] {strides = array<i32>} : memref<128x128xf32, #tpu.memory_space<vmem>>, vector<1x16xf32>,
      %swap3A_205 = vector.shape_cast %swap3A_204 : vector<1x16xf32> to vector<16xf32>
      %swap3A_206 = vector.shape_cast %mul3A_201 : vector<16xf32> to vector<1x16xf32>
      tpu.vector_store %arg11[%swap3A_202, %swap3A_203], %swap3A_206 {strides = array<i32>} : memref<128x128xf32, #tpu.memory_space<vmem>>, vector<1x16xf32>,
      %mul3A_207 = vector.broadcast %scan3A_118 : f32 to vector<16xf32>
      %mul3A_208 = arith.mulf %scan3A_174#4, %mul3A_207 : vector<16xf32>
      %swap3A_209 = arith.index_cast %add3A_179 : i32 to index
      %swap3A_210 = arith.constant 64 : index
      %swap3A_211 = tpu.vector_load %arg11[%swap3A_209, %swap3A_210] {strides = array<i32>} : memref<128x128xf32, #tpu.memory_space<vmem>>, vector<1x16xf32>,
      %swap3A_212 = vector.shape_cast %swap3A_211 : vector<1x16xf32> to vector<16xf32>
      %swap3A_213 = vector.shape_cast %mul3A_208 : vector<16xf32> to vector<1x16xf32>
      tpu.vector_store %arg11[%swap3A_209, %swap3A_210], %swap3A_213 {strides = array<i32>} : memref<128x128xf32, #tpu.memory_space<vmem>>, vector<1x16xf32>,
      %mul3A_214 = vector.broadcast %scan3A_118 : f32 to vector<16xf32>
      %mul3A_215 = arith.mulf %scan3A_174#5, %mul3A_214 : vector<16xf32>
      %swap3A_216 = arith.index_cast %add3A_179 : i32 to index
      %swap3A_217 = arith.constant 80 : index
      %swap3A_218 = tpu.vector_load %arg11[%swap3A_216, %swap3A_217] {strides = array<i32>} : memref<128x128xf32, #tpu.memory_space<vmem>>, vector<1x16xf32>,
      %swap3A_219 = vector.shape_cast %swap3A_218 : vector<1x16xf32> to vector<16xf32>
      %swap3A_220 = vector.shape_cast %mul3A_215 : vector<16xf32> to vector<1x16xf32>
      tpu.vector_store %arg11[%swap3A_216, %swap3A_217], %swap3A_220 {strides = array<i32>} : memref<128x128xf32, #tpu.memory_space<vmem>>, vector<1x16xf32>,
      %mul3A_221 = vector.broadcast %scan3A_118 : f32 to vector<16xf32>
      %mul3A_222 = arith.mulf %scan3A_174#6, %mul3A_221 : vector<16xf32>
      %swap3A_223 = arith.index_cast %add3A_179 : i32 to index
      %swap3A_224 = arith.constant 96 : index
      %swap3A_225 = tpu.vector_load %arg11[%swap3A_223, %swap3A_224] {strides = array<i32>} : memref<128x128xf32, #tpu.memory_space<vmem>>, vector<1x16xf32>,
      %swap3A_226 = vector.shape_cast %swap3A_225 : vector<1x16xf32> to vector<16xf32>
      %swap3A_227 = vector.shape_cast %mul3A_222 : vector<16xf32> to vector<1x16xf32>
      tpu.vector_store %arg11[%swap3A_223, %swap3A_224], %swap3A_227 {strides = array<i32>} : memref<128x128xf32, #tpu.memory_space<vmem>>, vector<1x16xf32>,
      %mul3A_228 = vector.broadcast %scan3A_118 : f32 to vector<16xf32>
      %mul3A_229 = arith.mulf %scan3A_174#7, %mul3A_228 : vector<16xf32>
      %swap3A_230 = arith.index_cast %add3A_179 : i32 to index
      %swap3A_231 = arith.constant 112 : index
      %swap3A_232 = tpu.vector_load %arg11[%swap3A_230, %swap3A_231] {strides = array<i32>} : memref<128x128xf32, #tpu.memory_space<vmem>>, vector<1x16xf32>,
      %swap3A_233 = vector.shape_cast %swap3A_232 : vector<1x16xf32> to vector<16xf32>
      %swap3A_234 = vector.shape_cast %mul3A_229 : vector<16xf32> to vector<1x16xf32>
      tpu.vector_store %arg11[%swap3A_230, %swap3A_231], %swap3A_234 {strides = array<i32>} : memref<128x128xf32, #tpu.memory_space<vmem>>, vector<1x16xf32>,
      %broadcast_in_dim3A_235 = arith.constant 0.000000e+00 : f32
      %broadcast_in_dim3A_236 = vector.broadcast %broadcast_in_dim3A_235 : f32 to vector<16xf32>
      %broadcast_in_dim3A_237 = arith.constant 0.000000e+00 : f32
      %broadcast_in_dim3A_238 = vector.broadcast %broadcast_in_dim3A_237 : f32 to vector<16xf32>
      %broadcast_in_dim3A_239 = arith.constant 0.000000e+00 : f32
      %broadcast_in_dim3A_240 = vector.broadcast %broadcast_in_dim3A_239 : f32 to vector<16xf32>
      %broadcast_in_dim3A_241 = arith.constant 0.000000e+00 : f32
      %broadcast_in_dim3A_242 = vector.broadcast %broadcast_in_dim3A_241 : f32 to vector<16xf32>
      %broadcast_in_dim3A_243 = arith.constant 0.000000e+00 : f32
      %broadcast_in_dim3A_244 = vector.broadcast %broadcast_in_dim3A_243 : f32 to vector<16xf32>
      %broadcast_in_dim3A_245 = arith.constant 0.000000e+00 : f32
      %broadcast_in_dim3A_246 = vector.broadcast %broadcast_in_dim3A_245 : f32 to vector<16xf32>
      %broadcast_in_dim3A_247 = arith.constant 0.000000e+00 : f32
      %broadcast_in_dim3A_248 = vector.broadcast %broadcast_in_dim3A_247 : f32 to vector<16xf32>
      %broadcast_in_dim3A_249 = arith.constant 0.000000e+00 : f32
      %broadcast_in_dim3A_250 = vector.broadcast %broadcast_in_dim3A_249 : f32 to vector<16xf32>
      %scan3A_251 = arith.constant 0 : i32
      %scan3A_252 = arith.constant 25 : i32
      %scan3A_253 = arith.addi %scan3A_251, %scan3A_252 : i32
      %scan3A_254 = arith.constant 1 : i32
      %scan3A_255:8 = scf.for %scan3A_865 = %scan3A_251 to %scan3A_253 step %scan3A_254 iter_args(%scan3A_866 = %broadcast_in_dim3A_236, %scan3A_867 = %broadcast_in_dim3A_238, %scan3A_868 = %broadcast_in_dim3A_240, %scan3A_869 = %broadcast_in_dim3A_242, %scan3A_870 = %broadcast_in_dim3A_244, %scan3A_871 = %broadcast_in_dim3A_246, %scan3A_872 = %broadcast_in_dim3A_248, %scan3A_873 = %broadcast_in_dim3A_250) -> (vector<16xf32>, vector<16xf32>, vector<16xf32>, vector<16xf32>, vector<16xf32>, vector<16xf32>, vector<16xf32>, vector<16xf32>)  : i32 {
        %mul3A_874 = arith.constant 2 : i32
        %mul3A_875 = arith.muli %mul3A_874, %scan3A_865 : i32
        %add3A_876 = arith.constant 50 : i32
        %add3A_877 = arith.addi %add3A_876, %mul3A_875 : i32
        %add3A_878 = arith.constant 0 : i32
        %add3A_879 = arith.addi %add3A_877, %add3A_878 : i32
        %get3A = arith.constant 0 : i32
        %get3A_880 = arith.index_cast %get3A : i32 to index
        %get3A_881 = arith.index_cast %add3A_879 : i32 to index
        %get3A_882 = arith.constant 0 : index
        %get3A_883 = tpu.vector_load %arg10[%get3A_880, %get3A_881, %get3A_882] {strides = array<i32>} : memref<4x104x128xf32, #tpu.memory_space<vmem>>, vector<1x1x16xf32>,
        %get3A_884 = vector.shape_cast %get3A_883 : vector<1x1x16xf32> to vector<16xf32>
        %add3A_885 = arith.addf %scan3A_866, %get3A_884 : vector<16xf32>
        %get3A_886 = arith.constant 0 : i32
        %get3A_887 = arith.index_cast %get3A_886 : i32 to index
        %get3A_888 = arith.index_cast %add3A_879 : i32 to index
        %get3A_889 = arith.constant 16 : index
        %get3A_890 = tpu.vector_load %arg10[%get3A_887, %get3A_888, %get3A_889] {strides = array<i32>} : memref<4x104x128xf32, #tpu.memory_space<vmem>>, vector<1x1x16xf32>,
        %get3A_891 = vector.shape_cast %get3A_890 : vector<1x1x16xf32> to vector<16xf32>
        %add3A_892 = arith.addf %scan3A_867, %get3A_891 : vector<16xf32>
        %get3A_893 = arith.constant 0 : i32
        %get3A_894 = arith.index_cast %get3A_893 : i32 to index
        %get3A_895 = arith.index_cast %add3A_879 : i32 to index
        %get3A_896 = arith.constant 32 : index
        %get3A_897 = tpu.vector_load %arg10[%get3A_894, %get3A_895, %get3A_896] {strides = array<i32>} : memref<4x104x128xf32, #tpu.memory_space<vmem>>, vector<1x1x16xf32>,
        %get3A_898 = vector.shape_cast %get3A_897 : vector<1x1x16xf32> to vector<16xf32>
        %add3A_899 = arith.addf %scan3A_868, %get3A_898 : vector<16xf32>
        %get3A_900 = arith.constant 0 : i32
        %get3A_901 = arith.index_cast %get3A_900 : i32 to index
        %get3A_902 = arith.index_cast %add3A_879 : i32 to index
        %get3A_903 = arith.constant 48 : index
        %get3A_904 = tpu.vector_load %arg10[%get3A_901, %get3A_902, %get3A_903] {strides = array<i32>} : memref<4x104x128xf32, #tpu.memory_space<vmem>>, vector<1x1x16xf32>,
        %get3A_905 = vector.shape_cast %get3A_904 : vector<1x1x16xf32> to vector<16xf32>
        %add3A_906 = arith.addf %scan3A_869, %get3A_905 : vector<16xf32>
        %get3A_907 = arith.constant 0 : i32
        %get3A_908 = arith.index_cast %get3A_907 : i32 to index
        %get3A_909 = arith.index_cast %add3A_879 : i32 to index
        %get3A_910 = arith.constant 64 : index
        %get3A_911 = tpu.vector_load %arg10[%get3A_908, %get3A_909, %get3A_910] {strides = array<i32>} : memref<4x104x128xf32, #tpu.memory_space<vmem>>, vector<1x1x16xf32>,
        %get3A_912 = vector.shape_cast %get3A_911 : vector<1x1x16xf32> to vector<16xf32>
        %add3A_913 = arith.addf %scan3A_870, %get3A_912 : vector<16xf32>
        %get3A_914 = arith.constant 0 : i32
        %get3A_915 = arith.index_cast %get3A_914 : i32 to index
        %get3A_916 = arith.index_cast %add3A_879 : i32 to index
        %get3A_917 = arith.constant 80 : index
        %get3A_918 = tpu.vector_load %arg10[%get3A_915, %get3A_916, %get3A_917] {strides = array<i32>} : memref<4x104x128xf32, #tpu.memory_space<vmem>>, vector<1x1x16xf32>,
        %get3A_919 = vector.shape_cast %get3A_918 : vector<1x1x16xf32> to vector<16xf32>
        %add3A_920 = arith.addf %scan3A_871, %get3A_919 : vector<16xf32>
        %get3A_921 = arith.constant 0 : i32
        %get3A_922 = arith.index_cast %get3A_921 : i32 to index
        %get3A_923 = arith.index_cast %add3A_879 : i32 to index
        %get3A_924 = arith.constant 96 : index
        %get3A_925 = tpu.vector_load %arg10[%get3A_922, %get3A_923, %get3A_924] {strides = array<i32>} : memref<4x104x128xf32, #tpu.memory_space<vmem>>, vector<1x1x16xf32>,
        %get3A_926 = vector.shape_cast %get3A_925 : vector<1x1x16xf32> to vector<16xf32>
        %add3A_927 = arith.addf %scan3A_872, %get3A_926 : vector<16xf32>
        %get3A_928 = arith.constant 0 : i32
        %get3A_929 = arith.index_cast %get3A_928 : i32 to index
        %get3A_930 = arith.index_cast %add3A_879 : i32 to index
        %get3A_931 = arith.constant 112 : index
        %get3A_932 = tpu.vector_load %arg10[%get3A_929, %get3A_930, %get3A_931] {strides = array<i32>} : memref<4x104x128xf32, #tpu.memory_space<vmem>>, vector<1x1x16xf32>,
        %get3A_933 = vector.shape_cast %get3A_932 : vector<1x1x16xf32> to vector<16xf32>
        %add3A_934 = arith.addf %scan3A_873, %get3A_933 : vector<16xf32>
        %mul3A_935 = arith.constant 2 : i32
        %mul3A_936 = arith.muli %mul3A_935, %scan3A_865 : i32
        %add3A_937 = arith.constant 50 : i32
        %add3A_938 = arith.addi %add3A_937, %mul3A_936 : i32
        %add3A_939 = arith.constant 1 : i32
        %add3A_940 = arith.addi %add3A_938, %add3A_939 : i32
        %get3A_941 = arith.constant 0 : i32
        %get3A_942 = arith.index_cast %get3A_941 : i32 to index
        %get3A_943 = arith.index_cast %add3A_940 : i32 to index
        %get3A_944 = arith.constant 0 : index
        %get3A_945 = tpu.vector_load %arg10[%get3A_942, %get3A_943, %get3A_944] {strides = array<i32>} : memref<4x104x128xf32, #tpu.memory_space<vmem>>, vector<1x1x16xf32>,
        %get3A_946 = vector.shape_cast %get3A_945 : vector<1x1x16xf32> to vector<16xf32>
        %add3A_947 = arith.addf %add3A_885, %get3A_946 : vector<16xf32>
        %get3A_948 = arith.constant 0 : i32
        %get3A_949 = arith.index_cast %get3A_948 : i32 to index
        %get3A_950 = arith.index_cast %add3A_940 : i32 to index
        %get3A_951 = arith.constant 16 : index
        %get3A_952 = tpu.vector_load %arg10[%get3A_949, %get3A_950, %get3A_951] {strides = array<i32>} : memref<4x104x128xf32, #tpu.memory_space<vmem>>, vector<1x1x16xf32>,
        %get3A_953 = vector.shape_cast %get3A_952 : vector<1x1x16xf32> to vector<16xf32>
        %add3A_954 = arith.addf %add3A_892, %get3A_953 : vector<16xf32>
        %get3A_955 = arith.constant 0 : i32
        %get3A_956 = arith.index_cast %get3A_955 : i32 to index
        %get3A_957 = arith.index_cast %add3A_940 : i32 to index
        %get3A_958 = arith.constant 32 : index
        %get3A_959 = tpu.vector_load %arg10[%get3A_956, %get3A_957, %get3A_958] {strides = array<i32>} : memref<4x104x128xf32, #tpu.memory_space<vmem>>, vector<1x1x16xf32>,
        %get3A_960 = vector.shape_cast %get3A_959 : vector<1x1x16xf32> to vector<16xf32>
        %add3A_961 = arith.addf %add3A_899, %get3A_960 : vector<16xf32>
        %get3A_962 = arith.constant 0 : i32
        %get3A_963 = arith.index_cast %get3A_962 : i32 to index
        %get3A_964 = arith.index_cast %add3A_940 : i32 to index
        %get3A_965 = arith.constant 48 : index
        %get3A_966 = tpu.vector_load %arg10[%get3A_963, %get3A_964, %get3A_965] {strides = array<i32>} : memref<4x104x128xf32, #tpu.memory_space<vmem>>, vector<1x1x16xf32>,
        %get3A_967 = vector.shape_cast %get3A_966 : vector<1x1x16xf32> to vector<16xf32>
        %add3A_968 = arith.addf %add3A_906, %get3A_967 : vector<16xf32>
        %get3A_969 = arith.constant 0 : i32
        %get3A_970 = arith.index_cast %get3A_969 : i32 to index
        %get3A_971 = arith.index_cast %add3A_940 : i32 to index
        %get3A_972 = arith.constant 64 : index
        %get3A_973 = tpu.vector_load %arg10[%get3A_970, %get3A_971, %get3A_972] {strides = array<i32>} : memref<4x104x128xf32, #tpu.memory_space<vmem>>, vector<1x1x16xf32>,
        %get3A_974 = vector.shape_cast %get3A_973 : vector<1x1x16xf32> to vector<16xf32>
        %add3A_975 = arith.addf %add3A_913, %get3A_974 : vector<16xf32>
        %get3A_976 = arith.constant 0 : i32
        %get3A_977 = arith.index_cast %get3A_976 : i32 to index
        %get3A_978 = arith.index_cast %add3A_940 : i32 to index
        %get3A_979 = arith.constant 80 : index
        %get3A_980 = tpu.vector_load %arg10[%get3A_977, %get3A_978, %get3A_979] {strides = array<i32>} : memref<4x104x128xf32, #tpu.memory_space<vmem>>, vector<1x1x16xf32>,
        %get3A_981 = vector.shape_cast %get3A_980 : vector<1x1x16xf32> to vector<16xf32>
        %add3A_982 = arith.addf %add3A_920, %get3A_981 : vector<16xf32>
        %get3A_983 = arith.constant 0 : i32
        %get3A_984 = arith.index_cast %get3A_983 : i32 to index
        %get3A_985 = arith.index_cast %add3A_940 : i32 to index
        %get3A_986 = arith.constant 96 : index
        %get3A_987 = tpu.vector_load %arg10[%get3A_984, %get3A_985, %get3A_986] {strides = array<i32>} : memref<4x104x128xf32, #tpu.memory_space<vmem>>, vector<1x1x16xf32>,
        %get3A_988 = vector.shape_cast %get3A_987 : vector<1x1x16xf32> to vector<16xf32>
        %add3A_989 = arith.addf %add3A_927, %get3A_988 : vector<16xf32>
        %get3A_990 = arith.constant 0 : i32
        %get3A_991 = arith.index_cast %get3A_990 : i32 to index
        %get3A_992 = arith.index_cast %add3A_940 : i32 to index
        %get3A_993 = arith.constant 112 : index
        %get3A_994 = tpu.vector_load %arg10[%get3A_991, %get3A_992, %get3A_993] {strides = array<i32>} : memref<4x104x128xf32, #tpu.memory_space<vmem>>, vector<1x1x16xf32>,
        %get3A_995 = vector.shape_cast %get3A_994 : vector<1x1x16xf32> to vector<16xf32>
        %add3A_996 = arith.addf %add3A_934, %get3A_995 : vector<16xf32>
        scf.yield %add3A_947, %add3A_954, %add3A_961, %add3A_968, %add3A_975, %add3A_982, %add3A_989, %add3A_996 : vector<16xf32>, vector<16xf32>, vector<16xf32>, vector<16xf32>, vector<16xf32>, vector<16xf32>, vector<16xf32>, vector<16xf32>
      }
      %scan3A_256 = arith.constant 25 : i32
      %mul3A_257 = arith.constant 4 : i32
      %mul3A_258 = arith.muli %add3A_129, %mul3A_257 : i32
      %add3A_259 = arith.constant 1 : i32
      %add3A_260 = arith.addi %mul3A_258, %add3A_259 : i32
      %mul3A_261 = vector.broadcast %scan3A_118 : f32 to vector<16xf32>
      %mul3A_262 = arith.mulf %scan3A_255#0, %mul3A_261 : vector<16xf32>
      %swap3A_263 = arith.index_cast %add3A_260 : i32 to index
      %swap3A_264 = arith.constant 0 : index
      %swap3A_265 = tpu.vector_load %arg11[%swap3A_263, %swap3A_264] {strides = array<i32>} : memref<128x128xf32, #tpu.memory_space<vmem>>, vector<1x16xf32>,
      %swap3A_266 = vector.shape_cast %swap3A_265 : vector<1x16xf32> to vector<16xf32>
      %swap3A_267 = vector.shape_cast %mul3A_262 : vector<16xf32> to vector<1x16xf32>
      tpu.vector_store %arg11[%swap3A_263, %swap3A_264], %swap3A_267 {strides = array<i32>} : memref<128x128xf32, #tpu.memory_space<vmem>>, vector<1x16xf32>,
      %mul3A_268 = vector.broadcast %scan3A_118 : f32 to vector<16xf32>
      %mul3A_269 = arith.mulf %scan3A_255#1, %mul3A_268 : vector<16xf32>
      %swap3A_270 = arith.index_cast %add3A_260 : i32 to index
      %swap3A_271 = arith.constant 16 : index
      %swap3A_272 = tpu.vector_load %arg11[%swap3A_270, %swap3A_271] {strides = array<i32>} : memref<128x128xf32, #tpu.memory_space<vmem>>, vector<1x16xf32>,
      %swap3A_273 = vector.shape_cast %swap3A_272 : vector<1x16xf32> to vector<16xf32>
      %swap3A_274 = vector.shape_cast %mul3A_269 : vector<16xf32> to vector<1x16xf32>
      tpu.vector_store %arg11[%swap3A_270, %swap3A_271], %swap3A_274 {strides = array<i32>} : memref<128x128xf32, #tpu.memory_space<vmem>>, vector<1x16xf32>,
      %mul3A_275 = vector.broadcast %scan3A_118 : f32 to vector<16xf32>
      %mul3A_276 = arith.mulf %scan3A_255#2, %mul3A_275 : vector<16xf32>
      %swap3A_277 = arith.index_cast %add3A_260 : i32 to index
      %swap3A_278 = arith.constant 32 : index
      %swap3A_279 = tpu.vector_load %arg11[%swap3A_277, %swap3A_278] {strides = array<i32>} : memref<128x128xf32, #tpu.memory_space<vmem>>, vector<1x16xf32>,
      %swap3A_280 = vector.shape_cast %swap3A_279 : vector<1x16xf32> to vector<16xf32>
      %swap3A_281 = vector.shape_cast %mul3A_276 : vector<16xf32> to vector<1x16xf32>
      tpu.vector_store %arg11[%swap3A_277, %swap3A_278], %swap3A_281 {strides = array<i32>} : memref<128x128xf32, #tpu.memory_space<vmem>>, vector<1x16xf32>,
      %mul3A_282 = vector.broadcast %scan3A_118 : f32 to vector<16xf32>
      %mul3A_283 = arith.mulf %scan3A_255#3, %mul3A_282 : vector<16xf32>
      %swap3A_284 = arith.index_cast %add3A_260 : i32 to index
      %swap3A_285 = arith.constant 48 : index
      %swap3A_286 = tpu.vector_load %arg11[%swap3A_284, %swap3A_285] {strides = array<i32>} : memref<128x128xf32, #tpu.memory_space<vmem>>, vector<1x16xf32>,
      %swap3A_287 = vector.shape_cast %swap3A_286 : vector<1x16xf32> to vector<16xf32>
      %swap3A_288 = vector.shape_cast %mul3A_283 : vector<16xf32> to vector<1x16xf32>
      tpu.vector_store %arg11[%swap3A_284, %swap3A_285], %swap3A_288 {strides = array<i32>} : memref<128x128xf32, #tpu.memory_space<vmem>>, vector<1x16xf32>,
      %mul3A_289 = vector.broadcast %scan3A_118 : f32 to vector<16xf32>
      %mul3A_290 = arith.mulf %scan3A_255#4, %mul3A_289 : vector<16xf32>
      %swap3A_291 = arith.index_cast %add3A_260 : i32 to index
      %swap3A_292 = arith.constant 64 : index
      %swap3A_293 = tpu.vector_load %arg11[%swap3A_291, %swap3A_292] {strides = array<i32>} : memref<128x128xf32, #tpu.memory_space<vmem>>, vector<1x16xf32>,
      %swap3A_294 = vector.shape_cast %swap3A_293 : vector<1x16xf32> to vector<16xf32>
      %swap3A_295 = vector.shape_cast %mul3A_290 : vector<16xf32> to vector<1x16xf32>
      tpu.vector_store %arg11[%swap3A_291, %swap3A_292], %swap3A_295 {strides = array<i32>} : memref<128x128xf32, #tpu.memory_space<vmem>>, vector<1x16xf32>,
      %mul3A_296 = vector.broadcast %scan3A_118 : f32 to vector<16xf32>
      %mul3A_297 = arith.mulf %scan3A_255#5, %mul3A_296 : vector<16xf32>
      %swap3A_298 = arith.index_cast %add3A_260 : i32 to index
      %swap3A_299 = arith.constant 80 : index
      %swap3A_300 = tpu.vector_load %arg11[%swap3A_298, %swap3A_299] {strides = array<i32>} : memref<128x128xf32, #tpu.memory_space<vmem>>, vector<1x16xf32>,
      %swap3A_301 = vector.shape_cast %swap3A_300 : vector<1x16xf32> to vector<16xf32>
      %swap3A_302 = vector.shape_cast %mul3A_297 : vector<16xf32> to vector<1x16xf32>
      tpu.vector_store %arg11[%swap3A_298, %swap3A_299], %swap3A_302 {strides = array<i32>} : memref<128x128xf32, #tpu.memory_space<vmem>>, vector<1x16xf32>,
      %mul3A_303 = vector.broadcast %scan3A_118 : f32 to vector<16xf32>
      %mul3A_304 = arith.mulf %scan3A_255#6, %mul3A_303 : vector<16xf32>
      %swap3A_305 = arith.index_cast %add3A_260 : i32 to index
      %swap3A_306 = arith.constant 96 : index
      %swap3A_307 = tpu.vector_load %arg11[%swap3A_305, %swap3A_306] {strides = array<i32>} : memref<128x128xf32, #tpu.memory_space<vmem>>, vector<1x16xf32>,
      %swap3A_308 = vector.shape_cast %swap3A_307 : vector<1x16xf32> to vector<16xf32>
      %swap3A_309 = vector.shape_cast %mul3A_304 : vector<16xf32> to vector<1x16xf32>
      tpu.vector_store %arg11[%swap3A_305, %swap3A_306], %swap3A_309 {strides = array<i32>} : memref<128x128xf32, #tpu.memory_space<vmem>>, vector<1x16xf32>,
      %mul3A_310 = vector.broadcast %scan3A_118 : f32 to vector<16xf32>
      %mul3A_311 = arith.mulf %scan3A_255#7, %mul3A_310 : vector<16xf32>
      %swap3A_312 = arith.index_cast %add3A_260 : i32 to index
      %swap3A_313 = arith.constant 112 : index
      %swap3A_314 = tpu.vector_load %arg11[%swap3A_312, %swap3A_313] {strides = array<i32>} : memref<128x128xf32, #tpu.memory_space<vmem>>, vector<1x16xf32>,
      %swap3A_315 = vector.shape_cast %swap3A_314 : vector<1x16xf32> to vector<16xf32>
      %swap3A_316 = vector.shape_cast %mul3A_311 : vector<16xf32> to vector<1x16xf32>
      tpu.vector_store %arg11[%swap3A_312, %swap3A_313], %swap3A_316 {strides = array<i32>} : memref<128x128xf32, #tpu.memory_space<vmem>>, vector<1x16xf32>,
      %broadcast_in_dim3A_317 = arith.constant 0.000000e+00 : f32
      %broadcast_in_dim3A_318 = vector.broadcast %broadcast_in_dim3A_317 : f32 to vector<16xf32>
      %broadcast_in_dim3A_319 = arith.constant 0.000000e+00 : f32
      %broadcast_in_dim3A_320 = vector.broadcast %broadcast_in_dim3A_319 : f32 to vector<16xf32>
      %broadcast_in_dim3A_321 = arith.constant 0.000000e+00 : f32
      %broadcast_in_dim3A_322 = vector.broadcast %broadcast_in_dim3A_321 : f32 to vector<16xf32>
      %broadcast_in_dim3A_323 = arith.constant 0.000000e+00 : f32
      %broadcast_in_dim3A_324 = vector.broadcast %broadcast_in_dim3A_323 : f32 to vector<16xf32>
      %broadcast_in_dim3A_325 = arith.constant 0.000000e+00 : f32
      %broadcast_in_dim3A_326 = vector.broadcast %broadcast_in_dim3A_325 : f32 to vector<16xf32>
      %broadcast_in_dim3A_327 = arith.constant 0.000000e+00 : f32
      %broadcast_in_dim3A_328 = vector.broadcast %broadcast_in_dim3A_327 : f32 to vector<16xf32>
      %broadcast_in_dim3A_329 = arith.constant 0.000000e+00 : f32
      %broadcast_in_dim3A_330 = vector.broadcast %broadcast_in_dim3A_329 : f32 to vector<16xf32>
      %broadcast_in_dim3A_331 = arith.constant 0.000000e+00 : f32
      %broadcast_in_dim3A_332 = vector.broadcast %broadcast_in_dim3A_331 : f32 to vector<16xf32>
      %scan3A_333 = arith.constant 0 : i32
      %scan3A_334 = arith.constant 2 : i32
      %scan3A_335 = arith.addi %scan3A_333, %scan3A_334 : i32
      %scan3A_336 = arith.constant 1 : i32
      %scan3A_337:8 = scf.for %scan3A_865 = %scan3A_333 to %scan3A_335 step %scan3A_336 iter_args(%scan3A_866 = %broadcast_in_dim3A_318, %scan3A_867 = %broadcast_in_dim3A_320, %scan3A_868 = %broadcast_in_dim3A_322, %scan3A_869 = %broadcast_in_dim3A_324, %scan3A_870 = %broadcast_in_dim3A_326, %scan3A_871 = %broadcast_in_dim3A_328, %scan3A_872 = %broadcast_in_dim3A_330, %scan3A_873 = %broadcast_in_dim3A_332) -> (vector<16xf32>, vector<16xf32>, vector<16xf32>, vector<16xf32>, vector<16xf32>, vector<16xf32>, vector<16xf32>, vector<16xf32>)  : i32 {
        %mul3A_874 = arith.constant 2 : i32
        %mul3A_875 = arith.muli %mul3A_874, %scan3A_865 : i32
        %add3A_876 = arith.constant 100 : i32
        %add3A_877 = arith.addi %add3A_876, %mul3A_875 : i32
        %add3A_878 = arith.constant 0 : i32
        %add3A_879 = arith.addi %add3A_877, %add3A_878 : i32
        %get3A = arith.constant 0 : i32
        %get3A_880 = arith.index_cast %get3A : i32 to index
        %get3A_881 = arith.index_cast %add3A_879 : i32 to index
        %get3A_882 = arith.constant 0 : index
        %get3A_883 = tpu.vector_load %arg10[%get3A_880, %get3A_881, %get3A_882] {strides = array<i32>} : memref<4x104x128xf32, #tpu.memory_space<vmem>>, vector<1x1x16xf32>,
        %get3A_884 = vector.shape_cast %get3A_883 : vector<1x1x16xf32> to vector<16xf32>
        %add3A_885 = arith.addf %scan3A_866, %get3A_884 : vector<16xf32>
        %get3A_886 = arith.constant 0 : i32
        %get3A_887 = arith.index_cast %get3A_886 : i32 to index
        %get3A_888 = arith.index_cast %add3A_879 : i32 to index
        %get3A_889 = arith.constant 16 : index
        %get3A_890 = tpu.vector_load %arg10[%get3A_887, %get3A_888, %get3A_889] {strides = array<i32>} : memref<4x104x128xf32, #tpu.memory_space<vmem>>, vector<1x1x16xf32>,
        %get3A_891 = vector.shape_cast %get3A_890 : vector<1x1x16xf32> to vector<16xf32>
        %add3A_892 = arith.addf %scan3A_867, %get3A_891 : vector<16xf32>
        %get3A_893 = arith.constant 0 : i32
        %get3A_894 = arith.index_cast %get3A_893 : i32 to index
        %get3A_895 = arith.index_cast %add3A_879 : i32 to index
        %get3A_896 = arith.constant 32 : index
        %get3A_897 = tpu.vector_load %arg10[%get3A_894, %get3A_895, %get3A_896] {strides = array<i32>} : memref<4x104x128xf32, #tpu.memory_space<vmem>>, vector<1x1x16xf32>,
        %get3A_898 = vector.shape_cast %get3A_897 : vector<1x1x16xf32> to vector<16xf32>
        %add3A_899 = arith.addf %scan3A_868, %get3A_898 : vector<16xf32>
        %get3A_900 = arith.constant 0 : i32
        %get3A_901 = arith.index_cast %get3A_900 : i32 to index
        %get3A_902 = arith.index_cast %add3A_879 : i32 to index
        %get3A_903 = arith.constant 48 : index
        %get3A_904 = tpu.vector_load %arg10[%get3A_901, %get3A_902, %get3A_903] {strides = array<i32>} : memref<4x104x128xf32, #tpu.memory_space<vmem>>, vector<1x1x16xf32>,
        %get3A_905 = vector.shape_cast %get3A_904 : vector<1x1x16xf32> to vector<16xf32>
        %add3A_906 = arith.addf %scan3A_869, %get3A_905 : vector<16xf32>
        %get3A_907 = arith.constant 0 : i32
        %get3A_908 = arith.index_cast %get3A_907 : i32 to index
        %get3A_909 = arith.index_cast %add3A_879 : i32 to index
        %get3A_910 = arith.constant 64 : index
        %get3A_911 = tpu.vector_load %arg10[%get3A_908, %get3A_909, %get3A_910] {strides = array<i32>} : memref<4x104x128xf32, #tpu.memory_space<vmem>>, vector<1x1x16xf32>,
        %get3A_912 = vector.shape_cast %get3A_911 : vector<1x1x16xf32> to vector<16xf32>
        %add3A_913 = arith.addf %scan3A_870, %get3A_912 : vector<16xf32>
        %get3A_914 = arith.constant 0 : i32
        %get3A_915 = arith.index_cast %get3A_914 : i32 to index
        %get3A_916 = arith.index_cast %add3A_879 : i32 to index
        %get3A_917 = arith.constant 80 : index
        %get3A_918 = tpu.vector_load %arg10[%get3A_915, %get3A_916, %get3A_917] {strides = array<i32>} : memref<4x104x128xf32, #tpu.memory_space<vmem>>, vector<1x1x16xf32>,
        %get3A_919 = vector.shape_cast %get3A_918 : vector<1x1x16xf32> to vector<16xf32>
        %add3A_920 = arith.addf %scan3A_871, %get3A_919 : vector<16xf32>
        %get3A_921 = arith.constant 0 : i32
        %get3A_922 = arith.index_cast %get3A_921 : i32 to index
        %get3A_923 = arith.index_cast %add3A_879 : i32 to index
        %get3A_924 = arith.constant 96 : index
        %get3A_925 = tpu.vector_load %arg10[%get3A_922, %get3A_923, %get3A_924] {strides = array<i32>} : memref<4x104x128xf32, #tpu.memory_space<vmem>>, vector<1x1x16xf32>,
        %get3A_926 = vector.shape_cast %get3A_925 : vector<1x1x16xf32> to vector<16xf32>
        %add3A_927 = arith.addf %scan3A_872, %get3A_926 : vector<16xf32>
        %get3A_928 = arith.constant 0 : i32
        %get3A_929 = arith.index_cast %get3A_928 : i32 to index
        %get3A_930 = arith.index_cast %add3A_879 : i32 to index
        %get3A_931 = arith.constant 112 : index
        %get3A_932 = tpu.vector_load %arg10[%get3A_929, %get3A_930, %get3A_931] {strides = array<i32>} : memref<4x104x128xf32, #tpu.memory_space<vmem>>, vector<1x1x16xf32>,
        %get3A_933 = vector.shape_cast %get3A_932 : vector<1x1x16xf32> to vector<16xf32>
        %add3A_934 = arith.addf %scan3A_873, %get3A_933 : vector<16xf32>
        %mul3A_935 = arith.constant 2 : i32
        %mul3A_936 = arith.muli %mul3A_935, %scan3A_865 : i32
        %add3A_937 = arith.constant 100 : i32
        %add3A_938 = arith.addi %add3A_937, %mul3A_936 : i32
        %add3A_939 = arith.constant 1 : i32
        %add3A_940 = arith.addi %add3A_938, %add3A_939 : i32
        %get3A_941 = arith.constant 0 : i32
        %get3A_942 = arith.index_cast %get3A_941 : i32 to index
        %get3A_943 = arith.index_cast %add3A_940 : i32 to index
        %get3A_944 = arith.constant 0 : index
        %get3A_945 = tpu.vector_load %arg10[%get3A_942, %get3A_943, %get3A_944] {strides = array<i32>} : memref<4x104x128xf32, #tpu.memory_space<vmem>>, vector<1x1x16xf32>,
        %get3A_946 = vector.shape_cast %get3A_945 : vector<1x1x16xf32> to vector<16xf32>
        %add3A_947 = arith.addf %add3A_885, %get3A_946 : vector<16xf32>
        %get3A_948 = arith.constant 0 : i32
        %get3A_949 = arith.index_cast %get3A_948 : i32 to index
        %get3A_950 = arith.index_cast %add3A_940 : i32 to index
        %get3A_951 = arith.constant 16 : index
        %get3A_952 = tpu.vector_load %arg10[%get3A_949, %get3A_950, %get3A_951] {strides = array<i32>} : memref<4x104x128xf32, #tpu.memory_space<vmem>>, vector<1x1x16xf32>,
        %get3A_953 = vector.shape_cast %get3A_952 : vector<1x1x16xf32> to vector<16xf32>
        %add3A_954 = arith.addf %add3A_892, %get3A_953 : vector<16xf32>
        %get3A_955 = arith.constant 0 : i32
        %get3A_956 = arith.index_cast %get3A_955 : i32 to index
        %get3A_957 = arith.index_cast %add3A_940 : i32 to index
        %get3A_958 = arith.constant 32 : index
        %get3A_959 = tpu.vector_load %arg10[%get3A_956, %get3A_957, %get3A_958] {strides = array<i32>} : memref<4x104x128xf32, #tpu.memory_space<vmem>>, vector<1x1x16xf32>,
        %get3A_960 = vector.shape_cast %get3A_959 : vector<1x1x16xf32> to vector<16xf32>
        %add3A_961 = arith.addf %add3A_899, %get3A_960 : vector<16xf32>
        %get3A_962 = arith.constant 0 : i32
        %get3A_963 = arith.index_cast %get3A_962 : i32 to index
        %get3A_964 = arith.index_cast %add3A_940 : i32 to index
        %get3A_965 = arith.constant 48 : index
        %get3A_966 = tpu.vector_load %arg10[%get3A_963, %get3A_964, %get3A_965] {strides = array<i32>} : memref<4x104x128xf32, #tpu.memory_space<vmem>>, vector<1x1x16xf32>,
        %get3A_967 = vector.shape_cast %get3A_966 : vector<1x1x16xf32> to vector<16xf32>
        %add3A_968 = arith.addf %add3A_906, %get3A_967 : vector<16xf32>
        %get3A_969 = arith.constant 0 : i32
        %get3A_970 = arith.index_cast %get3A_969 : i32 to index
        %get3A_971 = arith.index_cast %add3A_940 : i32 to index
        %get3A_972 = arith.constant 64 : index
        %get3A_973 = tpu.vector_load %arg10[%get3A_970, %get3A_971, %get3A_972] {strides = array<i32>} : memref<4x104x128xf32, #tpu.memory_space<vmem>>, vector<1x1x16xf32>,
        %get3A_974 = vector.shape_cast %get3A_973 : vector<1x1x16xf32> to vector<16xf32>
        %add3A_975 = arith.addf %add3A_913, %get3A_974 : vector<16xf32>
        %get3A_976 = arith.constant 0 : i32
        %get3A_977 = arith.index_cast %get3A_976 : i32 to index
        %get3A_978 = arith.index_cast %add3A_940 : i32 to index
        %get3A_979 = arith.constant 80 : index
        %get3A_980 = tpu.vector_load %arg10[%get3A_977, %get3A_978, %get3A_979] {strides = array<i32>} : memref<4x104x128xf32, #tpu.memory_space<vmem>>, vector<1x1x16xf32>,
        %get3A_981 = vector.shape_cast %get3A_980 : vector<1x1x16xf32> to vector<16xf32>
        %add3A_982 = arith.addf %add3A_920, %get3A_981 : vector<16xf32>
        %get3A_983 = arith.constant 0 : i32
        %get3A_984 = arith.index_cast %get3A_983 : i32 to index
        %get3A_985 = arith.index_cast %add3A_940 : i32 to index
        %get3A_986 = arith.constant 96 : index
        %get3A_987 = tpu.vector_load %arg10[%get3A_984, %get3A_985, %get3A_986] {strides = array<i32>} : memref<4x104x128xf32, #tpu.memory_space<vmem>>, vector<1x1x16xf32>,
        %get3A_988 = vector.shape_cast %get3A_987 : vector<1x1x16xf32> to vector<16xf32>
        %add3A_989 = arith.addf %add3A_927, %get3A_988 : vector<16xf32>
        %get3A_990 = arith.constant 0 : i32
        %get3A_991 = arith.index_cast %get3A_990 : i32 to index
        %get3A_992 = arith.index_cast %add3A_940 : i32 to index
        %get3A_993 = arith.constant 112 : index
        %get3A_994 = tpu.vector_load %arg10[%get3A_991, %get3A_992, %get3A_993] {strides = array<i32>} : memref<4x104x128xf32, #tpu.memory_space<vmem>>, vector<1x1x16xf32>,
        %get3A_995 = vector.shape_cast %get3A_994 : vector<1x1x16xf32> to vector<16xf32>
        %add3A_996 = arith.addf %add3A_934, %get3A_995 : vector<16xf32>
        scf.yield %add3A_947, %add3A_954, %add3A_961, %add3A_968, %add3A_975, %add3A_982, %add3A_989, %add3A_996 : vector<16xf32>, vector<16xf32>, vector<16xf32>, vector<16xf32>, vector<16xf32>, vector<16xf32>, vector<16xf32>, vector<16xf32>
      }
      %scan3A_338 = arith.constant 2 : i32
      %scan3A_339 = arith.constant 0 : i32
      %scan3A_340 = arith.constant 23 : i32
      %scan3A_341 = arith.addi %scan3A_339, %scan3A_340 : i32
      %scan3A_342 = arith.constant 1 : i32
      %scan3A_343:8 = scf.for %scan3A_865 = %scan3A_339 to %scan3A_341 step %scan3A_342 iter_args(%scan3A_866 = %scan3A_337#0, %scan3A_867 = %scan3A_337#1, %scan3A_868 = %scan3A_337#2, %scan3A_869 = %scan3A_337#3, %scan3A_870 = %scan3A_337#4, %scan3A_871 = %scan3A_337#5, %scan3A_872 = %scan3A_337#6, %scan3A_873 = %scan3A_337#7) -> (vector<16xf32>, vector<16xf32>, vector<16xf32>, vector<16xf32>, vector<16xf32>, vector<16xf32>, vector<16xf32>, vector<16xf32>)  : i32 {
        %mul3A_874 = arith.constant 2 : i32
        %mul3A_875 = arith.muli %mul3A_874, %scan3A_865 : i32
        %add3A_876 = arith.constant 0 : i32
        %add3A_877 = arith.addi %add3A_876, %mul3A_875 : i32
        %add3A_878 = arith.constant 0 : i32
        %add3A_879 = arith.addi %add3A_877, %add3A_878 : i32
        %get3A = arith.constant 1 : i32
        %get3A_880 = arith.index_cast %get3A : i32 to index
        %get3A_881 = arith.index_cast %add3A_879 : i32 to index
        %get3A_882 = arith.constant 0 : index
        %get3A_883 = tpu.vector_load %arg10[%get3A_880, %get3A_881, %get3A_882] {strides = array<i32>} : memref<4x104x128xf32, #tpu.memory_space<vmem>>, vector<1x1x16xf32>,
        %get3A_884 = vector.shape_cast %get3A_883 : vector<1x1x16xf32> to vector<16xf32>
        %add3A_885 = arith.addf %scan3A_866, %get3A_884 : vector<16xf32>
        %get3A_886 = arith.constant 1 : i32
        %get3A_887 = arith.index_cast %get3A_886 : i32 to index
        %get3A_888 = arith.index_cast %add3A_879 : i32 to index
        %get3A_889 = arith.constant 16 : index
        %get3A_890 = tpu.vector_load %arg10[%get3A_887, %get3A_888, %get3A_889] {strides = array<i32>} : memref<4x104x128xf32, #tpu.memory_space<vmem>>, vector<1x1x16xf32>,
        %get3A_891 = vector.shape_cast %get3A_890 : vector<1x1x16xf32> to vector<16xf32>
        %add3A_892 = arith.addf %scan3A_867, %get3A_891 : vector<16xf32>
        %get3A_893 = arith.constant 1 : i32
        %get3A_894 = arith.index_cast %get3A_893 : i32 to index
        %get3A_895 = arith.index_cast %add3A_879 : i32 to index
        %get3A_896 = arith.constant 32 : index
        %get3A_897 = tpu.vector_load %arg10[%get3A_894, %get3A_895, %get3A_896] {strides = array<i32>} : memref<4x104x128xf32, #tpu.memory_space<vmem>>, vector<1x1x16xf32>,
        %get3A_898 = vector.shape_cast %get3A_897 : vector<1x1x16xf32> to vector<16xf32>
        %add3A_899 = arith.addf %scan3A_868, %get3A_898 : vector<16xf32>
        %get3A_900 = arith.constant 1 : i32
        %get3A_901 = arith.index_cast %get3A_900 : i32 to index
        %get3A_902 = arith.index_cast %add3A_879 : i32 to index
        %get3A_903 = arith.constant 48 : index
        %get3A_904 = tpu.vector_load %arg10[%get3A_901, %get3A_902, %get3A_903] {strides = array<i32>} : memref<4x104x128xf32, #tpu.memory_space<vmem>>, vector<1x1x16xf32>,
        %get3A_905 = vector.shape_cast %get3A_904 : vector<1x1x16xf32> to vector<16xf32>
        %add3A_906 = arith.addf %scan3A_869, %get3A_905 : vector<16xf32>
        %get3A_907 = arith.constant 1 : i32
        %get3A_908 = arith.index_cast %get3A_907 : i32 to index
        %get3A_909 = arith.index_cast %add3A_879 : i32 to index
        %get3A_910 = arith.constant 64 : index
        %get3A_911 = tpu.vector_load %arg10[%get3A_908, %get3A_909, %get3A_910] {strides = array<i32>} : memref<4x104x128xf32, #tpu.memory_space<vmem>>, vector<1x1x16xf32>,
        %get3A_912 = vector.shape_cast %get3A_911 : vector<1x1x16xf32> to vector<16xf32>
        %add3A_913 = arith.addf %scan3A_870, %get3A_912 : vector<16xf32>
        %get3A_914 = arith.constant 1 : i32
        %get3A_915 = arith.index_cast %get3A_914 : i32 to index
        %get3A_916 = arith.index_cast %add3A_879 : i32 to index
        %get3A_917 = arith.constant 80 : index
        %get3A_918 = tpu.vector_load %arg10[%get3A_915, %get3A_916, %get3A_917] {strides = array<i32>} : memref<4x104x128xf32, #tpu.memory_space<vmem>>, vector<1x1x16xf32>,
        %get3A_919 = vector.shape_cast %get3A_918 : vector<1x1x16xf32> to vector<16xf32>
        %add3A_920 = arith.addf %scan3A_871, %get3A_919 : vector<16xf32>
        %get3A_921 = arith.constant 1 : i32
        %get3A_922 = arith.index_cast %get3A_921 : i32 to index
        %get3A_923 = arith.index_cast %add3A_879 : i32 to index
        %get3A_924 = arith.constant 96 : index
        %get3A_925 = tpu.vector_load %arg10[%get3A_922, %get3A_923, %get3A_924] {strides = array<i32>} : memref<4x104x128xf32, #tpu.memory_space<vmem>>, vector<1x1x16xf32>,
        %get3A_926 = vector.shape_cast %get3A_925 : vector<1x1x16xf32> to vector<16xf32>
        %add3A_927 = arith.addf %scan3A_872, %get3A_926 : vector<16xf32>
        %get3A_928 = arith.constant 1 : i32
        %get3A_929 = arith.index_cast %get3A_928 : i32 to index
        %get3A_930 = arith.index_cast %add3A_879 : i32 to index
        %get3A_931 = arith.constant 112 : index
        %get3A_932 = tpu.vector_load %arg10[%get3A_929, %get3A_930, %get3A_931] {strides = array<i32>} : memref<4x104x128xf32, #tpu.memory_space<vmem>>, vector<1x1x16xf32>,
        %get3A_933 = vector.shape_cast %get3A_932 : vector<1x1x16xf32> to vector<16xf32>
        %add3A_934 = arith.addf %scan3A_873, %get3A_933 : vector<16xf32>
        %mul3A_935 = arith.constant 2 : i32
        %mul3A_936 = arith.muli %mul3A_935, %scan3A_865 : i32
        %add3A_937 = arith.constant 0 : i32
        %add3A_938 = arith.addi %add3A_937, %mul3A_936 : i32
        %add3A_939 = arith.constant 1 : i32
        %add3A_940 = arith.addi %add3A_938, %add3A_939 : i32
        %get3A_941 = arith.constant 1 : i32
        %get3A_942 = arith.index_cast %get3A_941 : i32 to index
        %get3A_943 = arith.index_cast %add3A_940 : i32 to index
        %get3A_944 = arith.constant 0 : index
        %get3A_945 = tpu.vector_load %arg10[%get3A_942, %get3A_943, %get3A_944] {strides = array<i32>} : memref<4x104x128xf32, #tpu.memory_space<vmem>>, vector<1x1x16xf32>,
        %get3A_946 = vector.shape_cast %get3A_945 : vector<1x1x16xf32> to vector<16xf32>
        %add3A_947 = arith.addf %add3A_885, %get3A_946 : vector<16xf32>
        %get3A_948 = arith.constant 1 : i32
        %get3A_949 = arith.index_cast %get3A_948 : i32 to index
        %get3A_950 = arith.index_cast %add3A_940 : i32 to index
        %get3A_951 = arith.constant 16 : index
        %get3A_952 = tpu.vector_load %arg10[%get3A_949, %get3A_950, %get3A_951] {strides = array<i32>} : memref<4x104x128xf32, #tpu.memory_space<vmem>>, vector<1x1x16xf32>,
        %get3A_953 = vector.shape_cast %get3A_952 : vector<1x1x16xf32> to vector<16xf32>
        %add3A_954 = arith.addf %add3A_892, %get3A_953 : vector<16xf32>
        %get3A_955 = arith.constant 1 : i32
        %get3A_956 = arith.index_cast %get3A_955 : i32 to index
        %get3A_957 = arith.index_cast %add3A_940 : i32 to index
        %get3A_958 = arith.constant 32 : index
        %get3A_959 = tpu.vector_load %arg10[%get3A_956, %get3A_957, %get3A_958] {strides = array<i32>} : memref<4x104x128xf32, #tpu.memory_space<vmem>>, vector<1x1x16xf32>,
        %get3A_960 = vector.shape_cast %get3A_959 : vector<1x1x16xf32> to vector<16xf32>
        %add3A_961 = arith.addf %add3A_899, %get3A_960 : vector<16xf32>
        %get3A_962 = arith.constant 1 : i32
        %get3A_963 = arith.index_cast %get3A_962 : i32 to index
        %get3A_964 = arith.index_cast %add3A_940 : i32 to index
        %get3A_965 = arith.constant 48 : index
        %get3A_966 = tpu.vector_load %arg10[%get3A_963, %get3A_964, %get3A_965] {strides = array<i32>} : memref<4x104x128xf32, #tpu.memory_space<vmem>>, vector<1x1x16xf32>,
        %get3A_967 = vector.shape_cast %get3A_966 : vector<1x1x16xf32> to vector<16xf32>
        %add3A_968 = arith.addf %add3A_906, %get3A_967 : vector<16xf32>
        %get3A_969 = arith.constant 1 : i32
        %get3A_970 = arith.index_cast %get3A_969 : i32 to index
        %get3A_971 = arith.index_cast %add3A_940 : i32 to index
        %get3A_972 = arith.constant 64 : index
        %get3A_973 = tpu.vector_load %arg10[%get3A_970, %get3A_971, %get3A_972] {strides = array<i32>} : memref<4x104x128xf32, #tpu.memory_space<vmem>>, vector<1x1x16xf32>,
        %get3A_974 = vector.shape_cast %get3A_973 : vector<1x1x16xf32> to vector<16xf32>
        %add3A_975 = arith.addf %add3A_913, %get3A_974 : vector<16xf32>
        %get3A_976 = arith.constant 1 : i32
        %get3A_977 = arith.index_cast %get3A_976 : i32 to index
        %get3A_978 = arith.index_cast %add3A_940 : i32 to index
        %get3A_979 = arith.constant 80 : index
        %get3A_980 = tpu.vector_load %arg10[%get3A_977, %get3A_978, %get3A_979] {strides = array<i32>} : memref<4x104x128xf32, #tpu.memory_space<vmem>>, vector<1x1x16xf32>,
        %get3A_981 = vector.shape_cast %get3A_980 : vector<1x1x16xf32> to vector<16xf32>
        %add3A_982 = arith.addf %add3A_920, %get3A_981 : vector<16xf32>
        %get3A_983 = arith.constant 1 : i32
        %get3A_984 = arith.index_cast %get3A_983 : i32 to index
        %get3A_985 = arith.index_cast %add3A_940 : i32 to index
        %get3A_986 = arith.constant 96 : index
        %get3A_987 = tpu.vector_load %arg10[%get3A_984, %get3A_985, %get3A_986] {strides = array<i32>} : memref<4x104x128xf32, #tpu.memory_space<vmem>>, vector<1x1x16xf32>,
        %get3A_988 = vector.shape_cast %get3A_987 : vector<1x1x16xf32> to vector<16xf32>
        %add3A_989 = arith.addf %add3A_927, %get3A_988 : vector<16xf32>
        %get3A_990 = arith.constant 1 : i32
        %get3A_991 = arith.index_cast %get3A_990 : i32 to index
        %get3A_992 = arith.index_cast %add3A_940 : i32 to index
        %get3A_993 = arith.constant 112 : index
        %get3A_994 = tpu.vector_load %arg10[%get3A_991, %get3A_992, %get3A_993] {strides = array<i32>} : memref<4x104x128xf32, #tpu.memory_space<vmem>>, vector<1x1x16xf32>,
        %get3A_995 = vector.shape_cast %get3A_994 : vector<1x1x16xf32> to vector<16xf32>
        %add3A_996 = arith.addf %add3A_934, %get3A_995 : vector<16xf32>
        scf.yield %add3A_947, %add3A_954, %add3A_961, %add3A_968, %add3A_975, %add3A_982, %add3A_989, %add3A_996 : vector<16xf32>, vector<16xf32>, vector<16xf32>, vector<16xf32>, vector<16xf32>, vector<16xf32>, vector<16xf32>, vector<16xf32>
      }
      %scan3A_344 = arith.constant 23 : i32
      %mul3A_345 = arith.constant 4 : i32
      %mul3A_346 = arith.muli %add3A_129, %mul3A_345 : i32
      %add3A_347 = arith.constant 2 : i32
      %add3A_348 = arith.addi %mul3A_346, %add3A_347 : i32
      %mul3A_349 = vector.broadcast %scan3A_118 : f32 to vector<16xf32>
      %mul3A_350 = arith.mulf %scan3A_343#0, %mul3A_349 : vector<16xf32>
      %swap3A_351 = arith.index_cast %add3A_348 : i32 to index
      %swap3A_352 = arith.constant 0 : index
      %swap3A_353 = tpu.vector_load %arg11[%swap3A_351, %swap3A_352] {strides = array<i32>} : memref<128x128xf32, #tpu.memory_space<vmem>>, vector<1x16xf32>,
      %swap3A_354 = vector.shape_cast %swap3A_353 : vector<1x16xf32> to vector<16xf32>
      %swap3A_355 = vector.shape_cast %mul3A_350 : vector<16xf32> to vector<1x16xf32>
      tpu.vector_store %arg11[%swap3A_351, %swap3A_352], %swap3A_355 {strides = array<i32>} : memref<128x128xf32, #tpu.memory_space<vmem>>, vector<1x16xf32>,
      %mul3A_356 = vector.broadcast %scan3A_118 : f32 to vector<16xf32>
      %mul3A_357 = arith.mulf %scan3A_343#1, %mul3A_356 : vector<16xf32>
      %swap3A_358 = arith.index_cast %add3A_348 : i32 to index
      %swap3A_359 = arith.constant 16 : index
      %swap3A_360 = tpu.vector_load %arg11[%swap3A_358, %swap3A_359] {strides = array<i32>} : memref<128x128xf32, #tpu.memory_space<vmem>>, vector<1x16xf32>,
      %swap3A_361 = vector.shape_cast %swap3A_360 : vector<1x16xf32> to vector<16xf32>
      %swap3A_362 = vector.shape_cast %mul3A_357 : vector<16xf32> to vector<1x16xf32>
      tpu.vector_store %arg11[%swap3A_358, %swap3A_359], %swap3A_362 {strides = array<i32>} : memref<128x128xf32, #tpu.memory_space<vmem>>, vector<1x16xf32>,
      %mul3A_363 = vector.broadcast %scan3A_118 : f32 to vector<16xf32>
      %mul3A_364 = arith.mulf %scan3A_343#2, %mul3A_363 : vector<16xf32>
      %swap3A_365 = arith.index_cast %add3A_348 : i32 to index
      %swap3A_366 = arith.constant 32 : index
      %swap3A_367 = tpu.vector_load %arg11[%swap3A_365, %swap3A_366] {strides = array<i32>} : memref<128x128xf32, #tpu.memory_space<vmem>>, vector<1x16xf32>,
      %swap3A_368 = vector.shape_cast %swap3A_367 : vector<1x16xf32> to vector<16xf32>
      %swap3A_369 = vector.shape_cast %mul3A_364 : vector<16xf32> to vector<1x16xf32>
      tpu.vector_store %arg11[%swap3A_365, %swap3A_366], %swap3A_369 {strides = array<i32>} : memref<128x128xf32, #tpu.memory_space<vmem>>, vector<1x16xf32>,
      %mul3A_370 = vector.broadcast %scan3A_118 : f32 to vector<16xf32>
      %mul3A_371 = arith.mulf %scan3A_343#3, %mul3A_370 : vector<16xf32>
      %swap3A_372 = arith.index_cast %add3A_348 : i32 to index
      %swap3A_373 = arith.constant 48 : index
      %swap3A_374 = tpu.vector_load %arg11[%swap3A_372, %swap3A_373] {strides = array<i32>} : memref<128x128xf32, #tpu.memory_space<vmem>>, vector<1x16xf32>,
      %swap3A_375 = vector.shape_cast %swap3A_374 : vector<1x16xf32> to vector<16xf32>
      %swap3A_376 = vector.shape_cast %mul3A_371 : vector<16xf32> to vector<1x16xf32>
      tpu.vector_store %arg11[%swap3A_372, %swap3A_373], %swap3A_376 {strides = array<i32>} : memref<128x128xf32, #tpu.memory_space<vmem>>, vector<1x16xf32>,
      %mul3A_377 = vector.broadcast %scan3A_118 : f32 to vector<16xf32>
      %mul3A_378 = arith.mulf %scan3A_343#4, %mul3A_377 : vector<16xf32>
      %swap3A_379 = arith.index_cast %add3A_348 : i32 to index
      %swap3A_380 = arith.constant 64 : index
      %swap3A_381 = tpu.vector_load %arg11[%swap3A_379, %swap3A_380] {strides = array<i32>} : memref<128x128xf32, #tpu.memory_space<vmem>>, vector<1x16xf32>,
      %swap3A_382 = vector.shape_cast %swap3A_381 : vector<1x16xf32> to vector<16xf32>
      %swap3A_383 = vector.shape_cast %mul3A_378 : vector<16xf32> to vector<1x16xf32>
      tpu.vector_store %arg11[%swap3A_379, %swap3A_380], %swap3A_383 {strides = array<i32>} : memref<128x128xf32, #tpu.memory_space<vmem>>, vector<1x16xf32>,
      %mul3A_384 = vector.broadcast %scan3A_118 : f32 to vector<16xf32>
      %mul3A_385 = arith.mulf %scan3A_343#5, %mul3A_384 : vector<16xf32>
      %swap3A_386 = arith.index_cast %add3A_348 : i32 to index
      %swap3A_387 = arith.constant 80 : index
      %swap3A_388 = tpu.vector_load %arg11[%swap3A_386, %swap3A_387] {strides = array<i32>} : memref<128x128xf32, #tpu.memory_space<vmem>>, vector<1x16xf32>,
      %swap3A_389 = vector.shape_cast %swap3A_388 : vector<1x16xf32> to vector<16xf32>
      %swap3A_390 = vector.shape_cast %mul3A_385 : vector<16xf32> to vector<1x16xf32>
      tpu.vector_store %arg11[%swap3A_386, %swap3A_387], %swap3A_390 {strides = array<i32>} : memref<128x128xf32, #tpu.memory_space<vmem>>, vector<1x16xf32>,
      %mul3A_391 = vector.broadcast %scan3A_118 : f32 to vector<16xf32>
      %mul3A_392 = arith.mulf %scan3A_343#6, %mul3A_391 : vector<16xf32>
      %swap3A_393 = arith.index_cast %add3A_348 : i32 to index
      %swap3A_394 = arith.constant 96 : index
      %swap3A_395 = tpu.vector_load %arg11[%swap3A_393, %swap3A_394] {strides = array<i32>} : memref<128x128xf32, #tpu.memory_space<vmem>>, vector<1x16xf32>,
      %swap3A_396 = vector.shape_cast %swap3A_395 : vector<1x16xf32> to vector<16xf32>
      %swap3A_397 = vector.shape_cast %mul3A_392 : vector<16xf32> to vector<1x16xf32>
      tpu.vector_store %arg11[%swap3A_393, %swap3A_394], %swap3A_397 {strides = array<i32>} : memref<128x128xf32, #tpu.memory_space<vmem>>, vector<1x16xf32>,
      %mul3A_398 = vector.broadcast %scan3A_118 : f32 to vector<16xf32>
      %mul3A_399 = arith.mulf %scan3A_343#7, %mul3A_398 : vector<16xf32>
      %swap3A_400 = arith.index_cast %add3A_348 : i32 to index
      %swap3A_401 = arith.constant 112 : index
      %swap3A_402 = tpu.vector_load %arg11[%swap3A_400, %swap3A_401] {strides = array<i32>} : memref<128x128xf32, #tpu.memory_space<vmem>>, vector<1x16xf32>,
      %swap3A_403 = vector.shape_cast %swap3A_402 : vector<1x16xf32> to vector<16xf32>
      %swap3A_404 = vector.shape_cast %mul3A_399 : vector<16xf32> to vector<1x16xf32>
      tpu.vector_store %arg11[%swap3A_400, %swap3A_401], %swap3A_404 {strides = array<i32>} : memref<128x128xf32, #tpu.memory_space<vmem>>, vector<1x16xf32>,
      %broadcast_in_dim3A_405 = arith.constant 0.000000e+00 : f32
      %broadcast_in_dim3A_406 = vector.broadcast %broadcast_in_dim3A_405 : f32 to vector<16xf32>
      %broadcast_in_dim3A_407 = arith.constant 0.000000e+00 : f32
      %broadcast_in_dim3A_408 = vector.broadcast %broadcast_in_dim3A_407 : f32 to vector<16xf32>
      %broadcast_in_dim3A_409 = arith.constant 0.000000e+00 : f32
      %broadcast_in_dim3A_410 = vector.broadcast %broadcast_in_dim3A_409 : f32 to vector<16xf32>
      %broadcast_in_dim3A_411 = arith.constant 0.000000e+00 : f32
      %broadcast_in_dim3A_412 = vector.broadcast %broadcast_in_dim3A_411 : f32 to vector<16xf32>
      %broadcast_in_dim3A_413 = arith.constant 0.000000e+00 : f32
      %broadcast_in_dim3A_414 = vector.broadcast %broadcast_in_dim3A_413 : f32 to vector<16xf32>
      %broadcast_in_dim3A_415 = arith.constant 0.000000e+00 : f32
      %broadcast_in_dim3A_416 = vector.broadcast %broadcast_in_dim3A_415 : f32 to vector<16xf32>
      %broadcast_in_dim3A_417 = arith.constant 0.000000e+00 : f32
      %broadcast_in_dim3A_418 = vector.broadcast %broadcast_in_dim3A_417 : f32 to vector<16xf32>
      %broadcast_in_dim3A_419 = arith.constant 0.000000e+00 : f32
      %broadcast_in_dim3A_420 = vector.broadcast %broadcast_in_dim3A_419 : f32 to vector<16xf32>
      %scan3A_421 = arith.constant 0 : i32
      %scan3A_422 = arith.constant 25 : i32
      %scan3A_423 = arith.addi %scan3A_421, %scan3A_422 : i32
      %scan3A_424 = arith.constant 1 : i32
      %scan3A_425:8 = scf.for %scan3A_865 = %scan3A_421 to %scan3A_423 step %scan3A_424 iter_args(%scan3A_866 = %broadcast_in_dim3A_406, %scan3A_867 = %broadcast_in_dim3A_408, %scan3A_868 = %broadcast_in_dim3A_410, %scan3A_869 = %broadcast_in_dim3A_412, %scan3A_870 = %broadcast_in_dim3A_414, %scan3A_871 = %broadcast_in_dim3A_416, %scan3A_872 = %broadcast_in_dim3A_418, %scan3A_873 = %broadcast_in_dim3A_420) -> (vector<16xf32>, vector<16xf32>, vector<16xf32>, vector<16xf32>, vector<16xf32>, vector<16xf32>, vector<16xf32>, vector<16xf32>)  : i32 {
        %mul3A_874 = arith.constant 2 : i32
        %mul3A_875 = arith.muli %mul3A_874, %scan3A_865 : i32
        %add3A_876 = arith.constant 46 : i32
        %add3A_877 = arith.addi %add3A_876, %mul3A_875 : i32
        %add3A_878 = arith.constant 0 : i32
        %add3A_879 = arith.addi %add3A_877, %add3A_878 : i32
        %get3A = arith.constant 1 : i32
        %get3A_880 = arith.index_cast %get3A : i32 to index
        %get3A_881 = arith.index_cast %add3A_879 : i32 to index
        %get3A_882 = arith.constant 0 : index
        %get3A_883 = tpu.vector_load %arg10[%get3A_880, %get3A_881, %get3A_882] {strides = array<i32>} : memref<4x104x128xf32, #tpu.memory_space<vmem>>, vector<1x1x16xf32>,
        %get3A_884 = vector.shape_cast %get3A_883 : vector<1x1x16xf32> to vector<16xf32>
        %add3A_885 = arith.addf %scan3A_866, %get3A_884 : vector<16xf32>
        %get3A_886 = arith.constant 1 : i32
        %get3A_887 = arith.index_cast %get3A_886 : i32 to index
        %get3A_888 = arith.index_cast %add3A_879 : i32 to index
        %get3A_889 = arith.constant 16 : index
        %get3A_890 = tpu.vector_load %arg10[%get3A_887, %get3A_888, %get3A_889] {strides = array<i32>} : memref<4x104x128xf32, #tpu.memory_space<vmem>>, vector<1x1x16xf32>,
        %get3A_891 = vector.shape_cast %get3A_890 : vector<1x1x16xf32> to vector<16xf32>
        %add3A_892 = arith.addf %scan3A_867, %get3A_891 : vector<16xf32>
        %get3A_893 = arith.constant 1 : i32
        %get3A_894 = arith.index_cast %get3A_893 : i32 to index
        %get3A_895 = arith.index_cast %add3A_879 : i32 to index
        %get3A_896 = arith.constant 32 : index
        %get3A_897 = tpu.vector_load %arg10[%get3A_894, %get3A_895, %get3A_896] {strides = array<i32>} : memref<4x104x128xf32, #tpu.memory_space<vmem>>, vector<1x1x16xf32>,
        %get3A_898 = vector.shape_cast %get3A_897 : vector<1x1x16xf32> to vector<16xf32>
        %add3A_899 = arith.addf %scan3A_868, %get3A_898 : vector<16xf32>
        %get3A_900 = arith.constant 1 : i32
        %get3A_901 = arith.index_cast %get3A_900 : i32 to index
        %get3A_902 = arith.index_cast %add3A_879 : i32 to index
        %get3A_903 = arith.constant 48 : index
        %get3A_904 = tpu.vector_load %arg10[%get3A_901, %get3A_902, %get3A_903] {strides = array<i32>} : memref<4x104x128xf32, #tpu.memory_space<vmem>>, vector<1x1x16xf32>,
        %get3A_905 = vector.shape_cast %get3A_904 : vector<1x1x16xf32> to vector<16xf32>
        %add3A_906 = arith.addf %scan3A_869, %get3A_905 : vector<16xf32>
        %get3A_907 = arith.constant 1 : i32
        %get3A_908 = arith.index_cast %get3A_907 : i32 to index
        %get3A_909 = arith.index_cast %add3A_879 : i32 to index
        %get3A_910 = arith.constant 64 : index
        %get3A_911 = tpu.vector_load %arg10[%get3A_908, %get3A_909, %get3A_910] {strides = array<i32>} : memref<4x104x128xf32, #tpu.memory_space<vmem>>, vector<1x1x16xf32>,
        %get3A_912 = vector.shape_cast %get3A_911 : vector<1x1x16xf32> to vector<16xf32>
        %add3A_913 = arith.addf %scan3A_870, %get3A_912 : vector<16xf32>
        %get3A_914 = arith.constant 1 : i32
        %get3A_915 = arith.index_cast %get3A_914 : i32 to index
        %get3A_916 = arith.index_cast %add3A_879 : i32 to index
        %get3A_917 = arith.constant 80 : index
        %get3A_918 = tpu.vector_load %arg10[%get3A_915, %get3A_916, %get3A_917] {strides = array<i32>} : memref<4x104x128xf32, #tpu.memory_space<vmem>>, vector<1x1x16xf32>,
        %get3A_919 = vector.shape_cast %get3A_918 : vector<1x1x16xf32> to vector<16xf32>
        %add3A_920 = arith.addf %scan3A_871, %get3A_919 : vector<16xf32>
        %get3A_921 = arith.constant 1 : i32
        %get3A_922 = arith.index_cast %get3A_921 : i32 to index
        %get3A_923 = arith.index_cast %add3A_879 : i32 to index
        %get3A_924 = arith.constant 96 : index
        %get3A_925 = tpu.vector_load %arg10[%get3A_922, %get3A_923, %get3A_924] {strides = array<i32>} : memref<4x104x128xf32, #tpu.memory_space<vmem>>, vector<1x1x16xf32>,
        %get3A_926 = vector.shape_cast %get3A_925 : vector<1x1x16xf32> to vector<16xf32>
        %add3A_927 = arith.addf %scan3A_872, %get3A_926 : vector<16xf32>
        %get3A_928 = arith.constant 1 : i32
        %get3A_929 = arith.index_cast %get3A_928 : i32 to index
        %get3A_930 = arith.index_cast %add3A_879 : i32 to index
        %get3A_931 = arith.constant 112 : index
        %get3A_932 = tpu.vector_load %arg10[%get3A_929, %get3A_930, %get3A_931] {strides = array<i32>} : memref<4x104x128xf32, #tpu.memory_space<vmem>>, vector<1x1x16xf32>,
        %get3A_933 = vector.shape_cast %get3A_932 : vector<1x1x16xf32> to vector<16xf32>
        %add3A_934 = arith.addf %scan3A_873, %get3A_933 : vector<16xf32>
        %mul3A_935 = arith.constant 2 : i32
        %mul3A_936 = arith.muli %mul3A_935, %scan3A_865 : i32
        %add3A_937 = arith.constant 46 : i32
        %add3A_938 = arith.addi %add3A_937, %mul3A_936 : i32
        %add3A_939 = arith.constant 1 : i32
        %add3A_940 = arith.addi %add3A_938, %add3A_939 : i32
        %get3A_941 = arith.constant 1 : i32
        %get3A_942 = arith.index_cast %get3A_941 : i32 to index
        %get3A_943 = arith.index_cast %add3A_940 : i32 to index
        %get3A_944 = arith.constant 0 : index
        %get3A_945 = tpu.vector_load %arg10[%get3A_942, %get3A_943, %get3A_944] {strides = array<i32>} : memref<4x104x128xf32, #tpu.memory_space<vmem>>, vector<1x1x16xf32>,
        %get3A_946 = vector.shape_cast %get3A_945 : vector<1x1x16xf32> to vector<16xf32>
        %add3A_947 = arith.addf %add3A_885, %get3A_946 : vector<16xf32>
        %get3A_948 = arith.constant 1 : i32
        %get3A_949 = arith.index_cast %get3A_948 : i32 to index
        %get3A_950 = arith.index_cast %add3A_940 : i32 to index
        %get3A_951 = arith.constant 16 : index
        %get3A_952 = tpu.vector_load %arg10[%get3A_949, %get3A_950, %get3A_951] {strides = array<i32>} : memref<4x104x128xf32, #tpu.memory_space<vmem>>, vector<1x1x16xf32>,
        %get3A_953 = vector.shape_cast %get3A_952 : vector<1x1x16xf32> to vector<16xf32>
        %add3A_954 = arith.addf %add3A_892, %get3A_953 : vector<16xf32>
        %get3A_955 = arith.constant 1 : i32
        %get3A_956 = arith.index_cast %get3A_955 : i32 to index
        %get3A_957 = arith.index_cast %add3A_940 : i32 to index
        %get3A_958 = arith.constant 32 : index
        %get3A_959 = tpu.vector_load %arg10[%get3A_956, %get3A_957, %get3A_958] {strides = array<i32>} : memref<4x104x128xf32, #tpu.memory_space<vmem>>, vector<1x1x16xf32>,
        %get3A_960 = vector.shape_cast %get3A_959 : vector<1x1x16xf32> to vector<16xf32>
        %add3A_961 = arith.addf %add3A_899, %get3A_960 : vector<16xf32>
        %get3A_962 = arith.constant 1 : i32
        %get3A_963 = arith.index_cast %get3A_962 : i32 to index
        %get3A_964 = arith.index_cast %add3A_940 : i32 to index
        %get3A_965 = arith.constant 48 : index
        %get3A_966 = tpu.vector_load %arg10[%get3A_963, %get3A_964, %get3A_965] {strides = array<i32>} : memref<4x104x128xf32, #tpu.memory_space<vmem>>, vector<1x1x16xf32>,
        %get3A_967 = vector.shape_cast %get3A_966 : vector<1x1x16xf32> to vector<16xf32>
        %add3A_968 = arith.addf %add3A_906, %get3A_967 : vector<16xf32>
        %get3A_969 = arith.constant 1 : i32
        %get3A_970 = arith.index_cast %get3A_969 : i32 to index
        %get3A_971 = arith.index_cast %add3A_940 : i32 to index
        %get3A_972 = arith.constant 64 : index
        %get3A_973 = tpu.vector_load %arg10[%get3A_970, %get3A_971, %get3A_972] {strides = array<i32>} : memref<4x104x128xf32, #tpu.memory_space<vmem>>, vector<1x1x16xf32>,
        %get3A_974 = vector.shape_cast %get3A_973 : vector<1x1x16xf32> to vector<16xf32>
        %add3A_975 = arith.addf %add3A_913, %get3A_974 : vector<16xf32>
        %get3A_976 = arith.constant 1 : i32
        %get3A_977 = arith.index_cast %get3A_976 : i32 to index
        %get3A_978 = arith.index_cast %add3A_940 : i32 to index
        %get3A_979 = arith.constant 80 : index
        %get3A_980 = tpu.vector_load %arg10[%get3A_977, %get3A_978, %get3A_979] {strides = array<i32>} : memref<4x104x128xf32, #tpu.memory_space<vmem>>, vector<1x1x16xf32>,
        %get3A_981 = vector.shape_cast %get3A_980 : vector<1x1x16xf32> to vector<16xf32>
        %add3A_982 = arith.addf %add3A_920, %get3A_981 : vector<16xf32>
        %get3A_983 = arith.constant 1 : i32
        %get3A_984 = arith.index_cast %get3A_983 : i32 to index
        %get3A_985 = arith.index_cast %add3A_940 : i32 to index
        %get3A_986 = arith.constant 96 : index
        %get3A_987 = tpu.vector_load %arg10[%get3A_984, %get3A_985, %get3A_986] {strides = array<i32>} : memref<4x104x128xf32, #tpu.memory_space<vmem>>, vector<1x1x16xf32>,
        %get3A_988 = vector.shape_cast %get3A_987 : vector<1x1x16xf32> to vector<16xf32>
        %add3A_989 = arith.addf %add3A_927, %get3A_988 : vector<16xf32>
        %get3A_990 = arith.constant 1 : i32
        %get3A_991 = arith.index_cast %get3A_990 : i32 to index
        %get3A_992 = arith.index_cast %add3A_940 : i32 to index
        %get3A_993 = arith.constant 112 : index
        %get3A_994 = tpu.vector_load %arg10[%get3A_991, %get3A_992, %get3A_993] {strides = array<i32>} : memref<4x104x128xf32, #tpu.memory_space<vmem>>, vector<1x1x16xf32>,
        %get3A_995 = vector.shape_cast %get3A_994 : vector<1x1x16xf32> to vector<16xf32>
        %add3A_996 = arith.addf %add3A_934, %get3A_995 : vector<16xf32>
        scf.yield %add3A_947, %add3A_954, %add3A_961, %add3A_968, %add3A_975, %add3A_982, %add3A_989, %add3A_996 : vector<16xf32>, vector<16xf32>, vector<16xf32>, vector<16xf32>, vector<16xf32>, vector<16xf32>, vector<16xf32>, vector<16xf32>
      }
      %scan3A_426 = arith.constant 25 : i32
      %mul3A_427 = arith.constant 4 : i32
      %mul3A_428 = arith.muli %add3A_129, %mul3A_427 : i32
      %add3A_429 = arith.constant 3 : i32
      %add3A_430 = arith.addi %mul3A_428, %add3A_429 : i32
      %mul3A_431 = vector.broadcast %scan3A_118 : f32 to vector<16xf32>
      %mul3A_432 = arith.mulf %scan3A_425#0, %mul3A_431 : vector<16xf32>
      %swap3A_433 = arith.index_cast %add3A_430 : i32 to index
      %swap3A_434 = arith.constant 0 : index
      %swap3A_435 = tpu.vector_load %arg11[%swap3A_433, %swap3A_434] {strides = array<i32>} : memref<128x128xf32, #tpu.memory_space<vmem>>, vector<1x16xf32>,
      %swap3A_436 = vector.shape_cast %swap3A_435 : vector<1x16xf32> to vector<16xf32>
      %swap3A_437 = vector.shape_cast %mul3A_432 : vector<16xf32> to vector<1x16xf32>
      tpu.vector_store %arg11[%swap3A_433, %swap3A_434], %swap3A_437 {strides = array<i32>} : memref<128x128xf32, #tpu.memory_space<vmem>>, vector<1x16xf32>,
      %mul3A_438 = vector.broadcast %scan3A_118 : f32 to vector<16xf32>
      %mul3A_439 = arith.mulf %scan3A_425#1, %mul3A_438 : vector<16xf32>
      %swap3A_440 = arith.index_cast %add3A_430 : i32 to index
      %swap3A_441 = arith.constant 16 : index
      %swap3A_442 = tpu.vector_load %arg11[%swap3A_440, %swap3A_441] {strides = array<i32>} : memref<128x128xf32, #tpu.memory_space<vmem>>, vector<1x16xf32>,
      %swap3A_443 = vector.shape_cast %swap3A_442 : vector<1x16xf32> to vector<16xf32>
      %swap3A_444 = vector.shape_cast %mul3A_439 : vector<16xf32> to vector<1x16xf32>
      tpu.vector_store %arg11[%swap3A_440, %swap3A_441], %swap3A_444 {strides = array<i32>} : memref<128x128xf32, #tpu.memory_space<vmem>>, vector<1x16xf32>,
      %mul3A_445 = vector.broadcast %scan3A_118 : f32 to vector<16xf32>
      %mul3A_446 = arith.mulf %scan3A_425#2, %mul3A_445 : vector<16xf32>
      %swap3A_447 = arith.index_cast %add3A_430 : i32 to index
      %swap3A_448 = arith.constant 32 : index
      %swap3A_449 = tpu.vector_load %arg11[%swap3A_447, %swap3A_448] {strides = array<i32>} : memref<128x128xf32, #tpu.memory_space<vmem>>, vector<1x16xf32>,
      %swap3A_450 = vector.shape_cast %swap3A_449 : vector<1x16xf32> to vector<16xf32>
      %swap3A_451 = vector.shape_cast %mul3A_446 : vector<16xf32> to vector<1x16xf32>
      tpu.vector_store %arg11[%swap3A_447, %swap3A_448], %swap3A_451 {strides = array<i32>} : memref<128x128xf32, #tpu.memory_space<vmem>>, vector<1x16xf32>,
      %mul3A_452 = vector.broadcast %scan3A_118 : f32 to vector<16xf32>
      %mul3A_453 = arith.mulf %scan3A_425#3, %mul3A_452 : vector<16xf32>
      %swap3A_454 = arith.index_cast %add3A_430 : i32 to index
      %swap3A_455 = arith.constant 48 : index
      %swap3A_456 = tpu.vector_load %arg11[%swap3A_454, %swap3A_455] {strides = array<i32>} : memref<128x128xf32, #tpu.memory_space<vmem>>, vector<1x16xf32>,
      %swap3A_457 = vector.shape_cast %swap3A_456 : vector<1x16xf32> to vector<16xf32>
      %swap3A_458 = vector.shape_cast %mul3A_453 : vector<16xf32> to vector<1x16xf32>
      tpu.vector_store %arg11[%swap3A_454, %swap3A_455], %swap3A_458 {strides = array<i32>} : memref<128x128xf32, #tpu.memory_space<vmem>>, vector<1x16xf32>,
      %mul3A_459 = vector.broadcast %scan3A_118 : f32 to vector<16xf32>
      %mul3A_460 = arith.mulf %scan3A_425#4, %mul3A_459 : vector<16xf32>
      %swap3A_461 = arith.index_cast %add3A_430 : i32 to index
      %swap3A_462 = arith.constant 64 : index
      %swap3A_463 = tpu.vector_load %arg11[%swap3A_461, %swap3A_462] {strides = array<i32>} : memref<128x128xf32, #tpu.memory_space<vmem>>, vector<1x16xf32>,
      %swap3A_464 = vector.shape_cast %swap3A_463 : vector<1x16xf32> to vector<16xf32>
      %swap3A_465 = vector.shape_cast %mul3A_460 : vector<16xf32> to vector<1x16xf32>
      tpu.vector_store %arg11[%swap3A_461, %swap3A_462], %swap3A_465 {strides = array<i32>} : memref<128x128xf32, #tpu.memory_space<vmem>>, vector<1x16xf32>,
      %mul3A_466 = vector.broadcast %scan3A_118 : f32 to vector<16xf32>
      %mul3A_467 = arith.mulf %scan3A_425#5, %mul3A_466 : vector<16xf32>
      %swap3A_468 = arith.index_cast %add3A_430 : i32 to index
      %swap3A_469 = arith.constant 80 : index
      %swap3A_470 = tpu.vector_load %arg11[%swap3A_468, %swap3A_469] {strides = array<i32>} : memref<128x128xf32, #tpu.memory_space<vmem>>, vector<1x16xf32>,
      %swap3A_471 = vector.shape_cast %swap3A_470 : vector<1x16xf32> to vector<16xf32>
      %swap3A_472 = vector.shape_cast %mul3A_467 : vector<16xf32> to vector<1x16xf32>
      tpu.vector_store %arg11[%swap3A_468, %swap3A_469], %swap3A_472 {strides = array<i32>} : memref<128x128xf32, #tpu.memory_space<vmem>>, vector<1x16xf32>,
      %mul3A_473 = vector.broadcast %scan3A_118 : f32 to vector<16xf32>
      %mul3A_474 = arith.mulf %scan3A_425#6, %mul3A_473 : vector<16xf32>
      %swap3A_475 = arith.index_cast %add3A_430 : i32 to index
      %swap3A_476 = arith.constant 96 : index
      %swap3A_477 = tpu.vector_load %arg11[%swap3A_475, %swap3A_476] {strides = array<i32>} : memref<128x128xf32, #tpu.memory_space<vmem>>, vector<1x16xf32>,
      %swap3A_478 = vector.shape_cast %swap3A_477 : vector<1x16xf32> to vector<16xf32>
      %swap3A_479 = vector.shape_cast %mul3A_474 : vector<16xf32> to vector<1x16xf32>
      tpu.vector_store %arg11[%swap3A_475, %swap3A_476], %swap3A_479 {strides = array<i32>} : memref<128x128xf32, #tpu.memory_space<vmem>>, vector<1x16xf32>,
      %mul3A_480 = vector.broadcast %scan3A_118 : f32 to vector<16xf32>
      %mul3A_481 = arith.mulf %scan3A_425#7, %mul3A_480 : vector<16xf32>
      %swap3A_482 = arith.index_cast %add3A_430 : i32 to index
      %swap3A_483 = arith.constant 112 : index
      %swap3A_484 = tpu.vector_load %arg11[%swap3A_482, %swap3A_483] {strides = array<i32>} : memref<128x128xf32, #tpu.memory_space<vmem>>, vector<1x16xf32>,
      %swap3A_485 = vector.shape_cast %swap3A_484 : vector<1x16xf32> to vector<16xf32>
      %swap3A_486 = vector.shape_cast %mul3A_481 : vector<16xf32> to vector<1x16xf32>
      tpu.vector_store %arg11[%swap3A_482, %swap3A_483], %swap3A_486 {strides = array<i32>} : memref<128x128xf32, #tpu.memory_space<vmem>>, vector<1x16xf32>,
      %add3A_487 = arith.constant 2 : i32
      %add3A_488 = arith.addi %add3A_129, %add3A_487 : i32
      %lt3A_489 = arith.constant 32 : i32
      %lt3A_490 = arith.cmpi slt, %add3A_488, %lt3A_489 : i32
      %convert_element_type3A_491 = arith.extui %lt3A_490 : i1 to i32
      %cond3A_492 = arith.constant 0 : i32
      %cond3A_493 = arith.cmpi ne, %convert_element_type3A_491, %cond3A_492 : i32
      scf.if %cond3A_493 {
        %add3A_865 = arith.constant 2 : i32
        %add3A_866 = arith.addi %add3A_129, %add3A_865 : i32
        %mul3A_867 = arith.constant 200 : i32
        %mul3A_868 = arith.muli %add3A_866, %mul3A_867 : i32
        %multiple_of3A_869 = tpu.assume_multiple %mul3A_868, 8 : i32
        %mul3A_870 = arith.constant 200 : i32
        %mul3A_871 = arith.muli %add3A_866, %mul3A_870 : i32
        %add3A_872 = arith.constant 104 : i32
        %add3A_873 = arith.addi %mul3A_871, %add3A_872 : i32
        %multiple_of3A_874 = tpu.assume_multiple %add3A_873, 8 : i32
        %dma_start3A_875 = arith.constant 0 : i32
        %dma_start3A_876 = arith.constant 0 : i32
        %dma_start3A_877 = arith.constant 0 : i32
        %dma_start3A_878 = tpu.memref_slice %arg10[%dma_start3A_875, %dma_start3A_876, %dma_start3A_877] : memref<4x104x128xf32, #tpu.memory_space<vmem>> -> memref<1x104x128xf32, #tpu.memory_space<vmem>>
        %dma_start3A_879 = tpu.memref_squeeze %dma_start3A_878 : memref<1x104x128xf32, #tpu.memory_space<vmem>> -> memref<104x128xf32, #tpu.memory_space<vmem>>
        %dma_start3A_880 = tpu.memref_slice %arg9[%multiple_of3A_869] : memref<6400xi32, #tpu.memory_space<vmem>> -> memref<104xi32, #tpu.memory_space<vmem>>
        %dma_start3A_881 = arith.constant 0 : i32
        %dma_start3A_882 = arith.constant 0 : i32
        %dma_start3A_883 = tpu.memref_slice %arg8[%dma_start3A_881, %dma_start3A_882] : memref<5000x128xf32, #tpu.memory_space<vmem_shared>> -> memref<5000x128xf32, #tpu.memory_space<vmem_shared>>
        tpu.enqueue_indirect_dma source(%dma_start3A_883 : memref<5000x128xf32, #tpu.memory_space<vmem_shared>>) target(%dma_start3A_879 : memref<104x128xf32, #tpu.memory_space<vmem>>) offsets(%dma_start3A_880 : memref<104xi32, #tpu.memory_space<vmem>>) semaphore(%arg12 : memref<!tpu.dma_semaphore, #tpu.memory_space<semaphore_mem>>)
        %dma_start3A_884 = arith.constant 1 : i32
        %dma_start3A_885 = arith.constant 0 : i32
        %dma_start3A_886 = arith.constant 0 : i32
        %dma_start3A_887 = tpu.memref_slice %arg10[%dma_start3A_884, %dma_start3A_885, %dma_start3A_886] : memref<4x104x128xf32, #tpu.memory_space<vmem>> -> memref<1x96x128xf32, #tpu.memory_space<vmem>>
        %dma_start3A_888 = tpu.memref_squeeze %dma_start3A_887 : memref<1x96x128xf32, #tpu.memory_space<vmem>> -> memref<96x128xf32, #tpu.memory_space<vmem>>
        %dma_start3A_889 = tpu.memref_slice %arg9[%multiple_of3A_874] : memref<6400xi32, #tpu.memory_space<vmem>> -> memref<96xi32, #tpu.memory_space<vmem>>
        %dma_start3A_890 = arith.constant 0 : i32
        %dma_start3A_891 = arith.constant 0 : i32
        %dma_start3A_892 = tpu.memref_slice %arg8[%dma_start3A_890, %dma_start3A_891] : memref<5000x128xf32, #tpu.memory_space<vmem_shared>> -> memref<5000x128xf32, #tpu.memory_space<vmem_shared>>
        tpu.enqueue_indirect_dma source(%dma_start3A_892 : memref<5000x128xf32, #tpu.memory_space<vmem_shared>>) target(%dma_start3A_888 : memref<96x128xf32, #tpu.memory_space<vmem>>) offsets(%dma_start3A_889 : memref<96xi32, #tpu.memory_space<vmem>>) semaphore(%arg13 : memref<!tpu.dma_semaphore, #tpu.memory_space<semaphore_mem>>)
      } else {
      }
      %mul3A_494 = arith.constant 2 : i32
      %mul3A_495 = arith.muli %scan3A_125, %mul3A_494 : i32
      %add3A_496 = arith.constant 1 : i32
      %add3A_497 = arith.addi %mul3A_495, %add3A_496 : i32
      %mul3A_498 = arith.constant 200 : i32
      %mul3A_499 = arith.muli %add3A_497, %mul3A_498 : i32
      %multiple_of3A_500 = tpu.assume_multiple %mul3A_499, 8 : i32
      %mul3A_501 = arith.constant 200 : i32
      %mul3A_502 = arith.muli %add3A_497, %mul3A_501 : i32
      %add3A_503 = arith.constant 104 : i32
      %add3A_504 = arith.addi %mul3A_502, %add3A_503 : i32
      %multiple_of3A_505 = tpu.assume_multiple %add3A_504, 8 : i32
      %dma_wait3A_506 = arith.constant 2 : i32
      %dma_wait3A_507 = arith.constant 0 : i32
      %dma_wait3A_508 = arith.constant 0 : i32
      %dma_wait3A_509 = tpu.memref_slice %arg10[%dma_wait3A_506, %dma_wait3A_507, %dma_wait3A_508] : memref<4x104x128xf32, #tpu.memory_space<vmem>> -> memref<1x104x128xf32, #tpu.memory_space<vmem>>
      %dma_wait3A_510 = tpu.memref_squeeze %dma_wait3A_509 : memref<1x104x128xf32, #tpu.memory_space<vmem>> -> memref<104x128xf32, #tpu.memory_space<vmem>>
      %dma_wait3A_511 = tpu.memref_slice %arg9[%multiple_of3A_500] : memref<6400xi32, #tpu.memory_space<vmem>> -> memref<104xi32, #tpu.memory_space<vmem>>
      %dma_wait3A_512 = arith.constant 0 : i32
      %dma_wait3A_513 = arith.constant 0 : i32
      %dma_wait3A_514 = tpu.memref_slice %arg8[%dma_wait3A_512, %dma_wait3A_513] : memref<5000x128xf32, #tpu.memory_space<vmem_shared>> -> memref<5000x128xf32, #tpu.memory_space<vmem_shared>>
      tpu.wait_indirect_dma semaphore(%arg14 : memref<!tpu.dma_semaphore, #tpu.memory_space<semaphore_mem>>) src(%dma_wait3A_514 : memref<5000x128xf32, #tpu.memory_space<vmem_shared>>) dst(%dma_wait3A_510 : memref<104x128xf32, #tpu.memory_space<vmem>>)
      %dma_wait3A_515 = arith.constant 3 : i32
      %dma_wait3A_516 = arith.constant 0 : i32
      %dma_wait3A_517 = arith.constant 0 : i32
      %dma_wait3A_518 = tpu.memref_slice %arg10[%dma_wait3A_515, %dma_wait3A_516, %dma_wait3A_517] : memref<4x104x128xf32, #tpu.memory_space<vmem>> -> memref<1x96x128xf32, #tpu.memory_space<vmem>>
      %dma_wait3A_519 = tpu.memref_squeeze %dma_wait3A_518 : memref<1x96x128xf32, #tpu.memory_space<vmem>> -> memref<96x128xf32, #tpu.memory_space<vmem>>
      %dma_wait3A_520 = tpu.memref_slice %arg9[%multiple_of3A_505] : memref<6400xi32, #tpu.memory_space<vmem>> -> memref<96xi32, #tpu.memory_space<vmem>>
      %dma_wait3A_521 = arith.constant 0 : i32
      %dma_wait3A_522 = arith.constant 0 : i32
      %dma_wait3A_523 = tpu.memref_slice %arg8[%dma_wait3A_521, %dma_wait3A_522] : memref<5000x128xf32, #tpu.memory_space<vmem_shared>> -> memref<5000x128xf32, #tpu.memory_space<vmem_shared>>
      tpu.wait_indirect_dma semaphore(%arg15 : memref<!tpu.dma_semaphore, #tpu.memory_space<semaphore_mem>>) src(%dma_wait3A_523 : memref<5000x128xf32, #tpu.memory_space<vmem_shared>>) dst(%dma_wait3A_519 : memref<96x128xf32, #tpu.memory_space<vmem>>)
      %broadcast_in_dim3A_524 = arith.constant 0.000000e+00 : f32
      %broadcast_in_dim3A_525 = vector.broadcast %broadcast_in_dim3A_524 : f32 to vector<16xf32>
      %broadcast_in_dim3A_526 = arith.constant 0.000000e+00 : f32
      %broadcast_in_dim3A_527 = vector.broadcast %broadcast_in_dim3A_526 : f32 to vector<16xf32>
      %broadcast_in_dim3A_528 = arith.constant 0.000000e+00 : f32
      %broadcast_in_dim3A_529 = vector.broadcast %broadcast_in_dim3A_528 : f32 to vector<16xf32>
      %broadcast_in_dim3A_530 = arith.constant 0.000000e+00 : f32
      %broadcast_in_dim3A_531 = vector.broadcast %broadcast_in_dim3A_530 : f32 to vector<16xf32>
      %broadcast_in_dim3A_532 = arith.constant 0.000000e+00 : f32
      %broadcast_in_dim3A_533 = vector.broadcast %broadcast_in_dim3A_532 : f32 to vector<16xf32>
      %broadcast_in_dim3A_534 = arith.constant 0.000000e+00 : f32
      %broadcast_in_dim3A_535 = vector.broadcast %broadcast_in_dim3A_534 : f32 to vector<16xf32>
      %broadcast_in_dim3A_536 = arith.constant 0.000000e+00 : f32
      %broadcast_in_dim3A_537 = vector.broadcast %broadcast_in_dim3A_536 : f32 to vector<16xf32>
      %broadcast_in_dim3A_538 = arith.constant 0.000000e+00 : f32
      %broadcast_in_dim3A_539 = vector.broadcast %broadcast_in_dim3A_538 : f32 to vector<16xf32>
      %scan3A_540 = arith.constant 0 : i32
      %scan3A_541 = arith.constant 25 : i32
      %scan3A_542 = arith.addi %scan3A_540, %scan3A_541 : i32
      %scan3A_543 = arith.constant 1 : i32
      %scan3A_544:8 = scf.for %scan3A_865 = %scan3A_540 to %scan3A_542 step %scan3A_543 iter_args(%scan3A_866 = %broadcast_in_dim3A_525, %scan3A_867 = %broadcast_in_dim3A_527, %scan3A_868 = %broadcast_in_dim3A_529, %scan3A_869 = %broadcast_in_dim3A_531, %scan3A_870 = %broadcast_in_dim3A_533, %scan3A_871 = %broadcast_in_dim3A_535, %scan3A_872 = %broadcast_in_dim3A_537, %scan3A_873 = %broadcast_in_dim3A_539) -> (vector<16xf32>, vector<16xf32>, vector<16xf32>, vector<16xf32>, vector<16xf32>, vector<16xf32>, vector<16xf32>, vector<16xf32>)  : i32 {
        %mul3A_874 = arith.constant 2 : i32
        %mul3A_875 = arith.muli %mul3A_874, %scan3A_865 : i32
        %add3A_876 = arith.constant 0 : i32
        %add3A_877 = arith.addi %add3A_876, %mul3A_875 : i32
        %add3A_878 = arith.constant 0 : i32
        %add3A_879 = arith.addi %add3A_877, %add3A_878 : i32
        %get3A = arith.constant 2 : i32
        %get3A_880 = arith.index_cast %get3A : i32 to index
        %get3A_881 = arith.index_cast %add3A_879 : i32 to index
        %get3A_882 = arith.constant 0 : index
        %get3A_883 = tpu.vector_load %arg10[%get3A_880, %get3A_881, %get3A_882] {strides = array<i32>} : memref<4x104x128xf32, #tpu.memory_space<vmem>>, vector<1x1x16xf32>,
        %get3A_884 = vector.shape_cast %get3A_883 : vector<1x1x16xf32> to vector<16xf32>
        %add3A_885 = arith.addf %scan3A_866, %get3A_884 : vector<16xf32>
        %get3A_886 = arith.constant 2 : i32
        %get3A_887 = arith.index_cast %get3A_886 : i32 to index
        %get3A_888 = arith.index_cast %add3A_879 : i32 to index
        %get3A_889 = arith.constant 16 : index
        %get3A_890 = tpu.vector_load %arg10[%get3A_887, %get3A_888, %get3A_889] {strides = array<i32>} : memref<4x104x128xf32, #tpu.memory_space<vmem>>, vector<1x1x16xf32>,
        %get3A_891 = vector.shape_cast %get3A_890 : vector<1x1x16xf32> to vector<16xf32>
        %add3A_892 = arith.addf %scan3A_867, %get3A_891 : vector<16xf32>
        %get3A_893 = arith.constant 2 : i32
        %get3A_894 = arith.index_cast %get3A_893 : i32 to index
        %get3A_895 = arith.index_cast %add3A_879 : i32 to index
        %get3A_896 = arith.constant 32 : index
        %get3A_897 = tpu.vector_load %arg10[%get3A_894, %get3A_895, %get3A_896] {strides = array<i32>} : memref<4x104x128xf32, #tpu.memory_space<vmem>>, vector<1x1x16xf32>,
        %get3A_898 = vector.shape_cast %get3A_897 : vector<1x1x16xf32> to vector<16xf32>
        %add3A_899 = arith.addf %scan3A_868, %get3A_898 : vector<16xf32>
        %get3A_900 = arith.constant 2 : i32
        %get3A_901 = arith.index_cast %get3A_900 : i32 to index
        %get3A_902 = arith.index_cast %add3A_879 : i32 to index
        %get3A_903 = arith.constant 48 : index
        %get3A_904 = tpu.vector_load %arg10[%get3A_901, %get3A_902, %get3A_903] {strides = array<i32>} : memref<4x104x128xf32, #tpu.memory_space<vmem>>, vector<1x1x16xf32>,
        %get3A_905 = vector.shape_cast %get3A_904 : vector<1x1x16xf32> to vector<16xf32>
        %add3A_906 = arith.addf %scan3A_869, %get3A_905 : vector<16xf32>
        %get3A_907 = arith.constant 2 : i32
        %get3A_908 = arith.index_cast %get3A_907 : i32 to index
        %get3A_909 = arith.index_cast %add3A_879 : i32 to index
        %get3A_910 = arith.constant 64 : index
        %get3A_911 = tpu.vector_load %arg10[%get3A_908, %get3A_909, %get3A_910] {strides = array<i32>} : memref<4x104x128xf32, #tpu.memory_space<vmem>>, vector<1x1x16xf32>,
        %get3A_912 = vector.shape_cast %get3A_911 : vector<1x1x16xf32> to vector<16xf32>
        %add3A_913 = arith.addf %scan3A_870, %get3A_912 : vector<16xf32>
        %get3A_914 = arith.constant 2 : i32
        %get3A_915 = arith.index_cast %get3A_914 : i32 to index
        %get3A_916 = arith.index_cast %add3A_879 : i32 to index
        %get3A_917 = arith.constant 80 : index
        %get3A_918 = tpu.vector_load %arg10[%get3A_915, %get3A_916, %get3A_917] {strides = array<i32>} : memref<4x104x128xf32, #tpu.memory_space<vmem>>, vector<1x1x16xf32>,
        %get3A_919 = vector.shape_cast %get3A_918 : vector<1x1x16xf32> to vector<16xf32>
        %add3A_920 = arith.addf %scan3A_871, %get3A_919 : vector<16xf32>
        %get3A_921 = arith.constant 2 : i32
        %get3A_922 = arith.index_cast %get3A_921 : i32 to index
        %get3A_923 = arith.index_cast %add3A_879 : i32 to index
        %get3A_924 = arith.constant 96 : index
        %get3A_925 = tpu.vector_load %arg10[%get3A_922, %get3A_923, %get3A_924] {strides = array<i32>} : memref<4x104x128xf32, #tpu.memory_space<vmem>>, vector<1x1x16xf32>,
        %get3A_926 = vector.shape_cast %get3A_925 : vector<1x1x16xf32> to vector<16xf32>
        %add3A_927 = arith.addf %scan3A_872, %get3A_926 : vector<16xf32>
        %get3A_928 = arith.constant 2 : i32
        %get3A_929 = arith.index_cast %get3A_928 : i32 to index
        %get3A_930 = arith.index_cast %add3A_879 : i32 to index
        %get3A_931 = arith.constant 112 : index
        %get3A_932 = tpu.vector_load %arg10[%get3A_929, %get3A_930, %get3A_931] {strides = array<i32>} : memref<4x104x128xf32, #tpu.memory_space<vmem>>, vector<1x1x16xf32>,
        %get3A_933 = vector.shape_cast %get3A_932 : vector<1x1x16xf32> to vector<16xf32>
        %add3A_934 = arith.addf %scan3A_873, %get3A_933 : vector<16xf32>
        %mul3A_935 = arith.constant 2 : i32
        %mul3A_936 = arith.muli %mul3A_935, %scan3A_865 : i32
        %add3A_937 = arith.constant 0 : i32
        %add3A_938 = arith.addi %add3A_937, %mul3A_936 : i32
        %add3A_939 = arith.constant 1 : i32
        %add3A_940 = arith.addi %add3A_938, %add3A_939 : i32
        %get3A_941 = arith.constant 2 : i32
        %get3A_942 = arith.index_cast %get3A_941 : i32 to index
        %get3A_943 = arith.index_cast %add3A_940 : i32 to index
        %get3A_944 = arith.constant 0 : index
        %get3A_945 = tpu.vector_load %arg10[%get3A_942, %get3A_943, %get3A_944] {strides = array<i32>} : memref<4x104x128xf32, #tpu.memory_space<vmem>>, vector<1x1x16xf32>,
        %get3A_946 = vector.shape_cast %get3A_945 : vector<1x1x16xf32> to vector<16xf32>
        %add3A_947 = arith.addf %add3A_885, %get3A_946 : vector<16xf32>
        %get3A_948 = arith.constant 2 : i32
        %get3A_949 = arith.index_cast %get3A_948 : i32 to index
        %get3A_950 = arith.index_cast %add3A_940 : i32 to index
        %get3A_951 = arith.constant 16 : index
        %get3A_952 = tpu.vector_load %arg10[%get3A_949, %get3A_950, %get3A_951] {strides = array<i32>} : memref<4x104x128xf32, #tpu.memory_space<vmem>>, vector<1x1x16xf32>,
        %get3A_953 = vector.shape_cast %get3A_952 : vector<1x1x16xf32> to vector<16xf32>
        %add3A_954 = arith.addf %add3A_892, %get3A_953 : vector<16xf32>
        %get3A_955 = arith.constant 2 : i32
        %get3A_956 = arith.index_cast %get3A_955 : i32 to index
        %get3A_957 = arith.index_cast %add3A_940 : i32 to index
        %get3A_958 = arith.constant 32 : index
        %get3A_959 = tpu.vector_load %arg10[%get3A_956, %get3A_957, %get3A_958] {strides = array<i32>} : memref<4x104x128xf32, #tpu.memory_space<vmem>>, vector<1x1x16xf32>,
        %get3A_960 = vector.shape_cast %get3A_959 : vector<1x1x16xf32> to vector<16xf32>
        %add3A_961 = arith.addf %add3A_899, %get3A_960 : vector<16xf32>
        %get3A_962 = arith.constant 2 : i32
        %get3A_963 = arith.index_cast %get3A_962 : i32 to index
        %get3A_964 = arith.index_cast %add3A_940 : i32 to index
        %get3A_965 = arith.constant 48 : index
        %get3A_966 = tpu.vector_load %arg10[%get3A_963, %get3A_964, %get3A_965] {strides = array<i32>} : memref<4x104x128xf32, #tpu.memory_space<vmem>>, vector<1x1x16xf32>,
        %get3A_967 = vector.shape_cast %get3A_966 : vector<1x1x16xf32> to vector<16xf32>
        %add3A_968 = arith.addf %add3A_906, %get3A_967 : vector<16xf32>
        %get3A_969 = arith.constant 2 : i32
        %get3A_970 = arith.index_cast %get3A_969 : i32 to index
        %get3A_971 = arith.index_cast %add3A_940 : i32 to index
        %get3A_972 = arith.constant 64 : index
        %get3A_973 = tpu.vector_load %arg10[%get3A_970, %get3A_971, %get3A_972] {strides = array<i32>} : memref<4x104x128xf32, #tpu.memory_space<vmem>>, vector<1x1x16xf32>,
        %get3A_974 = vector.shape_cast %get3A_973 : vector<1x1x16xf32> to vector<16xf32>
        %add3A_975 = arith.addf %add3A_913, %get3A_974 : vector<16xf32>
        %get3A_976 = arith.constant 2 : i32
        %get3A_977 = arith.index_cast %get3A_976 : i32 to index
        %get3A_978 = arith.index_cast %add3A_940 : i32 to index
        %get3A_979 = arith.constant 80 : index
        %get3A_980 = tpu.vector_load %arg10[%get3A_977, %get3A_978, %get3A_979] {strides = array<i32>} : memref<4x104x128xf32, #tpu.memory_space<vmem>>, vector<1x1x16xf32>,
        %get3A_981 = vector.shape_cast %get3A_980 : vector<1x1x16xf32> to vector<16xf32>
        %add3A_982 = arith.addf %add3A_920, %get3A_981 : vector<16xf32>
        %get3A_983 = arith.constant 2 : i32
        %get3A_984 = arith.index_cast %get3A_983 : i32 to index
        %get3A_985 = arith.index_cast %add3A_940 : i32 to index
        %get3A_986 = arith.constant 96 : index
        %get3A_987 = tpu.vector_load %arg10[%get3A_984, %get3A_985, %get3A_986] {strides = array<i32>} : memref<4x104x128xf32, #tpu.memory_space<vmem>>, vector<1x1x16xf32>,
        %get3A_988 = vector.shape_cast %get3A_987 : vector<1x1x16xf32> to vector<16xf32>
        %add3A_989 = arith.addf %add3A_927, %get3A_988 : vector<16xf32>
        %get3A_990 = arith.constant 2 : i32
        %get3A_991 = arith.index_cast %get3A_990 : i32 to index
        %get3A_992 = arith.index_cast %add3A_940 : i32 to index
        %get3A_993 = arith.constant 112 : index
        %get3A_994 = tpu.vector_load %arg10[%get3A_991, %get3A_992, %get3A_993] {strides = array<i32>} : memref<4x104x128xf32, #tpu.memory_space<vmem>>, vector<1x1x16xf32>,
        %get3A_995 = vector.shape_cast %get3A_994 : vector<1x1x16xf32> to vector<16xf32>
        %add3A_996 = arith.addf %add3A_934, %get3A_995 : vector<16xf32>
        scf.yield %add3A_947, %add3A_954, %add3A_961, %add3A_968, %add3A_975, %add3A_982, %add3A_989, %add3A_996 : vector<16xf32>, vector<16xf32>, vector<16xf32>, vector<16xf32>, vector<16xf32>, vector<16xf32>, vector<16xf32>, vector<16xf32>
      }
      %scan3A_545 = arith.constant 25 : i32
      %mul3A_546 = arith.constant 4 : i32
      %mul3A_547 = arith.muli %add3A_497, %mul3A_546 : i32
      %add3A_548 = arith.constant 0 : i32
      %add3A_549 = arith.addi %mul3A_547, %add3A_548 : i32
      %mul3A_550 = vector.broadcast %scan3A_118 : f32 to vector<16xf32>
      %mul3A_551 = arith.mulf %scan3A_544#0, %mul3A_550 : vector<16xf32>
      %swap3A_552 = arith.index_cast %add3A_549 : i32 to index
      %swap3A_553 = arith.constant 0 : index
      %swap3A_554 = tpu.vector_load %arg11[%swap3A_552, %swap3A_553] {strides = array<i32>} : memref<128x128xf32, #tpu.memory_space<vmem>>, vector<1x16xf32>,
      %swap3A_555 = vector.shape_cast %swap3A_554 : vector<1x16xf32> to vector<16xf32>
      %swap3A_556 = vector.shape_cast %mul3A_551 : vector<16xf32> to vector<1x16xf32>
      tpu.vector_store %arg11[%swap3A_552, %swap3A_553], %swap3A_556 {strides = array<i32>} : memref<128x128xf32, #tpu.memory_space<vmem>>, vector<1x16xf32>,
      %mul3A_557 = vector.broadcast %scan3A_118 : f32 to vector<16xf32>
      %mul3A_558 = arith.mulf %scan3A_544#1, %mul3A_557 : vector<16xf32>
      %swap3A_559 = arith.index_cast %add3A_549 : i32 to index
      %swap3A_560 = arith.constant 16 : index
      %swap3A_561 = tpu.vector_load %arg11[%swap3A_559, %swap3A_560] {strides = array<i32>} : memref<128x128xf32, #tpu.memory_space<vmem>>, vector<1x16xf32>,
      %swap3A_562 = vector.shape_cast %swap3A_561 : vector<1x16xf32> to vector<16xf32>
      %swap3A_563 = vector.shape_cast %mul3A_558 : vector<16xf32> to vector<1x16xf32>
      tpu.vector_store %arg11[%swap3A_559, %swap3A_560], %swap3A_563 {strides = array<i32>} : memref<128x128xf32, #tpu.memory_space<vmem>>, vector<1x16xf32>,
      %mul3A_564 = vector.broadcast %scan3A_118 : f32 to vector<16xf32>
      %mul3A_565 = arith.mulf %scan3A_544#2, %mul3A_564 : vector<16xf32>
      %swap3A_566 = arith.index_cast %add3A_549 : i32 to index
      %swap3A_567 = arith.constant 32 : index
      %swap3A_568 = tpu.vector_load %arg11[%swap3A_566, %swap3A_567] {strides = array<i32>} : memref<128x128xf32, #tpu.memory_space<vmem>>, vector<1x16xf32>,
      %swap3A_569 = vector.shape_cast %swap3A_568 : vector<1x16xf32> to vector<16xf32>
      %swap3A_570 = vector.shape_cast %mul3A_565 : vector<16xf32> to vector<1x16xf32>
      tpu.vector_store %arg11[%swap3A_566, %swap3A_567], %swap3A_570 {strides = array<i32>} : memref<128x128xf32, #tpu.memory_space<vmem>>, vector<1x16xf32>,
      %mul3A_571 = vector.broadcast %scan3A_118 : f32 to vector<16xf32>
      %mul3A_572 = arith.mulf %scan3A_544#3, %mul3A_571 : vector<16xf32>
      %swap3A_573 = arith.index_cast %add3A_549 : i32 to index
      %swap3A_574 = arith.constant 48 : index
      %swap3A_575 = tpu.vector_load %arg11[%swap3A_573, %swap3A_574] {strides = array<i32>} : memref<128x128xf32, #tpu.memory_space<vmem>>, vector<1x16xf32>,
      %swap3A_576 = vector.shape_cast %swap3A_575 : vector<1x16xf32> to vector<16xf32>
      %swap3A_577 = vector.shape_cast %mul3A_572 : vector<16xf32> to vector<1x16xf32>
      tpu.vector_store %arg11[%swap3A_573, %swap3A_574], %swap3A_577 {strides = array<i32>} : memref<128x128xf32, #tpu.memory_space<vmem>>, vector<1x16xf32>,
      %mul3A_578 = vector.broadcast %scan3A_118 : f32 to vector<16xf32>
      %mul3A_579 = arith.mulf %scan3A_544#4, %mul3A_578 : vector<16xf32>
      %swap3A_580 = arith.index_cast %add3A_549 : i32 to index
      %swap3A_581 = arith.constant 64 : index
      %swap3A_582 = tpu.vector_load %arg11[%swap3A_580, %swap3A_581] {strides = array<i32>} : memref<128x128xf32, #tpu.memory_space<vmem>>, vector<1x16xf32>,
      %swap3A_583 = vector.shape_cast %swap3A_582 : vector<1x16xf32> to vector<16xf32>
      %swap3A_584 = vector.shape_cast %mul3A_579 : vector<16xf32> to vector<1x16xf32>
      tpu.vector_store %arg11[%swap3A_580, %swap3A_581], %swap3A_584 {strides = array<i32>} : memref<128x128xf32, #tpu.memory_space<vmem>>, vector<1x16xf32>,
      %mul3A_585 = vector.broadcast %scan3A_118 : f32 to vector<16xf32>
      %mul3A_586 = arith.mulf %scan3A_544#5, %mul3A_585 : vector<16xf32>
      %swap3A_587 = arith.index_cast %add3A_549 : i32 to index
      %swap3A_588 = arith.constant 80 : index
      %swap3A_589 = tpu.vector_load %arg11[%swap3A_587, %swap3A_588] {strides = array<i32>} : memref<128x128xf32, #tpu.memory_space<vmem>>, vector<1x16xf32>,
      %swap3A_590 = vector.shape_cast %swap3A_589 : vector<1x16xf32> to vector<16xf32>
      %swap3A_591 = vector.shape_cast %mul3A_586 : vector<16xf32> to vector<1x16xf32>
      tpu.vector_store %arg11[%swap3A_587, %swap3A_588], %swap3A_591 {strides = array<i32>} : memref<128x128xf32, #tpu.memory_space<vmem>>, vector<1x16xf32>,
      %mul3A_592 = vector.broadcast %scan3A_118 : f32 to vector<16xf32>
      %mul3A_593 = arith.mulf %scan3A_544#6, %mul3A_592 : vector<16xf32>
      %swap3A_594 = arith.index_cast %add3A_549 : i32 to index
      %swap3A_595 = arith.constant 96 : index
      %swap3A_596 = tpu.vector_load %arg11[%swap3A_594, %swap3A_595] {strides = array<i32>} : memref<128x128xf32, #tpu.memory_space<vmem>>, vector<1x16xf32>,
      %swap3A_597 = vector.shape_cast %swap3A_596 : vector<1x16xf32> to vector<16xf32>
      %swap3A_598 = vector.shape_cast %mul3A_593 : vector<16xf32> to vector<1x16xf32>
      tpu.vector_store %arg11[%swap3A_594, %swap3A_595], %swap3A_598 {strides = array<i32>} : memref<128x128xf32, #tpu.memory_space<vmem>>, vector<1x16xf32>,
      %mul3A_599 = vector.broadcast %scan3A_118 : f32 to vector<16xf32>
      %mul3A_600 = arith.mulf %scan3A_544#7, %mul3A_599 : vector<16xf32>
      %swap3A_601 = arith.index_cast %add3A_549 : i32 to index
      %swap3A_602 = arith.constant 112 : index
      %swap3A_603 = tpu.vector_load %arg11[%swap3A_601, %swap3A_602] {strides = array<i32>} : memref<128x128xf32, #tpu.memory_space<vmem>>, vector<1x16xf32>,
      %swap3A_604 = vector.shape_cast %swap3A_603 : vector<1x16xf32> to vector<16xf32>
      %swap3A_605 = vector.shape_cast %mul3A_600 : vector<16xf32> to vector<1x16xf32>
      tpu.vector_store %arg11[%swap3A_601, %swap3A_602], %swap3A_605 {strides = array<i32>} : memref<128x128xf32, #tpu.memory_space<vmem>>, vector<1x16xf32>,
      %broadcast_in_dim3A_606 = arith.constant 0.000000e+00 : f32
      %broadcast_in_dim3A_607 = vector.broadcast %broadcast_in_dim3A_606 : f32 to vector<16xf32>
      %broadcast_in_dim3A_608 = arith.constant 0.000000e+00 : f32
      %broadcast_in_dim3A_609 = vector.broadcast %broadcast_in_dim3A_608 : f32 to vector<16xf32>
      %broadcast_in_dim3A_610 = arith.constant 0.000000e+00 : f32
      %broadcast_in_dim3A_611 = vector.broadcast %broadcast_in_dim3A_610 : f32 to vector<16xf32>
      %broadcast_in_dim3A_612 = arith.constant 0.000000e+00 : f32
      %broadcast_in_dim3A_613 = vector.broadcast %broadcast_in_dim3A_612 : f32 to vector<16xf32>
      %broadcast_in_dim3A_614 = arith.constant 0.000000e+00 : f32
      %broadcast_in_dim3A_615 = vector.broadcast %broadcast_in_dim3A_614 : f32 to vector<16xf32>
      %broadcast_in_dim3A_616 = arith.constant 0.000000e+00 : f32
      %broadcast_in_dim3A_617 = vector.broadcast %broadcast_in_dim3A_616 : f32 to vector<16xf32>
      %broadcast_in_dim3A_618 = arith.constant 0.000000e+00 : f32
      %broadcast_in_dim3A_619 = vector.broadcast %broadcast_in_dim3A_618 : f32 to vector<16xf32>
      %broadcast_in_dim3A_620 = arith.constant 0.000000e+00 : f32
      %broadcast_in_dim3A_621 = vector.broadcast %broadcast_in_dim3A_620 : f32 to vector<16xf32>
      %scan3A_622 = arith.constant 0 : i32
      %scan3A_623 = arith.constant 25 : i32
      %scan3A_624 = arith.addi %scan3A_622, %scan3A_623 : i32
      %scan3A_625 = arith.constant 1 : i32
      %scan3A_626:8 = scf.for %scan3A_865 = %scan3A_622 to %scan3A_624 step %scan3A_625 iter_args(%scan3A_866 = %broadcast_in_dim3A_607, %scan3A_867 = %broadcast_in_dim3A_609, %scan3A_868 = %broadcast_in_dim3A_611, %scan3A_869 = %broadcast_in_dim3A_613, %scan3A_870 = %broadcast_in_dim3A_615, %scan3A_871 = %broadcast_in_dim3A_617, %scan3A_872 = %broadcast_in_dim3A_619, %scan3A_873 = %broadcast_in_dim3A_621) -> (vector<16xf32>, vector<16xf32>, vector<16xf32>, vector<16xf32>, vector<16xf32>, vector<16xf32>, vector<16xf32>, vector<16xf32>)  : i32 {
        %mul3A_874 = arith.constant 2 : i32
        %mul3A_875 = arith.muli %mul3A_874, %scan3A_865 : i32
        %add3A_876 = arith.constant 50 : i32
        %add3A_877 = arith.addi %add3A_876, %mul3A_875 : i32
        %add3A_878 = arith.constant 0 : i32
        %add3A_879 = arith.addi %add3A_877, %add3A_878 : i32
        %get3A = arith.constant 2 : i32
        %get3A_880 = arith.index_cast %get3A : i32 to index
        %get3A_881 = arith.index_cast %add3A_879 : i32 to index
        %get3A_882 = arith.constant 0 : index
        %get3A_883 = tpu.vector_load %arg10[%get3A_880, %get3A_881, %get3A_882] {strides = array<i32>} : memref<4x104x128xf32, #tpu.memory_space<vmem>>, vector<1x1x16xf32>,
        %get3A_884 = vector.shape_cast %get3A_883 : vector<1x1x16xf32> to vector<16xf32>
        %add3A_885 = arith.addf %scan3A_866, %get3A_884 : vector<16xf32>
        %get3A_886 = arith.constant 2 : i32
        %get3A_887 = arith.index_cast %get3A_886 : i32 to index
        %get3A_888 = arith.index_cast %add3A_879 : i32 to index
        %get3A_889 = arith.constant 16 : index
        %get3A_890 = tpu.vector_load %arg10[%get3A_887, %get3A_888, %get3A_889] {strides = array<i32>} : memref<4x104x128xf32, #tpu.memory_space<vmem>>, vector<1x1x16xf32>,
        %get3A_891 = vector.shape_cast %get3A_890 : vector<1x1x16xf32> to vector<16xf32>
        %add3A_892 = arith.addf %scan3A_867, %get3A_891 : vector<16xf32>
        %get3A_893 = arith.constant 2 : i32
        %get3A_894 = arith.index_cast %get3A_893 : i32 to index
        %get3A_895 = arith.index_cast %add3A_879 : i32 to index
        %get3A_896 = arith.constant 32 : index
        %get3A_897 = tpu.vector_load %arg10[%get3A_894, %get3A_895, %get3A_896] {strides = array<i32>} : memref<4x104x128xf32, #tpu.memory_space<vmem>>, vector<1x1x16xf32>,
        %get3A_898 = vector.shape_cast %get3A_897 : vector<1x1x16xf32> to vector<16xf32>
        %add3A_899 = arith.addf %scan3A_868, %get3A_898 : vector<16xf32>
        %get3A_900 = arith.constant 2 : i32
        %get3A_901 = arith.index_cast %get3A_900 : i32 to index
        %get3A_902 = arith.index_cast %add3A_879 : i32 to index
        %get3A_903 = arith.constant 48 : index
        %get3A_904 = tpu.vector_load %arg10[%get3A_901, %get3A_902, %get3A_903] {strides = array<i32>} : memref<4x104x128xf32, #tpu.memory_space<vmem>>, vector<1x1x16xf32>,
        %get3A_905 = vector.shape_cast %get3A_904 : vector<1x1x16xf32> to vector<16xf32>
        %add3A_906 = arith.addf %scan3A_869, %get3A_905 : vector<16xf32>
        %get3A_907 = arith.constant 2 : i32
        %get3A_908 = arith.index_cast %get3A_907 : i32 to index
        %get3A_909 = arith.index_cast %add3A_879 : i32 to index
        %get3A_910 = arith.constant 64 : index
        %get3A_911 = tpu.vector_load %arg10[%get3A_908, %get3A_909, %get3A_910] {strides = array<i32>} : memref<4x104x128xf32, #tpu.memory_space<vmem>>, vector<1x1x16xf32>,
        %get3A_912 = vector.shape_cast %get3A_911 : vector<1x1x16xf32> to vector<16xf32>
        %add3A_913 = arith.addf %scan3A_870, %get3A_912 : vector<16xf32>
        %get3A_914 = arith.constant 2 : i32
        %get3A_915 = arith.index_cast %get3A_914 : i32 to index
        %get3A_916 = arith.index_cast %add3A_879 : i32 to index
        %get3A_917 = arith.constant 80 : index
        %get3A_918 = tpu.vector_load %arg10[%get3A_915, %get3A_916, %get3A_917] {strides = array<i32>} : memref<4x104x128xf32, #tpu.memory_space<vmem>>, vector<1x1x16xf32>,
        %get3A_919 = vector.shape_cast %get3A_918 : vector<1x1x16xf32> to vector<16xf32>
        %add3A_920 = arith.addf %scan3A_871, %get3A_919 : vector<16xf32>
        %get3A_921 = arith.constant 2 : i32
        %get3A_922 = arith.index_cast %get3A_921 : i32 to index
        %get3A_923 = arith.index_cast %add3A_879 : i32 to index
        %get3A_924 = arith.constant 96 : index
        %get3A_925 = tpu.vector_load %arg10[%get3A_922, %get3A_923, %get3A_924] {strides = array<i32>} : memref<4x104x128xf32, #tpu.memory_space<vmem>>, vector<1x1x16xf32>,
        %get3A_926 = vector.shape_cast %get3A_925 : vector<1x1x16xf32> to vector<16xf32>
        %add3A_927 = arith.addf %scan3A_872, %get3A_926 : vector<16xf32>
        %get3A_928 = arith.constant 2 : i32
        %get3A_929 = arith.index_cast %get3A_928 : i32 to index
        %get3A_930 = arith.index_cast %add3A_879 : i32 to index
        %get3A_931 = arith.constant 112 : index
        %get3A_932 = tpu.vector_load %arg10[%get3A_929, %get3A_930, %get3A_931] {strides = array<i32>} : memref<4x104x128xf32, #tpu.memory_space<vmem>>, vector<1x1x16xf32>,
        %get3A_933 = vector.shape_cast %get3A_932 : vector<1x1x16xf32> to vector<16xf32>
        %add3A_934 = arith.addf %scan3A_873, %get3A_933 : vector<16xf32>
        %mul3A_935 = arith.constant 2 : i32
        %mul3A_936 = arith.muli %mul3A_935, %scan3A_865 : i32
        %add3A_937 = arith.constant 50 : i32
        %add3A_938 = arith.addi %add3A_937, %mul3A_936 : i32
        %add3A_939 = arith.constant 1 : i32
        %add3A_940 = arith.addi %add3A_938, %add3A_939 : i32
        %get3A_941 = arith.constant 2 : i32
        %get3A_942 = arith.index_cast %get3A_941 : i32 to index
        %get3A_943 = arith.index_cast %add3A_940 : i32 to index
        %get3A_944 = arith.constant 0 : index
        %get3A_945 = tpu.vector_load %arg10[%get3A_942, %get3A_943, %get3A_944] {strides = array<i32>} : memref<4x104x128xf32, #tpu.memory_space<vmem>>, vector<1x1x16xf32>,
        %get3A_946 = vector.shape_cast %get3A_945 : vector<1x1x16xf32> to vector<16xf32>
        %add3A_947 = arith.addf %add3A_885, %get3A_946 : vector<16xf32>
        %get3A_948 = arith.constant 2 : i32
        %get3A_949 = arith.index_cast %get3A_948 : i32 to index
        %get3A_950 = arith.index_cast %add3A_940 : i32 to index
        %get3A_951 = arith.constant 16 : index
        %get3A_952 = tpu.vector_load %arg10[%get3A_949, %get3A_950, %get3A_951] {strides = array<i32>} : memref<4x104x128xf32, #tpu.memory_space<vmem>>, vector<1x1x16xf32>,
        %get3A_953 = vector.shape_cast %get3A_952 : vector<1x1x16xf32> to vector<16xf32>
        %add3A_954 = arith.addf %add3A_892, %get3A_953 : vector<16xf32>
        %get3A_955 = arith.constant 2 : i32
        %get3A_956 = arith.index_cast %get3A_955 : i32 to index
        %get3A_957 = arith.index_cast %add3A_940 : i32 to index
        %get3A_958 = arith.constant 32 : index
        %get3A_959 = tpu.vector_load %arg10[%get3A_956, %get3A_957, %get3A_958] {strides = array<i32>} : memref<4x104x128xf32, #tpu.memory_space<vmem>>, vector<1x1x16xf32>,
        %get3A_960 = vector.shape_cast %get3A_959 : vector<1x1x16xf32> to vector<16xf32>
        %add3A_961 = arith.addf %add3A_899, %get3A_960 : vector<16xf32>
        %get3A_962 = arith.constant 2 : i32
        %get3A_963 = arith.index_cast %get3A_962 : i32 to index
        %get3A_964 = arith.index_cast %add3A_940 : i32 to index
        %get3A_965 = arith.constant 48 : index
        %get3A_966 = tpu.vector_load %arg10[%get3A_963, %get3A_964, %get3A_965] {strides = array<i32>} : memref<4x104x128xf32, #tpu.memory_space<vmem>>, vector<1x1x16xf32>,
        %get3A_967 = vector.shape_cast %get3A_966 : vector<1x1x16xf32> to vector<16xf32>
        %add3A_968 = arith.addf %add3A_906, %get3A_967 : vector<16xf32>
        %get3A_969 = arith.constant 2 : i32
        %get3A_970 = arith.index_cast %get3A_969 : i32 to index
        %get3A_971 = arith.index_cast %add3A_940 : i32 to index
        %get3A_972 = arith.constant 64 : index
        %get3A_973 = tpu.vector_load %arg10[%get3A_970, %get3A_971, %get3A_972] {strides = array<i32>} : memref<4x104x128xf32, #tpu.memory_space<vmem>>, vector<1x1x16xf32>,
        %get3A_974 = vector.shape_cast %get3A_973 : vector<1x1x16xf32> to vector<16xf32>
        %add3A_975 = arith.addf %add3A_913, %get3A_974 : vector<16xf32>
        %get3A_976 = arith.constant 2 : i32
        %get3A_977 = arith.index_cast %get3A_976 : i32 to index
        %get3A_978 = arith.index_cast %add3A_940 : i32 to index
        %get3A_979 = arith.constant 80 : index
        %get3A_980 = tpu.vector_load %arg10[%get3A_977, %get3A_978, %get3A_979] {strides = array<i32>} : memref<4x104x128xf32, #tpu.memory_space<vmem>>, vector<1x1x16xf32>,
        %get3A_981 = vector.shape_cast %get3A_980 : vector<1x1x16xf32> to vector<16xf32>
        %add3A_982 = arith.addf %add3A_920, %get3A_981 : vector<16xf32>
        %get3A_983 = arith.constant 2 : i32
        %get3A_984 = arith.index_cast %get3A_983 : i32 to index
        %get3A_985 = arith.index_cast %add3A_940 : i32 to index
        %get3A_986 = arith.constant 96 : index
        %get3A_987 = tpu.vector_load %arg10[%get3A_984, %get3A_985, %get3A_986] {strides = array<i32>} : memref<4x104x128xf32, #tpu.memory_space<vmem>>, vector<1x1x16xf32>,
        %get3A_988 = vector.shape_cast %get3A_987 : vector<1x1x16xf32> to vector<16xf32>
        %add3A_989 = arith.addf %add3A_927, %get3A_988 : vector<16xf32>
        %get3A_990 = arith.constant 2 : i32
        %get3A_991 = arith.index_cast %get3A_990 : i32 to index
        %get3A_992 = arith.index_cast %add3A_940 : i32 to index
        %get3A_993 = arith.constant 112 : index
        %get3A_994 = tpu.vector_load %arg10[%get3A_991, %get3A_992, %get3A_993] {strides = array<i32>} : memref<4x104x128xf32, #tpu.memory_space<vmem>>, vector<1x1x16xf32>,
        %get3A_995 = vector.shape_cast %get3A_994 : vector<1x1x16xf32> to vector<16xf32>
        %add3A_996 = arith.addf %add3A_934, %get3A_995 : vector<16xf32>
        scf.yield %add3A_947, %add3A_954, %add3A_961, %add3A_968, %add3A_975, %add3A_982, %add3A_989, %add3A_996 : vector<16xf32>, vector<16xf32>, vector<16xf32>, vector<16xf32>, vector<16xf32>, vector<16xf32>, vector<16xf32>, vector<16xf32>
      }
      %scan3A_627 = arith.constant 25 : i32
      %mul3A_628 = arith.constant 4 : i32
      %mul3A_629 = arith.muli %add3A_497, %mul3A_628 : i32
      %add3A_630 = arith.constant 1 : i32
      %add3A_631 = arith.addi %mul3A_629, %add3A_630 : i32
      %mul3A_632 = vector.broadcast %scan3A_118 : f32 to vector<16xf32>
      %mul3A_633 = arith.mulf %scan3A_626#0, %mul3A_632 : vector<16xf32>
      %swap3A_634 = arith.index_cast %add3A_631 : i32 to index
      %swap3A_635 = arith.constant 0 : index
      %swap3A_636 = tpu.vector_load %arg11[%swap3A_634, %swap3A_635] {strides = array<i32>} : memref<128x128xf32, #tpu.memory_space<vmem>>, vector<1x16xf32>,
      %swap3A_637 = vector.shape_cast %swap3A_636 : vector<1x16xf32> to vector<16xf32>
      %swap3A_638 = vector.shape_cast %mul3A_633 : vector<16xf32> to vector<1x16xf32>
      tpu.vector_store %arg11[%swap3A_634, %swap3A_635], %swap3A_638 {strides = array<i32>} : memref<128x128xf32, #tpu.memory_space<vmem>>, vector<1x16xf32>,
      %mul3A_639 = vector.broadcast %scan3A_118 : f32 to vector<16xf32>
      %mul3A_640 = arith.mulf %scan3A_626#1, %mul3A_639 : vector<16xf32>
      %swap3A_641 = arith.index_cast %add3A_631 : i32 to index
      %swap3A_642 = arith.constant 16 : index
      %swap3A_643 = tpu.vector_load %arg11[%swap3A_641, %swap3A_642] {strides = array<i32>} : memref<128x128xf32, #tpu.memory_space<vmem>>, vector<1x16xf32>,
      %swap3A_644 = vector.shape_cast %swap3A_643 : vector<1x16xf32> to vector<16xf32>
      %swap3A_645 = vector.shape_cast %mul3A_640 : vector<16xf32> to vector<1x16xf32>
      tpu.vector_store %arg11[%swap3A_641, %swap3A_642], %swap3A_645 {strides = array<i32>} : memref<128x128xf32, #tpu.memory_space<vmem>>, vector<1x16xf32>,
      %mul3A_646 = vector.broadcast %scan3A_118 : f32 to vector<16xf32>
      %mul3A_647 = arith.mulf %scan3A_626#2, %mul3A_646 : vector<16xf32>
      %swap3A_648 = arith.index_cast %add3A_631 : i32 to index
      %swap3A_649 = arith.constant 32 : index
      %swap3A_650 = tpu.vector_load %arg11[%swap3A_648, %swap3A_649] {strides = array<i32>} : memref<128x128xf32, #tpu.memory_space<vmem>>, vector<1x16xf32>,
      %swap3A_651 = vector.shape_cast %swap3A_650 : vector<1x16xf32> to vector<16xf32>
      %swap3A_652 = vector.shape_cast %mul3A_647 : vector<16xf32> to vector<1x16xf32>
      tpu.vector_store %arg11[%swap3A_648, %swap3A_649], %swap3A_652 {strides = array<i32>} : memref<128x128xf32, #tpu.memory_space<vmem>>, vector<1x16xf32>,
      %mul3A_653 = vector.broadcast %scan3A_118 : f32 to vector<16xf32>
      %mul3A_654 = arith.mulf %scan3A_626#3, %mul3A_653 : vector<16xf32>
      %swap3A_655 = arith.index_cast %add3A_631 : i32 to index
      %swap3A_656 = arith.constant 48 : index
      %swap3A_657 = tpu.vector_load %arg11[%swap3A_655, %swap3A_656] {strides = array<i32>} : memref<128x128xf32, #tpu.memory_space<vmem>>, vector<1x16xf32>,
      %swap3A_658 = vector.shape_cast %swap3A_657 : vector<1x16xf32> to vector<16xf32>
      %swap3A_659 = vector.shape_cast %mul3A_654 : vector<16xf32> to vector<1x16xf32>
      tpu.vector_store %arg11[%swap3A_655, %swap3A_656], %swap3A_659 {strides = array<i32>} : memref<128x128xf32, #tpu.memory_space<vmem>>, vector<1x16xf32>,
      %mul3A_660 = vector.broadcast %scan3A_118 : f32 to vector<16xf32>
      %mul3A_661 = arith.mulf %scan3A_626#4, %mul3A_660 : vector<16xf32>
      %swap3A_662 = arith.index_cast %add3A_631 : i32 to index
      %swap3A_663 = arith.constant 64 : index
      %swap3A_664 = tpu.vector_load %arg11[%swap3A_662, %swap3A_663] {strides = array<i32>} : memref<128x128xf32, #tpu.memory_space<vmem>>, vector<1x16xf32>,
      %swap3A_665 = vector.shape_cast %swap3A_664 : vector<1x16xf32> to vector<16xf32>
      %swap3A_666 = vector.shape_cast %mul3A_661 : vector<16xf32> to vector<1x16xf32>
      tpu.vector_store %arg11[%swap3A_662, %swap3A_663], %swap3A_666 {strides = array<i32>} : memref<128x128xf32, #tpu.memory_space<vmem>>, vector<1x16xf32>,
      %mul3A_667 = vector.broadcast %scan3A_118 : f32 to vector<16xf32>
      %mul3A_668 = arith.mulf %scan3A_626#5, %mul3A_667 : vector<16xf32>
      %swap3A_669 = arith.index_cast %add3A_631 : i32 to index
      %swap3A_670 = arith.constant 80 : index
      %swap3A_671 = tpu.vector_load %arg11[%swap3A_669, %swap3A_670] {strides = array<i32>} : memref<128x128xf32, #tpu.memory_space<vmem>>, vector<1x16xf32>,
      %swap3A_672 = vector.shape_cast %swap3A_671 : vector<1x16xf32> to vector<16xf32>
      %swap3A_673 = vector.shape_cast %mul3A_668 : vector<16xf32> to vector<1x16xf32>
      tpu.vector_store %arg11[%swap3A_669, %swap3A_670], %swap3A_673 {strides = array<i32>} : memref<128x128xf32, #tpu.memory_space<vmem>>, vector<1x16xf32>,
      %mul3A_674 = vector.broadcast %scan3A_118 : f32 to vector<16xf32>
      %mul3A_675 = arith.mulf %scan3A_626#6, %mul3A_674 : vector<16xf32>
      %swap3A_676 = arith.index_cast %add3A_631 : i32 to index
      %swap3A_677 = arith.constant 96 : index
      %swap3A_678 = tpu.vector_load %arg11[%swap3A_676, %swap3A_677] {strides = array<i32>} : memref<128x128xf32, #tpu.memory_space<vmem>>, vector<1x16xf32>,
      %swap3A_679 = vector.shape_cast %swap3A_678 : vector<1x16xf32> to vector<16xf32>
      %swap3A_680 = vector.shape_cast %mul3A_675 : vector<16xf32> to vector<1x16xf32>
      tpu.vector_store %arg11[%swap3A_676, %swap3A_677], %swap3A_680 {strides = array<i32>} : memref<128x128xf32, #tpu.memory_space<vmem>>, vector<1x16xf32>,
      %mul3A_681 = vector.broadcast %scan3A_118 : f32 to vector<16xf32>
      %mul3A_682 = arith.mulf %scan3A_626#7, %mul3A_681 : vector<16xf32>
      %swap3A_683 = arith.index_cast %add3A_631 : i32 to index
      %swap3A_684 = arith.constant 112 : index
      %swap3A_685 = tpu.vector_load %arg11[%swap3A_683, %swap3A_684] {strides = array<i32>} : memref<128x128xf32, #tpu.memory_space<vmem>>, vector<1x16xf32>,
      %swap3A_686 = vector.shape_cast %swap3A_685 : vector<1x16xf32> to vector<16xf32>
      %swap3A_687 = vector.shape_cast %mul3A_682 : vector<16xf32> to vector<1x16xf32>
      tpu.vector_store %arg11[%swap3A_683, %swap3A_684], %swap3A_687 {strides = array<i32>} : memref<128x128xf32, #tpu.memory_space<vmem>>, vector<1x16xf32>,
      %broadcast_in_dim3A_688 = arith.constant 0.000000e+00 : f32
      %broadcast_in_dim3A_689 = vector.broadcast %broadcast_in_dim3A_688 : f32 to vector<16xf32>
      %broadcast_in_dim3A_690 = arith.constant 0.000000e+00 : f32
      %broadcast_in_dim3A_691 = vector.broadcast %broadcast_in_dim3A_690 : f32 to vector<16xf32>
      %broadcast_in_dim3A_692 = arith.constant 0.000000e+00 : f32
      %broadcast_in_dim3A_693 = vector.broadcast %broadcast_in_dim3A_692 : f32 to vector<16xf32>
      %broadcast_in_dim3A_694 = arith.constant 0.000000e+00 : f32
      %broadcast_in_dim3A_695 = vector.broadcast %broadcast_in_dim3A_694 : f32 to vector<16xf32>
      %broadcast_in_dim3A_696 = arith.constant 0.000000e+00 : f32
      %broadcast_in_dim3A_697 = vector.broadcast %broadcast_in_dim3A_696 : f32 to vector<16xf32>
      %broadcast_in_dim3A_698 = arith.constant 0.000000e+00 : f32
      %broadcast_in_dim3A_699 = vector.broadcast %broadcast_in_dim3A_698 : f32 to vector<16xf32>
      %broadcast_in_dim3A_700 = arith.constant 0.000000e+00 : f32
      %broadcast_in_dim3A_701 = vector.broadcast %broadcast_in_dim3A_700 : f32 to vector<16xf32>
      %broadcast_in_dim3A_702 = arith.constant 0.000000e+00 : f32
      %broadcast_in_dim3A_703 = vector.broadcast %broadcast_in_dim3A_702 : f32 to vector<16xf32>
      %scan3A_704 = arith.constant 0 : i32
      %scan3A_705 = arith.constant 2 : i32
      %scan3A_706 = arith.addi %scan3A_704, %scan3A_705 : i32
      %scan3A_707 = arith.constant 1 : i32
      %scan3A_708:8 = scf.for %scan3A_865 = %scan3A_704 to %scan3A_706 step %scan3A_707 iter_args(%scan3A_866 = %broadcast_in_dim3A_689, %scan3A_867 = %broadcast_in_dim3A_691, %scan3A_868 = %broadcast_in_dim3A_693, %scan3A_869 = %broadcast_in_dim3A_695, %scan3A_870 = %broadcast_in_dim3A_697, %scan3A_871 = %broadcast_in_dim3A_699, %scan3A_872 = %broadcast_in_dim3A_701, %scan3A_873 = %broadcast_in_dim3A_703) -> (vector<16xf32>, vector<16xf32>, vector<16xf32>, vector<16xf32>, vector<16xf32>, vector<16xf32>, vector<16xf32>, vector<16xf32>)  : i32 {
        %mul3A_874 = arith.constant 2 : i32
        %mul3A_875 = arith.muli %mul3A_874, %scan3A_865 : i32
        %add3A_876 = arith.constant 100 : i32
        %add3A_877 = arith.addi %add3A_876, %mul3A_875 : i32
        %add3A_878 = arith.constant 0 : i32
        %add3A_879 = arith.addi %add3A_877, %add3A_878 : i32
        %get3A = arith.constant 2 : i32
        %get3A_880 = arith.index_cast %get3A : i32 to index
        %get3A_881 = arith.index_cast %add3A_879 : i32 to index
        %get3A_882 = arith.constant 0 : index
        %get3A_883 = tpu.vector_load %arg10[%get3A_880, %get3A_881, %get3A_882] {strides = array<i32>} : memref<4x104x128xf32, #tpu.memory_space<vmem>>, vector<1x1x16xf32>,
        %get3A_884 = vector.shape_cast %get3A_883 : vector<1x1x16xf32> to vector<16xf32>
        %add3A_885 = arith.addf %scan3A_866, %get3A_884 : vector<16xf32>
        %get3A_886 = arith.constant 2 : i32
        %get3A_887 = arith.index_cast %get3A_886 : i32 to index
        %get3A_888 = arith.index_cast %add3A_879 : i32 to index
        %get3A_889 = arith.constant 16 : index
        %get3A_890 = tpu.vector_load %arg10[%get3A_887, %get3A_888, %get3A_889] {strides = array<i32>} : memref<4x104x128xf32, #tpu.memory_space<vmem>>, vector<1x1x16xf32>,
        %get3A_891 = vector.shape_cast %get3A_890 : vector<1x1x16xf32> to vector<16xf32>
        %add3A_892 = arith.addf %scan3A_867, %get3A_891 : vector<16xf32>
        %get3A_893 = arith.constant 2 : i32
        %get3A_894 = arith.index_cast %get3A_893 : i32 to index
        %get3A_895 = arith.index_cast %add3A_879 : i32 to index
        %get3A_896 = arith.constant 32 : index
        %get3A_897 = tpu.vector_load %arg10[%get3A_894, %get3A_895, %get3A_896] {strides = array<i32>} : memref<4x104x128xf32, #tpu.memory_space<vmem>>, vector<1x1x16xf32>,
        %get3A_898 = vector.shape_cast %get3A_897 : vector<1x1x16xf32> to vector<16xf32>
        %add3A_899 = arith.addf %scan3A_868, %get3A_898 : vector<16xf32>
        %get3A_900 = arith.constant 2 : i32
        %get3A_901 = arith.index_cast %get3A_900 : i32 to index
        %get3A_902 = arith.index_cast %add3A_879 : i32 to index
        %get3A_903 = arith.constant 48 : index
        %get3A_904 = tpu.vector_load %arg10[%get3A_901, %get3A_902, %get3A_903] {strides = array<i32>} : memref<4x104x128xf32, #tpu.memory_space<vmem>>, vector<1x1x16xf32>,
        %get3A_905 = vector.shape_cast %get3A_904 : vector<1x1x16xf32> to vector<16xf32>
        %add3A_906 = arith.addf %scan3A_869, %get3A_905 : vector<16xf32>
        %get3A_907 = arith.constant 2 : i32
        %get3A_908 = arith.index_cast %get3A_907 : i32 to index
        %get3A_909 = arith.index_cast %add3A_879 : i32 to index
        %get3A_910 = arith.constant 64 : index
        %get3A_911 = tpu.vector_load %arg10[%get3A_908, %get3A_909, %get3A_910] {strides = array<i32>} : memref<4x104x128xf32, #tpu.memory_space<vmem>>, vector<1x1x16xf32>,
        %get3A_912 = vector.shape_cast %get3A_911 : vector<1x1x16xf32> to vector<16xf32>
        %add3A_913 = arith.addf %scan3A_870, %get3A_912 : vector<16xf32>
        %get3A_914 = arith.constant 2 : i32
        %get3A_915 = arith.index_cast %get3A_914 : i32 to index
        %get3A_916 = arith.index_cast %add3A_879 : i32 to index
        %get3A_917 = arith.constant 80 : index
        %get3A_918 = tpu.vector_load %arg10[%get3A_915, %get3A_916, %get3A_917] {strides = array<i32>} : memref<4x104x128xf32, #tpu.memory_space<vmem>>, vector<1x1x16xf32>,
        %get3A_919 = vector.shape_cast %get3A_918 : vector<1x1x16xf32> to vector<16xf32>
        %add3A_920 = arith.addf %scan3A_871, %get3A_919 : vector<16xf32>
        %get3A_921 = arith.constant 2 : i32
        %get3A_922 = arith.index_cast %get3A_921 : i32 to index
        %get3A_923 = arith.index_cast %add3A_879 : i32 to index
        %get3A_924 = arith.constant 96 : index
        %get3A_925 = tpu.vector_load %arg10[%get3A_922, %get3A_923, %get3A_924] {strides = array<i32>} : memref<4x104x128xf32, #tpu.memory_space<vmem>>, vector<1x1x16xf32>,
        %get3A_926 = vector.shape_cast %get3A_925 : vector<1x1x16xf32> to vector<16xf32>
        %add3A_927 = arith.addf %scan3A_872, %get3A_926 : vector<16xf32>
        %get3A_928 = arith.constant 2 : i32
        %get3A_929 = arith.index_cast %get3A_928 : i32 to index
        %get3A_930 = arith.index_cast %add3A_879 : i32 to index
        %get3A_931 = arith.constant 112 : index
        %get3A_932 = tpu.vector_load %arg10[%get3A_929, %get3A_930, %get3A_931] {strides = array<i32>} : memref<4x104x128xf32, #tpu.memory_space<vmem>>, vector<1x1x16xf32>,
        %get3A_933 = vector.shape_cast %get3A_932 : vector<1x1x16xf32> to vector<16xf32>
        %add3A_934 = arith.addf %scan3A_873, %get3A_933 : vector<16xf32>
        %mul3A_935 = arith.constant 2 : i32
        %mul3A_936 = arith.muli %mul3A_935, %scan3A_865 : i32
        %add3A_937 = arith.constant 100 : i32
        %add3A_938 = arith.addi %add3A_937, %mul3A_936 : i32
        %add3A_939 = arith.constant 1 : i32
        %add3A_940 = arith.addi %add3A_938, %add3A_939 : i32
        %get3A_941 = arith.constant 2 : i32
        %get3A_942 = arith.index_cast %get3A_941 : i32 to index
        %get3A_943 = arith.index_cast %add3A_940 : i32 to index
        %get3A_944 = arith.constant 0 : index
        %get3A_945 = tpu.vector_load %arg10[%get3A_942, %get3A_943, %get3A_944] {strides = array<i32>} : memref<4x104x128xf32, #tpu.memory_space<vmem>>, vector<1x1x16xf32>,
        %get3A_946 = vector.shape_cast %get3A_945 : vector<1x1x16xf32> to vector<16xf32>
        %add3A_947 = arith.addf %add3A_885, %get3A_946 : vector<16xf32>
        %get3A_948 = arith.constant 2 : i32
        %get3A_949 = arith.index_cast %get3A_948 : i32 to index
        %get3A_950 = arith.index_cast %add3A_940 : i32 to index
        %get3A_951 = arith.constant 16 : index
        %get3A_952 = tpu.vector_load %arg10[%get3A_949, %get3A_950, %get3A_951] {strides = array<i32>} : memref<4x104x128xf32, #tpu.memory_space<vmem>>, vector<1x1x16xf32>,
        %get3A_953 = vector.shape_cast %get3A_952 : vector<1x1x16xf32> to vector<16xf32>
        %add3A_954 = arith.addf %add3A_892, %get3A_953 : vector<16xf32>
        %get3A_955 = arith.constant 2 : i32
        %get3A_956 = arith.index_cast %get3A_955 : i32 to index
        %get3A_957 = arith.index_cast %add3A_940 : i32 to index
        %get3A_958 = arith.constant 32 : index
        %get3A_959 = tpu.vector_load %arg10[%get3A_956, %get3A_957, %get3A_958] {strides = array<i32>} : memref<4x104x128xf32, #tpu.memory_space<vmem>>, vector<1x1x16xf32>,
        %get3A_960 = vector.shape_cast %get3A_959 : vector<1x1x16xf32> to vector<16xf32>
        %add3A_961 = arith.addf %add3A_899, %get3A_960 : vector<16xf32>
        %get3A_962 = arith.constant 2 : i32
        %get3A_963 = arith.index_cast %get3A_962 : i32 to index
        %get3A_964 = arith.index_cast %add3A_940 : i32 to index
        %get3A_965 = arith.constant 48 : index
        %get3A_966 = tpu.vector_load %arg10[%get3A_963, %get3A_964, %get3A_965] {strides = array<i32>} : memref<4x104x128xf32, #tpu.memory_space<vmem>>, vector<1x1x16xf32>,
        %get3A_967 = vector.shape_cast %get3A_966 : vector<1x1x16xf32> to vector<16xf32>
        %add3A_968 = arith.addf %add3A_906, %get3A_967 : vector<16xf32>
        %get3A_969 = arith.constant 2 : i32
        %get3A_970 = arith.index_cast %get3A_969 : i32 to index
        %get3A_971 = arith.index_cast %add3A_940 : i32 to index
        %get3A_972 = arith.constant 64 : index
        %get3A_973 = tpu.vector_load %arg10[%get3A_970, %get3A_971, %get3A_972] {strides = array<i32>} : memref<4x104x128xf32, #tpu.memory_space<vmem>>, vector<1x1x16xf32>,
        %get3A_974 = vector.shape_cast %get3A_973 : vector<1x1x16xf32> to vector<16xf32>
        %add3A_975 = arith.addf %add3A_913, %get3A_974 : vector<16xf32>
        %get3A_976 = arith.constant 2 : i32
        %get3A_977 = arith.index_cast %get3A_976 : i32 to index
        %get3A_978 = arith.index_cast %add3A_940 : i32 to index
        %get3A_979 = arith.constant 80 : index
        %get3A_980 = tpu.vector_load %arg10[%get3A_977, %get3A_978, %get3A_979] {strides = array<i32>} : memref<4x104x128xf32, #tpu.memory_space<vmem>>, vector<1x1x16xf32>,
        %get3A_981 = vector.shape_cast %get3A_980 : vector<1x1x16xf32> to vector<16xf32>
        %add3A_982 = arith.addf %add3A_920, %get3A_981 : vector<16xf32>
        %get3A_983 = arith.constant 2 : i32
        %get3A_984 = arith.index_cast %get3A_983 : i32 to index
        %get3A_985 = arith.index_cast %add3A_940 : i32 to index
        %get3A_986 = arith.constant 96 : index
        %get3A_987 = tpu.vector_load %arg10[%get3A_984, %get3A_985, %get3A_986] {strides = array<i32>} : memref<4x104x128xf32, #tpu.memory_space<vmem>>, vector<1x1x16xf32>,
        %get3A_988 = vector.shape_cast %get3A_987 : vector<1x1x16xf32> to vector<16xf32>
        %add3A_989 = arith.addf %add3A_927, %get3A_988 : vector<16xf32>
        %get3A_990 = arith.constant 2 : i32
        %get3A_991 = arith.index_cast %get3A_990 : i32 to index
        %get3A_992 = arith.index_cast %add3A_940 : i32 to index
        %get3A_993 = arith.constant 112 : index
        %get3A_994 = tpu.vector_load %arg10[%get3A_991, %get3A_992, %get3A_993] {strides = array<i32>} : memref<4x104x128xf32, #tpu.memory_space<vmem>>, vector<1x1x16xf32>,
        %get3A_995 = vector.shape_cast %get3A_994 : vector<1x1x16xf32> to vector<16xf32>
        %add3A_996 = arith.addf %add3A_934, %get3A_995 : vector<16xf32>
        scf.yield %add3A_947, %add3A_954, %add3A_961, %add3A_968, %add3A_975, %add3A_982, %add3A_989, %add3A_996 : vector<16xf32>, vector<16xf32>, vector<16xf32>, vector<16xf32>, vector<16xf32>, vector<16xf32>, vector<16xf32>, vector<16xf32>
      }
      %scan3A_709 = arith.constant 2 : i32
      %scan3A_710 = arith.constant 0 : i32
      %scan3A_711 = arith.constant 23 : i32
      %scan3A_712 = arith.addi %scan3A_710, %scan3A_711 : i32
      %scan3A_713 = arith.constant 1 : i32
      %scan3A_714:8 = scf.for %scan3A_865 = %scan3A_710 to %scan3A_712 step %scan3A_713 iter_args(%scan3A_866 = %scan3A_708#0, %scan3A_867 = %scan3A_708#1, %scan3A_868 = %scan3A_708#2, %scan3A_869 = %scan3A_708#3, %scan3A_870 = %scan3A_708#4, %scan3A_871 = %scan3A_708#5, %scan3A_872 = %scan3A_708#6, %scan3A_873 = %scan3A_708#7) -> (vector<16xf32>, vector<16xf32>, vector<16xf32>, vector<16xf32>, vector<16xf32>, vector<16xf32>, vector<16xf32>, vector<16xf32>)  : i32 {
        %mul3A_874 = arith.constant 2 : i32
        %mul3A_875 = arith.muli %mul3A_874, %scan3A_865 : i32
        %add3A_876 = arith.constant 0 : i32
        %add3A_877 = arith.addi %add3A_876, %mul3A_875 : i32
        %add3A_878 = arith.constant 0 : i32
        %add3A_879 = arith.addi %add3A_877, %add3A_878 : i32
        %get3A = arith.constant 3 : i32
        %get3A_880 = arith.index_cast %get3A : i32 to index
        %get3A_881 = arith.index_cast %add3A_879 : i32 to index
        %get3A_882 = arith.constant 0 : index
        %get3A_883 = tpu.vector_load %arg10[%get3A_880, %get3A_881, %get3A_882] {strides = array<i32>} : memref<4x104x128xf32, #tpu.memory_space<vmem>>, vector<1x1x16xf32>,
        %get3A_884 = vector.shape_cast %get3A_883 : vector<1x1x16xf32> to vector<16xf32>
        %add3A_885 = arith.addf %scan3A_866, %get3A_884 : vector<16xf32>
        %get3A_886 = arith.constant 3 : i32
        %get3A_887 = arith.index_cast %get3A_886 : i32 to index
        %get3A_888 = arith.index_cast %add3A_879 : i32 to index
        %get3A_889 = arith.constant 16 : index
        %get3A_890 = tpu.vector_load %arg10[%get3A_887, %get3A_888, %get3A_889] {strides = array<i32>} : memref<4x104x128xf32, #tpu.memory_space<vmem>>, vector<1x1x16xf32>,
        %get3A_891 = vector.shape_cast %get3A_890 : vector<1x1x16xf32> to vector<16xf32>
        %add3A_892 = arith.addf %scan3A_867, %get3A_891 : vector<16xf32>
        %get3A_893 = arith.constant 3 : i32
        %get3A_894 = arith.index_cast %get3A_893 : i32 to index
        %get3A_895 = arith.index_cast %add3A_879 : i32 to index
        %get3A_896 = arith.constant 32 : index
        %get3A_897 = tpu.vector_load %arg10[%get3A_894, %get3A_895, %get3A_896] {strides = array<i32>} : memref<4x104x128xf32, #tpu.memory_space<vmem>>, vector<1x1x16xf32>,
        %get3A_898 = vector.shape_cast %get3A_897 : vector<1x1x16xf32> to vector<16xf32>
        %add3A_899 = arith.addf %scan3A_868, %get3A_898 : vector<16xf32>
        %get3A_900 = arith.constant 3 : i32
        %get3A_901 = arith.index_cast %get3A_900 : i32 to index
        %get3A_902 = arith.index_cast %add3A_879 : i32 to index
        %get3A_903 = arith.constant 48 : index
        %get3A_904 = tpu.vector_load %arg10[%get3A_901, %get3A_902, %get3A_903] {strides = array<i32>} : memref<4x104x128xf32, #tpu.memory_space<vmem>>, vector<1x1x16xf32>,
        %get3A_905 = vector.shape_cast %get3A_904 : vector<1x1x16xf32> to vector<16xf32>
        %add3A_906 = arith.addf %scan3A_869, %get3A_905 : vector<16xf32>
        %get3A_907 = arith.constant 3 : i32
        %get3A_908 = arith.index_cast %get3A_907 : i32 to index
        %get3A_909 = arith.index_cast %add3A_879 : i32 to index
        %get3A_910 = arith.constant 64 : index
        %get3A_911 = tpu.vector_load %arg10[%get3A_908, %get3A_909, %get3A_910] {strides = array<i32>} : memref<4x104x128xf32, #tpu.memory_space<vmem>>, vector<1x1x16xf32>,
        %get3A_912 = vector.shape_cast %get3A_911 : vector<1x1x16xf32> to vector<16xf32>
        %add3A_913 = arith.addf %scan3A_870, %get3A_912 : vector<16xf32>
        %get3A_914 = arith.constant 3 : i32
        %get3A_915 = arith.index_cast %get3A_914 : i32 to index
        %get3A_916 = arith.index_cast %add3A_879 : i32 to index
        %get3A_917 = arith.constant 80 : index
        %get3A_918 = tpu.vector_load %arg10[%get3A_915, %get3A_916, %get3A_917] {strides = array<i32>} : memref<4x104x128xf32, #tpu.memory_space<vmem>>, vector<1x1x16xf32>,
        %get3A_919 = vector.shape_cast %get3A_918 : vector<1x1x16xf32> to vector<16xf32>
        %add3A_920 = arith.addf %scan3A_871, %get3A_919 : vector<16xf32>
        %get3A_921 = arith.constant 3 : i32
        %get3A_922 = arith.index_cast %get3A_921 : i32 to index
        %get3A_923 = arith.index_cast %add3A_879 : i32 to index
        %get3A_924 = arith.constant 96 : index
        %get3A_925 = tpu.vector_load %arg10[%get3A_922, %get3A_923, %get3A_924] {strides = array<i32>} : memref<4x104x128xf32, #tpu.memory_space<vmem>>, vector<1x1x16xf32>,
        %get3A_926 = vector.shape_cast %get3A_925 : vector<1x1x16xf32> to vector<16xf32>
        %add3A_927 = arith.addf %scan3A_872, %get3A_926 : vector<16xf32>
        %get3A_928 = arith.constant 3 : i32
        %get3A_929 = arith.index_cast %get3A_928 : i32 to index
        %get3A_930 = arith.index_cast %add3A_879 : i32 to index
        %get3A_931 = arith.constant 112 : index
        %get3A_932 = tpu.vector_load %arg10[%get3A_929, %get3A_930, %get3A_931] {strides = array<i32>} : memref<4x104x128xf32, #tpu.memory_space<vmem>>, vector<1x1x16xf32>,
        %get3A_933 = vector.shape_cast %get3A_932 : vector<1x1x16xf32> to vector<16xf32>
        %add3A_934 = arith.addf %scan3A_873, %get3A_933 : vector<16xf32>
        %mul3A_935 = arith.constant 2 : i32
        %mul3A_936 = arith.muli %mul3A_935, %scan3A_865 : i32
        %add3A_937 = arith.constant 0 : i32
        %add3A_938 = arith.addi %add3A_937, %mul3A_936 : i32
        %add3A_939 = arith.constant 1 : i32
        %add3A_940 = arith.addi %add3A_938, %add3A_939 : i32
        %get3A_941 = arith.constant 3 : i32
        %get3A_942 = arith.index_cast %get3A_941 : i32 to index
        %get3A_943 = arith.index_cast %add3A_940 : i32 to index
        %get3A_944 = arith.constant 0 : index
        %get3A_945 = tpu.vector_load %arg10[%get3A_942, %get3A_943, %get3A_944] {strides = array<i32>} : memref<4x104x128xf32, #tpu.memory_space<vmem>>, vector<1x1x16xf32>,
        %get3A_946 = vector.shape_cast %get3A_945 : vector<1x1x16xf32> to vector<16xf32>
        %add3A_947 = arith.addf %add3A_885, %get3A_946 : vector<16xf32>
        %get3A_948 = arith.constant 3 : i32
        %get3A_949 = arith.index_cast %get3A_948 : i32 to index
        %get3A_950 = arith.index_cast %add3A_940 : i32 to index
        %get3A_951 = arith.constant 16 : index
        %get3A_952 = tpu.vector_load %arg10[%get3A_949, %get3A_950, %get3A_951] {strides = array<i32>} : memref<4x104x128xf32, #tpu.memory_space<vmem>>, vector<1x1x16xf32>,
        %get3A_953 = vector.shape_cast %get3A_952 : vector<1x1x16xf32> to vector<16xf32>
        %add3A_954 = arith.addf %add3A_892, %get3A_953 : vector<16xf32>
        %get3A_955 = arith.constant 3 : i32
        %get3A_956 = arith.index_cast %get3A_955 : i32 to index
        %get3A_957 = arith.index_cast %add3A_940 : i32 to index
        %get3A_958 = arith.constant 32 : index
        %get3A_959 = tpu.vector_load %arg10[%get3A_956, %get3A_957, %get3A_958] {strides = array<i32>} : memref<4x104x128xf32, #tpu.memory_space<vmem>>, vector<1x1x16xf32>,
        %get3A_960 = vector.shape_cast %get3A_959 : vector<1x1x16xf32> to vector<16xf32>
        %add3A_961 = arith.addf %add3A_899, %get3A_960 : vector<16xf32>
        %get3A_962 = arith.constant 3 : i32
        %get3A_963 = arith.index_cast %get3A_962 : i32 to index
        %get3A_964 = arith.index_cast %add3A_940 : i32 to index
        %get3A_965 = arith.constant 48 : index
        %get3A_966 = tpu.vector_load %arg10[%get3A_963, %get3A_964, %get3A_965] {strides = array<i32>} : memref<4x104x128xf32, #tpu.memory_space<vmem>>, vector<1x1x16xf32>,
        %get3A_967 = vector.shape_cast %get3A_966 : vector<1x1x16xf32> to vector<16xf32>
        %add3A_968 = arith.addf %add3A_906, %get3A_967 : vector<16xf32>
        %get3A_969 = arith.constant 3 : i32
        %get3A_970 = arith.index_cast %get3A_969 : i32 to index
        %get3A_971 = arith.index_cast %add3A_940 : i32 to index
        %get3A_972 = arith.constant 64 : index
        %get3A_973 = tpu.vector_load %arg10[%get3A_970, %get3A_971, %get3A_972] {strides = array<i32>} : memref<4x104x128xf32, #tpu.memory_space<vmem>>, vector<1x1x16xf32>,
        %get3A_974 = vector.shape_cast %get3A_973 : vector<1x1x16xf32> to vector<16xf32>
        %add3A_975 = arith.addf %add3A_913, %get3A_974 : vector<16xf32>
        %get3A_976 = arith.constant 3 : i32
        %get3A_977 = arith.index_cast %get3A_976 : i32 to index
        %get3A_978 = arith.index_cast %add3A_940 : i32 to index
        %get3A_979 = arith.constant 80 : index
        %get3A_980 = tpu.vector_load %arg10[%get3A_977, %get3A_978, %get3A_979] {strides = array<i32>} : memref<4x104x128xf32, #tpu.memory_space<vmem>>, vector<1x1x16xf32>,
        %get3A_981 = vector.shape_cast %get3A_980 : vector<1x1x16xf32> to vector<16xf32>
        %add3A_982 = arith.addf %add3A_920, %get3A_981 : vector<16xf32>
        %get3A_983 = arith.constant 3 : i32
        %get3A_984 = arith.index_cast %get3A_983 : i32 to index
        %get3A_985 = arith.index_cast %add3A_940 : i32 to index
        %get3A_986 = arith.constant 96 : index
        %get3A_987 = tpu.vector_load %arg10[%get3A_984, %get3A_985, %get3A_986] {strides = array<i32>} : memref<4x104x128xf32, #tpu.memory_space<vmem>>, vector<1x1x16xf32>,
        %get3A_988 = vector.shape_cast %get3A_987 : vector<1x1x16xf32> to vector<16xf32>
        %add3A_989 = arith.addf %add3A_927, %get3A_988 : vector<16xf32>
        %get3A_990 = arith.constant 3 : i32
        %get3A_991 = arith.index_cast %get3A_990 : i32 to index
        %get3A_992 = arith.index_cast %add3A_940 : i32 to index
        %get3A_993 = arith.constant 112 : index
        %get3A_994 = tpu.vector_load %arg10[%get3A_991, %get3A_992, %get3A_993] {strides = array<i32>} : memref<4x104x128xf32, #tpu.memory_space<vmem>>, vector<1x1x16xf32>,
        %get3A_995 = vector.shape_cast %get3A_994 : vector<1x1x16xf32> to vector<16xf32>
        %add3A_996 = arith.addf %add3A_934, %get3A_995 : vector<16xf32>
        scf.yield %add3A_947, %add3A_954, %add3A_961, %add3A_968, %add3A_975, %add3A_982, %add3A_989, %add3A_996 : vector<16xf32>, vector<16xf32>, vector<16xf32>, vector<16xf32>, vector<16xf32>, vector<16xf32>, vector<16xf32>, vector<16xf32>
      }
      %scan3A_715 = arith.constant 23 : i32
      %mul3A_716 = arith.constant 4 : i32
      %mul3A_717 = arith.muli %add3A_497, %mul3A_716 : i32
      %add3A_718 = arith.constant 2 : i32
      %add3A_719 = arith.addi %mul3A_717, %add3A_718 : i32
      %mul3A_720 = vector.broadcast %scan3A_118 : f32 to vector<16xf32>
      %mul3A_721 = arith.mulf %scan3A_714#0, %mul3A_720 : vector<16xf32>
      %swap3A_722 = arith.index_cast %add3A_719 : i32 to index
      %swap3A_723 = arith.constant 0 : index
      %swap3A_724 = tpu.vector_load %arg11[%swap3A_722, %swap3A_723] {strides = array<i32>} : memref<128x128xf32, #tpu.memory_space<vmem>>, vector<1x16xf32>,
      %swap3A_725 = vector.shape_cast %swap3A_724 : vector<1x16xf32> to vector<16xf32>
      %swap3A_726 = vector.shape_cast %mul3A_721 : vector<16xf32> to vector<1x16xf32>
      tpu.vector_store %arg11[%swap3A_722, %swap3A_723], %swap3A_726 {strides = array<i32>} : memref<128x128xf32, #tpu.memory_space<vmem>>, vector<1x16xf32>,
      %mul3A_727 = vector.broadcast %scan3A_118 : f32 to vector<16xf32>
      %mul3A_728 = arith.mulf %scan3A_714#1, %mul3A_727 : vector<16xf32>
      %swap3A_729 = arith.index_cast %add3A_719 : i32 to index
      %swap3A_730 = arith.constant 16 : index
      %swap3A_731 = tpu.vector_load %arg11[%swap3A_729, %swap3A_730] {strides = array<i32>} : memref<128x128xf32, #tpu.memory_space<vmem>>, vector<1x16xf32>,
      %swap3A_732 = vector.shape_cast %swap3A_731 : vector<1x16xf32> to vector<16xf32>
      %swap3A_733 = vector.shape_cast %mul3A_728 : vector<16xf32> to vector<1x16xf32>
      tpu.vector_store %arg11[%swap3A_729, %swap3A_730], %swap3A_733 {strides = array<i32>} : memref<128x128xf32, #tpu.memory_space<vmem>>, vector<1x16xf32>,
      %mul3A_734 = vector.broadcast %scan3A_118 : f32 to vector<16xf32>
      %mul3A_735 = arith.mulf %scan3A_714#2, %mul3A_734 : vector<16xf32>
      %swap3A_736 = arith.index_cast %add3A_719 : i32 to index
      %swap3A_737 = arith.constant 32 : index
      %swap3A_738 = tpu.vector_load %arg11[%swap3A_736, %swap3A_737] {strides = array<i32>} : memref<128x128xf32, #tpu.memory_space<vmem>>, vector<1x16xf32>,
      %swap3A_739 = vector.shape_cast %swap3A_738 : vector<1x16xf32> to vector<16xf32>
      %swap3A_740 = vector.shape_cast %mul3A_735 : vector<16xf32> to vector<1x16xf32>
      tpu.vector_store %arg11[%swap3A_736, %swap3A_737], %swap3A_740 {strides = array<i32>} : memref<128x128xf32, #tpu.memory_space<vmem>>, vector<1x16xf32>,
      %mul3A_741 = vector.broadcast %scan3A_118 : f32 to vector<16xf32>
      %mul3A_742 = arith.mulf %scan3A_714#3, %mul3A_741 : vector<16xf32>
      %swap3A_743 = arith.index_cast %add3A_719 : i32 to index
      %swap3A_744 = arith.constant 48 : index
      %swap3A_745 = tpu.vector_load %arg11[%swap3A_743, %swap3A_744] {strides = array<i32>} : memref<128x128xf32, #tpu.memory_space<vmem>>, vector<1x16xf32>,
      %swap3A_746 = vector.shape_cast %swap3A_745 : vector<1x16xf32> to vector<16xf32>
      %swap3A_747 = vector.shape_cast %mul3A_742 : vector<16xf32> to vector<1x16xf32>
      tpu.vector_store %arg11[%swap3A_743, %swap3A_744], %swap3A_747 {strides = array<i32>} : memref<128x128xf32, #tpu.memory_space<vmem>>, vector<1x16xf32>,
      %mul3A_748 = vector.broadcast %scan3A_118 : f32 to vector<16xf32>
      %mul3A_749 = arith.mulf %scan3A_714#4, %mul3A_748 : vector<16xf32>
      %swap3A_750 = arith.index_cast %add3A_719 : i32 to index
      %swap3A_751 = arith.constant 64 : index
      %swap3A_752 = tpu.vector_load %arg11[%swap3A_750, %swap3A_751] {strides = array<i32>} : memref<128x128xf32, #tpu.memory_space<vmem>>, vector<1x16xf32>,
      %swap3A_753 = vector.shape_cast %swap3A_752 : vector<1x16xf32> to vector<16xf32>
      %swap3A_754 = vector.shape_cast %mul3A_749 : vector<16xf32> to vector<1x16xf32>
      tpu.vector_store %arg11[%swap3A_750, %swap3A_751], %swap3A_754 {strides = array<i32>} : memref<128x128xf32, #tpu.memory_space<vmem>>, vector<1x16xf32>,
      %mul3A_755 = vector.broadcast %scan3A_118 : f32 to vector<16xf32>
      %mul3A_756 = arith.mulf %scan3A_714#5, %mul3A_755 : vector<16xf32>
      %swap3A_757 = arith.index_cast %add3A_719 : i32 to index
      %swap3A_758 = arith.constant 80 : index
      %swap3A_759 = tpu.vector_load %arg11[%swap3A_757, %swap3A_758] {strides = array<i32>} : memref<128x128xf32, #tpu.memory_space<vmem>>, vector<1x16xf32>,
      %swap3A_760 = vector.shape_cast %swap3A_759 : vector<1x16xf32> to vector<16xf32>
      %swap3A_761 = vector.shape_cast %mul3A_756 : vector<16xf32> to vector<1x16xf32>
      tpu.vector_store %arg11[%swap3A_757, %swap3A_758], %swap3A_761 {strides = array<i32>} : memref<128x128xf32, #tpu.memory_space<vmem>>, vector<1x16xf32>,
      %mul3A_762 = vector.broadcast %scan3A_118 : f32 to vector<16xf32>
      %mul3A_763 = arith.mulf %scan3A_714#6, %mul3A_762 : vector<16xf32>
      %swap3A_764 = arith.index_cast %add3A_719 : i32 to index
      %swap3A_765 = arith.constant 96 : index
      %swap3A_766 = tpu.vector_load %arg11[%swap3A_764, %swap3A_765] {strides = array<i32>} : memref<128x128xf32, #tpu.memory_space<vmem>>, vector<1x16xf32>,
      %swap3A_767 = vector.shape_cast %swap3A_766 : vector<1x16xf32> to vector<16xf32>
      %swap3A_768 = vector.shape_cast %mul3A_763 : vector<16xf32> to vector<1x16xf32>
      tpu.vector_store %arg11[%swap3A_764, %swap3A_765], %swap3A_768 {strides = array<i32>} : memref<128x128xf32, #tpu.memory_space<vmem>>, vector<1x16xf32>,
      %mul3A_769 = vector.broadcast %scan3A_118 : f32 to vector<16xf32>
      %mul3A_770 = arith.mulf %scan3A_714#7, %mul3A_769 : vector<16xf32>
      %swap3A_771 = arith.index_cast %add3A_719 : i32 to index
      %swap3A_772 = arith.constant 112 : index
      %swap3A_773 = tpu.vector_load %arg11[%swap3A_771, %swap3A_772] {strides = array<i32>} : memref<128x128xf32, #tpu.memory_space<vmem>>, vector<1x16xf32>,
      %swap3A_774 = vector.shape_cast %swap3A_773 : vector<1x16xf32> to vector<16xf32>
      %swap3A_775 = vector.shape_cast %mul3A_770 : vector<16xf32> to vector<1x16xf32>
      tpu.vector_store %arg11[%swap3A_771, %swap3A_772], %swap3A_775 {strides = array<i32>} : memref<128x128xf32, #tpu.memory_space<vmem>>, vector<1x16xf32>,
      %broadcast_in_dim3A_776 = arith.constant 0.000000e+00 : f32
      %broadcast_in_dim3A_777 = vector.broadcast %broadcast_in_dim3A_776 : f32 to vector<16xf32>
      %broadcast_in_dim3A_778 = arith.constant 0.000000e+00 : f32
      %broadcast_in_dim3A_779 = vector.broadcast %broadcast_in_dim3A_778 : f32 to vector<16xf32>
      %broadcast_in_dim3A_780 = arith.constant 0.000000e+00 : f32
      %broadcast_in_dim3A_781 = vector.broadcast %broadcast_in_dim3A_780 : f32 to vector<16xf32>
      %broadcast_in_dim3A_782 = arith.constant 0.000000e+00 : f32
      %broadcast_in_dim3A_783 = vector.broadcast %broadcast_in_dim3A_782 : f32 to vector<16xf32>
      %broadcast_in_dim3A_784 = arith.constant 0.000000e+00 : f32
      %broadcast_in_dim3A_785 = vector.broadcast %broadcast_in_dim3A_784 : f32 to vector<16xf32>
      %broadcast_in_dim3A_786 = arith.constant 0.000000e+00 : f32
      %broadcast_in_dim3A_787 = vector.broadcast %broadcast_in_dim3A_786 : f32 to vector<16xf32>
      %broadcast_in_dim3A_788 = arith.constant 0.000000e+00 : f32
      %broadcast_in_dim3A_789 = vector.broadcast %broadcast_in_dim3A_788 : f32 to vector<16xf32>
      %broadcast_in_dim3A_790 = arith.constant 0.000000e+00 : f32
      %broadcast_in_dim3A_791 = vector.broadcast %broadcast_in_dim3A_790 : f32 to vector<16xf32>
      %scan3A_792 = arith.constant 0 : i32
      %scan3A_793 = arith.constant 25 : i32
      %scan3A_794 = arith.addi %scan3A_792, %scan3A_793 : i32
      %scan3A_795 = arith.constant 1 : i32
      %scan3A_796:8 = scf.for %scan3A_865 = %scan3A_792 to %scan3A_794 step %scan3A_795 iter_args(%scan3A_866 = %broadcast_in_dim3A_777, %scan3A_867 = %broadcast_in_dim3A_779, %scan3A_868 = %broadcast_in_dim3A_781, %scan3A_869 = %broadcast_in_dim3A_783, %scan3A_870 = %broadcast_in_dim3A_785, %scan3A_871 = %broadcast_in_dim3A_787, %scan3A_872 = %broadcast_in_dim3A_789, %scan3A_873 = %broadcast_in_dim3A_791) -> (vector<16xf32>, vector<16xf32>, vector<16xf32>, vector<16xf32>, vector<16xf32>, vector<16xf32>, vector<16xf32>, vector<16xf32>)  : i32 {
        %mul3A_874 = arith.constant 2 : i32
        %mul3A_875 = arith.muli %mul3A_874, %scan3A_865 : i32
        %add3A_876 = arith.constant 46 : i32
        %add3A_877 = arith.addi %add3A_876, %mul3A_875 : i32
        %add3A_878 = arith.constant 0 : i32
        %add3A_879 = arith.addi %add3A_877, %add3A_878 : i32
        %get3A = arith.constant 3 : i32
        %get3A_880 = arith.index_cast %get3A : i32 to index
        %get3A_881 = arith.index_cast %add3A_879 : i32 to index
        %get3A_882 = arith.constant 0 : index
        %get3A_883 = tpu.vector_load %arg10[%get3A_880, %get3A_881, %get3A_882] {strides = array<i32>} : memref<4x104x128xf32, #tpu.memory_space<vmem>>, vector<1x1x16xf32>,
        %get3A_884 = vector.shape_cast %get3A_883 : vector<1x1x16xf32> to vector<16xf32>
        %add3A_885 = arith.addf %scan3A_866, %get3A_884 : vector<16xf32>
        %get3A_886 = arith.constant 3 : i32
        %get3A_887 = arith.index_cast %get3A_886 : i32 to index
        %get3A_888 = arith.index_cast %add3A_879 : i32 to index
        %get3A_889 = arith.constant 16 : index
        %get3A_890 = tpu.vector_load %arg10[%get3A_887, %get3A_888, %get3A_889] {strides = array<i32>} : memref<4x104x128xf32, #tpu.memory_space<vmem>>, vector<1x1x16xf32>,
        %get3A_891 = vector.shape_cast %get3A_890 : vector<1x1x16xf32> to vector<16xf32>
        %add3A_892 = arith.addf %scan3A_867, %get3A_891 : vector<16xf32>
        %get3A_893 = arith.constant 3 : i32
        %get3A_894 = arith.index_cast %get3A_893 : i32 to index
        %get3A_895 = arith.index_cast %add3A_879 : i32 to index
        %get3A_896 = arith.constant 32 : index
        %get3A_897 = tpu.vector_load %arg10[%get3A_894, %get3A_895, %get3A_896] {strides = array<i32>} : memref<4x104x128xf32, #tpu.memory_space<vmem>>, vector<1x1x16xf32>,
        %get3A_898 = vector.shape_cast %get3A_897 : vector<1x1x16xf32> to vector<16xf32>
        %add3A_899 = arith.addf %scan3A_868, %get3A_898 : vector<16xf32>
        %get3A_900 = arith.constant 3 : i32
        %get3A_901 = arith.index_cast %get3A_900 : i32 to index
        %get3A_902 = arith.index_cast %add3A_879 : i32 to index
        %get3A_903 = arith.constant 48 : index
        %get3A_904 = tpu.vector_load %arg10[%get3A_901, %get3A_902, %get3A_903] {strides = array<i32>} : memref<4x104x128xf32, #tpu.memory_space<vmem>>, vector<1x1x16xf32>,
        %get3A_905 = vector.shape_cast %get3A_904 : vector<1x1x16xf32> to vector<16xf32>
        %add3A_906 = arith.addf %scan3A_869, %get3A_905 : vector<16xf32>
        %get3A_907 = arith.constant 3 : i32
        %get3A_908 = arith.index_cast %get3A_907 : i32 to index
        %get3A_909 = arith.index_cast %add3A_879 : i32 to index
        %get3A_910 = arith.constant 64 : index
        %get3A_911 = tpu.vector_load %arg10[%get3A_908, %get3A_909, %get3A_910] {strides = array<i32>} : memref<4x104x128xf32, #tpu.memory_space<vmem>>, vector<1x1x16xf32>,
        %get3A_912 = vector.shape_cast %get3A_911 : vector<1x1x16xf32> to vector<16xf32>
        %add3A_913 = arith.addf %scan3A_870, %get3A_912 : vector<16xf32>
        %get3A_914 = arith.constant 3 : i32
        %get3A_915 = arith.index_cast %get3A_914 : i32 to index
        %get3A_916 = arith.index_cast %add3A_879 : i32 to index
        %get3A_917 = arith.constant 80 : index
        %get3A_918 = tpu.vector_load %arg10[%get3A_915, %get3A_916, %get3A_917] {strides = array<i32>} : memref<4x104x128xf32, #tpu.memory_space<vmem>>, vector<1x1x16xf32>,
        %get3A_919 = vector.shape_cast %get3A_918 : vector<1x1x16xf32> to vector<16xf32>
        %add3A_920 = arith.addf %scan3A_871, %get3A_919 : vector<16xf32>
        %get3A_921 = arith.constant 3 : i32
        %get3A_922 = arith.index_cast %get3A_921 : i32 to index
        %get3A_923 = arith.index_cast %add3A_879 : i32 to index
        %get3A_924 = arith.constant 96 : index
        %get3A_925 = tpu.vector_load %arg10[%get3A_922, %get3A_923, %get3A_924] {strides = array<i32>} : memref<4x104x128xf32, #tpu.memory_space<vmem>>, vector<1x1x16xf32>,
        %get3A_926 = vector.shape_cast %get3A_925 : vector<1x1x16xf32> to vector<16xf32>
        %add3A_927 = arith.addf %scan3A_872, %get3A_926 : vector<16xf32>
        %get3A_928 = arith.constant 3 : i32
        %get3A_929 = arith.index_cast %get3A_928 : i32 to index
        %get3A_930 = arith.index_cast %add3A_879 : i32 to index
        %get3A_931 = arith.constant 112 : index
        %get3A_932 = tpu.vector_load %arg10[%get3A_929, %get3A_930, %get3A_931] {strides = array<i32>} : memref<4x104x128xf32, #tpu.memory_space<vmem>>, vector<1x1x16xf32>,
        %get3A_933 = vector.shape_cast %get3A_932 : vector<1x1x16xf32> to vector<16xf32>
        %add3A_934 = arith.addf %scan3A_873, %get3A_933 : vector<16xf32>
        %mul3A_935 = arith.constant 2 : i32
        %mul3A_936 = arith.muli %mul3A_935, %scan3A_865 : i32
        %add3A_937 = arith.constant 46 : i32
        %add3A_938 = arith.addi %add3A_937, %mul3A_936 : i32
        %add3A_939 = arith.constant 1 : i32
        %add3A_940 = arith.addi %add3A_938, %add3A_939 : i32
        %get3A_941 = arith.constant 3 : i32
        %get3A_942 = arith.index_cast %get3A_941 : i32 to index
        %get3A_943 = arith.index_cast %add3A_940 : i32 to index
        %get3A_944 = arith.constant 0 : index
        %get3A_945 = tpu.vector_load %arg10[%get3A_942, %get3A_943, %get3A_944] {strides = array<i32>} : memref<4x104x128xf32, #tpu.memory_space<vmem>>, vector<1x1x16xf32>,
        %get3A_946 = vector.shape_cast %get3A_945 : vector<1x1x16xf32> to vector<16xf32>
        %add3A_947 = arith.addf %add3A_885, %get3A_946 : vector<16xf32>
        %get3A_948 = arith.constant 3 : i32
        %get3A_949 = arith.index_cast %get3A_948 : i32 to index
        %get3A_950 = arith.index_cast %add3A_940 : i32 to index
        %get3A_951 = arith.constant 16 : index
        %get3A_952 = tpu.vector_load %arg10[%get3A_949, %get3A_950, %get3A_951] {strides = array<i32>} : memref<4x104x128xf32, #tpu.memory_space<vmem>>, vector<1x1x16xf32>,
        %get3A_953 = vector.shape_cast %get3A_952 : vector<1x1x16xf32> to vector<16xf32>
        %add3A_954 = arith.addf %add3A_892, %get3A_953 : vector<16xf32>
        %get3A_955 = arith.constant 3 : i32
        %get3A_956 = arith.index_cast %get3A_955 : i32 to index
        %get3A_957 = arith.index_cast %add3A_940 : i32 to index
        %get3A_958 = arith.constant 32 : index
        %get3A_959 = tpu.vector_load %arg10[%get3A_956, %get3A_957, %get3A_958] {strides = array<i32>} : memref<4x104x128xf32, #tpu.memory_space<vmem>>, vector<1x1x16xf32>,
        %get3A_960 = vector.shape_cast %get3A_959 : vector<1x1x16xf32> to vector<16xf32>
        %add3A_961 = arith.addf %add3A_899, %get3A_960 : vector<16xf32>
        %get3A_962 = arith.constant 3 : i32
        %get3A_963 = arith.index_cast %get3A_962 : i32 to index
        %get3A_964 = arith.index_cast %add3A_940 : i32 to index
        %get3A_965 = arith.constant 48 : index
        %get3A_966 = tpu.vector_load %arg10[%get3A_963, %get3A_964, %get3A_965] {strides = array<i32>} : memref<4x104x128xf32, #tpu.memory_space<vmem>>, vector<1x1x16xf32>,
        %get3A_967 = vector.shape_cast %get3A_966 : vector<1x1x16xf32> to vector<16xf32>
        %add3A_968 = arith.addf %add3A_906, %get3A_967 : vector<16xf32>
        %get3A_969 = arith.constant 3 : i32
        %get3A_970 = arith.index_cast %get3A_969 : i32 to index
        %get3A_971 = arith.index_cast %add3A_940 : i32 to index
        %get3A_972 = arith.constant 64 : index
        %get3A_973 = tpu.vector_load %arg10[%get3A_970, %get3A_971, %get3A_972] {strides = array<i32>} : memref<4x104x128xf32, #tpu.memory_space<vmem>>, vector<1x1x16xf32>,
        %get3A_974 = vector.shape_cast %get3A_973 : vector<1x1x16xf32> to vector<16xf32>
        %add3A_975 = arith.addf %add3A_913, %get3A_974 : vector<16xf32>
        %get3A_976 = arith.constant 3 : i32
        %get3A_977 = arith.index_cast %get3A_976 : i32 to index
        %get3A_978 = arith.index_cast %add3A_940 : i32 to index
        %get3A_979 = arith.constant 80 : index
        %get3A_980 = tpu.vector_load %arg10[%get3A_977, %get3A_978, %get3A_979] {strides = array<i32>} : memref<4x104x128xf32, #tpu.memory_space<vmem>>, vector<1x1x16xf32>,
        %get3A_981 = vector.shape_cast %get3A_980 : vector<1x1x16xf32> to vector<16xf32>
        %add3A_982 = arith.addf %add3A_920, %get3A_981 : vector<16xf32>
        %get3A_983 = arith.constant 3 : i32
        %get3A_984 = arith.index_cast %get3A_983 : i32 to index
        %get3A_985 = arith.index_cast %add3A_940 : i32 to index
        %get3A_986 = arith.constant 96 : index
        %get3A_987 = tpu.vector_load %arg10[%get3A_984, %get3A_985, %get3A_986] {strides = array<i32>} : memref<4x104x128xf32, #tpu.memory_space<vmem>>, vector<1x1x16xf32>,
        %get3A_988 = vector.shape_cast %get3A_987 : vector<1x1x16xf32> to vector<16xf32>
        %add3A_989 = arith.addf %add3A_927, %get3A_988 : vector<16xf32>
        %get3A_990 = arith.constant 3 : i32
        %get3A_991 = arith.index_cast %get3A_990 : i32 to index
        %get3A_992 = arith.index_cast %add3A_940 : i32 to index
        %get3A_993 = arith.constant 112 : index
        %get3A_994 = tpu.vector_load %arg10[%get3A_991, %get3A_992, %get3A_993] {strides = array<i32>} : memref<4x104x128xf32, #tpu.memory_space<vmem>>, vector<1x1x16xf32>,
        %get3A_995 = vector.shape_cast %get3A_994 : vector<1x1x16xf32> to vector<16xf32>
        %add3A_996 = arith.addf %add3A_934, %get3A_995 : vector<16xf32>
        scf.yield %add3A_947, %add3A_954, %add3A_961, %add3A_968, %add3A_975, %add3A_982, %add3A_989, %add3A_996 : vector<16xf32>, vector<16xf32>, vector<16xf32>, vector<16xf32>, vector<16xf32>, vector<16xf32>, vector<16xf32>, vector<16xf32>
      }
      %scan3A_797 = arith.constant 25 : i32
      %mul3A_798 = arith.constant 4 : i32
      %mul3A_799 = arith.muli %add3A_497, %mul3A_798 : i32
      %add3A_800 = arith.constant 3 : i32
      %add3A_801 = arith.addi %mul3A_799, %add3A_800 : i32
      %mul3A_802 = vector.broadcast %scan3A_118 : f32 to vector<16xf32>
      %mul3A_803 = arith.mulf %scan3A_796#0, %mul3A_802 : vector<16xf32>
      %swap3A_804 = arith.index_cast %add3A_801 : i32 to index
      %swap3A_805 = arith.constant 0 : index
      %swap3A_806 = tpu.vector_load %arg11[%swap3A_804, %swap3A_805] {strides = array<i32>} : memref<128x128xf32, #tpu.memory_space<vmem>>, vector<1x16xf32>,
      %swap3A_807 = vector.shape_cast %swap3A_806 : vector<1x16xf32> to vector<16xf32>
      %swap3A_808 = vector.shape_cast %mul3A_803 : vector<16xf32> to vector<1x16xf32>
      tpu.vector_store %arg11[%swap3A_804, %swap3A_805], %swap3A_808 {strides = array<i32>} : memref<128x128xf32, #tpu.memory_space<vmem>>, vector<1x16xf32>,
      %mul3A_809 = vector.broadcast %scan3A_118 : f32 to vector<16xf32>
      %mul3A_810 = arith.mulf %scan3A_796#1, %mul3A_809 : vector<16xf32>
      %swap3A_811 = arith.index_cast %add3A_801 : i32 to index
      %swap3A_812 = arith.constant 16 : index
      %swap3A_813 = tpu.vector_load %arg11[%swap3A_811, %swap3A_812] {strides = array<i32>} : memref<128x128xf32, #tpu.memory_space<vmem>>, vector<1x16xf32>,
      %swap3A_814 = vector.shape_cast %swap3A_813 : vector<1x16xf32> to vector<16xf32>
      %swap3A_815 = vector.shape_cast %mul3A_810 : vector<16xf32> to vector<1x16xf32>
      tpu.vector_store %arg11[%swap3A_811, %swap3A_812], %swap3A_815 {strides = array<i32>} : memref<128x128xf32, #tpu.memory_space<vmem>>, vector<1x16xf32>,
      %mul3A_816 = vector.broadcast %scan3A_118 : f32 to vector<16xf32>
      %mul3A_817 = arith.mulf %scan3A_796#2, %mul3A_816 : vector<16xf32>
      %swap3A_818 = arith.index_cast %add3A_801 : i32 to index
      %swap3A_819 = arith.constant 32 : index
      %swap3A_820 = tpu.vector_load %arg11[%swap3A_818, %swap3A_819] {strides = array<i32>} : memref<128x128xf32, #tpu.memory_space<vmem>>, vector<1x16xf32>,
      %swap3A_821 = vector.shape_cast %swap3A_820 : vector<1x16xf32> to vector<16xf32>
      %swap3A_822 = vector.shape_cast %mul3A_817 : vector<16xf32> to vector<1x16xf32>
      tpu.vector_store %arg11[%swap3A_818, %swap3A_819], %swap3A_822 {strides = array<i32>} : memref<128x128xf32, #tpu.memory_space<vmem>>, vector<1x16xf32>,
      %mul3A_823 = vector.broadcast %scan3A_118 : f32 to vector<16xf32>
      %mul3A_824 = arith.mulf %scan3A_796#3, %mul3A_823 : vector<16xf32>
      %swap3A_825 = arith.index_cast %add3A_801 : i32 to index
      %swap3A_826 = arith.constant 48 : index
      %swap3A_827 = tpu.vector_load %arg11[%swap3A_825, %swap3A_826] {strides = array<i32>} : memref<128x128xf32, #tpu.memory_space<vmem>>, vector<1x16xf32>,
      %swap3A_828 = vector.shape_cast %swap3A_827 : vector<1x16xf32> to vector<16xf32>
      %swap3A_829 = vector.shape_cast %mul3A_824 : vector<16xf32> to vector<1x16xf32>
      tpu.vector_store %arg11[%swap3A_825, %swap3A_826], %swap3A_829 {strides = array<i32>} : memref<128x128xf32, #tpu.memory_space<vmem>>, vector<1x16xf32>,
      %mul3A_830 = vector.broadcast %scan3A_118 : f32 to vector<16xf32>
      %mul3A_831 = arith.mulf %scan3A_796#4, %mul3A_830 : vector<16xf32>
      %swap3A_832 = arith.index_cast %add3A_801 : i32 to index
      %swap3A_833 = arith.constant 64 : index
      %swap3A_834 = tpu.vector_load %arg11[%swap3A_832, %swap3A_833] {strides = array<i32>} : memref<128x128xf32, #tpu.memory_space<vmem>>, vector<1x16xf32>,
      %swap3A_835 = vector.shape_cast %swap3A_834 : vector<1x16xf32> to vector<16xf32>
      %swap3A_836 = vector.shape_cast %mul3A_831 : vector<16xf32> to vector<1x16xf32>
      tpu.vector_store %arg11[%swap3A_832, %swap3A_833], %swap3A_836 {strides = array<i32>} : memref<128x128xf32, #tpu.memory_space<vmem>>, vector<1x16xf32>,
      %mul3A_837 = vector.broadcast %scan3A_118 : f32 to vector<16xf32>
      %mul3A_838 = arith.mulf %scan3A_796#5, %mul3A_837 : vector<16xf32>
      %swap3A_839 = arith.index_cast %add3A_801 : i32 to index
      %swap3A_840 = arith.constant 80 : index
      %swap3A_841 = tpu.vector_load %arg11[%swap3A_839, %swap3A_840] {strides = array<i32>} : memref<128x128xf32, #tpu.memory_space<vmem>>, vector<1x16xf32>,
      %swap3A_842 = vector.shape_cast %swap3A_841 : vector<1x16xf32> to vector<16xf32>
      %swap3A_843 = vector.shape_cast %mul3A_838 : vector<16xf32> to vector<1x16xf32>
      tpu.vector_store %arg11[%swap3A_839, %swap3A_840], %swap3A_843 {strides = array<i32>} : memref<128x128xf32, #tpu.memory_space<vmem>>, vector<1x16xf32>,
      %mul3A_844 = vector.broadcast %scan3A_118 : f32 to vector<16xf32>
      %mul3A_845 = arith.mulf %scan3A_796#6, %mul3A_844 : vector<16xf32>
      %swap3A_846 = arith.index_cast %add3A_801 : i32 to index
      %swap3A_847 = arith.constant 96 : index
      %swap3A_848 = tpu.vector_load %arg11[%swap3A_846, %swap3A_847] {strides = array<i32>} : memref<128x128xf32, #tpu.memory_space<vmem>>, vector<1x16xf32>,
      %swap3A_849 = vector.shape_cast %swap3A_848 : vector<1x16xf32> to vector<16xf32>
      %swap3A_850 = vector.shape_cast %mul3A_845 : vector<16xf32> to vector<1x16xf32>
      tpu.vector_store %arg11[%swap3A_846, %swap3A_847], %swap3A_850 {strides = array<i32>} : memref<128x128xf32, #tpu.memory_space<vmem>>, vector<1x16xf32>,
      %mul3A_851 = vector.broadcast %scan3A_118 : f32 to vector<16xf32>
      %mul3A_852 = arith.mulf %scan3A_796#7, %mul3A_851 : vector<16xf32>
      %swap3A_853 = arith.index_cast %add3A_801 : i32 to index
      %swap3A_854 = arith.constant 112 : index
      %swap3A_855 = tpu.vector_load %arg11[%swap3A_853, %swap3A_854] {strides = array<i32>} : memref<128x128xf32, #tpu.memory_space<vmem>>, vector<1x16xf32>,
      %swap3A_856 = vector.shape_cast %swap3A_855 : vector<1x16xf32> to vector<16xf32>
      %swap3A_857 = vector.shape_cast %mul3A_852 : vector<16xf32> to vector<1x16xf32>
      tpu.vector_store %arg11[%swap3A_853, %swap3A_854], %swap3A_857 {strides = array<i32>} : memref<128x128xf32, #tpu.memory_space<vmem>>, vector<1x16xf32>,
      %add3A_858 = arith.constant 2 : i32
      %add3A_859 = arith.addi %add3A_497, %add3A_858 : i32
      %lt3A_860 = arith.constant 32 : i32
      %lt3A_861 = arith.cmpi slt, %add3A_859, %lt3A_860 : i32
      %convert_element_type3A_862 = arith.extui %lt3A_861 : i1 to i32
      %cond3A_863 = arith.constant 0 : i32
      %cond3A_864 = arith.cmpi ne, %convert_element_type3A_862, %cond3A_863 : i32
      scf.if %cond3A_864 {
        %add3A_865 = arith.constant 2 : i32
        %add3A_866 = arith.addi %add3A_497, %add3A_865 : i32
        %mul3A_867 = arith.constant 200 : i32
        %mul3A_868 = arith.muli %add3A_866, %mul3A_867 : i32
        %multiple_of3A_869 = tpu.assume_multiple %mul3A_868, 8 : i32
        %mul3A_870 = arith.constant 200 : i32
        %mul3A_871 = arith.muli %add3A_866, %mul3A_870 : i32
        %add3A_872 = arith.constant 104 : i32
        %add3A_873 = arith.addi %mul3A_871, %add3A_872 : i32
        %multiple_of3A_874 = tpu.assume_multiple %add3A_873, 8 : i32
        %dma_start3A_875 = arith.constant 2 : i32
        %dma_start3A_876 = arith.constant 0 : i32
        %dma_start3A_877 = arith.constant 0 : i32
        %dma_start3A_878 = tpu.memref_slice %arg10[%dma_start3A_875, %dma_start3A_876, %dma_start3A_877] : memref<4x104x128xf32, #tpu.memory_space<vmem>> -> memref<1x104x128xf32, #tpu.memory_space<vmem>>
        %dma_start3A_879 = tpu.memref_squeeze %dma_start3A_878 : memref<1x104x128xf32, #tpu.memory_space<vmem>> -> memref<104x128xf32, #tpu.memory_space<vmem>>
        %dma_start3A_880 = tpu.memref_slice %arg9[%multiple_of3A_869] : memref<6400xi32, #tpu.memory_space<vmem>> -> memref<104xi32, #tpu.memory_space<vmem>>
        %dma_start3A_881 = arith.constant 0 : i32
        %dma_start3A_882 = arith.constant 0 : i32
        %dma_start3A_883 = tpu.memref_slice %arg8[%dma_start3A_881, %dma_start3A_882] : memref<5000x128xf32, #tpu.memory_space<vmem_shared>> -> memref<5000x128xf32, #tpu.memory_space<vmem_shared>>
        tpu.enqueue_indirect_dma source(%dma_start3A_883 : memref<5000x128xf32, #tpu.memory_space<vmem_shared>>) target(%dma_start3A_879 : memref<104x128xf32, #tpu.memory_space<vmem>>) offsets(%dma_start3A_880 : memref<104xi32, #tpu.memory_space<vmem>>) semaphore(%arg14 : memref<!tpu.dma_semaphore, #tpu.memory_space<semaphore_mem>>)
        %dma_start3A_884 = arith.constant 3 : i32
        %dma_start3A_885 = arith.constant 0 : i32
        %dma_start3A_886 = arith.constant 0 : i32
        %dma_start3A_887 = tpu.memref_slice %arg10[%dma_start3A_884, %dma_start3A_885, %dma_start3A_886] : memref<4x104x128xf32, #tpu.memory_space<vmem>> -> memref<1x96x128xf32, #tpu.memory_space<vmem>>
        %dma_start3A_888 = tpu.memref_squeeze %dma_start3A_887 : memref<1x96x128xf32, #tpu.memory_space<vmem>> -> memref<96x128xf32, #tpu.memory_space<vmem>>
        %dma_start3A_889 = tpu.memref_slice %arg9[%multiple_of3A_874] : memref<6400xi32, #tpu.memory_space<vmem>> -> memref<96xi32, #tpu.memory_space<vmem>>
        %dma_start3A_890 = arith.constant 0 : i32
        %dma_start3A_891 = arith.constant 0 : i32
        %dma_start3A_892 = tpu.memref_slice %arg8[%dma_start3A_890, %dma_start3A_891] : memref<5000x128xf32, #tpu.memory_space<vmem_shared>> -> memref<5000x128xf32, #tpu.memory_space<vmem_shared>>
        tpu.enqueue_indirect_dma source(%dma_start3A_892 : memref<5000x128xf32, #tpu.memory_space<vmem_shared>>) target(%dma_start3A_888 : memref<96x128xf32, #tpu.memory_space<vmem>>) offsets(%dma_start3A_889 : memref<96xi32, #tpu.memory_space<vmem>>) semaphore(%arg15 : memref<!tpu.dma_semaphore, #tpu.memory_space<semaphore_mem>>)
      } else {
      }
    }
    %scan3A_123 = arith.constant 16 : i32
    "tpu.region"() ({
      %run_scoped3A = tpu.sem_alloc : memref<!tpu.dma_semaphore, #tpu.memory_space<semaphore_mem>>
      %dma_start3A_125 = arith.constant 0 : i32
      %dma_start3A_126 = tpu.memref_slice %arg7[%mul3A_2, %dma_start3A_125] : memref<4096x128xf32, #tpu.memory_space<hbm>> -> memref<128x128xf32, #tpu.memory_space<hbm>>
      %dma_start3A_127 = arith.constant 0 : i32
      %dma_start3A_128 = tpu.memref_slice %arg7[%mul3A_2, %dma_start3A_127] : memref<4096x128xf32, #tpu.memory_space<hbm>> -> memref<128x128xf32, #tpu.memory_space<hbm>>
      tpu.enqueue_dma source(%arg11 : memref<128x128xf32, #tpu.memory_space<vmem>>) target(%dma_start3A_128 : memref<128x128xf32, #tpu.memory_space<hbm>>) target_semaphore(%run_scoped3A : memref<!tpu.dma_semaphore, #tpu.memory_space<semaphore_mem>>)
      %dma_wait3A = arith.constant 0 : i32
      %dma_wait3A_129 = tpu.memref_slice %arg7[%mul3A_2, %dma_wait3A] : memref<4096x128xf32, #tpu.memory_space<hbm>> -> memref<128x128xf32, #tpu.memory_space<hbm>>
      %dma_wait3A_130 = arith.constant 0 : i32
      %dma_wait3A_131 = tpu.memref_slice %arg7[%mul3A_2, %dma_wait3A_130] : memref<4096x128xf32, #tpu.memory_space<hbm>> -> memref<128x128xf32, #tpu.memory_space<hbm>>
      tpu.wait_dma2 semaphore(%run_scoped3A : memref<!tpu.dma_semaphore, #tpu.memory_space<semaphore_mem>>) src(%arg11 : memref<128x128xf32, #tpu.memory_space<vmem>>) dst(%dma_wait3A_131 : memref<128x128xf32, #tpu.memory_space<hbm>>)
      tpu.yield
    }) : () -> ()
    %barrier3A_124 = arith.constant 0 : index
    tpu.barrier barrier_id(%barrier3A_124)
    return
  }
}

module attributes {stable_mosaic.version = 14 : i64} {
  func.func @_mlp_body(%arg0: i32, %arg1: memref<2048x128xf32, #tpu.memory_space<vmem>>, %arg2: memref<2048x128xf32, #tpu.memory_space<vmem>>, %arg3: memref<256x128xf32, #tpu.memory_space<vmem>>, %arg4: memref<256x128xf32, #tpu.memory_space<vmem>>, %arg5: memref<1x256xf32, #tpu.memory_space<vmem>>, %arg6: memref<128x256xf32, #tpu.memory_space<vmem>>, %arg7: memref<1x128xf32, #tpu.memory_space<vmem>>, %arg8: memref<8x128xf32, #tpu.memory_space<vmem>>, %arg9: memref<1x8xf32, #tpu.memory_space<vmem>>, %arg10: memref<2048x8xf32, #tpu.memory_space<vmem>>) attributes {dimension_semantics = [#tpu.dimension_semantics<arbitrary>], iteration_bounds = array<i64: 2>, scalar_prefetch = 0 : i64, scratch_operands = 0 : i64, tpu.core_type = #tpu.core_type<tc>, window_params = [{transform_indices = @transform_0, window_bounds = array<i64: 2048, 128>}, {transform_indices = @transform_1, window_bounds = array<i64: 2048, 128>}, {pipeline_mode = #tpu.pipeline_mode<synchronous>, transform_indices = @transform_2, window_bounds = array<i64: 256, 128>}, {pipeline_mode = #tpu.pipeline_mode<synchronous>, transform_indices = @transform_3, window_bounds = array<i64: 256, 128>}, {pipeline_mode = #tpu.pipeline_mode<synchronous>, transform_indices = @transform_4, window_bounds = array<i64: 1, 256>}, {pipeline_mode = #tpu.pipeline_mode<synchronous>, transform_indices = @transform_5, window_bounds = array<i64: 128, 256>}, {pipeline_mode = #tpu.pipeline_mode<synchronous>, transform_indices = @transform_6, window_bounds = array<i64: 1, 128>}, {pipeline_mode = #tpu.pipeline_mode<synchronous>, transform_indices = @transform_7, window_bounds = array<i64: 8, 128>}, {pipeline_mode = #tpu.pipeline_mode<synchronous>, transform_indices = @transform_8, window_bounds = array<i64: 1, 8>}, {transform_indices = @transform_9, window_bounds = array<i64: 2048, 8>}]} {
    %get3A = arith.constant 0 : index
    %get3A_0 = arith.constant 0 : index
    %get3A_1 = vector.load %arg1[%get3A, %get3A_0] : memref<2048x128xf32, #tpu.memory_space<vmem>>, vector<2048x128xf32>
    %get3A_2 = arith.constant 0 : index
    %get3A_3 = arith.constant 0 : index
    %get3A_4 = vector.load %arg3[%get3A_2, %get3A_3] : memref<256x128xf32, #tpu.memory_space<vmem>>, vector<256x128xf32>
    %dot_general3A = arith.constant dense<0.000000e+00> : vector<2048x256xf32>
    %dot_general3A_5 = tpu.matmul %get3A_1, %get3A_4, %dot_general3A {dimension_numbers = #tpu.dot_dimension_numbers<[1], [1], [0], [0], [0, 0, 1, 0], [], []>, transpose_lhs_hint = false} : vector<2048x128xf32>, vector<256x128xf32>, vector<2048x256xf32> -> vector<2048x256xf32>
    %get3A_6 = arith.constant 0 : index
    %get3A_7 = arith.constant 0 : index
    %get3A_8 = vector.load %arg2[%get3A_6, %get3A_7] : memref<2048x128xf32, #tpu.memory_space<vmem>>, vector<2048x128xf32>
    %get3A_9 = arith.constant 0 : index
    %get3A_10 = arith.constant 0 : index
    %get3A_11 = vector.load %arg4[%get3A_9, %get3A_10] : memref<256x128xf32, #tpu.memory_space<vmem>>, vector<256x128xf32>
    %dot_general3A_12 = arith.constant dense<0.000000e+00> : vector<2048x256xf32>
    %dot_general3A_13 = tpu.matmul %get3A_8, %get3A_11, %dot_general3A_12 {dimension_numbers = #tpu.dot_dimension_numbers<[1], [1], [0], [0], [0, 0, 1, 0], [], []>, transpose_lhs_hint = false} : vector<2048x128xf32>, vector<256x128xf32>, vector<2048x256xf32> -> vector<2048x256xf32>
    %add3A = arith.addf %dot_general3A_5, %dot_general3A_13 : vector<2048x256xf32>
    %get3A_14 = arith.constant 0 : index
    %get3A_15 = arith.constant 0 : index
    %get3A_16 = vector.load %arg5[%get3A_14, %get3A_15] : memref<1x256xf32, #tpu.memory_space<vmem>>, vector<1x256xf32>
    %add3A_17 = vector.broadcast %get3A_16 : vector<1x256xf32> to vector<2048x256xf32>
    %add3A_18 = arith.addf %add3A, %add3A_17 : vector<2048x256xf32>
    %max3A = arith.constant 0.000000e+00 : f32
    %max3A_19 = vector.broadcast %max3A : f32 to vector<2048x256xf32>
    %max3A_20 = arith.maximumf %add3A_18, %max3A_19 : vector<2048x256xf32>
    %get3A_21 = arith.constant 0 : index
    %get3A_22 = arith.constant 0 : index
    %get3A_23 = vector.load %arg6[%get3A_21, %get3A_22] : memref<128x256xf32, #tpu.memory_space<vmem>>, vector<128x256xf32>
    %dot_general3A_24 = arith.constant dense<0.000000e+00> : vector<2048x128xf32>
    %dot_general3A_25 = tpu.matmul %max3A_20, %get3A_23, %dot_general3A_24 {dimension_numbers = #tpu.dot_dimension_numbers<[1], [1], [0], [0], [0, 0, 1, 0], [], []>, transpose_lhs_hint = false} : vector<2048x256xf32>, vector<128x256xf32>, vector<2048x128xf32> -> vector<2048x128xf32>
    %get3A_26 = arith.constant 0 : index
    %get3A_27 = arith.constant 0 : index
    %get3A_28 = vector.load %arg7[%get3A_26, %get3A_27] : memref<1x128xf32, #tpu.memory_space<vmem>>, vector<1x128xf32>
    %add3A_29 = vector.broadcast %get3A_28 : vector<1x128xf32> to vector<2048x128xf32>
    %add3A_30 = arith.addf %dot_general3A_25, %add3A_29 : vector<2048x128xf32>
    %max3A_31 = arith.constant 0.000000e+00 : f32
    %max3A_32 = vector.broadcast %max3A_31 : f32 to vector<2048x128xf32>
    %max3A_33 = arith.maximumf %add3A_30, %max3A_32 : vector<2048x128xf32>
    %get3A_34 = arith.constant 0 : index
    %get3A_35 = arith.constant 0 : index
    %get3A_36 = vector.load %arg8[%get3A_34, %get3A_35] : memref<8x128xf32, #tpu.memory_space<vmem>>, vector<8x128xf32>
    %dot_general3A_37 = arith.constant dense<0.000000e+00> : vector<2048x8xf32>
    %dot_general3A_38 = tpu.matmul %max3A_33, %get3A_36, %dot_general3A_37 {dimension_numbers = #tpu.dot_dimension_numbers<[1], [1], [0], [0], [0, 0, 1, 0], [], []>, transpose_lhs_hint = false} : vector<2048x128xf32>, vector<8x128xf32>, vector<2048x8xf32> -> vector<2048x8xf32>
    %get3A_39 = arith.constant 0 : index
    %get3A_40 = arith.constant 0 : index
    %get3A_41 = vector.load %arg9[%get3A_39, %get3A_40] : memref<1x8xf32, #tpu.memory_space<vmem>>, vector<1x8xf32>
    %add3A_42 = vector.broadcast %get3A_41 : vector<1x8xf32> to vector<2048x8xf32>
    %add3A_43 = arith.addf %dot_general3A_38, %add3A_42 : vector<2048x8xf32>
    %swap3A = arith.constant 0 : index
    %swap3A_44 = arith.constant 0 : index
    %swap3A_45 = vector.load %arg10[%swap3A, %swap3A_44] : memref<2048x8xf32, #tpu.memory_space<vmem>>, vector<2048x8xf32>
    tpu.vector_store %arg10[%swap3A, %swap3A_44], %add3A_43 {strides = array<i32>} : memref<2048x8xf32, #tpu.memory_space<vmem>>, vector<2048x8xf32>,
    return
  }
  func.func @transform_0(%arg0: i32) -> (i32, i32) {
    %c0_i32 = arith.constant 0 : i32
    %c0_i32_0 = arith.constant 0 : i32
    return %arg0, %c0_i32 : i32, i32
  }
  func.func @transform_1(%arg0: i32) -> (i32, i32) {
    %c0_i32 = arith.constant 0 : i32
    %c0_i32_0 = arith.constant 0 : i32
    return %arg0, %c0_i32 : i32, i32
  }
  func.func @transform_2(%arg0: i32) -> (i32, i32) {
    %c0_i32 = arith.constant 0 : i32
    %c0_i32_0 = arith.constant 0 : i32
    %c0_i32_1 = arith.constant 0 : i32
    return %c0_i32, %c0_i32_0 : i32, i32
  }
  func.func @transform_3(%arg0: i32) -> (i32, i32) {
    %c0_i32 = arith.constant 0 : i32
    %c0_i32_0 = arith.constant 0 : i32
    %c0_i32_1 = arith.constant 0 : i32
    return %c0_i32, %c0_i32_0 : i32, i32
  }
  func.func @transform_4(%arg0: i32) -> (i32, i32) {
    %c0_i32 = arith.constant 0 : i32
    %c0_i32_0 = arith.constant 0 : i32
    %c0_i32_1 = arith.constant 0 : i32
    return %c0_i32, %c0_i32_0 : i32, i32
  }
  func.func @transform_5(%arg0: i32) -> (i32, i32) {
    %c0_i32 = arith.constant 0 : i32
    %c0_i32_0 = arith.constant 0 : i32
    %c0_i32_1 = arith.constant 0 : i32
    return %c0_i32, %c0_i32_0 : i32, i32
  }
  func.func @transform_6(%arg0: i32) -> (i32, i32) {
    %c0_i32 = arith.constant 0 : i32
    %c0_i32_0 = arith.constant 0 : i32
    %c0_i32_1 = arith.constant 0 : i32
    return %c0_i32, %c0_i32_0 : i32, i32
  }
  func.func @transform_7(%arg0: i32) -> (i32, i32) {
    %c0_i32 = arith.constant 0 : i32
    %c0_i32_0 = arith.constant 0 : i32
    %c0_i32_1 = arith.constant 0 : i32
    return %c0_i32, %c0_i32_0 : i32, i32
  }
  func.func @transform_8(%arg0: i32) -> (i32, i32) {
    %c0_i32 = arith.constant 0 : i32
    %c0_i32_0 = arith.constant 0 : i32
    %c0_i32_1 = arith.constant 0 : i32
    return %c0_i32, %c0_i32_0 : i32, i32
  }
  func.func @transform_9(%arg0: i32) -> (i32, i32) {
    %c0_i32 = arith.constant 0 : i32
    %c0_i32_0 = arith.constant 0 : i32
    return %arg0, %c0_i32 : i32, i32
  }
}

</mosaic_0001>

<sc_bundles>
// kernel: kernel.4.cloned.1.call-start
scs
__scs_entry_jumppad:
0x0: {  	(pc) =	sbr.rel $0x88, $3  }
0x1: {  	(tag) =	ssettag $0x0;
	lr =	simm.s32 $0x1  }
0x2: {  	[smem:$0x3F97] =	sst lr;
	_ =	strace $0xD0000000  }
0x3: {  	_ = 	snop  }
0x4: {  	_ = 	snop  }
0x5: {  	_ = 	snop  }
0x6: {  	_ = 	snop  }
0x7: {  	_ = 	snop  }
__scs_overlays_trampoline_lowered:
0x8: {  	[smem:$0x3FA6] =	sst s0  }
0x9: {  	[smem:$0x3FA7] =	sst s1  }
0xa: {  	[smem:$0x3FA8] =	sst s2  }
0xb: {  	[smem:$0x3FA9] =	sst s3  }
0xc: {  	[smem:$0x3FAA] =	sst s4  }
0xd: {  	[smem:$0x3FAB] =	sst s5  }
0xe: {  	[smem:$0x3FAC] =	sst s6  }
0xf: {  	[smem:$0x3FAD] =	sst s7  }
0x10: {  	[smem:$0x3FAE] =	sst s8  }
0x11: {  	[smem:$0x3FAF] =	sst s9;
	s0 =	simm.s32 @!p0 $0x0  }
0x12: {  	s1 =	sld [smem:$0x3F95];
	s0 =	simm.s32 @p0 $0x1  }
0x13: {  	[smem:$0x3FB0] =	sst s0;
	s0 =	simm.s32 @!p1 $0x0  }
0x14: {  	s2 =	sld [smem:$0x3F94];
	s0 =	simm.s32 @p1 $0x1  }
0x15: {  	[smem:$0x3FB1] =	sst s0;
	s0 =	simm.s32 @!p2 $0x0  }
0x16: {  	s3 =	sld [smem:$0x3FDB];
	s0 =	simm.s32 @p2 $0x1  }
0x17: {  	s4 =	simm.s32 $0x1BF5;
	[smem:$0x3FB3] =	sst s0  }
0x18: {  	s0 =	sld [smem:$0x3F96];
	_ =	swait.ge [sflag:s4], $0x0  }
0x19: {  	s7 =	sld [smem:$0x3F97]  }
0x1a: {  	s8 =	sadd.s32 $0xFFFFE003, lr  }
0x1b: {  	s9 =	sadd.s32 $0xFFFFFEF7, lr;
	s5 =	simm.s32 $0xFFFFFFFF;
	p2 =	slt.u32 s8, $0xFFFFF086  }
0x1c: {  	p1 =	slt.u32 s9, $0xF7A;
	s5 =	simm.s32 @!p2 $0x0  }
0x1d: {  	s5 =	simm.s32 @p1 $0x1;
	p0 =	seq.s32 s7, s2  }
0x1e: {  	s7 =	smul.u32 @!p0 $0xF7A, s2;
	p2 =	seq.s32 @!p0 s5, $0x0  }
0x1f: {  	s9 =	smul.u32 $0xF7A, s1;
	s8 =	simm.s32 @!p0 $0x1BF5;
	p2 =	por !p2, p0  }
0x20: {  	[sflag:s8] =	ssyncset.s32 @!p0 $0xFFFFF086;
	s6 =	sadd.s32 @!p0 s3, s7;
	s7 =	simm.s32 @!p0 $0x108  }
0x21: {  	s3 =	sadd.s32 s3, s9;
	s6 =	sadd.s32 @!p0 $0x88, s6;
	s7 =	simm.s32 @p2 $0x1082  }
0x22: {  	[simem:s7], [sflag:s8] =	dma.local @!p0 [hbm:s6], $0xF7A  }
0x23: {  	s9 =	sor.u32 $0xD0000000, s2;
	s6 =	simm.s32 $0x108;
	_ =	swait.ge @!p0 [sflag:s8], $0x0  }
0x24: {  	s3 =	sadd.s32 $0x88, s3;
	s6 =	simm.s32 @!p1 $0x1082;
	[sflag:s4] =	ssyncset.s32 $0xFFFFF086  }
0x25: {  	[simem:s6], [sflag:s4] =	dma.local [hbm:s3], $0xF7A  }
0x26: {  	[smem:$0x3F97] =	sst s1;
	(tag) =	ssettag s2;
	_ =	strace s9  }
0x27: {  	s1 =	sld [smem:$0x3FA7]  }
0x28: {  	s2 =	sld [smem:$0x3FA8]  }
0x29: {  	s4 =	sld [smem:$0x3FAA]  }
0x2a: {  	p0 =	seq.s32 s5, $0x0;
	s5 =	sld [smem:$0x3FAB]  }
0x2b: {  	s6 =	sld [smem:$0x3FAC]  }
0x2c: {  	s7 =	sld [smem:$0x3FAD]  }
0x2d: {  	s3 =	simm.s32 $0x108;
	s8 =	sld [smem:$0x3FAE]  }
0x2e: {  	s3 =	simm.s32 @!p0 $0x1082;
	s9 =	sld [smem:$0x3FAF]  }
0x2f: {  	lr =	sadd.s32 s0, s3;
	s0 =	sld [smem:$0x3FA6]  }
0x30: {  	s3 =	sld [smem:$0x3FA9]  }
0x31: {  	[smem:$0x3FB2] =	sst s10  }
0x32: {  	s10 =	sld [smem:$0x3FB0];
	_ =	sdelay $0x3  }
0x33: {  	p0 =	seq.s32 s10, $0x1;
	s10 =	sld [smem:$0x3FB2];
	_ =	sdelay $0x3  }
0x34: {  	[smem:$0x3FB2] =	sst s10  }
0x35: {  	s10 =	sld [smem:$0x3FB1];
	_ =	sdelay $0x3  }
0x36: {  	p1 =	seq.s32 s10, $0x1;
	s10 =	sld [smem:$0x3FB2];
	_ =	sdelay $0x3  }
0x37: {  	[smem:$0x3FB2] =	sst s10  }
0x38: {  	s10 =	sld [smem:$0x3FB3]  }
0x39: {  	_ = 	snop;
	(pc) =	sbr.ind lr, $3  }
0x3a: {  	_ = 	snop  }
0x3b: {  	_ = 	snop  }
0x3c: {  	p2 =	seq.s32 s10, $0x1;
	s10 =	sld [smem:$0x3FB2]  }
0x3d: {  	_ =	shalt  }
0x3e: {  	_ =	shalt  }
0x3f: {  	_ =	shalt  }
0x40: {  	_ =	shalt  }
0x41: {  	_ =	shalt  }
0x42: {  	_ =	shalt  }
0x43: {  	_ =	shalt  }
0x44: {  	_ =	shalt  }
0x45: {  	_ =	shalt  }
0x46: {  	_ =	shalt  }
0x47: {  	_ =	shalt  }
0x48: {  	_ =	shalt  }
0x49: {  	_ =	shalt  }
0x4a: {  	_ =	shalt  }
0x4b: {  	_ =	shalt  }
0x4c: {  	_ =	shalt  }
0x4d: {  	_ =	shalt  }
0x4e: {  	_ =	shalt  }
0x4f: {  	_ =	shalt  }
0x50: {  	_ =	shalt  }
0x51: {  	_ =	shalt  }
0x52: {  	_ =	shalt  }
0x53: {  	_ =	shalt  }
0x54: {  	_ =	shalt  }
0x55: {  	_ =	shalt  }
0x56: {  	_ =	shalt  }
0x57: {  	_ =	shalt  }
0x58: {  	_ =	shalt  }
0x59: {  	_ =	shalt  }
0x5a: {  	_ =	shalt  }
0x5b: {  	_ =	shalt  }
0x5c: {  	_ =	shalt  }
0x5d: {  	_ =	shalt  }
0x5e: {  	_ =	shalt  }
0x5f: {  	_ =	shalt  }
0x60: {  	_ =	shalt  }
0x61: {  	_ =	shalt  }
0x62: {  	_ =	shalt  }
0x63: {  	_ =	shalt  }
0x64: {  	_ =	shalt  }
0x65: {  	_ =	shalt  }
0x66: {  	_ =	shalt  }
0x67: {  	_ =	shalt  }
0x68: {  	_ =	shalt  }
0x69: {  	_ =	shalt  }
0x6a: {  	_ =	shalt  }
0x6b: {  	_ =	shalt  }
0x6c: {  	_ =	shalt  }
0x6d: {  	_ =	shalt  }
0x6e: {  	_ =	shalt  }
0x6f: {  	_ =	shalt  }
0x70: {  	_ =	shalt  }
0x71: {  	_ =	shalt  }
0x72: {  	_ =	shalt  }
0x73: {  	_ =	shalt  }
0x74: {  	_ =	shalt  }
0x75: {  	_ =	shalt  }
0x76: {  	_ =	shalt  }
0x77: {  	_ =	shalt  }
0x78: {  	_ =	shalt  }
0x79: {  	_ =	shalt  }
0x7a: {  	_ =	shalt  }
0x7b: {  	_ =	shalt  }
0x7c: {  	_ =	shalt  }
0x7d: {  	_ =	shalt  }
0x7e: {  	_ =	shalt  }
0x7f: {  	_ =	shalt  }
0x80: {  	_ =	shalt  }
0x81: {  	_ =	shalt  }
0x82: {  	_ =	shalt  }
0x83: {  	_ =	shalt  }
0x84: {  	_ =	shalt  }
0x85: {  	_ =	shalt  }
0x86: {  	_ =	shalt  }
0x87: {  	_ =	shalt  }
.Lfunc_end0:
.L_simem_size_0:
called_computation_lowered:
.L_overlay_start_0:
0x88: {  	s2 =	sld [smem:$0x3FD9]  }
0x89: {  	s3 =	sld [smem:$0x3FFE];
	_ =	sdelay $0x1  }
0x8a: {  	s1 =	srdreg.scid  }
0x8b: {  	s0 =	sand.u32 $0x1, s1  }
0x8c: {  	s17 =	sshll.u32 s0, $0xA;
	s2 =	sadd.s32 s3, s2  }
0x8d: {  	s2 =	sadd.s32 s2, s17  }
0x8e: {  	[smem:$0x3FBE] =	sst s2  }
0x8f: {  	_ = 	snop  }
0x90: {  	s2 =	sld [smem:$0x3FC7]  }
0x91: {  	s18 =	sld [smem:$0x3FC6];
	(tm) =	ssettm $0x1  }
0x92: {  	s4 =	sld [smem:$0x3FFB];
	_ =	sdelay $0x3  }
0x93: {  	_ =	strace s4  }
0x94: {  	s4 =	sld [smem:$0x3FFC];
	_ =	sdelay $0x3  }
0x95: {  	_ =	strace s4  }
0x96: {  	s4 =	sld [smem:$0x3FFD];
	_ =	sdelay $0x3  }
0x97: {  	_ =	strace s4  }
0x98: {  	_ =	strace $0x8FFFFFFF  }
0x99: {  	s19 =	sld [smem:$0x3FDB];
	_ =	sdelay $0x1  }
0x9a: {  	s5 =	simm.s32 $_scs_section_size  }
0x9b: {  	s6 =	simm.s32 $_size__tile_overlayer_lowered;
	s7 =	simm.s32 $_tile_overlayer_lowered  }
0x9c: {  	s22 =	simm.s32 $0x1BFF;
	s21 =	sshll.u32 s7, $0x1;
	s4 =	sadd.s32 s5, s19  }
0x9d: {  	s8 =	simm.s32 $0x0;
	s20 =	sshll.u32 s6, $0x1;
	s6 =	sadd.s32 s21, s4  }
0x9e: {  	[timem:s8], [sflag:s22] =	dma.local [hbm:s6], s20  }
0x9f: {  	_ =	swait.ge [sflag:s22], s20  }
0xa0: {  	s5 =	ssub.s32 $0x0, s20;
	[sflag:s22] =	ssyncset.done $0x0  }
0xa1: {  	[sflag:s22] =	ssyncadd.s32 s5;
	_ =	sdelay $0x1  }
0xa2: {  	s23 =	simm.s32 $0x1B8B  }
0xa3: {  	_ =	swait.ge [sflag:s23], $0x1  }
0xa4: {  	[sflag:s23] =	ssyncset.done $0x0  }
0xa5: {  	s25 =	simm.s32 $0x1B8E;
	s24 =	sld [smem:$0x3FFE];
	[sflag:s23] =	ssyncadd.s32 $0xFFFFFFFF  }
0xa6: {  	s26 =	simm.s32 $execute0_lowered;
	[smem:$0x3FD2] =	sst s25  }
0xa7: {  	s6 =	sshll.u32 s26, $0x1;
	_ =	strace $0x80000046;
	[dreg:$0x1] =	wrdreg $0xFFFFFFFF  }
0xa8: {  	s28 =	simm.s32 $_size_execute0_lowered;
	s4 =	sadd.s32 s4, s6;
	[dreg:$0x0] =	wrdreg $0x0  }
0xa9: {  	s6 =	sshll.u32 s28, $0x1;
	[dreg:$0x2] =	wrdreg s4  }
0xaa: {  	[dreg:$0x3] =	wrdreg s6  }
0xab: {  	[dreg:$0x4] =	wrdreg $0xC0  }
0xac: {  	_ =	task [dreg:s8], $0x5FFFF  }
0xad: {  	[dreg:$0x1] =	wrdreg $0xFFFFFFFF  }
0xae: {  	[dreg:$0x0] =	wrdreg $0x60  }
0xaf: {  	[dreg:$0x2] =	wrdreg s24  }
0xb0: {  	[dreg:$0x3] =	wrdreg s2  }
0xb1: {  	[dreg:$0x4] =	wrdreg s18  }
0xb2: {  	[dreg:$0x5] =	wrdreg $0x0  }
0xb3: {  	[dreg:$0x6] =	wrdreg $0x9  }
0xb4: {  	_ =	task.clear_ibuf [dreg:s8], $0x7FFFF;
	_ =	strace $0x90000046  }
0xb5: {  	s29 =	simm.s32 $0x9;
	_ =	strace $0x80000048  }
0xb6: {  	_ =	swait.ge [sflag:s29], $0x1  }
0xb7: {  	[sflag:s29] =	ssyncadd.s32 $0xFFFFFFFF  }
0xb8: {  	_ =	strace $0x90000048  }
0xb9: {  	_ =	sfence  }
0xba: {  	s30 =	sld [smem:$0x0];
	_ =	sdelay $0x2  }
0xbb: {  	s31 =	sshll.u32 s1, $0xD;
	s1 =	sshrl.u32 s1, $0x2  }
0xbc: {  	s3 =	sand.u32 $0x4000, s31;
	s1 =	sadd.s32 s1, s30  }
0xbd: {  	s0 =	sor.u32 s3, s0;
	s1 =	sshll.u32 s1, $0x11  }
0xbe: {  	s0 =	sor.u32 s1, s0  }
0xbf: {  	s0 =	sadd.s32 $0x8F2B, s0  }
0xc0: {  	[sflag:s0] =	ssyncadd.remote.s32 $0x1  }
0xc1: {  	_ =	sfence.sel $0xFFFF  }
0xc2: {  	[dreg:$0x0] =	wrdreg $0xFFFFFFFF;
	(pc) =	sbr.abs _section_cstart, $3  }
0xc3: {  	[dreg:$0x1] =	wrdreg $0xFFFFFFFF  }
0xc4: {  	_ =	task.clear_ibuf [dreg:s8], $0x2FFFF;
	_ =	strace $0x9FFFFFFF  }
0xc5: {  	(tm) =	ssettm $0x7FFFFFFF  }
tec
execute0_lowered:
.L_overlay_start_1:
0x0: {  	(tag) =	ssettag $0x1  }
0x1: {  	s0 =	rddreg [dreg:$0x0]  }
0x2: {  	s1 =	rddreg [dreg:$0x1]  }
0x3: {  	s9 =	rddreg [dreg:$0x2]  }
0x4: {  	s3 =	srdreg.scid;
	s14 =	stileid.u32  }
0x5: {  	s2 =	rddreg [dreg:$0x3];
	s16 =	simm.s32 $0x9C40;
	s17 =	simm.s32 $0x5  }
0x6: {  	s18 =	simm.s32 $0x68;
	s20 =	simm.s32 $0x60;
	s24 =	simm.s32 $0x11D40  }
0x7: {  	s28 =	simm.s32 $0x1;
	s29 =	simm.s32 $0x2;
	s30 =	simm.s32 $0x3  }
0x8: {  	s31 =	simm.s32 $0x4;
	s4 =	sand.u32 $0x1, s3;
	s25 =	smul.u32 $0x27000, s14  }
0x9: {  	s5 =	sshll.u32 s14, $0x1;
	s3 =	simm.s32 $0x0;
	s8 =	smul.u32 $0x1380, s14  }
0xa: {  	s13 =	sadd.s32 $0x92400, s2;
	p0 =	seq.s32 s14, $0xF;
	s5 =	sor.u32 s4, s5  }
0xb: {  	[smem:$0x7FF] =	sst s3;
	s4 =	ssub.s32 $0x2, s4;
	s13 =	sshrl.u32 @p0 s13, $0x3  }
0xc: {  	s6 =	smul.u32 $0x320, s5;
	_ =	strace $0x80000047;
	s7 =	sshrl.u32 s4, $0x1  }
0xd: {  	s5 =	sshll.u32 s5, $0xB;
	s26 =	sshrl.u32 s25, $0x2;
	s12 =	ssub.s32 s4, s7  }
0xe: {  	s15 =	sadd.s32 s26, s2;
	s4 =	sadd.s32 s1, s8;
	s8 =	sadd.s32 s9, s8  }
.Ltmp0:
0xf: {  	s9 =	sadd.s32 $0x12480, s9;
	s26 =	simm.s32 $0x15140;
	(pc) =	sbr.rel .LBB2_1-.Ltmp0, $4  }
0x10: {  	s10 =	sadd.s32 s6, s0;
	s0 =	sadd.s32 s5, s0;
	s5 =	sadd.s32 $0x12480, s1  }
0x11: {  	s12 =	smax.u32 s12, $0x1;
	s15 =	sshrl.u32 @!p0 s15, $0x3;
	s6 =	sadd.s32 $0x1C00, s10  }
0x12: {  	s7 =	sadd.s32 $0xE400, s0;
	s11 =	sadd.s32 $0x1E400, s0;
	s0 =	sshll.u32 @!p0 s14, $0x6  }
0x13: {  	s10 =	sadd.s32 $0x8000, s10;
	s14 =	sor.u32 @!p0 $0x1C05, s0;
	s0 =	simm.s32 $0x0  }
.LBB2_39:
0x14: {  	s1 =	simm.s32 $0x18540;
	s0 =	sadd.s32 $0x1, s0  }
0x15: {  	[hbm4b:s11+s3] =	stream.linear.scatter [tilespmem:s1], [sflag:$0x5], $0x4000, $0x38;
	[tilespmem:$0x1C540] =	vst v63  }
0x16: {  	p1 =	sne.s32 s0, s12  }
.Ltmp1:
0x17: {  	_ =	swait.ge [sflag:s17], $0x4000;
	(pc) =	sbr.rel @!p1 .LBB2_40-.Ltmp1, $3  }
0x18: {  	[sflag:s17] =	ssyncset.done $0x0  }
0x19: {  	[sflag:s17] =	ssyncadd.s32 $0xFFFFC000  }
0x1a: {  	[bflag:$0x0] =	sbarrier.arrive $0xFFFF;
	_ =	sdelay $0x1  }
.LBB2_1:
0x1b: {  	s19 =	simm.s32 @p0 $0x1FC5  }
0x1c: {  	[spmem:s13], [sflag:s19] =	dma.local @p0 [hbm:s5], $0x1400  }
0x1d: {  	s19 =	simm.s32 @p0 $0x5  }
0x1e: {  	_ =	swait.ge @p0 [sflag:s19], $0x1400  }
0x1f: {  	[sflag:s19] =	ssyncset.done @p0 $0x0  }
0x20: {  	[sflag:s19] =	ssyncadd.s32 @p0 $0xFFFFEC00;
	s19 =	simm.s32 @!p0 $0x5  }
0x21: {  	[spmem:s15], [sflag:s14] =	dma.local @!p0 [hbm:s4], $0x1380  }
0x22: {  	_ =	swait.ge @!p0 [sflag:s19], $0x1380  }
0x23: {  	[sflag:s19] =	ssyncset.done @!p0 $0x0  }
0x24: {  	[sflag:s19] =	ssyncadd.s32 @!p0 $0xFFFFEC80  }
0x25: {  	[tilespmem:s16], [sflag:$0x5] =	stream.linear.gather [hbm4b:s6+s3], $0x1900, $0x38;
	[tilespmem:$0x1C540] =	vst v63  }
0x26: {  	_ =	swait.ge [sflag:s17], $0x1900  }
0x27: {  	[sflag:s17] =	ssyncset.done $0x0  }
0x28: {  	[sflag:s17] =	ssyncadd.s32 $0xFFFFE700  }
0x29: {  	s1 =	simm.s32 $0xB540;
	[bflag:$0x0] =	sbarrier.arrive $0xFFFF  }
0x2a: {  	[tilespmem:s1], [sflag:$0x1] =	stream.indirect.gather [spmem:s2], $0x80, s16, s18, $0xb8;
	[tilespmem:$0x1C540] =	vst v63  }
0x2b: {  	s21 =	simm.s32 $0x9CA8;
	s22 =	simm.s32 $0xE940  }
0x2c: {  	[tilespmem:s22], [sflag:$0x2] =	stream.indirect.gather [spmem:s2], $0x80, s21, s20, $0xb8;
	[tilespmem:$0x1C540] =	vst v63  }
0x2d: {  	s23 =	simm.s32 $0x9D08  }
0x2e: {  	[tilespmem:s24], [sflag:$0x3] =	stream.indirect.gather [spmem:s2], $0x80, s23, s18, $0xb8;
	[tilespmem:$0x1C540] =	vst v63  }
0x2f: {  	s25 =	simm.s32 $0x9D70;
	s19 =	simm.s32 $0x0  }
0x30: {  	[tilespmem:s26], [sflag:$0x4] =	stream.indirect.gather [spmem:s2], $0x80, s25, s20, $0xb8;
	[tilespmem:$0x1C540] =	vst v63  }
.LBB2_2:
0x31: {  	_ =	swait.ge [sflag:s28], $0x3400  }
0x32: {  	[sflag:s28] =	ssyncset.done $0x0  }
0x33: {  	[sflag:s28] =	ssyncadd.s32 $0xFFFFCC00  }
0x34: {  	_ =	swait.ge [sflag:s29], $0x3000  }
0x35: {  	[sflag:s29] =	ssyncset.done $0x0  }
0x36: {  	s21 =	simm.s32 $0x0;
	[sflag:s29] =	ssyncadd.s32 $0xFFFFD000  }
0x37: {  	v4 =	vld [tilespmem:s21+$0xB5C0]  }
0x38: {  	v5 =	vld [tilespmem:s21+$0xB5D0]  }
0x39: {  	v2 =	vld [tilespmem:s21+$0xB5E0]  }
0x3a: {  	v3 =	vld [tilespmem:s21+$0xB5F0]  }
0x3b: {  	v0 =	vld [tilespmem:s21+$0xB600]  }
0x3c: {  	v1 =	vld [tilespmem:s21+$0xB610]  }
0x3d: {  	v19 =	vld [tilespmem:s21+$0xB540]  }
0x3e: {  	v20 =	vld [tilespmem:s21+$0xB550]  }
0x3f: {  	v17 =	vld [tilespmem:s21+$0xB560]  }
0x40: {  	v18 =	vld [tilespmem:s21+$0xB570]  }
0x41: {  	v10 =	vimm.f32 $0.0e+00;
	v11 =	vimm.f32 $0.0e+00;
	v16 =	vld [tilespmem:s21+$0xB580]  }
0x42: {  	v13 =	vimm.f32 $0.0e+00;
	v12 =	vimm.f32 $0.0e+00;
	v9 =	vimm.f32 $0.0e+00;
	v14 =	vld [tilespmem:s21+$0xB590]  }
0x43: {  	s22 =	simm.s32 $0x400;
	v8 =	vimm.f32 $0.0e+00;
	v7 =	vimm.f32 $0.0e+00;
	v6 =	vimm.f32 $0.0e+00;
	v15 =	vld [tilespmem:s21+$0xB5A0]  }
.LBB2_3:
0x44: {  	p1 =	sne.s32 s22, $0x6000;
	v10 =	vadd.f32 v19, v10;
	v11 =	vadd.f32 v20, v11;
	v19 =	vld [tilespmem:s21+$0xB5B0]  }
0x45: {  	v13 =	vadd.f32 v17, v13;
	v12 =	vadd.f32 v18, v12;
	v17 =	vld [tilespmem:s21+$0xB620]  }
0x46: {  	v10 =	vadd.f32 v4, v10;
	v11 =	vadd.f32 v5, v11;
	v18 =	vld [tilespmem:s21+$0xB630];
	s21 =	sshra.s32 s22, $0x2  }
0x47: {  	v13 =	vadd.f32 v2, v13;
	v4 =	vld [tilespmem:s21+$0xB5C0];
	v12 =	vadd.f32 v3, v12  }
0x48: {  	v9 =	vadd.f32 v16, v9;
	v8 =	vadd.f32 v14, v8;
	v5 =	vld [tilespmem:s21+$0xB5D0]  }
0x49: {  	v7 =	vadd.f32 v15, v7;
	v2 =	vld [tilespmem:s21+$0xB5E0];
	v6 =	vadd.f32 v19, v6  }
0x4a: {  	v9 =	vadd.f32 v0, v9;
	v8 =	vadd.f32 v1, v8;
	v3 =	vld [tilespmem:s21+$0xB5F0]  }
0x4b: {  	v7 =	vadd.f32 v17, v7;
	v0 =	vld [tilespmem:s21+$0xB600];
	v6 =	vadd.f32 v18, v6  }
0x4c: {  	v1 =	vld [tilespmem:s21+$0xB610]  }
0x4d: {  	v19 =	vld [tilespmem:s21+$0xB540]  }
0x4e: {  	v20 =	vld [tilespmem:s21+$0xB550]  }
.Ltmp2:
0x4f: {  	v17 =	vld [tilespmem:s21+$0xB560];
	(pc) =	sbr.rel @p1 .LBB2_3-.Ltmp2, $4  }
0x50: {  	v18 =	vld [tilespmem:s21+$0xB570]  }
0x51: {  	v16 =	vld [tilespmem:s21+$0xB580]  }
0x52: {  	v14 =	vld [tilespmem:s21+$0xB590]  }
0x53: {  	s22 =	sadd.s32 $0x400, s22;
	v15 =	vld [tilespmem:s21+$0xB5A0]  }
0x54: {  	v10 =	vadd.f32 v19, v10  }
0x55: {  	v11 =	vadd.f32 v20, v11  }
0x56: {  	v19 =	vld [tilespmem:s21+$0xB5B0];
	v13 =	vadd.f32 v17, v13;
	v4 =	vadd.f32 v4, v10  }
0x57: {  	v10 =	vadd.f32 v18, v12;
	v12 =	vld [tilespmem:s21+$0xB620];
	v5 =	vadd.f32 v5, v11  }
0x58: {  	s25 =	sshll.u32 s19, $0xC;
	v11 =	vld [tilespmem:s21+$0xB630];
	v2 =	vadd.f32 v2, v13;
	v9 =	vadd.f32 v16, v9;
	v4 =	vmul.f32 $1.999999960e-02, v4  }
0x59: {  	s21 =	sshra.s32 s25, $0x2;
	v8 =	vadd.f32 v14, v8;
	v3 =	vadd.f32 v3, v10;
	v5 =	vmul.f32 $1.999999960e-02, v5  }
0x5a: {  	v7 =	vadd.f32 v15, v7;
	v0 =	vadd.f32 v0, v9;
	v2 =	vmul.f32 $1.999999960e-02, v2;
	[tilespmem:s21+$0x18540] =	vst v4  }
0x5b: {  	v1 =	vadd.f32 v1, v8;
	v4 =	vadd.f32 v19, v6;
	[tilespmem:s21+$0x18550] =	vst v5;
	v3 =	vmul.f32 $1.999999960e-02, v3  }
0x5c: {  	[tilespmem:s21+$0x18560] =	vst v2;
	v0 =	vmul.f32 $1.999999960e-02, v0;
	v5 =	vadd.f32 v12, v7  }
0x5d: {  	v1 =	vmul.f32 $1.999999960e-02, v1;
	v2 =	vadd.f32 v11, v4;
	[tilespmem:s21+$0x18570] =	vst v3  }
0x5e: {  	[tilespmem:s21+$0x18580] =	vst v0;
	v0 =	vmul.f32 $1.999999960e-02, v5  }
0x5f: {  	[tilespmem:s21+$0x18590] =	vst v1;
	v1 =	vmul.f32 $1.999999960e-02, v2  }
0x60: {  	[tilespmem:s21+$0x185A0] =	vst v0  }
0x61: {  	s22 =	simm.s32 $0x0;
	[tilespmem:s21+$0x185B0] =	vst v1  }
0x62: {  	v3 =	vld [tilespmem:s22+$0xCEC0]  }
0x63: {  	v5 =	vld [tilespmem:s22+$0xCED0]  }
0x64: {  	v2 =	vld [tilespmem:s22+$0xCEE0]  }
0x65: {  	v4 =	vld [tilespmem:s22+$0xCEF0]  }
0x66: {  	v0 =	vld [tilespmem:s22+$0xCF00]  }
0x67: {  	v1 =	vld [tilespmem:s22+$0xCF10]  }
0x68: {  	v19 =	vld [tilespmem:s22+$0xCE40]  }
0x69: {  	v20 =	vld [tilespmem:s22+$0xCE50]  }
0x6a: {  	v17 =	vld [tilespmem:s22+$0xCE60]  }
0x6b: {  	v18 =	vld [tilespmem:s22+$0xCE70]  }
0x6c: {  	v13 =	vimm.f32 $0.0e+00;
	v10 =	vimm.f32 $0.0e+00;
	v14 =	vld [tilespmem:s22+$0xCE80]  }
0x6d: {  	v9 =	vimm.f32 $0.0e+00;
	v8 =	vimm.f32 $0.0e+00;
	v6 =	vimm.f32 $0.0e+00;
	v15 =	vld [tilespmem:s22+$0xCE90]  }
0x6e: {  	s23 =	simm.s32 $0x400;
	v12 =	vimm.f32 $0.0e+00;
	v7 =	vimm.f32 $0.0e+00;
	v11 =	vimm.f32 $0.0e+00;
	v16 =	vld [tilespmem:s22+$0xCEA0]  }
.LBB2_5:
0x6f: {  	p1 =	sne.s32 s23, $0x6000;
	v10 =	vadd.f32 v19, v10;
	v11 =	vadd.f32 v20, v11;
	v19 =	vld [tilespmem:s22+$0xCEB0]  }
0x70: {  	v13 =	vadd.f32 v17, v13;
	v12 =	vadd.f32 v18, v12;
	v17 =	vld [tilespmem:s22+$0xCF20]  }
0x71: {  	v10 =	vadd.f32 v3, v10;
	v11 =	vadd.f32 v5, v11;
	v18 =	vld [tilespmem:s22+$0xCF30];
	s22 =	sshra.s32 s23, $0x2  }
0x72: {  	v13 =	vadd.f32 v2, v13;
	v3 =	vld [tilespmem:s22+$0xCEC0];
	v12 =	vadd.f32 v4, v12  }
0x73: {  	v8 =	vadd.f32 v14, v8;
	v9 =	vadd.f32 v15, v9;
	v5 =	vld [tilespmem:s22+$0xCED0]  }
0x74: {  	v7 =	vadd.f32 v16, v7;
	v2 =	vld [tilespmem:s22+$0xCEE0];
	v6 =	vadd.f32 v19, v6  }
0x75: {  	v8 =	vadd.f32 v0, v8;
	v9 =	vadd.f32 v1, v9;
	v4 =	vld [tilespmem:s22+$0xCEF0]  }
0x76: {  	v7 =	vadd.f32 v17, v7;
	v0 =	vld [tilespmem:s22+$0xCF00];
	v6 =	vadd.f32 v18, v6  }
0x77: {  	v1 =	vld [tilespmem:s22+$0xCF10]  }
0x78: {  	v19 =	vld [tilespmem:s22+$0xCE40]  }
0x79: {  	v20 =	vld [tilespmem:s22+$0xCE50]  }
.Ltmp3:
0x7a: {  	v17 =	vld [tilespmem:s22+$0xCE60];
	(pc) =	sbr.rel @p1 .LBB2_5-.Ltmp3, $4  }
0x7b: {  	v18 =	vld [tilespmem:s22+$0xCE70]  }
0x7c: {  	v14 =	vld [tilespmem:s22+$0xCE80]  }
0x7d: {  	v15 =	vld [tilespmem:s22+$0xCE90]  }
0x7e: {  	s23 =	sadd.s32 $0x400, s23;
	v16 =	vld [tilespmem:s22+$0xCEA0]  }
0x7f: {  	v10 =	vadd.f32 v19, v10  }
0x80: {  	v11 =	vadd.f32 v20, v11  }
0x81: {  	v19 =	vld [tilespmem:s22+$0xCEB0];
	v13 =	vadd.f32 v17, v13;
	v3 =	vadd.f32 v3, v10  }
0x82: {  	v10 =	vadd.f32 v18, v12;
	v12 =	vld [tilespmem:s22+$0xCF20];
	v5 =	vadd.f32 v5, v11  }
0x83: {  	v11 =	vld [tilespmem:s22+$0xCF30];
	v2 =	vadd.f32 v2, v13;
	v8 =	vadd.f32 v14, v8;
	v3 =	vmul.f32 $1.999999960e-02, v3  }
0x84: {  	v9 =	vadd.f32 v15, v9;
	v4 =	vadd.f32 v4, v10;
	v5 =	vmul.f32 $1.999999960e-02, v5  }
0x85: {  	v7 =	vadd.f32 v16, v7;
	v0 =	vadd.f32 v0, v8;
	v2 =	vmul.f32 $1.999999960e-02, v2;
	[tilespmem:s21+$0x185C0] =	vst v3  }
0x86: {  	v1 =	vadd.f32 v1, v9;
	v3 =	vadd.f32 v19, v6;
	[tilespmem:s21+$0x185D0] =	vst v5;
	v4 =	vmul.f32 $1.999999960e-02, v4  }
0x87: {  	[tilespmem:s21+$0x185E0] =	vst v2;
	v0 =	vmul.f32 $1.999999960e-02, v0;
	v5 =	vadd.f32 v12, v7  }
0x88: {  	v1 =	vmul.f32 $1.999999960e-02, v1;
	v2 =	vadd.f32 v11, v3;
	[tilespmem:s21+$0x185F0] =	vst v4  }
0x89: {  	[tilespmem:s21+$0x18600] =	vst v0;
	v0 =	vmul.f32 $1.999999960e-02, v5  }
0x8a: {  	[tilespmem:s21+$0x18610] =	vst v1;
	v1 =	vmul.f32 $1.999999960e-02, v2  }
0x8b: {  	[tilespmem:s21+$0x18620] =	vst v0  }
0x8c: {  	[tilespmem:s21+$0x18630] =	vst v1  }
0x8d: {  	v0 =	vld [tilespmem:$0xE740]  }
0x8e: {  	v1 =	vld [tilespmem:$0xE750]  }
0x8f: {  	v2 =	vld [tilespmem:$0xE760]  }
0x90: {  	v3 =	vld [tilespmem:$0xE770]  }
0x91: {  	v4 =	vld [tilespmem:$0xE780]  }
0x92: {  	v5 =	vld [tilespmem:$0xE790]  }
0x93: {  	v6 =	vld [tilespmem:$0xE7A0]  }
0x94: {  	v7 =	vld [tilespmem:$0xE7B0]  }
0x95: {  	v8 =	vld [tilespmem:$0xE7C0]  }
0x96: {  	v9 =	vld [tilespmem:$0xE7D0]  }
0x97: {  	v10 =	vld [tilespmem:$0xE7E0]  }
0x98: {  	v11 =	vld [tilespmem:$0xE7F0]  }
0x99: {  	v12 =	vld [tilespmem:$0xE800]  }
0x9a: {  	v13 =	vld [tilespmem:$0xE810]  }
0x9b: {  	v14 =	vld [tilespmem:$0xE820]  }
0x9c: {  	v15 =	vld [tilespmem:$0xE830]  }
0x9d: {  	v16 =	vld [tilespmem:$0xE840]  }
0x9e: {  	v17 =	vld [tilespmem:$0xE850]  }
0x9f: {  	v18 =	vld [tilespmem:$0xE860]  }
0xa0: {  	v19 =	vld [tilespmem:$0xE870]  }
0xa1: {  	v20 =	vld [tilespmem:$0xE880]  }
0xa2: {  	v21 =	vld [tilespmem:$0xE890]  }
0xa3: {  	v22 =	vld [tilespmem:$0xE8A0]  }
0xa4: {  	v23 =	vld [tilespmem:$0xE8B0]  }
0xa5: {  	v24 =	vld [tilespmem:$0xE8C0]  }
0xa6: {  	v25 =	vld [tilespmem:$0xE8D0]  }
0xa7: {  	v26 =	vld [tilespmem:$0xE8E0]  }
0xa8: {  	v27 =	vld [tilespmem:$0xE8F0]  }
0xa9: {  	v28 =	vld [tilespmem:$0xE900]  }
0xaa: {  	v29 =	vld [tilespmem:$0xE910];
	v0 =	vadd.f32 $0.0e+00, v0;
	v1 =	vadd.f32 $0.0e+00, v1  }
0xab: {  	v31 =	vld [tilespmem:$0xE920];
	v2 =	vadd.f32 $0.0e+00, v2;
	v30 =	vadd.f32 $0.0e+00, v3  }
0xac: {  	s22 =	simm.s32 $0x0;
	v33 =	vld [tilespmem:$0xE930];
	v32 =	vadd.f32 $0.0e+00, v4;
	v6 =	vadd.f32 $0.0e+00, v6  }
0xad: {  	v3 =	vld [tilespmem:s22+$0xE9D0];
	v8 =	vadd.f32 v8, v0;
	v0 =	vadd.f32 $0.0e+00, v5  }
0xae: {  	v4 =	vld [tilespmem:s22+$0xE9E0];
	v9 =	vadd.f32 v9, v1;
	v10 =	vadd.f32 v10, v2  }
0xaf: {  	v1 =	vld [tilespmem:s22+$0xE9C0];
	v2 =	vadd.f32 $0.0e+00, v7;
	v7 =	vadd.f32 v11, v30  }
0xb0: {  	v11 =	vadd.f32 v12, v32;
	v5 =	vld [tilespmem:s22+$0xE9F0];
	v6 =	vadd.f32 v14, v6  }
0xb1: {  	v12 =	vadd.f32 v13, v0;
	v13 =	vadd.f32 v15, v2;
	v0 =	vld [tilespmem:s22+$0xEA00]  }
0xb2: {  	v8 =	vadd.f32 v16, v8;
	v9 =	vadd.f32 v17, v9;
	v2 =	vld [tilespmem:s22+$0xEA10]  }
0xb3: {  	v14 =	vadd.f32 v18, v10;
	v7 =	vadd.f32 v19, v7;
	v17 =	vld [tilespmem:s22+$0xE940]  }
0xb4: {  	v15 =	vadd.f32 v20, v11;
	v18 =	vld [tilespmem:s22+$0xE950];
	v6 =	vadd.f32 v22, v6  }
0xb5: {  	v19 =	vld [tilespmem:s22+$0xE960];
	v16 =	vadd.f32 v21, v12;
	v21 =	vadd.f32 v23, v13  }
0xb6: {  	v20 =	vld [tilespmem:s22+$0xE970];
	v10 =	vadd.f32 v24, v8;
	v11 =	vadd.f32 v25, v9  }
0xb7: {  	v13 =	vadd.f32 v26, v14;
	v12 =	vadd.f32 v27, v7;
	v14 =	vld [tilespmem:s22+$0xE980]  }
0xb8: {  	v9 =	vadd.f32 v28, v15;
	v15 =	vld [tilespmem:s22+$0xE990];
	v8 =	vadd.f32 v31, v6  }
0xb9: {  	s23 =	simm.s32 $0x400;
	v7 =	vadd.f32 v29, v16;
	v6 =	vadd.f32 v33, v21;
	v16 =	vld [tilespmem:s22+$0xE9A0]  }
.LBB2_7:
0xba: {  	p1 =	sne.s32 s23, $0x5800;
	v10 =	vadd.f32 v17, v10;
	v11 =	vadd.f32 v18, v11;
	v17 =	vld [tilespmem:s22+$0xE9B0]  }
0xbb: {  	v13 =	vadd.f32 v19, v13;
	v12 =	vadd.f32 v20, v12;
	v18 =	vld [tilespmem:s22+$0xEA20]  }
0xbc: {  	v10 =	vadd.f32 v1, v10;
	v11 =	vadd.f32 v3, v11;
	v19 =	vld [tilespmem:s22+$0xEA30];
	s22 =	sshra.s32 s23, $0x2  }
0xbd: {  	v13 =	vadd.f32 v4, v13;
	v1 =	vld [tilespmem:s22+$0xE9C0];
	v12 =	vadd.f32 v5, v12  }
0xbe: {  	v9 =	vadd.f32 v14, v9;
	v7 =	vadd.f32 v15, v7;
	v3 =	vld [tilespmem:s22+$0xE9D0]  }
0xbf: {  	v8 =	vadd.f32 v16, v8;
	v4 =	vld [tilespmem:s22+$0xE9E0];
	v6 =	vadd.f32 v17, v6  }
0xc0: {  	v9 =	vadd.f32 v0, v9;
	v7 =	vadd.f32 v2, v7;
	v5 =	vld [tilespmem:s22+$0xE9F0]  }
0xc1: {  	v8 =	vadd.f32 v18, v8;
	v0 =	vld [tilespmem:s22+$0xEA00];
	v6 =	vadd.f32 v19, v6  }
0xc2: {  	v2 =	vld [tilespmem:s22+$0xEA10]  }
0xc3: {  	v17 =	vld [tilespmem:s22+$0xE940]  }
0xc4: {  	v18 =	vld [tilespmem:s22+$0xE950]  }
.Ltmp4:
0xc5: {  	v19 =	vld [tilespmem:s22+$0xE960];
	(pc) =	sbr.rel @p1 .LBB2_7-.Ltmp4, $4  }
0xc6: {  	v20 =	vld [tilespmem:s22+$0xE970]  }
0xc7: {  	v14 =	vld [tilespmem:s22+$0xE980]  }
0xc8: {  	v15 =	vld [tilespmem:s22+$0xE990]  }
0xc9: {  	s23 =	sadd.s32 $0x400, s23;
	v16 =	vld [tilespmem:s22+$0xE9A0]  }
0xca: {  	v10 =	vadd.f32 v17, v10  }
0xcb: {  	v11 =	vadd.f32 v18, v11  }
0xcc: {  	v17 =	vld [tilespmem:s22+$0xE9B0];
	v13 =	vadd.f32 v19, v13;
	v1 =	vadd.f32 v1, v10  }
0xcd: {  	v10 =	vadd.f32 v20, v12;
	v12 =	vld [tilespmem:s22+$0xEA20];
	v3 =	vadd.f32 v3, v11  }
0xce: {  	v11 =	vld [tilespmem:s22+$0xEA30];
	v4 =	vadd.f32 v4, v13;
	v9 =	vadd.f32 v14, v9;
	v1 =	vmul.f32 $1.999999960e-02, v1  }
0xcf: {  	v7 =	vadd.f32 v15, v7;
	v5 =	vadd.f32 v5, v10;
	v3 =	vmul.f32 $1.999999960e-02, v3  }
0xd0: {  	v8 =	vadd.f32 v16, v8;
	v0 =	vadd.f32 v0, v9;
	[tilespmem:s21+$0x18640] =	vst v1;
	v1 =	vmul.f32 $1.999999960e-02, v4  }
0xd1: {  	v2 =	vadd.f32 v2, v7;
	v4 =	vadd.f32 v17, v6;
	[tilespmem:s21+$0x18650] =	vst v3;
	v3 =	vmul.f32 $1.999999960e-02, v5  }
0xd2: {  	v0 =	vmul.f32 $1.999999960e-02, v0;
	v5 =	vadd.f32 v12, v8;
	[tilespmem:s21+$0x18660] =	vst v1  }
0xd3: {  	v2 =	vmul.f32 $1.999999960e-02, v2;
	v1 =	vadd.f32 v11, v4;
	[tilespmem:s21+$0x18670] =	vst v3  }
0xd4: {  	[tilespmem:s21+$0x18680] =	vst v0;
	v0 =	vmul.f32 $1.999999960e-02, v5  }
0xd5: {  	[tilespmem:s21+$0x18690] =	vst v2;
	v1 =	vmul.f32 $1.999999960e-02, v1  }
0xd6: {  	[tilespmem:s21+$0x186A0] =	vst v0  }
0xd7: {  	s22 =	simm.s32 $0x0;
	[tilespmem:s21+$0x186B0] =	vst v1  }
0xd8: {  	v3 =	vld [tilespmem:s22+$0x100C0]  }
0xd9: {  	v5 =	vld [tilespmem:s22+$0x100D0]  }
0xda: {  	v2 =	vld [tilespmem:s22+$0x100E0]  }
0xdb: {  	v4 =	vld [tilespmem:s22+$0x100F0]  }
0xdc: {  	v0 =	vld [tilespmem:s22+$0x10100]  }
0xdd: {  	v1 =	vld [tilespmem:s22+$0x10110]  }
0xde: {  	v19 =	vld [tilespmem:s22+$0x10040]  }
0xdf: {  	v20 =	vld [tilespmem:s22+$0x10050]  }
0xe0: {  	v17 =	vld [tilespmem:s22+$0x10060]  }
0xe1: {  	v18 =	vld [tilespmem:s22+$0x10070]  }
0xe2: {  	v13 =	vimm.f32 $0.0e+00;
	v10 =	vimm.f32 $0.0e+00;
	v14 =	vld [tilespmem:s22+$0x10080]  }
0xe3: {  	v9 =	vimm.f32 $0.0e+00;
	v7 =	vimm.f32 $0.0e+00;
	v6 =	vimm.f32 $0.0e+00;
	v15 =	vld [tilespmem:s22+$0x10090]  }
0xe4: {  	s23 =	simm.s32 $0x400;
	v12 =	vimm.f32 $0.0e+00;
	v8 =	vimm.f32 $0.0e+00;
	v11 =	vimm.f32 $0.0e+00;
	v16 =	vld [tilespmem:s22+$0x100A0]  }
.LBB2_9:
0xe5: {  	p1 =	sne.s32 s23, $0x6000;
	v10 =	vadd.f32 v19, v10;
	v11 =	vadd.f32 v20, v11;
	v19 =	vld [tilespmem:s22+$0x100B0]  }
0xe6: {  	v13 =	vadd.f32 v17, v13;
	v12 =	vadd.f32 v18, v12;
	v17 =	vld [tilespmem:s22+$0x10120]  }
0xe7: {  	v10 =	vadd.f32 v3, v10;
	v11 =	vadd.f32 v5, v11;
	v18 =	vld [tilespmem:s22+$0x10130];
	s22 =	sshra.s32 s23, $0x2  }
0xe8: {  	v13 =	vadd.f32 v2, v13;
	v3 =	vld [tilespmem:s22+$0x100C0];
	v12 =	vadd.f32 v4, v12  }
0xe9: {  	v8 =	vadd.f32 v14, v8;
	v9 =	vadd.f32 v15, v9;
	v5 =	vld [tilespmem:s22+$0x100D0]  }
0xea: {  	v7 =	vadd.f32 v16, v7;
	v2 =	vld [tilespmem:s22+$0x100E0];
	v6 =	vadd.f32 v19, v6  }
0xeb: {  	v8 =	vadd.f32 v0, v8;
	v9 =	vadd.f32 v1, v9;
	v4 =	vld [tilespmem:s22+$0x100F0]  }
0xec: {  	v7 =	vadd.f32 v17, v7;
	v0 =	vld [tilespmem:s22+$0x10100];
	v6 =	vadd.f32 v18, v6  }
0xed: {  	v1 =	vld [tilespmem:s22+$0x10110]  }
0xee: {  	v19 =	vld [tilespmem:s22+$0x10040]  }
0xef: {  	v20 =	vld [tilespmem:s22+$0x10050]  }
.Ltmp5:
0xf0: {  	v17 =	vld [tilespmem:s22+$0x10060];
	(pc) =	sbr.rel @p1 .LBB2_9-.Ltmp5, $4  }
0xf1: {  	v18 =	vld [tilespmem:s22+$0x10070]  }
0xf2: {  	v14 =	vld [tilespmem:s22+$0x10080]  }
0xf3: {  	v15 =	vld [tilespmem:s22+$0x10090]  }
0xf4: {  	s23 =	sadd.s32 $0x400, s23;
	v16 =	vld [tilespmem:s22+$0x100A0]  }
0xf5: {  	v10 =	vadd.f32 v19, v10  }
0xf6: {  	v11 =	vadd.f32 v20, v11  }
0xf7: {  	v19 =	vld [tilespmem:s22+$0x100B0];
	v13 =	vadd.f32 v17, v13;
	v3 =	vadd.f32 v3, v10  }
0xf8: {  	v10 =	vadd.f32 v18, v12;
	v12 =	vld [tilespmem:s22+$0x10120];
	v5 =	vadd.f32 v5, v11  }
0xf9: {  	v11 =	vld [tilespmem:s22+$0x10130];
	v2 =	vadd.f32 v2, v13;
	v8 =	vadd.f32 v14, v8;
	v3 =	vmul.f32 $1.999999960e-02, v3  }
0xfa: {  	v9 =	vadd.f32 v15, v9;
	v4 =	vadd.f32 v4, v10;
	v5 =	vmul.f32 $1.999999960e-02, v5  }
0xfb: {  	v7 =	vadd.f32 v16, v7;
	v0 =	vadd.f32 v0, v8;
	v2 =	vmul.f32 $1.999999960e-02, v2;
	[tilespmem:s21+$0x186C0] =	vst v3  }
0xfc: {  	v1 =	vadd.f32 v1, v9;
	v3 =	vadd.f32 v19, v6;
	[tilespmem:s21+$0x186D0] =	vst v5;
	v4 =	vmul.f32 $1.999999960e-02, v4  }
0xfd: {  	[tilespmem:s21+$0x186E0] =	vst v2;
	v0 =	vmul.f32 $1.999999960e-02, v0;
	v5 =	vadd.f32 v12, v7  }
0xfe: {  	p1 =	seq.s32 s19, $0xF;
	v1 =	vmul.f32 $1.999999960e-02, v1;
	v2 =	vadd.f32 v11, v3;
	[tilespmem:s21+$0x186F0] =	vst v4  }
0xff: {  	s22 =	smul.u32 @!p1 $0x640, s19;
	[tilespmem:s21+$0x18700] =	vst v0;
	v0 =	vmul.f32 $1.999999960e-02, v5  }
0x100: {  	[tilespmem:s21+$0x18710] =	vst v1;
	v1 =	vmul.f32 $1.999999960e-02, v2  }
0x101: {  	s22 =	sshra.s32 @!p1 s22, $0x2;
	[tilespmem:s21+$0x18720] =	vst v0  }
0x102: {  	s25 =	simm.s32 @!p1 $0x68;
	s1 =	simm.s32 @!p1 $0xB540;
	s23 =	sadd.s32 @!p1 $0x9DD0, s22;
	[tilespmem:s21+$0x18730] =	vst v1  }
0x103: {  	[tilespmem:s1], [sflag:$0x1] =	stream.indirect.gather @!p1 [spmem:s2], $0x80, s23, s25, $0xb8;
	[tilespmem:$0x1C540] =	vst v63  }
0x104: {  	s1 =	sadd.s32 @!p1 $0x9E38, s22;
	s22 =	simm.s32 @!p1 $0x60;
	s23 =	simm.s32 @!p1 $0xE940  }
0x105: {  	[tilespmem:s23], [sflag:$0x2] =	stream.indirect.gather @!p1 [spmem:s2], $0x80, s1, s22, $0xb8;
	[tilespmem:$0x1C540] =	vst v63  }
0x106: {  	_ =	swait.ge [sflag:s30], $0x3400  }
0x107: {  	[sflag:s30] =	ssyncset.done $0x0  }
0x108: {  	[sflag:s30] =	ssyncadd.s32 $0xFFFFCC00  }
0x109: {  	_ =	swait.ge [sflag:s31], $0x3000  }
0x10a: {  	[sflag:s31] =	ssyncset.done $0x0  }
0x10b: {  	s22 =	simm.s32 $0x0;
	[sflag:s31] =	ssyncadd.s32 $0xFFFFD000  }
0x10c: {  	v3 =	vld [tilespmem:s22+$0x11DC0]  }
0x10d: {  	v5 =	vld [tilespmem:s22+$0x11DD0]  }
0x10e: {  	v2 =	vld [tilespmem:s22+$0x11DE0]  }
0x10f: {  	v4 =	vld [tilespmem:s22+$0x11DF0]  }
0x110: {  	v0 =	vld [tilespmem:s22+$0x11E00]  }
0x111: {  	v1 =	vld [tilespmem:s22+$0x11E10]  }
0x112: {  	v19 =	vld [tilespmem:s22+$0x11D40]  }
0x113: {  	v20 =	vld [tilespmem:s22+$0x11D50]  }
0x114: {  	v17 =	vld [tilespmem:s22+$0x11D60]  }
0x115: {  	v18 =	vld [tilespmem:s22+$0x11D70]  }
0x116: {  	v13 =	vimm.f32 $0.0e+00;
	v10 =	vimm.f32 $0.0e+00;
	v14 =	vld [tilespmem:s22+$0x11D80]  }
0x117: {  	v8 =	vimm.f32 $0.0e+00;
	v9 =	vimm.f32 $0.0e+00;
	v6 =	vimm.f32 $0.0e+00;
	v15 =	vld [tilespmem:s22+$0x11D90]  }
0x118: {  	v12 =	vimm.f32 $0.0e+00;
	v7 =	vimm.f32 $0.0e+00;
	v11 =	vimm.f32 $0.0e+00;
	s23 =	simm.s32 $0x400;
	v16 =	vld [tilespmem:s22+$0x11DA0]  }
.LBB2_11:
0x119: {  	p2 =	sne.s32 s23, $0x6000;
	v10 =	vadd.f32 v19, v10;
	v11 =	vadd.f32 v20, v11;
	v19 =	vld [tilespmem:s22+$0x11DB0]  }
0x11a: {  	v13 =	vadd.f32 v17, v13;
	v12 =	vadd.f32 v18, v12;
	v17 =	vld [tilespmem:s22+$0x11E20]  }
0x11b: {  	v10 =	vadd.f32 v3, v10;
	v11 =	vadd.f32 v5, v11;
	v18 =	vld [tilespmem:s22+$0x11E30];
	s22 =	sshra.s32 s23, $0x2  }
0x11c: {  	v13 =	vadd.f32 v2, v13;
	v3 =	vld [tilespmem:s22+$0x11DC0];
	v12 =	vadd.f32 v4, v12  }
0x11d: {  	v8 =	vadd.f32 v14, v8;
	v9 =	vadd.f32 v15, v9;
	v5 =	vld [tilespmem:s22+$0x11DD0]  }
0x11e: {  	v7 =	vadd.f32 v16, v7;
	v2 =	vld [tilespmem:s22+$0x11DE0];
	v6 =	vadd.f32 v19, v6  }
0x11f: {  	v8 =	vadd.f32 v0, v8;
	v9 =	vadd.f32 v1, v9;
	v4 =	vld [tilespmem:s22+$0x11DF0]  }
0x120: {  	v7 =	vadd.f32 v17, v7;
	v0 =	vld [tilespmem:s22+$0x11E00];
	v6 =	vadd.f32 v18, v6  }
0x121: {  	v1 =	vld [tilespmem:s22+$0x11E10]  }
0x122: {  	v19 =	vld [tilespmem:s22+$0x11D40]  }
0x123: {  	v20 =	vld [tilespmem:s22+$0x11D50]  }
.Ltmp6:
0x124: {  	v17 =	vld [tilespmem:s22+$0x11D60];
	(pc) =	sbr.rel @p2 .LBB2_11-.Ltmp6, $4  }
0x125: {  	v18 =	vld [tilespmem:s22+$0x11D70]  }
0x126: {  	v14 =	vld [tilespmem:s22+$0x11D80]  }
0x127: {  	v15 =	vld [tilespmem:s22+$0x11D90]  }
0x128: {  	s23 =	sadd.s32 $0x400, s23;
	v16 =	vld [tilespmem:s22+$0x11DA0]  }
0x129: {  	v10 =	vadd.f32 v19, v10  }
0x12a: {  	v11 =	vadd.f32 v20, v11  }
0x12b: {  	v19 =	vld [tilespmem:s22+$0x11DB0];
	v13 =	vadd.f32 v17, v13;
	v3 =	vadd.f32 v3, v10  }
0x12c: {  	v10 =	vadd.f32 v18, v12;
	v12 =	vld [tilespmem:s22+$0x11E20];
	v5 =	vadd.f32 v5, v11  }
0x12d: {  	v11 =	vld [tilespmem:s22+$0x11E30];
	v2 =	vadd.f32 v2, v13;
	v8 =	vadd.f32 v14, v8;
	v3 =	vmul.f32 $1.999999960e-02, v3  }
0x12e: {  	v9 =	vadd.f32 v15, v9;
	v4 =	vadd.f32 v4, v10;
	v5 =	vmul.f32 $1.999999960e-02, v5  }
0x12f: {  	v7 =	vadd.f32 v16, v7;
	v0 =	vadd.f32 v0, v8;
	v2 =	vmul.f32 $1.999999960e-02, v2;
	[tilespmem:s21+$0x18740] =	vst v3  }
0x130: {  	v1 =	vadd.f32 v1, v9;
	v3 =	vadd.f32 v19, v6;
	[tilespmem:s21+$0x18750] =	vst v5;
	v4 =	vmul.f32 $1.999999960e-02, v4  }
0x131: {  	[tilespmem:s21+$0x18760] =	vst v2;
	v0 =	vmul.f32 $1.999999960e-02, v0;
	v5 =	vadd.f32 v12, v7  }
0x132: {  	v1 =	vmul.f32 $1.999999960e-02, v1;
	v2 =	vadd.f32 v11, v3;
	[tilespmem:s21+$0x18770] =	vst v4  }
0x133: {  	[tilespmem:s21+$0x18780] =	vst v0;
	v0 =	vmul.f32 $1.999999960e-02, v5  }
0x134: {  	[tilespmem:s21+$0x18790] =	vst v1;
	v1 =	vmul.f32 $1.999999960e-02, v2  }
0x135: {  	[tilespmem:s21+$0x187A0] =	vst v0  }
0x136: {  	s22 =	simm.s32 $0x0;
	[tilespmem:s21+$0x187B0] =	vst v1  }
0x137: {  	v3 =	vld [tilespmem:s22+$0x136C0]  }
0x138: {  	v5 =	vld [tilespmem:s22+$0x136D0]  }
0x139: {  	v2 =	vld [tilespmem:s22+$0x136E0]  }
0x13a: {  	v4 =	vld [tilespmem:s22+$0x136F0]  }
0x13b: {  	v0 =	vld [tilespmem:s22+$0x13700]  }
0x13c: {  	v1 =	vld [tilespmem:s22+$0x13710]  }
0x13d: {  	v19 =	vld [tilespmem:s22+$0x13640]  }
0x13e: {  	v20 =	vld [tilespmem:s22+$0x13650]  }
0x13f: {  	v17 =	vld [tilespmem:s22+$0x13660]  }
0x140: {  	v18 =	vld [tilespmem:s22+$0x13670]  }
0x141: {  	v13 =	vimm.f32 $0.0e+00;
	v10 =	vimm.f32 $0.0e+00;
	v14 =	vld [tilespmem:s22+$0x13680]  }
0x142: {  	v8 =	vimm.f32 $0.0e+00;
	v9 =	vimm.f32 $0.0e+00;
	v6 =	vimm.f32 $0.0e+00;
	v15 =	vld [tilespmem:s22+$0x13690]  }
0x143: {  	s23 =	simm.s32 $0x400;
	v12 =	vimm.f32 $0.0e+00;
	v7 =	vimm.f32 $0.0e+00;
	v11 =	vimm.f32 $0.0e+00;
	v16 =	vld [tilespmem:s22+$0x136A0]  }
.LBB2_13:
0x144: {  	p2 =	sne.s32 s23, $0x6000;
	v10 =	vadd.f32 v19, v10;
	v11 =	vadd.f32 v20, v11;
	v19 =	vld [tilespmem:s22+$0x136B0]  }
0x145: {  	v13 =	vadd.f32 v17, v13;
	v12 =	vadd.f32 v18, v12;
	v17 =	vld [tilespmem:s22+$0x13720]  }
0x146: {  	v10 =	vadd.f32 v3, v10;
	v11 =	vadd.f32 v5, v11;
	v18 =	vld [tilespmem:s22+$0x13730];
	s22 =	sshra.s32 s23, $0x2  }
0x147: {  	v13 =	vadd.f32 v2, v13;
	v3 =	vld [tilespmem:s22+$0x136C0];
	v12 =	vadd.f32 v4, v12  }
0x148: {  	v8 =	vadd.f32 v14, v8;
	v9 =	vadd.f32 v15, v9;
	v5 =	vld [tilespmem:s22+$0x136D0]  }
0x149: {  	v7 =	vadd.f32 v16, v7;
	v2 =	vld [tilespmem:s22+$0x136E0];
	v6 =	vadd.f32 v19, v6  }
0x14a: {  	v8 =	vadd.f32 v0, v8;
	v9 =	vadd.f32 v1, v9;
	v4 =	vld [tilespmem:s22+$0x136F0]  }
0x14b: {  	v7 =	vadd.f32 v17, v7;
	v0 =	vld [tilespmem:s22+$0x13700];
	v6 =	vadd.f32 v18, v6  }
0x14c: {  	v1 =	vld [tilespmem:s22+$0x13710]  }
0x14d: {  	v19 =	vld [tilespmem:s22+$0x13640]  }
0x14e: {  	v20 =	vld [tilespmem:s22+$0x13650]  }
.Ltmp7:
0x14f: {  	v17 =	vld [tilespmem:s22+$0x13660];
	(pc) =	sbr.rel @p2 .LBB2_13-.Ltmp7, $4  }
0x150: {  	v18 =	vld [tilespmem:s22+$0x13670]  }
0x151: {  	v14 =	vld [tilespmem:s22+$0x13680]  }
0x152: {  	v15 =	vld [tilespmem:s22+$0x13690]  }
0x153: {  	s23 =	sadd.s32 $0x400, s23;
	v16 =	vld [tilespmem:s22+$0x136A0]  }
0x154: {  	v10 =	vadd.f32 v19, v10  }
0x155: {  	v11 =	vadd.f32 v20, v11  }
0x156: {  	v19 =	vld [tilespmem:s22+$0x136B0];
	v13 =	vadd.f32 v17, v13;
	v3 =	vadd.f32 v3, v10  }
0x157: {  	v10 =	vadd.f32 v18, v12;
	v12 =	vld [tilespmem:s22+$0x13720];
	v5 =	vadd.f32 v5, v11  }
0x158: {  	v11 =	vld [tilespmem:s22+$0x13730];
	v2 =	vadd.f32 v2, v13;
	v8 =	vadd.f32 v14, v8;
	v3 =	vmul.f32 $1.999999960e-02, v3  }
0x159: {  	v9 =	vadd.f32 v15, v9;
	v4 =	vadd.f32 v4, v10;
	v5 =	vmul.f32 $1.999999960e-02, v5  }
0x15a: {  	v7 =	vadd.f32 v16, v7;
	v0 =	vadd.f32 v0, v8;
	v2 =	vmul.f32 $1.999999960e-02, v2;
	[tilespmem:s21+$0x187C0] =	vst v3  }
0x15b: {  	v1 =	vadd.f32 v1, v9;
	v3 =	vadd.f32 v19, v6;
	[tilespmem:s21+$0x187D0] =	vst v5;
	v4 =	vmul.f32 $1.999999960e-02, v4  }
0x15c: {  	[tilespmem:s21+$0x187E0] =	vst v2;
	v0 =	vmul.f32 $1.999999960e-02, v0;
	v5 =	vadd.f32 v12, v7  }
0x15d: {  	v1 =	vmul.f32 $1.999999960e-02, v1;
	v2 =	vadd.f32 v11, v3;
	[tilespmem:s21+$0x187F0] =	vst v4  }
0x15e: {  	[tilespmem:s21+$0x18800] =	vst v0;
	v0 =	vmul.f32 $1.999999960e-02, v5  }
0x15f: {  	[tilespmem:s21+$0x18810] =	vst v1;
	v1 =	vmul.f32 $1.999999960e-02, v2  }
0x160: {  	[tilespmem:s21+$0x18820] =	vst v0  }
0x161: {  	[tilespmem:s21+$0x18830] =	vst v1  }
0x162: {  	v0 =	vld [tilespmem:$0x14F40]  }
0x163: {  	v1 =	vld [tilespmem:$0x14F50]  }
0x164: {  	v2 =	vld [tilespmem:$0x14F60]  }
0x165: {  	v3 =	vld [tilespmem:$0x14F70]  }
0x166: {  	v4 =	vld [tilespmem:$0x14F80]  }
0x167: {  	v5 =	vld [tilespmem:$0x14F90]  }
0x168: {  	v6 =	vld [tilespmem:$0x14FA0]  }
0x169: {  	v7 =	vld [tilespmem:$0x14FB0]  }
0x16a: {  	v8 =	vld [tilespmem:$0x14FC0]  }
0x16b: {  	v9 =	vld [tilespmem:$0x14FD0]  }
0x16c: {  	v10 =	vld [tilespmem:$0x14FE0]  }
0x16d: {  	v11 =	vld [tilespmem:$0x14FF0]  }
0x16e: {  	v12 =	vld [tilespmem:$0x15000]  }
0x16f: {  	v13 =	vld [tilespmem:$0x15010]  }
0x170: {  	v14 =	vld [tilespmem:$0x15020]  }
0x171: {  	v15 =	vld [tilespmem:$0x15030]  }
0x172: {  	v16 =	vld [tilespmem:$0x15040]  }
0x173: {  	v17 =	vld [tilespmem:$0x15050]  }
0x174: {  	v18 =	vld [tilespmem:$0x15060]  }
0x175: {  	v19 =	vld [tilespmem:$0x15070]  }
0x176: {  	v20 =	vld [tilespmem:$0x15080]  }
0x177: {  	v21 =	vld [tilespmem:$0x15090]  }
0x178: {  	v22 =	vld [tilespmem:$0x150A0]  }
0x179: {  	v23 =	vld [tilespmem:$0x150B0]  }
0x17a: {  	v24 =	vld [tilespmem:$0x150C0]  }
0x17b: {  	v25 =	vld [tilespmem:$0x150D0]  }
0x17c: {  	v26 =	vld [tilespmem:$0x150E0]  }
0x17d: {  	v27 =	vld [tilespmem:$0x150F0]  }
0x17e: {  	v28 =	vld [tilespmem:$0x15100]  }
0x17f: {  	v29 =	vld [tilespmem:$0x15110];
	v0 =	vadd.f32 $0.0e+00, v0;
	v1 =	vadd.f32 $0.0e+00, v1  }
0x180: {  	v31 =	vld [tilespmem:$0x15120];
	v2 =	vadd.f32 $0.0e+00, v2;
	v30 =	vadd.f32 $0.0e+00, v3  }
0x181: {  	s22 =	simm.s32 $0x0;
	v33 =	vld [tilespmem:$0x15130];
	v32 =	vadd.f32 $0.0e+00, v4;
	v6 =	vadd.f32 $0.0e+00, v6  }
0x182: {  	v3 =	vld [tilespmem:s22+$0x151D0];
	v8 =	vadd.f32 v8, v0;
	v0 =	vadd.f32 $0.0e+00, v5  }
0x183: {  	v4 =	vld [tilespmem:s22+$0x151E0];
	v9 =	vadd.f32 v9, v1;
	v10 =	vadd.f32 v10, v2  }
0x184: {  	v1 =	vld [tilespmem:s22+$0x151C0];
	v2 =	vadd.f32 $0.0e+00, v7;
	v7 =	vadd.f32 v11, v30  }
0x185: {  	v11 =	vadd.f32 v12, v32;
	v5 =	vld [tilespmem:s22+$0x151F0];
	v6 =	vadd.f32 v14, v6  }
0x186: {  	v12 =	vadd.f32 v13, v0;
	v13 =	vadd.f32 v15, v2;
	v0 =	vld [tilespmem:s22+$0x15200]  }
0x187: {  	v8 =	vadd.f32 v16, v8;
	v9 =	vadd.f32 v17, v9;
	v2 =	vld [tilespmem:s22+$0x15210]  }
0x188: {  	v14 =	vadd.f32 v18, v10;
	v7 =	vadd.f32 v19, v7;
	v17 =	vld [tilespmem:s22+$0x15140]  }
0x189: {  	v15 =	vadd.f32 v20, v11;
	v18 =	vld [tilespmem:s22+$0x15150];
	v6 =	vadd.f32 v22, v6  }
0x18a: {  	v19 =	vld [tilespmem:s22+$0x15160];
	v16 =	vadd.f32 v21, v12;
	v21 =	vadd.f32 v23, v13  }
0x18b: {  	v20 =	vld [tilespmem:s22+$0x15170];
	v10 =	vadd.f32 v24, v8;
	v11 =	vadd.f32 v25, v9  }
0x18c: {  	v13 =	vadd.f32 v26, v14;
	v12 =	vadd.f32 v27, v7;
	v14 =	vld [tilespmem:s22+$0x15180]  }
0x18d: {  	v9 =	vadd.f32 v28, v15;
	v15 =	vld [tilespmem:s22+$0x15190];
	v8 =	vadd.f32 v31, v6  }
0x18e: {  	s23 =	simm.s32 $0x400;
	v7 =	vadd.f32 v29, v16;
	v6 =	vadd.f32 v33, v21;
	v16 =	vld [tilespmem:s22+$0x151A0]  }
.LBB2_15:
0x18f: {  	p2 =	sne.s32 s23, $0x5800;
	v10 =	vadd.f32 v17, v10;
	v11 =	vadd.f32 v18, v11;
	v17 =	vld [tilespmem:s22+$0x151B0]  }
0x190: {  	v13 =	vadd.f32 v19, v13;
	v12 =	vadd.f32 v20, v12;
	v18 =	vld [tilespmem:s22+$0x15220]  }
0x191: {  	v10 =	vadd.f32 v1, v10;
	v11 =	vadd.f32 v3, v11;
	v19 =	vld [tilespmem:s22+$0x15230];
	s22 =	sshra.s32 s23, $0x2  }
0x192: {  	v13 =	vadd.f32 v4, v13;
	v1 =	vld [tilespmem:s22+$0x151C0];
	v12 =	vadd.f32 v5, v12  }
0x193: {  	v9 =	vadd.f32 v14, v9;
	v7 =	vadd.f32 v15, v7;
	v3 =	vld [tilespmem:s22+$0x151D0]  }
0x194: {  	v8 =	vadd.f32 v16, v8;
	v4 =	vld [tilespmem:s22+$0x151E0];
	v6 =	vadd.f32 v17, v6  }
0x195: {  	v9 =	vadd.f32 v0, v9;
	v7 =	vadd.f32 v2, v7;
	v5 =	vld [tilespmem:s22+$0x151F0]  }
0x196: {  	v8 =	vadd.f32 v18, v8;
	v0 =	vld [tilespmem:s22+$0x15200];
	v6 =	vadd.f32 v19, v6  }
0x197: {  	v2 =	vld [tilespmem:s22+$0x15210]  }
0x198: {  	v17 =	vld [tilespmem:s22+$0x15140]  }
0x199: {  	v18 =	vld [tilespmem:s22+$0x15150]  }
.Ltmp8:
0x19a: {  	v19 =	vld [tilespmem:s22+$0x15160];
	(pc) =	sbr.rel @p2 .LBB2_15-.Ltmp8, $4  }
0x19b: {  	v20 =	vld [tilespmem:s22+$0x15170]  }
0x19c: {  	v14 =	vld [tilespmem:s22+$0x15180]  }
0x19d: {  	v15 =	vld [tilespmem:s22+$0x15190]  }
0x19e: {  	s23 =	sadd.s32 $0x400, s23;
	v16 =	vld [tilespmem:s22+$0x151A0]  }
0x19f: {  	v10 =	vadd.f32 v17, v10  }
0x1a0: {  	v11 =	vadd.f32 v18, v11  }
0x1a1: {  	v17 =	vld [tilespmem:s22+$0x151B0];
	v13 =	vadd.f32 v19, v13;
	v1 =	vadd.f32 v1, v10  }
0x1a2: {  	v10 =	vadd.f32 v20, v12;
	v12 =	vld [tilespmem:s22+$0x15220];
	v3 =	vadd.f32 v3, v11  }
0x1a3: {  	v11 =	vld [tilespmem:s22+$0x15230];
	v4 =	vadd.f32 v4, v13;
	v9 =	vadd.f32 v14, v9;
	v1 =	vmul.f32 $1.999999960e-02, v1  }
0x1a4: {  	v7 =	vadd.f32 v15, v7;
	v5 =	vadd.f32 v5, v10;
	v3 =	vmul.f32 $1.999999960e-02, v3  }
0x1a5: {  	v8 =	vadd.f32 v16, v8;
	v0 =	vadd.f32 v0, v9;
	[tilespmem:s21+$0x18840] =	vst v1;
	v1 =	vmul.f32 $1.999999960e-02, v4  }
0x1a6: {  	v2 =	vadd.f32 v2, v7;
	v4 =	vadd.f32 v17, v6;
	[tilespmem:s21+$0x18850] =	vst v3;
	v3 =	vmul.f32 $1.999999960e-02, v5  }
0x1a7: {  	v0 =	vmul.f32 $1.999999960e-02, v0;
	v5 =	vadd.f32 v12, v8;
	[tilespmem:s21+$0x18860] =	vst v1  }
0x1a8: {  	v2 =	vmul.f32 $1.999999960e-02, v2;
	v1 =	vadd.f32 v11, v4;
	[tilespmem:s21+$0x18870] =	vst v3  }
0x1a9: {  	[tilespmem:s21+$0x18880] =	vst v0;
	v0 =	vmul.f32 $1.999999960e-02, v5  }
0x1aa: {  	[tilespmem:s21+$0x18890] =	vst v2;
	v1 =	vmul.f32 $1.999999960e-02, v1  }
0x1ab: {  	[tilespmem:s21+$0x188A0] =	vst v0  }
0x1ac: {  	s22 =	simm.s32 $0x0;
	[tilespmem:s21+$0x188B0] =	vst v1  }
0x1ad: {  	v3 =	vld [tilespmem:s22+$0x168C0]  }
0x1ae: {  	v5 =	vld [tilespmem:s22+$0x168D0]  }
0x1af: {  	v2 =	vld [tilespmem:s22+$0x168E0]  }
0x1b0: {  	v4 =	vld [tilespmem:s22+$0x168F0]  }
0x1b1: {  	v0 =	vld [tilespmem:s22+$0x16900]  }
0x1b2: {  	v1 =	vld [tilespmem:s22+$0x16910]  }
0x1b3: {  	v19 =	vld [tilespmem:s22+$0x16840]  }
0x1b4: {  	v20 =	vld [tilespmem:s22+$0x16850]  }
0x1b5: {  	v17 =	vld [tilespmem:s22+$0x16860]  }
0x1b6: {  	v18 =	vld [tilespmem:s22+$0x16870]  }
0x1b7: {  	v13 =	vimm.f32 $0.0e+00;
	v10 =	vimm.f32 $0.0e+00;
	v14 =	vld [tilespmem:s22+$0x16880]  }
0x1b8: {  	v9 =	vimm.f32 $0.0e+00;
	v7 =	vimm.f32 $0.0e+00;
	v6 =	vimm.f32 $0.0e+00;
	v15 =	vld [tilespmem:s22+$0x16890]  }
0x1b9: {  	s23 =	simm.s32 $0x400;
	v12 =	vimm.f32 $0.0e+00;
	v8 =	vimm.f32 $0.0e+00;
	v11 =	vimm.f32 $0.0e+00;
	v16 =	vld [tilespmem:s22+$0x168A0]  }
.LBB2_17:
0x1ba: {  	p2 =	sne.s32 s23, $0x6000;
	v10 =	vadd.f32 v19, v10;
	v11 =	vadd.f32 v20, v11;
	v19 =	vld [tilespmem:s22+$0x168B0]  }
0x1bb: {  	v13 =	vadd.f32 v17, v13;
	v12 =	vadd.f32 v18, v12;
	v17 =	vld [tilespmem:s22+$0x16920]  }
0x1bc: {  	v10 =	vadd.f32 v3, v10;
	v11 =	vadd.f32 v5, v11;
	v18 =	vld [tilespmem:s22+$0x16930];
	s22 =	sshra.s32 s23, $0x2  }
0x1bd: {  	v13 =	vadd.f32 v2, v13;
	v3 =	vld [tilespmem:s22+$0x168C0];
	v12 =	vadd.f32 v4, v12  }
0x1be: {  	v8 =	vadd.f32 v14, v8;
	v9 =	vadd.f32 v15, v9;
	v5 =	vld [tilespmem:s22+$0x168D0]  }
0x1bf: {  	v7 =	vadd.f32 v16, v7;
	v2 =	vld [tilespmem:s22+$0x168E0];
	v6 =	vadd.f32 v19, v6  }
0x1c0: {  	v8 =	vadd.f32 v0, v8;
	v9 =	vadd.f32 v1, v9;
	v4 =	vld [tilespmem:s22+$0x168F0]  }
0x1c1: {  	v7 =	vadd.f32 v17, v7;
	v0 =	vld [tilespmem:s22+$0x16900];
	v6 =	vadd.f32 v18, v6  }
0x1c2: {  	v1 =	vld [tilespmem:s22+$0x16910]  }
0x1c3: {  	v19 =	vld [tilespmem:s22+$0x16840]  }
0x1c4: {  	v20 =	vld [tilespmem:s22+$0x16850]  }
.Ltmp9:
0x1c5: {  	v17 =	vld [tilespmem:s22+$0x16860];
	(pc) =	sbr.rel @p2 .LBB2_17-.Ltmp9, $4  }
0x1c6: {  	v18 =	vld [tilespmem:s22+$0x16870]  }
0x1c7: {  	v14 =	vld [tilespmem:s22+$0x16880]  }
0x1c8: {  	v15 =	vld [tilespmem:s22+$0x16890]  }
0x1c9: {  	s23 =	sadd.s32 $0x400, s23;
	v16 =	vld [tilespmem:s22+$0x168A0]  }
0x1ca: {  	v10 =	vadd.f32 v19, v10  }
0x1cb: {  	v11 =	vadd.f32 v20, v11  }
0x1cc: {  	v55 =	vld [tilespmem:s22+$0x168B0];
	v13 =	vadd.f32 v17, v13;
	v3 =	vadd.f32 v3, v10  }
0x1cd: {  	v57 =	vld [tilespmem:s22+$0x16920];
	v56 =	vadd.f32 v18, v12;
	v5 =	vadd.f32 v5, v11  }
0x1ce: {  	v58 =	vld [tilespmem:s22+$0x16930];
	v2 =	vadd.f32 v2, v13;
	v8 =	vadd.f32 v14, v8;
	v3 =	vmul.f32 $1.999999960e-02, v3  }
0x1cf: {  	v4 =	vadd.f32 v4, v56;
	v9 =	vadd.f32 v15, v9;
	v5 =	vmul.f32 $1.999999960e-02, v5  }
0x1d0: {  	v7 =	vadd.f32 v16, v7;
	v0 =	vadd.f32 v0, v8;
	v2 =	vmul.f32 $1.999999960e-02, v2;
	[tilespmem:s21+$0x188C0] =	vst v3  }
0x1d1: {  	v59 =	vadd.f32 v55, v6;
	v1 =	vadd.f32 v1, v9;
	v4 =	vmul.f32 $1.999999960e-02, v4;
	[tilespmem:s21+$0x188D0] =	vst v5  }
0x1d2: {  	v60 =	vadd.f32 v57, v7;
	[tilespmem:s21+$0x188E0] =	vst v2;
	v0 =	vmul.f32 $1.999999960e-02, v0  }
.Ltmp10:
0x1d3: {  	v61 =	vadd.f32 v58, v59;
	[tilespmem:s21+$0x188F0] =	vst v4;
	v1 =	vmul.f32 $1.999999960e-02, v1;
	(pc) =	sbr.rel @p1 .LBB2_20-.Ltmp10, $4  }
0x1d4: {  	[tilespmem:s21+$0x18900] =	vst v0;
	v62 =	vmul.f32 $1.999999960e-02, v60  }
0x1d5: {  	[tilespmem:s21+$0x18910] =	vst v1;
	v63 =	vmul.f32 $1.999999960e-02, v61  }
0x1d6: {  	[tilespmem:s21+$0x18920] =	vst v62  }
0x1d7: {  	[tilespmem:s21+$0x18930] =	vst v63  }
0x1d8: {  	s1 =	smul.u32 $0x640, s19;
	_ =	sdelay $0x1  }
.Ltmp11:
0x1d9: {  	s1 =	sshra.s32 s1, $0x2;
	(pc) =	sbr.rel .LBB2_2-.Ltmp11, $4  }
0x1da: {  	s21 =	sadd.s32 $0x9E98, s1  }
0x1db: {  	[tilespmem:s24], [sflag:$0x3] =	stream.indirect.gather [spmem:s2], $0x80, s21, s18, $0xb8;
	[tilespmem:$0x1C540] =	vst v63  }
0x1dc: {  	s19 =	sadd.s32 $0x1, s19;
	s1 =	sadd.s32 $0x9F00, s1  }
0x1dd: {  	[tilespmem:s26], [sflag:$0x4] =	stream.indirect.gather [spmem:s2], $0x80, s1, s20, $0xb8;
	[tilespmem:$0x1C540] =	vst v63  }
.LBB2_20:
0x1de: {  	s1 =	simm.s32 $0x18540  }
0x1df: {  	[hbm4b:s7+s3] =	stream.linear.scatter [tilespmem:s1], [sflag:$0x5], $0x4000, $0x38;
	[tilespmem:$0x1C540] =	vst v63  }
0x1e0: {  	_ =	swait.ge [sflag:s17], $0x4000  }
0x1e1: {  	[sflag:s17] =	ssyncset.done $0x0  }
0x1e2: {  	[sflag:s17] =	ssyncadd.s32 $0xFFFFC000  }
0x1e3: {  	s1 =	simm.s32 @p0 $0x1FC5;
	[bflag:$0x0] =	sbarrier.arrive $0xFFFF  }
0x1e4: {  	[spmem:s13], [sflag:s1] =	dma.local @p0 [hbm:s9], $0x1400  }
0x1e5: {  	s1 =	simm.s32 @p0 $0x5  }
0x1e6: {  	_ =	swait.ge @p0 [sflag:s1], $0x1400  }
0x1e7: {  	[sflag:s1] =	ssyncset.done @p0 $0x0  }
0x1e8: {  	[sflag:s1] =	ssyncadd.s32 @p0 $0xFFFFEC00;
	s1 =	simm.s32 @!p0 $0x5  }
0x1e9: {  	[spmem:s15], [sflag:s14] =	dma.local @!p0 [hbm:s8], $0x1380  }
0x1ea: {  	_ =	swait.ge @!p0 [sflag:s1], $0x1380  }
0x1eb: {  	[sflag:s1] =	ssyncset.done @!p0 $0x0  }
0x1ec: {  	s19 =	simm.s32 $0x0;
	[sflag:s1] =	ssyncadd.s32 @!p0 $0xFFFFEC80  }
0x1ed: {  	[tilespmem:s16], [sflag:$0x5] =	stream.linear.gather [hbm4b:s10+s19], $0x1900, $0x38;
	[tilespmem:$0x1C540] =	vst v63  }
0x1ee: {  	_ =	swait.ge [sflag:s17], $0x1900  }
0x1ef: {  	[sflag:s17] =	ssyncset.done $0x0  }
0x1f0: {  	[sflag:s17] =	ssyncadd.s32 $0xFFFFE700  }
0x1f1: {  	s21 =	simm.s32 $0xB540;
	[bflag:$0x0] =	sbarrier.arrive $0xFFFF  }
0x1f2: {  	[tilespmem:s21], [sflag:$0x1] =	stream.indirect.gather [spmem:s2], $0x80, s16, s18, $0xb8;
	[tilespmem:$0x1C540] =	vst v63  }
0x1f3: {  	s22 =	simm.s32 $0x9CA8;
	s21 =	simm.s32 $0xE940  }
0x1f4: {  	[tilespmem:s21], [sflag:$0x2] =	stream.indirect.gather [spmem:s2], $0x80, s22, s20, $0xb8;
	[tilespmem:$0x1C540] =	vst v63  }
0x1f5: {  	s23 =	simm.s32 $0x9D08  }
0x1f6: {  	[tilespmem:s24], [sflag:$0x3] =	stream.indirect.gather [spmem:s2], $0x80, s23, s18, $0xb8;
	[tilespmem:$0x1C540] =	vst v63  }
0x1f7: {  	s25 =	simm.s32 $0x9D70  }
0x1f8: {  	[tilespmem:s26], [sflag:$0x4] =	stream.indirect.gather [spmem:s2], $0x80, s25, s20, $0xb8;
	[tilespmem:$0x1C540] =	vst v63  }
.LBB2_21:
0x1f9: {  	_ =	swait.ge [sflag:s28], $0x3400  }
0x1fa: {  	[sflag:s28] =	ssyncset.done $0x0  }
0x1fb: {  	[sflag:s28] =	ssyncadd.s32 $0xFFFFCC00  }
0x1fc: {  	_ =	swait.ge [sflag:s29], $0x3000  }
0x1fd: {  	[sflag:s29] =	ssyncset.done $0x0  }
0x1fe: {  	s21 =	simm.s32 $0x0;
	[sflag:s29] =	ssyncadd.s32 $0xFFFFD000  }
0x1ff: {  	v4 =	vld [tilespmem:s21+$0xB5C0]  }
0x200: {  	v5 =	vld [tilespmem:s21+$0xB5D0]  }
0x201: {  	v2 =	vld [tilespmem:s21+$0xB5E0]  }
0x202: {  	v3 =	vld [tilespmem:s21+$0xB5F0]  }
0x203: {  	v0 =	vld [tilespmem:s21+$0xB600]  }
0x204: {  	v1 =	vld [tilespmem:s21+$0xB610]  }
0x205: {  	v19 =	vld [tilespmem:s21+$0xB540]  }
0x206: {  	v20 =	vld [tilespmem:s21+$0xB550]  }
0x207: {  	v17 =	vld [tilespmem:s21+$0xB560]  }
0x208: {  	v18 =	vld [tilespmem:s21+$0xB570]  }
0x209: {  	v10 =	vimm.f32 $0.0e+00;
	v11 =	vimm.f32 $0.0e+00;
	v16 =	vld [tilespmem:s21+$0xB580]  }
0x20a: {  	v13 =	vimm.f32 $0.0e+00;
	v12 =	vimm.f32 $0.0e+00;
	v9 =	vimm.f32 $0.0e+00;
	v14 =	vld [tilespmem:s21+$0xB590]  }
0x20b: {  	s22 =	simm.s32 $0x400;
	v8 =	vimm.f32 $0.0e+00;
	v7 =	vimm.f32 $0.0e+00;
	v6 =	vimm.f32 $0.0e+00;
	v15 =	vld [tilespmem:s21+$0xB5A0]  }
.LBB2_22:
0x20c: {  	p1 =	sne.s32 s22, $0x6000;
	v10 =	vadd.f32 v19, v10;
	v11 =	vadd.f32 v20, v11;
	v19 =	vld [tilespmem:s21+$0xB5B0]  }
0x20d: {  	v13 =	vadd.f32 v17, v13;
	v12 =	vadd.f32 v18, v12;
	v17 =	vld [tilespmem:s21+$0xB620]  }
0x20e: {  	v10 =	vadd.f32 v4, v10;
	v11 =	vadd.f32 v5, v11;
	v18 =	vld [tilespmem:s21+$0xB630];
	s21 =	sshra.s32 s22, $0x2  }
0x20f: {  	v13 =	vadd.f32 v2, v13;
	v4 =	vld [tilespmem:s21+$0xB5C0];
	v12 =	vadd.f32 v3, v12  }
0x210: {  	v9 =	vadd.f32 v16, v9;
	v8 =	vadd.f32 v14, v8;
	v5 =	vld [tilespmem:s21+$0xB5D0]  }
0x211: {  	v7 =	vadd.f32 v15, v7;
	v2 =	vld [tilespmem:s21+$0xB5E0];
	v6 =	vadd.f32 v19, v6  }
0x212: {  	v9 =	vadd.f32 v0, v9;
	v8 =	vadd.f32 v1, v8;
	v3 =	vld [tilespmem:s21+$0xB5F0]  }
0x213: {  	v7 =	vadd.f32 v17, v7;
	v0 =	vld [tilespmem:s21+$0xB600];
	v6 =	vadd.f32 v18, v6  }
0x214: {  	v1 =	vld [tilespmem:s21+$0xB610]  }
0x215: {  	v19 =	vld [tilespmem:s21+$0xB540]  }
0x216: {  	v20 =	vld [tilespmem:s21+$0xB550]  }
.Ltmp12:
0x217: {  	v17 =	vld [tilespmem:s21+$0xB560];
	(pc) =	sbr.rel @p1 .LBB2_22-.Ltmp12, $4  }
0x218: {  	v18 =	vld [tilespmem:s21+$0xB570]  }
0x219: {  	v16 =	vld [tilespmem:s21+$0xB580]  }
0x21a: {  	v14 =	vld [tilespmem:s21+$0xB590]  }
0x21b: {  	s22 =	sadd.s32 $0x400, s22;
	v15 =	vld [tilespmem:s21+$0xB5A0]  }
0x21c: {  	v10 =	vadd.f32 v19, v10  }
0x21d: {  	v11 =	vadd.f32 v20, v11  }
0x21e: {  	v19 =	vld [tilespmem:s21+$0xB5B0];
	v13 =	vadd.f32 v17, v13;
	v4 =	vadd.f32 v4, v10  }
0x21f: {  	v10 =	vadd.f32 v18, v12;
	v12 =	vld [tilespmem:s21+$0xB620];
	v5 =	vadd.f32 v5, v11  }
0x220: {  	s1 =	sshll.u32 s19, $0xC;
	v11 =	vld [tilespmem:s21+$0xB630];
	v2 =	vadd.f32 v2, v13;
	v9 =	vadd.f32 v16, v9;
	v4 =	vmul.f32 $1.999999960e-02, v4  }
0x221: {  	s21 =	sshra.s32 s1, $0x2;
	v8 =	vadd.f32 v14, v8;
	v3 =	vadd.f32 v3, v10;
	v5 =	vmul.f32 $1.999999960e-02, v5  }
0x222: {  	v7 =	vadd.f32 v15, v7;
	v0 =	vadd.f32 v0, v9;
	v2 =	vmul.f32 $1.999999960e-02, v2;
	[tilespmem:s21+$0x18540] =	vst v4  }
0x223: {  	v1 =	vadd.f32 v1, v8;
	v4 =	vadd.f32 v19, v6;
	[tilespmem:s21+$0x18550] =	vst v5;
	v3 =	vmul.f32 $1.999999960e-02, v3  }
0x224: {  	[tilespmem:s21+$0x18560] =	vst v2;
	v0 =	vmul.f32 $1.999999960e-02, v0;
	v5 =	vadd.f32 v12, v7  }
0x225: {  	v1 =	vmul.f32 $1.999999960e-02, v1;
	v2 =	vadd.f32 v11, v4;
	[tilespmem:s21+$0x18570] =	vst v3  }
0x226: {  	[tilespmem:s21+$0x18580] =	vst v0;
	v0 =	vmul.f32 $1.999999960e-02, v5  }
0x227: {  	[tilespmem:s21+$0x18590] =	vst v1;
	v1 =	vmul.f32 $1.999999960e-02, v2  }
0x228: {  	[tilespmem:s21+$0x185A0] =	vst v0  }
0x229: {  	s22 =	simm.s32 $0x0;
	[tilespmem:s21+$0x185B0] =	vst v1  }
0x22a: {  	v3 =	vld [tilespmem:s22+$0xCEC0]  }
0x22b: {  	v5 =	vld [tilespmem:s22+$0xCED0]  }
0x22c: {  	v2 =	vld [tilespmem:s22+$0xCEE0]  }
0x22d: {  	v4 =	vld [tilespmem:s22+$0xCEF0]  }
0x22e: {  	v0 =	vld [tilespmem:s22+$0xCF00]  }
0x22f: {  	v1 =	vld [tilespmem:s22+$0xCF10]  }
0x230: {  	v19 =	vld [tilespmem:s22+$0xCE40]  }
0x231: {  	v20 =	vld [tilespmem:s22+$0xCE50]  }
0x232: {  	v17 =	vld [tilespmem:s22+$0xCE60]  }
0x233: {  	v18 =	vld [tilespmem:s22+$0xCE70]  }
0x234: {  	v13 =	vimm.f32 $0.0e+00;
	v10 =	vimm.f32 $0.0e+00;
	v14 =	vld [tilespmem:s22+$0xCE80]  }
0x235: {  	v9 =	vimm.f32 $0.0e+00;
	v8 =	vimm.f32 $0.0e+00;
	v6 =	vimm.f32 $0.0e+00;
	v15 =	vld [tilespmem:s22+$0xCE90]  }
0x236: {  	s23 =	simm.s32 $0x400;
	v12 =	vimm.f32 $0.0e+00;
	v7 =	vimm.f32 $0.0e+00;
	v11 =	vimm.f32 $0.0e+00;
	v16 =	vld [tilespmem:s22+$0xCEA0]  }
.LBB2_24:
0x237: {  	p1 =	sne.s32 s23, $0x6000;
	v10 =	vadd.f32 v19, v10;
	v11 =	vadd.f32 v20, v11;
	v19 =	vld [tilespmem:s22+$0xCEB0]  }
0x238: {  	v13 =	vadd.f32 v17, v13;
	v12 =	vadd.f32 v18, v12;
	v17 =	vld [tilespmem:s22+$0xCF20]  }
0x239: {  	v10 =	vadd.f32 v3, v10;
	v11 =	vadd.f32 v5, v11;
	v18 =	vld [tilespmem:s22+$0xCF30];
	s22 =	sshra.s32 s23, $0x2  }
0x23a: {  	v13 =	vadd.f32 v2, v13;
	v3 =	vld [tilespmem:s22+$0xCEC0];
	v12 =	vadd.f32 v4, v12  }
0x23b: {  	v8 =	vadd.f32 v14, v8;
	v9 =	vadd.f32 v15, v9;
	v5 =	vld [tilespmem:s22+$0xCED0]  }
0x23c: {  	v7 =	vadd.f32 v16, v7;
	v2 =	vld [tilespmem:s22+$0xCEE0];
	v6 =	vadd.f32 v19, v6  }
0x23d: {  	v8 =	vadd.f32 v0, v8;
	v9 =	vadd.f32 v1, v9;
	v4 =	vld [tilespmem:s22+$0xCEF0]  }
0x23e: {  	v7 =	vadd.f32 v17, v7;
	v0 =	vld [tilespmem:s22+$0xCF00];
	v6 =	vadd.f32 v18, v6  }
0x23f: {  	v1 =	vld [tilespmem:s22+$0xCF10]  }
0x240: {  	v19 =	vld [tilespmem:s22+$0xCE40]  }
0x241: {  	v20 =	vld [tilespmem:s22+$0xCE50]  }
.Ltmp13:
0x242: {  	v17 =	vld [tilespmem:s22+$0xCE60];
	(pc) =	sbr.rel @p1 .LBB2_24-.Ltmp13, $4  }
0x243: {  	v18 =	vld [tilespmem:s22+$0xCE70]  }
0x244: {  	v14 =	vld [tilespmem:s22+$0xCE80]  }
0x245: {  	v15 =	vld [tilespmem:s22+$0xCE90]  }
0x246: {  	s23 =	sadd.s32 $0x400, s23;
	v16 =	vld [tilespmem:s22+$0xCEA0]  }
0x247: {  	v10 =	vadd.f32 v19, v10  }
0x248: {  	v11 =	vadd.f32 v20, v11  }
0x249: {  	v19 =	vld [tilespmem:s22+$0xCEB0];
	v13 =	vadd.f32 v17, v13;
	v3 =	vadd.f32 v3, v10  }
0x24a: {  	v10 =	vadd.f32 v18, v12;
	v12 =	vld [tilespmem:s22+$0xCF20];
	v5 =	vadd.f32 v5, v11  }
0x24b: {  	v11 =	vld [tilespmem:s22+$0xCF30];
	v2 =	vadd.f32 v2, v13;
	v8 =	vadd.f32 v14, v8;
	v3 =	vmul.f32 $1.999999960e-02, v3  }
0x24c: {  	v9 =	vadd.f32 v15, v9;
	v4 =	vadd.f32 v4, v10;
	v5 =	vmul.f32 $1.999999960e-02, v5  }
0x24d: {  	v7 =	vadd.f32 v16, v7;
	v0 =	vadd.f32 v0, v8;
	v2 =	vmul.f32 $1.999999960e-02, v2;
	[tilespmem:s21+$0x185C0] =	vst v3  }
0x24e: {  	v1 =	vadd.f32 v1, v9;
	v3 =	vadd.f32 v19, v6;
	[tilespmem:s21+$0x185D0] =	vst v5;
	v4 =	vmul.f32 $1.999999960e-02, v4  }
0x24f: {  	[tilespmem:s21+$0x185E0] =	vst v2;
	v0 =	vmul.f32 $1.999999960e-02, v0;
	v5 =	vadd.f32 v12, v7  }
0x250: {  	v1 =	vmul.f32 $1.999999960e-02, v1;
	v2 =	vadd.f32 v11, v3;
	[tilespmem:s21+$0x185F0] =	vst v4  }
0x251: {  	[tilespmem:s21+$0x18600] =	vst v0;
	v0 =	vmul.f32 $1.999999960e-02, v5  }
0x252: {  	[tilespmem:s21+$0x18610] =	vst v1;
	v1 =	vmul.f32 $1.999999960e-02, v2  }
0x253: {  	[tilespmem:s21+$0x18620] =	vst v0  }
0x254: {  	[tilespmem:s21+$0x18630] =	vst v1  }
0x255: {  	v0 =	vld [tilespmem:$0xE740]  }
0x256: {  	v1 =	vld [tilespmem:$0xE750]  }
0x257: {  	v2 =	vld [tilespmem:$0xE760]  }
0x258: {  	v3 =	vld [tilespmem:$0xE770]  }
0x259: {  	v4 =	vld [tilespmem:$0xE780]  }
0x25a: {  	v5 =	vld [tilespmem:$0xE790]  }
0x25b: {  	v6 =	vld [tilespmem:$0xE7A0]  }
0x25c: {  	v7 =	vld [tilespmem:$0xE7B0]  }
0x25d: {  	v8 =	vld [tilespmem:$0xE7C0]  }
0x25e: {  	v9 =	vld [tilespmem:$0xE7D0]  }
0x25f: {  	v10 =	vld [tilespmem:$0xE7E0]  }
0x260: {  	v11 =	vld [tilespmem:$0xE7F0]  }
0x261: {  	v12 =	vld [tilespmem:$0xE800]  }
0x262: {  	v13 =	vld [tilespmem:$0xE810]  }
0x263: {  	v14 =	vld [tilespmem:$0xE820]  }
0x264: {  	v15 =	vld [tilespmem:$0xE830]  }
0x265: {  	v16 =	vld [tilespmem:$0xE840]  }
0x266: {  	v17 =	vld [tilespmem:$0xE850]  }
0x267: {  	v18 =	vld [tilespmem:$0xE860]  }
0x268: {  	v19 =	vld [tilespmem:$0xE870]  }
0x269: {  	v20 =	vld [tilespmem:$0xE880]  }
0x26a: {  	v21 =	vld [tilespmem:$0xE890]  }
0x26b: {  	v22 =	vld [tilespmem:$0xE8A0]  }
0x26c: {  	v23 =	vld [tilespmem:$0xE8B0]  }
0x26d: {  	v24 =	vld [tilespmem:$0xE8C0]  }
0x26e: {  	v25 =	vld [tilespmem:$0xE8D0]  }
0x26f: {  	v26 =	vld [tilespmem:$0xE8E0]  }
0x270: {  	v27 =	vld [tilespmem:$0xE8F0]  }
0x271: {  	v28 =	vld [tilespmem:$0xE900]  }
0x272: {  	v29 =	vld [tilespmem:$0xE910];
	v0 =	vadd.f32 $0.0e+00, v0;
	v1 =	vadd.f32 $0.0e+00, v1  }
0x273: {  	v31 =	vld [tilespmem:$0xE920];
	v2 =	vadd.f32 $0.0e+00, v2;
	v30 =	vadd.f32 $0.0e+00, v3  }
0x274: {  	s22 =	simm.s32 $0x0;
	v33 =	vld [tilespmem:$0xE930];
	v32 =	vadd.f32 $0.0e+00, v4;
	v6 =	vadd.f32 $0.0e+00, v6  }
0x275: {  	v3 =	vld [tilespmem:s22+$0xE9D0];
	v8 =	vadd.f32 v8, v0;
	v0 =	vadd.f32 $0.0e+00, v5  }
0x276: {  	v4 =	vld [tilespmem:s22+$0xE9E0];
	v9 =	vadd.f32 v9, v1;
	v10 =	vadd.f32 v10, v2  }
0x277: {  	v1 =	vld [tilespmem:s22+$0xE9C0];
	v2 =	vadd.f32 $0.0e+00, v7;
	v7 =	vadd.f32 v11, v30  }
0x278: {  	v11 =	vadd.f32 v12, v32;
	v5 =	vld [tilespmem:s22+$0xE9F0];
	v6 =	vadd.f32 v14, v6  }
0x279: {  	v12 =	vadd.f32 v13, v0;
	v13 =	vadd.f32 v15, v2;
	v0 =	vld [tilespmem:s22+$0xEA00]  }
0x27a: {  	v8 =	vadd.f32 v16, v8;
	v9 =	vadd.f32 v17, v9;
	v2 =	vld [tilespmem:s22+$0xEA10]  }
0x27b: {  	v14 =	vadd.f32 v18, v10;
	v7 =	vadd.f32 v19, v7;
	v17 =	vld [tilespmem:s22+$0xE940]  }
0x27c: {  	v15 =	vadd.f32 v20, v11;
	v18 =	vld [tilespmem:s22+$0xE950];
	v6 =	vadd.f32 v22, v6  }
0x27d: {  	v19 =	vld [tilespmem:s22+$0xE960];
	v16 =	vadd.f32 v21, v12;
	v21 =	vadd.f32 v23, v13  }
0x27e: {  	v20 =	vld [tilespmem:s22+$0xE970];
	v10 =	vadd.f32 v24, v8;
	v11 =	vadd.f32 v25, v9  }
0x27f: {  	v13 =	vadd.f32 v26, v14;
	v12 =	vadd.f32 v27, v7;
	v14 =	vld [tilespmem:s22+$0xE980]  }
0x280: {  	v9 =	vadd.f32 v28, v15;
	v15 =	vld [tilespmem:s22+$0xE990];
	v8 =	vadd.f32 v31, v6  }
0x281: {  	s23 =	simm.s32 $0x400;
	v7 =	vadd.f32 v29, v16;
	v6 =	vadd.f32 v33, v21;
	v16 =	vld [tilespmem:s22+$0xE9A0]  }
.LBB2_26:
0x282: {  	p1 =	sne.s32 s23, $0x5800;
	v10 =	vadd.f32 v17, v10;
	v11 =	vadd.f32 v18, v11;
	v17 =	vld [tilespmem:s22+$0xE9B0]  }
0x283: {  	v13 =	vadd.f32 v19, v13;
	v12 =	vadd.f32 v20, v12;
	v18 =	vld [tilespmem:s22+$0xEA20]  }
0x284: {  	v10 =	vadd.f32 v1, v10;
	v11 =	vadd.f32 v3, v11;
	v19 =	vld [tilespmem:s22+$0xEA30];
	s22 =	sshra.s32 s23, $0x2  }
0x285: {  	v13 =	vadd.f32 v4, v13;
	v1 =	vld [tilespmem:s22+$0xE9C0];
	v12 =	vadd.f32 v5, v12  }
0x286: {  	v9 =	vadd.f32 v14, v9;
	v7 =	vadd.f32 v15, v7;
	v3 =	vld [tilespmem:s22+$0xE9D0]  }
0x287: {  	v8 =	vadd.f32 v16, v8;
	v4 =	vld [tilespmem:s22+$0xE9E0];
	v6 =	vadd.f32 v17, v6  }
0x288: {  	v9 =	vadd.f32 v0, v9;
	v7 =	vadd.f32 v2, v7;
	v5 =	vld [tilespmem:s22+$0xE9F0]  }
0x289: {  	v8 =	vadd.f32 v18, v8;
	v0 =	vld [tilespmem:s22+$0xEA00];
	v6 =	vadd.f32 v19, v6  }
0x28a: {  	v2 =	vld [tilespmem:s22+$0xEA10]  }
0x28b: {  	v17 =	vld [tilespmem:s22+$0xE940]  }
0x28c: {  	v18 =	vld [tilespmem:s22+$0xE950]  }
.Ltmp14:
0x28d: {  	v19 =	vld [tilespmem:s22+$0xE960];
	(pc) =	sbr.rel @p1 .LBB2_26-.Ltmp14, $4  }
0x28e: {  	v20 =	vld [tilespmem:s22+$0xE970]  }
0x28f: {  	v14 =	vld [tilespmem:s22+$0xE980]  }
0x290: {  	v15 =	vld [tilespmem:s22+$0xE990]  }
0x291: {  	s23 =	sadd.s32 $0x400, s23;
	v16 =	vld [tilespmem:s22+$0xE9A0]  }
0x292: {  	v10 =	vadd.f32 v17, v10  }
0x293: {  	v11 =	vadd.f32 v18, v11  }
0x294: {  	v17 =	vld [tilespmem:s22+$0xE9B0];
	v13 =	vadd.f32 v19, v13;
	v1 =	vadd.f32 v1, v10  }
0x295: {  	v10 =	vadd.f32 v20, v12;
	v12 =	vld [tilespmem:s22+$0xEA20];
	v3 =	vadd.f32 v3, v11  }
0x296: {  	v11 =	vld [tilespmem:s22+$0xEA30];
	v4 =	vadd.f32 v4, v13;
	v9 =	vadd.f32 v14, v9;
	v1 =	vmul.f32 $1.999999960e-02, v1  }
0x297: {  	v7 =	vadd.f32 v15, v7;
	v5 =	vadd.f32 v5, v10;
	v3 =	vmul.f32 $1.999999960e-02, v3  }
0x298: {  	v8 =	vadd.f32 v16, v8;
	v0 =	vadd.f32 v0, v9;
	[tilespmem:s21+$0x18640] =	vst v1;
	v1 =	vmul.f32 $1.999999960e-02, v4  }
0x299: {  	v2 =	vadd.f32 v2, v7;
	v4 =	vadd.f32 v17, v6;
	[tilespmem:s21+$0x18650] =	vst v3;
	v3 =	vmul.f32 $1.999999960e-02, v5  }
0x29a: {  	v0 =	vmul.f32 $1.999999960e-02, v0;
	v5 =	vadd.f32 v12, v8;
	[tilespmem:s21+$0x18660] =	vst v1  }
0x29b: {  	v2 =	vmul.f32 $1.999999960e-02, v2;
	v1 =	vadd.f32 v11, v4;
	[tilespmem:s21+$0x18670] =	vst v3  }
0x29c: {  	[tilespmem:s21+$0x18680] =	vst v0;
	v0 =	vmul.f32 $1.999999960e-02, v5  }
0x29d: {  	[tilespmem:s21+$0x18690] =	vst v2;
	v1 =	vmul.f32 $1.999999960e-02, v1  }
0x29e: {  	[tilespmem:s21+$0x186A0] =	vst v0  }
0x29f: {  	s22 =	simm.s32 $0x0;
	[tilespmem:s21+$0x186B0] =	vst v1  }
0x2a0: {  	v3 =	vld [tilespmem:s22+$0x100C0]  }
0x2a1: {  	v5 =	vld [tilespmem:s22+$0x100D0]  }
0x2a2: {  	v2 =	vld [tilespmem:s22+$0x100E0]  }
0x2a3: {  	v4 =	vld [tilespmem:s22+$0x100F0]  }
0x2a4: {  	v0 =	vld [tilespmem:s22+$0x10100]  }
0x2a5: {  	v1 =	vld [tilespmem:s22+$0x10110]  }
0x2a6: {  	v19 =	vld [tilespmem:s22+$0x10040]  }
0x2a7: {  	v20 =	vld [tilespmem:s22+$0x10050]  }
0x2a8: {  	v17 =	vld [tilespmem:s22+$0x10060]  }
0x2a9: {  	v18 =	vld [tilespmem:s22+$0x10070]  }
0x2aa: {  	v13 =	vimm.f32 $0.0e+00;
	v10 =	vimm.f32 $0.0e+00;
	v14 =	vld [tilespmem:s22+$0x10080]  }
0x2ab: {  	v9 =	vimm.f32 $0.0e+00;
	v7 =	vimm.f32 $0.0e+00;
	v6 =	vimm.f32 $0.0e+00;
	v15 =	vld [tilespmem:s22+$0x10090]  }
0x2ac: {  	s23 =	simm.s32 $0x400;
	v12 =	vimm.f32 $0.0e+00;
	v8 =	vimm.f32 $0.0e+00;
	v11 =	vimm.f32 $0.0e+00;
	v16 =	vld [tilespmem:s22+$0x100A0]  }
.LBB2_28:
0x2ad: {  	p1 =	sne.s32 s23, $0x6000;
	v10 =	vadd.f32 v19, v10;
	v11 =	vadd.f32 v20, v11;
	v19 =	vld [tilespmem:s22+$0x100B0]  }
0x2ae: {  	v13 =	vadd.f32 v17, v13;
	v12 =	vadd.f32 v18, v12;
	v17 =	vld [tilespmem:s22+$0x10120]  }
0x2af: {  	v10 =	vadd.f32 v3, v10;
	v11 =	vadd.f32 v5, v11;
	v18 =	vld [tilespmem:s22+$0x10130];
	s22 =	sshra.s32 s23, $0x2  }
0x2b0: {  	v13 =	vadd.f32 v2, v13;
	v3 =	vld [tilespmem:s22+$0x100C0];
	v12 =	vadd.f32 v4, v12  }
0x2b1: {  	v8 =	vadd.f32 v14, v8;
	v9 =	vadd.f32 v15, v9;
	v5 =	vld [tilespmem:s22+$0x100D0]  }
0x2b2: {  	v7 =	vadd.f32 v16, v7;
	v2 =	vld [tilespmem:s22+$0x100E0];
	v6 =	vadd.f32 v19, v6  }
0x2b3: {  	v8 =	vadd.f32 v0, v8;
	v9 =	vadd.f32 v1, v9;
	v4 =	vld [tilespmem:s22+$0x100F0]  }
0x2b4: {  	v7 =	vadd.f32 v17, v7;
	v0 =	vld [tilespmem:s22+$0x10100];
	v6 =	vadd.f32 v18, v6  }
0x2b5: {  	v1 =	vld [tilespmem:s22+$0x10110]  }
0x2b6: {  	v19 =	vld [tilespmem:s22+$0x10040]  }
0x2b7: {  	v20 =	vld [tilespmem:s22+$0x10050]  }
.Ltmp15:
0x2b8: {  	v17 =	vld [tilespmem:s22+$0x10060];
	(pc) =	sbr.rel @p1 .LBB2_28-.Ltmp15, $4  }
0x2b9: {  	v18 =	vld [tilespmem:s22+$0x10070]  }
0x2ba: {  	v14 =	vld [tilespmem:s22+$0x10080]  }
0x2bb: {  	v15 =	vld [tilespmem:s22+$0x10090]  }
0x2bc: {  	s23 =	sadd.s32 $0x400, s23;
	v16 =	vld [tilespmem:s22+$0x100A0]  }
0x2bd: {  	v10 =	vadd.f32 v19, v10  }
0x2be: {  	v11 =	vadd.f32 v20, v11  }
0x2bf: {  	v19 =	vld [tilespmem:s22+$0x100B0];
	v13 =	vadd.f32 v17, v13;
	v3 =	vadd.f32 v3, v10  }
0x2c0: {  	v10 =	vadd.f32 v18, v12;
	v12 =	vld [tilespmem:s22+$0x10120];
	v5 =	vadd.f32 v5, v11  }
0x2c1: {  	v11 =	vld [tilespmem:s22+$0x10130];
	v2 =	vadd.f32 v2, v13;
	v8 =	vadd.f32 v14, v8;
	v3 =	vmul.f32 $1.999999960e-02, v3  }
0x2c2: {  	v9 =	vadd.f32 v15, v9;
	v4 =	vadd.f32 v4, v10;
	v5 =	vmul.f32 $1.999999960e-02, v5  }
0x2c3: {  	v7 =	vadd.f32 v16, v7;
	v0 =	vadd.f32 v0, v8;
	v2 =	vmul.f32 $1.999999960e-02, v2;
	[tilespmem:s21+$0x186C0] =	vst v3  }
0x2c4: {  	v1 =	vadd.f32 v1, v9;
	v3 =	vadd.f32 v19, v6;
	[tilespmem:s21+$0x186D0] =	vst v5;
	v4 =	vmul.f32 $1.999999960e-02, v4  }
0x2c5: {  	[tilespmem:s21+$0x186E0] =	vst v2;
	v0 =	vmul.f32 $1.999999960e-02, v0;
	v5 =	vadd.f32 v12, v7  }
0x2c6: {  	p1 =	seq.s32 s19, $0xF;
	v1 =	vmul.f32 $1.999999960e-02, v1;
	v2 =	vadd.f32 v11, v3;
	[tilespmem:s21+$0x186F0] =	vst v4  }
0x2c7: {  	s1 =	smul.u32 @!p1 $0x640, s19;
	[tilespmem:s21+$0x18700] =	vst v0;
	v0 =	vmul.f32 $1.999999960e-02, v5  }
0x2c8: {  	[tilespmem:s21+$0x18710] =	vst v1;
	v1 =	vmul.f32 $1.999999960e-02, v2  }
0x2c9: {  	s1 =	sshra.s32 @!p1 s1, $0x2;
	[tilespmem:s21+$0x18720] =	vst v0  }
0x2ca: {  	s23 =	simm.s32 @!p1 $0x68;
	s25 =	simm.s32 @!p1 $0xB540;
	s22 =	sadd.s32 @!p1 $0x9DD0, s1;
	[tilespmem:s21+$0x18730] =	vst v1  }
0x2cb: {  	[tilespmem:s25], [sflag:$0x1] =	stream.indirect.gather @!p1 [spmem:s2], $0x80, s22, s23, $0xb8;
	[tilespmem:$0x1C540] =	vst v63  }
0x2cc: {  	s1 =	sadd.s32 @!p1 $0x9E38, s1;
	s22 =	simm.s32 @!p1 $0x60;
	s23 =	simm.s32 @!p1 $0xE940  }
0x2cd: {  	[tilespmem:s23], [sflag:$0x2] =	stream.indirect.gather @!p1 [spmem:s2], $0x80, s1, s22, $0xb8;
	[tilespmem:$0x1C540] =	vst v63  }
0x2ce: {  	_ =	swait.ge [sflag:s30], $0x3400  }
0x2cf: {  	[sflag:s30] =	ssyncset.done $0x0  }
0x2d0: {  	[sflag:s30] =	ssyncadd.s32 $0xFFFFCC00  }
0x2d1: {  	_ =	swait.ge [sflag:s31], $0x3000  }
0x2d2: {  	[sflag:s31] =	ssyncset.done $0x0  }
0x2d3: {  	s22 =	simm.s32 $0x0;
	[sflag:s31] =	ssyncadd.s32 $0xFFFFD000  }
0x2d4: {  	v3 =	vld [tilespmem:s22+$0x11DC0]  }
0x2d5: {  	v5 =	vld [tilespmem:s22+$0x11DD0]  }
0x2d6: {  	v2 =	vld [tilespmem:s22+$0x11DE0]  }
0x2d7: {  	v4 =	vld [tilespmem:s22+$0x11DF0]  }
0x2d8: {  	v0 =	vld [tilespmem:s22+$0x11E00]  }
0x2d9: {  	v1 =	vld [tilespmem:s22+$0x11E10]  }
0x2da: {  	v19 =	vld [tilespmem:s22+$0x11D40]  }
0x2db: {  	v20 =	vld [tilespmem:s22+$0x11D50]  }
0x2dc: {  	v17 =	vld [tilespmem:s22+$0x11D60]  }
0x2dd: {  	v18 =	vld [tilespmem:s22+$0x11D70]  }
0x2de: {  	v13 =	vimm.f32 $0.0e+00;
	v10 =	vimm.f32 $0.0e+00;
	v14 =	vld [tilespmem:s22+$0x11D80]  }
0x2df: {  	v8 =	vimm.f32 $0.0e+00;
	v9 =	vimm.f32 $0.0e+00;
	v6 =	vimm.f32 $0.0e+00;
	v15 =	vld [tilespmem:s22+$0x11D90]  }
0x2e0: {  	v12 =	vimm.f32 $0.0e+00;
	v7 =	vimm.f32 $0.0e+00;
	v11 =	vimm.f32 $0.0e+00;
	s23 =	simm.s32 $0x400;
	v16 =	vld [tilespmem:s22+$0x11DA0]  }
.LBB2_30:
0x2e1: {  	p2 =	sne.s32 s23, $0x6000;
	v10 =	vadd.f32 v19, v10;
	v11 =	vadd.f32 v20, v11;
	v19 =	vld [tilespmem:s22+$0x11DB0]  }
0x2e2: {  	v13 =	vadd.f32 v17, v13;
	v12 =	vadd.f32 v18, v12;
	v17 =	vld [tilespmem:s22+$0x11E20]  }
0x2e3: {  	v10 =	vadd.f32 v3, v10;
	v11 =	vadd.f32 v5, v11;
	v18 =	vld [tilespmem:s22+$0x11E30];
	s22 =	sshra.s32 s23, $0x2  }
0x2e4: {  	v13 =	vadd.f32 v2, v13;
	v3 =	vld [tilespmem:s22+$0x11DC0];
	v12 =	vadd.f32 v4, v12  }
0x2e5: {  	v8 =	vadd.f32 v14, v8;
	v9 =	vadd.f32 v15, v9;
	v5 =	vld [tilespmem:s22+$0x11DD0]  }
0x2e6: {  	v7 =	vadd.f32 v16, v7;
	v2 =	vld [tilespmem:s22+$0x11DE0];
	v6 =	vadd.f32 v19, v6  }
0x2e7: {  	v8 =	vadd.f32 v0, v8;
	v9 =	vadd.f32 v1, v9;
	v4 =	vld [tilespmem:s22+$0x11DF0]  }
0x2e8: {  	v7 =	vadd.f32 v17, v7;
	v0 =	vld [tilespmem:s22+$0x11E00];
	v6 =	vadd.f32 v18, v6  }
0x2e9: {  	v1 =	vld [tilespmem:s22+$0x11E10]  }
0x2ea: {  	v19 =	vld [tilespmem:s22+$0x11D40]  }
0x2eb: {  	v20 =	vld [tilespmem:s22+$0x11D50]  }
.Ltmp16:
0x2ec: {  	v17 =	vld [tilespmem:s22+$0x11D60];
	(pc) =	sbr.rel @p2 .LBB2_30-.Ltmp16, $4  }
0x2ed: {  	v18 =	vld [tilespmem:s22+$0x11D70]  }
0x2ee: {  	v14 =	vld [tilespmem:s22+$0x11D80]  }
0x2ef: {  	v15 =	vld [tilespmem:s22+$0x11D90]  }
0x2f0: {  	s23 =	sadd.s32 $0x400, s23;
	v16 =	vld [tilespmem:s22+$0x11DA0]  }
0x2f1: {  	v10 =	vadd.f32 v19, v10  }
0x2f2: {  	v11 =	vadd.f32 v20, v11  }
0x2f3: {  	v19 =	vld [tilespmem:s22+$0x11DB0];
	v13 =	vadd.f32 v17, v13;
	v3 =	vadd.f32 v3, v10  }
0x2f4: {  	v10 =	vadd.f32 v18, v12;
	v12 =	vld [tilespmem:s22+$0x11E20];
	v5 =	vadd.f32 v5, v11  }
0x2f5: {  	v11 =	vld [tilespmem:s22+$0x11E30];
	v2 =	vadd.f32 v2, v13;
	v8 =	vadd.f32 v14, v8;
	v3 =	vmul.f32 $1.999999960e-02, v3  }
0x2f6: {  	v9 =	vadd.f32 v15, v9;
	v4 =	vadd.f32 v4, v10;
	v5 =	vmul.f32 $1.999999960e-02, v5  }
0x2f7: {  	v7 =	vadd.f32 v16, v7;
	v0 =	vadd.f32 v0, v8;
	v2 =	vmul.f32 $1.999999960e-02, v2;
	[tilespmem:s21+$0x18740] =	vst v3  }
0x2f8: {  	v1 =	vadd.f32 v1, v9;
	v3 =	vadd.f32 v19, v6;
	[tilespmem:s21+$0x18750] =	vst v5;
	v4 =	vmul.f32 $1.999999960e-02, v4  }
0x2f9: {  	[tilespmem:s21+$0x18760] =	vst v2;
	v0 =	vmul.f32 $1.999999960e-02, v0;
	v5 =	vadd.f32 v12, v7  }
0x2fa: {  	v1 =	vmul.f32 $1.999999960e-02, v1;
	v2 =	vadd.f32 v11, v3;
	[tilespmem:s21+$0x18770] =	vst v4  }
0x2fb: {  	[tilespmem:s21+$0x18780] =	vst v0;
	v0 =	vmul.f32 $1.999999960e-02, v5  }
0x2fc: {  	[tilespmem:s21+$0x18790] =	vst v1;
	v1 =	vmul.f32 $1.999999960e-02, v2  }
0x2fd: {  	[tilespmem:s21+$0x187A0] =	vst v0  }
0x2fe: {  	s22 =	simm.s32 $0x0;
	[tilespmem:s21+$0x187B0] =	vst v1  }
0x2ff: {  	v3 =	vld [tilespmem:s22+$0x136C0]  }
0x300: {  	v5 =	vld [tilespmem:s22+$0x136D0]  }
0x301: {  	v2 =	vld [tilespmem:s22+$0x136E0]  }
0x302: {  	v4 =	vld [tilespmem:s22+$0x136F0]  }
0x303: {  	v0 =	vld [tilespmem:s22+$0x13700]  }
0x304: {  	v1 =	vld [tilespmem:s22+$0x13710]  }
0x305: {  	v19 =	vld [tilespmem:s22+$0x13640]  }
0x306: {  	v20 =	vld [tilespmem:s22+$0x13650]  }
0x307: {  	v17 =	vld [tilespmem:s22+$0x13660]  }
0x308: {  	v18 =	vld [tilespmem:s22+$0x13670]  }
0x309: {  	v13 =	vimm.f32 $0.0e+00;
	v10 =	vimm.f32 $0.0e+00;
	v14 =	vld [tilespmem:s22+$0x13680]  }
0x30a: {  	v8 =	vimm.f32 $0.0e+00;
	v9 =	vimm.f32 $0.0e+00;
	v6 =	vimm.f32 $0.0e+00;
	v15 =	vld [tilespmem:s22+$0x13690]  }
0x30b: {  	s23 =	simm.s32 $0x400;
	v12 =	vimm.f32 $0.0e+00;
	v7 =	vimm.f32 $0.0e+00;
	v11 =	vimm.f32 $0.0e+00;
	v16 =	vld [tilespmem:s22+$0x136A0]  }
.LBB2_32:
0x30c: {  	p2 =	sne.s32 s23, $0x6000;
	v10 =	vadd.f32 v19, v10;
	v11 =	vadd.f32 v20, v11;
	v19 =	vld [tilespmem:s22+$0x136B0]  }
0x30d: {  	v13 =	vadd.f32 v17, v13;
	v12 =	vadd.f32 v18, v12;
	v17 =	vld [tilespmem:s22+$0x13720]  }
0x30e: {  	v10 =	vadd.f32 v3, v10;
	v11 =	vadd.f32 v5, v11;
	v18 =	vld [tilespmem:s22+$0x13730];
	s22 =	sshra.s32 s23, $0x2  }
0x30f: {  	v13 =	vadd.f32 v2, v13;
	v3 =	vld [tilespmem:s22+$0x136C0];
	v12 =	vadd.f32 v4, v12  }
0x310: {  	v8 =	vadd.f32 v14, v8;
	v9 =	vadd.f32 v15, v9;
	v5 =	vld [tilespmem:s22+$0x136D0]  }
0x311: {  	v7 =	vadd.f32 v16, v7;
	v2 =	vld [tilespmem:s22+$0x136E0];
	v6 =	vadd.f32 v19, v6  }
0x312: {  	v8 =	vadd.f32 v0, v8;
	v9 =	vadd.f32 v1, v9;
	v4 =	vld [tilespmem:s22+$0x136F0]  }
0x313: {  	v7 =	vadd.f32 v17, v7;
	v0 =	vld [tilespmem:s22+$0x13700];
	v6 =	vadd.f32 v18, v6  }
0x314: {  	v1 =	vld [tilespmem:s22+$0x13710]  }
0x315: {  	v19 =	vld [tilespmem:s22+$0x13640]  }
0x316: {  	v20 =	vld [tilespmem:s22+$0x13650]  }
.Ltmp17:
0x317: {  	v17 =	vld [tilespmem:s22+$0x13660];
	(pc) =	sbr.rel @p2 .LBB2_32-.Ltmp17, $4  }
0x318: {  	v18 =	vld [tilespmem:s22+$0x13670]  }
0x319: {  	v14 =	vld [tilespmem:s22+$0x13680]  }
0x31a: {  	v15 =	vld [tilespmem:s22+$0x13690]  }
0x31b: {  	s23 =	sadd.s32 $0x400, s23;
	v16 =	vld [tilespmem:s22+$0x136A0]  }
0x31c: {  	v10 =	vadd.f32 v19, v10  }
0x31d: {  	v11 =	vadd.f32 v20, v11  }
0x31e: {  	v19 =	vld [tilespmem:s22+$0x136B0];
	v13 =	vadd.f32 v17, v13;
	v3 =	vadd.f32 v3, v10  }
0x31f: {  	v10 =	vadd.f32 v18, v12;
	v12 =	vld [tilespmem:s22+$0x13720];
	v5 =	vadd.f32 v5, v11  }
0x320: {  	v11 =	vld [tilespmem:s22+$0x13730];
	v2 =	vadd.f32 v2, v13;
	v8 =	vadd.f32 v14, v8;
	v3 =	vmul.f32 $1.999999960e-02, v3  }
0x321: {  	v9 =	vadd.f32 v15, v9;
	v4 =	vadd.f32 v4, v10;
	v5 =	vmul.f32 $1.999999960e-02, v5  }
0x322: {  	v7 =	vadd.f32 v16, v7;
	v0 =	vadd.f32 v0, v8;
	v2 =	vmul.f32 $1.999999960e-02, v2;
	[tilespmem:s21+$0x187C0] =	vst v3  }
0x323: {  	v1 =	vadd.f32 v1, v9;
	v3 =	vadd.f32 v19, v6;
	[tilespmem:s21+$0x187D0] =	vst v5;
	v4 =	vmul.f32 $1.999999960e-02, v4  }
0x324: {  	[tilespmem:s21+$0x187E0] =	vst v2;
	v0 =	vmul.f32 $1.999999960e-02, v0;
	v5 =	vadd.f32 v12, v7  }
0x325: {  	v1 =	vmul.f32 $1.999999960e-02, v1;
	v2 =	vadd.f32 v11, v3;
	[tilespmem:s21+$0x187F0] =	vst v4  }
0x326: {  	[tilespmem:s21+$0x18800] =	vst v0;
	v0 =	vmul.f32 $1.999999960e-02, v5  }
0x327: {  	[tilespmem:s21+$0x18810] =	vst v1;
	v1 =	vmul.f32 $1.999999960e-02, v2  }
0x328: {  	[tilespmem:s21+$0x18820] =	vst v0  }
0x329: {  	[tilespmem:s21+$0x18830] =	vst v1  }
0x32a: {  	v0 =	vld [tilespmem:$0x14F40]  }
0x32b: {  	v1 =	vld [tilespmem:$0x14F50]  }
0x32c: {  	v2 =	vld [tilespmem:$0x14F60]  }
0x32d: {  	v3 =	vld [tilespmem:$0x14F70]  }
0x32e: {  	v4 =	vld [tilespmem:$0x14F80]  }
0x32f: {  	v5 =	vld [tilespmem:$0x14F90]  }
0x330: {  	v6 =	vld [tilespmem:$0x14FA0]  }
0x331: {  	v7 =	vld [tilespmem:$0x14FB0]  }
0x332: {  	v8 =	vld [tilespmem:$0x14FC0]  }
0x333: {  	v9 =	vld [tilespmem:$0x14FD0]  }
0x334: {  	v10 =	vld [tilespmem:$0x14FE0]  }
0x335: {  	v11 =	vld [tilespmem:$0x14FF0]  }
0x336: {  	v12 =	vld [tilespmem:$0x15000]  }
0x337: {  	v13 =	vld [tilespmem:$0x15010]  }
0x338: {  	v14 =	vld [tilespmem:$0x15020]  }
0x339: {  	v15 =	vld [tilespmem:$0x15030]  }
0x33a: {  	v16 =	vld [tilespmem:$0x15040]  }
0x33b: {  	v17 =	vld [tilespmem:$0x15050]  }
0x33c: {  	v18 =	vld [tilespmem:$0x15060]  }
0x33d: {  	v19 =	vld [tilespmem:$0x15070]  }
0x33e: {  	v20 =	vld [tilespmem:$0x15080]  }
0x33f: {  	v21 =	vld [tilespmem:$0x15090]  }
0x340: {  	v22 =	vld [tilespmem:$0x150A0]  }
0x341: {  	v23 =	vld [tilespmem:$0x150B0]  }
0x342: {  	v24 =	vld [tilespmem:$0x150C0]  }
0x343: {  	v25 =	vld [tilespmem:$0x150D0]  }
0x344: {  	v26 =	vld [tilespmem:$0x150E0]  }
0x345: {  	v27 =	vld [tilespmem:$0x150F0]  }
0x346: {  	v28 =	vld [tilespmem:$0x15100]  }
0x347: {  	v29 =	vld [tilespmem:$0x15110];
	v0 =	vadd.f32 $0.0e+00, v0;
	v1 =	vadd.f32 $0.0e+00, v1  }
0x348: {  	v31 =	vld [tilespmem:$0x15120];
	v2 =	vadd.f32 $0.0e+00, v2;
	v30 =	vadd.f32 $0.0e+00, v3  }
0x349: {  	s22 =	simm.s32 $0x0;
	v33 =	vld [tilespmem:$0x15130];
	v32 =	vadd.f32 $0.0e+00, v4;
	v6 =	vadd.f32 $0.0e+00, v6  }
0x34a: {  	v3 =	vld [tilespmem:s22+$0x151D0];
	v8 =	vadd.f32 v8, v0;
	v0 =	vadd.f32 $0.0e+00, v5  }
0x34b: {  	v4 =	vld [tilespmem:s22+$0x151E0];
	v9 =	vadd.f32 v9, v1;
	v10 =	vadd.f32 v10, v2  }
0x34c: {  	v1 =	vld [tilespmem:s22+$0x151C0];
	v2 =	vadd.f32 $0.0e+00, v7;
	v7 =	vadd.f32 v11, v30  }
0x34d: {  	v11 =	vadd.f32 v12, v32;
	v5 =	vld [tilespmem:s22+$0x151F0];
	v6 =	vadd.f32 v14, v6  }
0x34e: {  	v12 =	vadd.f32 v13, v0;
	v13 =	vadd.f32 v15, v2;
	v0 =	vld [tilespmem:s22+$0x15200]  }
0x34f: {  	v8 =	vadd.f32 v16, v8;
	v9 =	vadd.f32 v17, v9;
	v2 =	vld [tilespmem:s22+$0x15210]  }
0x350: {  	v14 =	vadd.f32 v18, v10;
	v7 =	vadd.f32 v19, v7;
	v17 =	vld [tilespmem:s22+$0x15140]  }
0x351: {  	v15 =	vadd.f32 v20, v11;
	v18 =	vld [tilespmem:s22+$0x15150];
	v6 =	vadd.f32 v22, v6  }
0x352: {  	v19 =	vld [tilespmem:s22+$0x15160];
	v16 =	vadd.f32 v21, v12;
	v21 =	vadd.f32 v23, v13  }
0x353: {  	v20 =	vld [tilespmem:s22+$0x15170];
	v10 =	vadd.f32 v24, v8;
	v11 =	vadd.f32 v25, v9  }
0x354: {  	v13 =	vadd.f32 v26, v14;
	v12 =	vadd.f32 v27, v7;
	v14 =	vld [tilespmem:s22+$0x15180]  }
0x355: {  	v9 =	vadd.f32 v28, v15;
	v15 =	vld [tilespmem:s22+$0x15190];
	v8 =	vadd.f32 v31, v6  }
0x356: {  	s23 =	simm.s32 $0x400;
	v7 =	vadd.f32 v29, v16;
	v6 =	vadd.f32 v33, v21;
	v16 =	vld [tilespmem:s22+$0x151A0]  }
.LBB2_34:
0x357: {  	p2 =	sne.s32 s23, $0x5800;
	v10 =	vadd.f32 v17, v10;
	v11 =	vadd.f32 v18, v11;
	v17 =	vld [tilespmem:s22+$0x151B0]  }
0x358: {  	v13 =	vadd.f32 v19, v13;
	v12 =	vadd.f32 v20, v12;
	v18 =	vld [tilespmem:s22+$0x15220]  }
0x359: {  	v10 =	vadd.f32 v1, v10;
	v11 =	vadd.f32 v3, v11;
	v19 =	vld [tilespmem:s22+$0x15230];
	s22 =	sshra.s32 s23, $0x2  }
0x35a: {  	v13 =	vadd.f32 v4, v13;
	v1 =	vld [tilespmem:s22+$0x151C0];
	v12 =	vadd.f32 v5, v12  }
0x35b: {  	v9 =	vadd.f32 v14, v9;
	v7 =	vadd.f32 v15, v7;
	v3 =	vld [tilespmem:s22+$0x151D0]  }
0x35c: {  	v8 =	vadd.f32 v16, v8;
	v4 =	vld [tilespmem:s22+$0x151E0];
	v6 =	vadd.f32 v17, v6  }
0x35d: {  	v9 =	vadd.f32 v0, v9;
	v7 =	vadd.f32 v2, v7;
	v5 =	vld [tilespmem:s22+$0x151F0]  }
0x35e: {  	v8 =	vadd.f32 v18, v8;
	v0 =	vld [tilespmem:s22+$0x15200];
	v6 =	vadd.f32 v19, v6  }
0x35f: {  	v2 =	vld [tilespmem:s22+$0x15210]  }
0x360: {  	v17 =	vld [tilespmem:s22+$0x15140]  }
0x361: {  	v18 =	vld [tilespmem:s22+$0x15150]  }
.Ltmp18:
0x362: {  	v19 =	vld [tilespmem:s22+$0x15160];
	(pc) =	sbr.rel @p2 .LBB2_34-.Ltmp18, $4  }
0x363: {  	v20 =	vld [tilespmem:s22+$0x15170]  }
0x364: {  	v14 =	vld [tilespmem:s22+$0x15180]  }
0x365: {  	v15 =	vld [tilespmem:s22+$0x15190]  }
0x366: {  	s23 =	sadd.s32 $0x400, s23;
	v16 =	vld [tilespmem:s22+$0x151A0]  }
0x367: {  	v10 =	vadd.f32 v17, v10  }
0x368: {  	v11 =	vadd.f32 v18, v11  }
0x369: {  	v17 =	vld [tilespmem:s22+$0x151B0];
	v13 =	vadd.f32 v19, v13;
	v1 =	vadd.f32 v1, v10  }
0x36a: {  	v10 =	vadd.f32 v20, v12;
	v12 =	vld [tilespmem:s22+$0x15220];
	v3 =	vadd.f32 v3, v11  }
0x36b: {  	v11 =	vld [tilespmem:s22+$0x15230];
	v4 =	vadd.f32 v4, v13;
	v9 =	vadd.f32 v14, v9;
	v1 =	vmul.f32 $1.999999960e-02, v1  }
0x36c: {  	v7 =	vadd.f32 v15, v7;
	v5 =	vadd.f32 v5, v10;
	v3 =	vmul.f32 $1.999999960e-02, v3  }
0x36d: {  	v8 =	vadd.f32 v16, v8;
	v0 =	vadd.f32 v0, v9;
	[tilespmem:s21+$0x18840] =	vst v1;
	v1 =	vmul.f32 $1.999999960e-02, v4  }
0x36e: {  	v2 =	vadd.f32 v2, v7;
	v4 =	vadd.f32 v17, v6;
	[tilespmem:s21+$0x18850] =	vst v3;
	v3 =	vmul.f32 $1.999999960e-02, v5  }
0x36f: {  	v0 =	vmul.f32 $1.999999960e-02, v0;
	v5 =	vadd.f32 v12, v8;
	[tilespmem:s21+$0x18860] =	vst v1  }
0x370: {  	v2 =	vmul.f32 $1.999999960e-02, v2;
	v1 =	vadd.f32 v11, v4;
	[tilespmem:s21+$0x18870] =	vst v3  }
0x371: {  	[tilespmem:s21+$0x18880] =	vst v0;
	v0 =	vmul.f32 $1.999999960e-02, v5  }
0x372: {  	[tilespmem:s21+$0x18890] =	vst v2;
	v1 =	vmul.f32 $1.999999960e-02, v1  }
0x373: {  	[tilespmem:s21+$0x188A0] =	vst v0  }
0x374: {  	s22 =	simm.s32 $0x0;
	[tilespmem:s21+$0x188B0] =	vst v1  }
0x375: {  	v3 =	vld [tilespmem:s22+$0x168C0]  }
0x376: {  	v5 =	vld [tilespmem:s22+$0x168D0]  }
0x377: {  	v2 =	vld [tilespmem:s22+$0x168E0]  }
0x378: {  	v4 =	vld [tilespmem:s22+$0x168F0]  }
0x379: {  	v0 =	vld [tilespmem:s22+$0x16900]  }
0x37a: {  	v1 =	vld [tilespmem:s22+$0x16910]  }
0x37b: {  	v19 =	vld [tilespmem:s22+$0x16840]  }
0x37c: {  	v20 =	vld [tilespmem:s22+$0x16850]  }
0x37d: {  	v17 =	vld [tilespmem:s22+$0x16860]  }
0x37e: {  	v18 =	vld [tilespmem:s22+$0x16870]  }
0x37f: {  	v13 =	vimm.f32 $0.0e+00;
	v10 =	vimm.f32 $0.0e+00;
	v14 =	vld [tilespmem:s22+$0x16880]  }
0x380: {  	v9 =	vimm.f32 $0.0e+00;
	v7 =	vimm.f32 $0.0e+00;
	v6 =	vimm.f32 $0.0e+00;
	v15 =	vld [tilespmem:s22+$0x16890]  }
0x381: {  	s23 =	simm.s32 $0x400;
	v12 =	vimm.f32 $0.0e+00;
	v8 =	vimm.f32 $0.0e+00;
	v11 =	vimm.f32 $0.0e+00;
	v16 =	vld [tilespmem:s22+$0x168A0]  }
.LBB2_36:
0x382: {  	p2 =	sne.s32 s23, $0x6000;
	v10 =	vadd.f32 v19, v10;
	v11 =	vadd.f32 v20, v11;
	v19 =	vld [tilespmem:s22+$0x168B0]  }
0x383: {  	v13 =	vadd.f32 v17, v13;
	v12 =	vadd.f32 v18, v12;
	v17 =	vld [tilespmem:s22+$0x16920]  }
0x384: {  	v10 =	vadd.f32 v3, v10;
	v11 =	vadd.f32 v5, v11;
	v18 =	vld [tilespmem:s22+$0x16930];
	s22 =	sshra.s32 s23, $0x2  }
0x385: {  	v13 =	vadd.f32 v2, v13;
	v3 =	vld [tilespmem:s22+$0x168C0];
	v12 =	vadd.f32 v4, v12  }
0x386: {  	v8 =	vadd.f32 v14, v8;
	v9 =	vadd.f32 v15, v9;
	v5 =	vld [tilespmem:s22+$0x168D0]  }
0x387: {  	v7 =	vadd.f32 v16, v7;
	v2 =	vld [tilespmem:s22+$0x168E0];
	v6 =	vadd.f32 v19, v6  }
0x388: {  	v8 =	vadd.f32 v0, v8;
	v9 =	vadd.f32 v1, v9;
	v4 =	vld [tilespmem:s22+$0x168F0]  }
0x389: {  	v7 =	vadd.f32 v17, v7;
	v0 =	vld [tilespmem:s22+$0x16900];
	v6 =	vadd.f32 v18, v6  }
0x38a: {  	v1 =	vld [tilespmem:s22+$0x16910]  }
0x38b: {  	v19 =	vld [tilespmem:s22+$0x16840]  }
0x38c: {  	v20 =	vld [tilespmem:s22+$0x16850]  }
.Ltmp19:
0x38d: {  	v17 =	vld [tilespmem:s22+$0x16860];
	(pc) =	sbr.rel @p2 .LBB2_36-.Ltmp19, $4  }
0x38e: {  	v18 =	vld [tilespmem:s22+$0x16870]  }
0x38f: {  	v14 =	vld [tilespmem:s22+$0x16880]  }
0x390: {  	v15 =	vld [tilespmem:s22+$0x16890]  }
0x391: {  	s23 =	sadd.s32 $0x400, s23;
	v16 =	vld [tilespmem:s22+$0x168A0]  }
0x392: {  	v10 =	vadd.f32 v19, v10  }
0x393: {  	v11 =	vadd.f32 v20, v11  }
0x394: {  	v55 =	vld [tilespmem:s22+$0x168B0];
	v13 =	vadd.f32 v17, v13;
	v3 =	vadd.f32 v3, v10  }
0x395: {  	v57 =	vld [tilespmem:s22+$0x16920];
	v56 =	vadd.f32 v18, v12;
	v5 =	vadd.f32 v5, v11  }
0x396: {  	v58 =	vld [tilespmem:s22+$0x16930];
	v2 =	vadd.f32 v2, v13;
	v8 =	vadd.f32 v14, v8;
	v3 =	vmul.f32 $1.999999960e-02, v3  }
0x397: {  	v4 =	vadd.f32 v4, v56;
	v9 =	vadd.f32 v15, v9;
	v5 =	vmul.f32 $1.999999960e-02, v5  }
0x398: {  	v7 =	vadd.f32 v16, v7;
	v0 =	vadd.f32 v0, v8;
	v2 =	vmul.f32 $1.999999960e-02, v2;
	[tilespmem:s21+$0x188C0] =	vst v3  }
0x399: {  	v59 =	vadd.f32 v55, v6;
	v1 =	vadd.f32 v1, v9;
	v4 =	vmul.f32 $1.999999960e-02, v4;
	[tilespmem:s21+$0x188D0] =	vst v5  }
0x39a: {  	v60 =	vadd.f32 v57, v7;
	[tilespmem:s21+$0x188E0] =	vst v2;
	v0 =	vmul.f32 $1.999999960e-02, v0  }
.Ltmp20:
0x39b: {  	v61 =	vadd.f32 v58, v59;
	[tilespmem:s21+$0x188F0] =	vst v4;
	v1 =	vmul.f32 $1.999999960e-02, v1;
	(pc) =	sbr.rel @p1 .LBB2_39-.Ltmp20, $4  }
0x39c: {  	[tilespmem:s21+$0x18900] =	vst v0;
	v62 =	vmul.f32 $1.999999960e-02, v60  }
0x39d: {  	[tilespmem:s21+$0x18910] =	vst v1;
	v63 =	vmul.f32 $1.999999960e-02, v61  }
0x39e: {  	[tilespmem:s21+$0x18920] =	vst v62  }
0x39f: {  	[tilespmem:s21+$0x18930] =	vst v63  }
0x3a0: {  	s1 =	smul.u32 $0x640, s19;
	_ =	sdelay $0x1  }
.Ltmp21:
0x3a1: {  	s1 =	sshra.s32 s1, $0x2;
	(pc) =	sbr.rel .LBB2_21-.Ltmp21, $4  }
0x3a2: {  	s21 =	sadd.s32 $0x9E98, s1  }
0x3a3: {  	[tilespmem:s24], [sflag:$0x3] =	stream.indirect.gather [spmem:s2], $0x80, s21, s18, $0xb8;
	[tilespmem:$0x1C540] =	vst v63  }
0x3a4: {  	s19 =	sadd.s32 $0x1, s19;
	s1 =	sadd.s32 $0x9F00, s1  }
0x3a5: {  	[tilespmem:s26], [sflag:$0x4] =	stream.indirect.gather [spmem:s2], $0x80, s1, s20, $0xb8;
	[tilespmem:$0x1C540] =	vst v63  }
.LBB2_40:
0x3a6: {  	_ =	sfence.sel $0x180000  }
0x3a7: {  	[bflag:$0x0] =	sbarrier.arrive $0xFFFF  }
0x3a8: {  	_ =	strace $0x90000047  }
0x3a9: {  	s0 =	stileid.u32;
	[bflag:$0x2] =	sbarrier.arrive $0xFFFF  }
0x3aa: {  	p0 =	sne.s32 s0, $0x0;
	s0 =	rddreg [dreg:$0x4]  }
0x3ab: {  	s0 =	sadd.s32 @!p0 $0x100000, s0  }
0x3ac: {  	[sflag:s0] =	ssyncadd.tile.s32 @!p0 $0x1;
	_ =	shalt  }
.Lfunc_end2:
_tile_overlayer_lowered:
.L_overlay_start_2:
0x3ad: {  	(tag) =	ssettag $0x2  }
0x3ae: {  	s0 =	rddreg [dreg:$0x0];
	s2 =	stileid.u32  }
0x3af: {  	s1 =	rddreg [dreg:$0x1];
	p0 =	sne.s32 s2, $0x0  }
0x3b0: {  	s3 =	rddreg [dreg:$0x2];
	[bflag:$0x3] =	sbarrier.arrive $0xFFFF;
	s2 =	simm.s32 @!p0 $0x1C05  }
0x3b1: {  	[timem:s3], [sflag:s2] =	dma.local @!p0 [hbm:s0], s1  }
0x3b2: {  	s0 =	simm.s32 @!p0 $0x5  }
0x3b3: {  	_ =	swait.ge @!p0 [sflag:s0], s1  }
0x3b4: {  	s1 =	ssub.s32 @!p0 $0x0, s1;
	[sflag:s0] =	ssyncset.done @!p0 $0x0  }
0x3b5: {  	[sflag:s0] =	ssyncadd.s32 @!p0 s1  }
0x3b6: {  	[bflag:$0x3] =	sbarrier.arrive $0xFFFF  }
0x3b7: {  	_ =	shalt  }

</sc_bundles>
